<compile_context>
chip_gen: v7x
topology: tpu7x:2x2x1
jax: 0.10.2.dev20260603
libtpu: 0.0.44.dev20260713+nightly
codegen_flags: <defaults>
</compile_context>

<pallas_src>
import functools

import jax
import jax.numpy as jnp
from jax import lax
from jax.experimental import pallas as pl
from jax.experimental.pallas import tpu as pltpu
from jax.experimental.pallas import tpu_sc as plsc

_NJ, _NG, _C = 50000, 25000, 64
_NJP, _NGP = 50176, 25088
_CH = 512
_NCH_JJ = 1600
_NCH_GJ = 320

_GATES = ("i", "f", "g", "o")
_B = 512
_F32 = jnp.float32
_BF16 = jnp.bfloat16

_MESH = dict(core_axis_name="c", subcore_axis_name="s")
_SC_PARAMS = pltpu.CompilerParams(use_tc_tiling_on_sc=False)



def _sc_raw_agg(table, eidx, zrows, n_dst, nch):
    per_core = nch // 2
    per_sub = per_core // 16
    rps = n_dst // 16

    @functools.partial(
        pl.kernel,
        out_type=jax.ShapeDtypeStruct((2, n_dst, 16), _F32),
        mesh=plsc.VectorSubcoreMesh(**_MESH),
        scratch_types=[
            pltpu.VMEM((1, 2, _CH), jnp.int32),
            pltpu.VMEM((1, 2, _CH), jnp.int32),
            pltpu.VMEM((_CH, 16), _F32),
            pltpu.VMEM((_CH, 16), _F32),
            pltpu.VMEM_SHARED((n_dst, 16), _F32),
            pltpu.SemaphoreType.DMA,
            pltpu.SemaphoreType.DMA,
        ],
        compiler_params=_SC_PARAMS,
    )
    def k(table_h, eidx_h, z_h, out_h, ebuf_a, ebuf_b, rows_a, rows_b,
          acc, sem_a, sem_b):
        cid = lax.axis_index("c")
        sid = lax.axis_index("s")
        r0 = sid * rps
        pltpu.sync_copy(z_h.at[pl.ds(0, rps)], acc.at[pl.ds(r0, rps)])
        plsc.subcore_barrier()
        c0 = cid * per_core + sid * per_sub

        @pl.loop(0, per_sub // 2)
        def _(j):
            i0 = c0 + 2 * j
            pltpu.sync_copy(eidx_h.at[pl.ds(i0, 1)], ebuf_a)
            cp_a = pltpu.async_copy(table_h.at[ebuf_a.at[0, 0]], rows_a, sem_a)
            pltpu.sync_copy(eidx_h.at[pl.ds(i0 + 1, 1)], ebuf_b)
            cp_b = pltpu.async_copy(table_h.at[ebuf_b.at[0, 0]], rows_b, sem_b)
            cp_a.wait()
            pltpu.sync_copy(rows_a, acc.at[ebuf_a.at[0, 1]], add=True)
            cp_b.wait()
            pltpu.sync_copy(rows_b, acc.at[ebuf_b.at[0, 1]], add=True)

        plsc.subcore_barrier()

        @pl.when(cid == 0)
        def _():
            pltpu.sync_copy(acc.at[pl.ds(r0, rps)], out_h.at[0].at[pl.ds(r0, rps)])

        @pl.when(cid == 1)
        def _():
            pltpu.sync_copy(acc.at[pl.ds(r0, rps)], out_h.at[1].at[pl.ds(r0, rps)])

    return k(table, eidx, zrows)


def _sc_h_comb(tj0, tj1, tg0, tg1, e_jj, e_gj, zrows):
    rps = _NJP // 16

    @functools.partial(
        pl.kernel,
        out_type=[jax.ShapeDtypeStruct((_NJP, 64), _BF16)] * 4,
        mesh=plsc.VectorSubcoreMesh(**_MESH),
        scratch_types=[
            pltpu.VMEM((1, 2, _CH), jnp.int32),
            pltpu.VMEM((_CH // 2, 64), _BF16),
            pltpu.VMEM((_CH // 2, 64), _BF16),
            pltpu.VMEM_SHARED((_NJP, 64), _BF16),
            pltpu.SemaphoreType.DMA,
            pltpu.SemaphoreType.DMA,
        ],
        compiler_params=_SC_PARAMS,
    )
    def k(tj0_h, tj1_h, tg0_h, tg1_h, ejj_h, egj_h, z_h,
          ojj0_h, ojj1_h, ogj0_h, ogj1_h, ebuf, rows_a, rows_b,
          acc, sem_a, sem_b):
        cid = lax.axis_index("c")
        sid = lax.axis_index("s")
        r0 = sid * rps

        def phase(t0_h, t1_h, eidx_h, nch, o0_h, o1_h):
            per_sub = nch // 16
            c0 = sid * per_sub
            pltpu.sync_copy(z_h.at[pl.ds(0, rps)], acc.at[pl.ds(r0, rps)])
            plsc.subcore_barrier()

            def body(t_h):
                hc = _CH // 2

                @pl.loop(0, per_sub)
                def _(i):
                    pltpu.sync_copy(eidx_h.at[pl.ds(c0 + i, 1)], ebuf)
                    cp_a = pltpu.async_copy(
                        t_h.at[ebuf.at[0, 0, pl.ds(0, hc)]], rows_a, sem_a)
                    cp_b = pltpu.async_copy(
                        t_h.at[ebuf.at[0, 0, pl.ds(hc, hc)]], rows_b, sem_b)
                    cp_a.wait()
                    pltpu.sync_copy(
                        rows_a, acc.at[ebuf.at[0, 1, pl.ds(0, hc)]], add=True)
                    cp_b.wait()
                    pltpu.sync_copy(
                        rows_b, acc.at[ebuf.at[0, 1, pl.ds(hc, hc)]], add=True)

            @pl.when(cid == 0)
            def _():
                body(t0_h)

            @pl.when(cid == 1)
            def _():
                body(t1_h)

            plsc.subcore_barrier()

            @pl.when(cid == 0)
            def _():
                pltpu.sync_copy(acc.at[pl.ds(r0, rps)], o0_h.at[pl.ds(r0, rps)])

            @pl.when(cid == 1)
            def _():
                pltpu.sync_copy(acc.at[pl.ds(r0, rps)], o1_h.at[pl.ds(r0, rps)])

        phase(tj0_h, tj1_h, ejj_h, _NCH_JJ, ojj0_h, ojj1_h)
        phase(tg0_h, tg1_h, egj_h, _NCH_GJ, ogj0_h, ogj1_h)

    return k(tj0, tj1, tg0, tg1, e_jj, e_gj, zrows)



def _dot(a, b):
    return lax.dot_general(a, b, (((1,), (0,)), ((), ())),
                           precision=lax.Precision.DEFAULT,
                           preferred_element_type=_F32)


def _lstm(z, c_prev):
    ig = jax.nn.sigmoid(z[:, :64])
    fg = jax.nn.sigmoid(z[:, 64:128])
    gg = jnp.tanh(z[:, 128:192])
    og = jax.nn.sigmoid(z[:, 192:256])
    c = ig * gg if c_prev is None else fg * c_prev + ig * gg
    return og * jnp.tanh(c), c


def _mean16(p0, p1, col):
    s = p0 + p1
    return s * (1.0 / jnp.maximum(s[:, col:col + 1], 1.0))


def _split_dot(a0, a1, w):
    return _dot(a0, w[:32]) + _dot(a1, w[32:])


def _blk(width):
    return pl.BlockSpec((_B, width), lambda i: (i, 0))


def _full(a):
    return pl.BlockSpec(a.shape, lambda i: (0, 0))


def _tc_cell0(n_pad, xp, aggs, cols, weights):
    grid = (n_pad // _B,)
    na = len(aggs)
    arrays = [xp] + [p for a in aggs for p in a] + list(weights)
    specs = ([_blk(16)] * (1 + 2 * na) + [_full(w) for w in weights])

    def body(*refs):
        xr = refs[0]
        ar = refs[1:1 + 2 * na]
        wr = refs[1 + 2 * na:-2]
        t0o, t1o = refs[-2], refs[-1]
        x = xr[...]
        means = [_mean16(ar[2 * i][...], ar[2 * i + 1][...], cols[i])
                 for i in range(na)]
        it = iter(wr)
        ze = _dot(x, next(it)[...])
        for m in means:
            ze = ze + _dot(m, next(it)[...])
        ze = ze + next(it)[...]
        hE, cE = _lstm(ze, None)
        zd = _dot(x, next(it)[...]) + _dot(hE, next(it)[...])
        for m in means:
            zd = zd + _dot(m, next(it)[...])
        zd = zd + next(it)[...]
        hD, _ = _lstm(zd, cE)
        t0o[...] = jnp.concatenate([hE[:, :32], hD[:, :32]], 1).astype(_BF16)
        t1o[...] = jnp.concatenate([hE[:, 32:], hD[:, 32:]], 1).astype(_BF16)

    out_shape = [jax.ShapeDtypeStruct((n_pad, 64), _BF16)] * 2
    out_specs = [_blk(64)] * 2
    return pl.pallas_call(body, grid=grid, in_specs=specs,
                          out_specs=out_specs, out_shape=out_shape)(*arrays)


def _tc_final(tj0, tj1, jjA, gjA, rjj, rgj, xp, weights, whead):
    grid = (_NJP // _B,)
    arrays = ([tj0, tj1, jjA[0], jjA[1], gjA[0], gjA[1],
               rjj[0], rjj[1], rgj[0], rgj[1], xp]
              + list(weights) + [whead])
    specs = ([_blk(64)] * 6 + [_blk(16)] * 5
             + [_full(w) for w in weights] + [_full(whead)])

    def body(tj0r, tj1r, jjA0r, jjA1r, gjA0r, gjA1r,
             rjj0r, rjj1r, rgj0r, rgj1r, xr,
             we_x, we_jj, we_gj, be, wd_x, wd_h, wd_jj, wd_gj, bd,
             whr, oref):
        t0 = tj0r[...].astype(_F32)
        t1 = tj1r[...].astype(_F32)
        jA0 = jjA0r[...].astype(_F32)
        jA1 = jjA1r[...].astype(_F32)
        gA0 = gjA0r[...].astype(_F32)
        gA1 = gjA1r[...].astype(_F32)
        x = xr[...]
        sjj = rjj0r[...] + rjj1r[...]
        r_jj = 1.0 / jnp.maximum(sjj[:, 5:6], 1.0)
        sgj = rgj0r[...] + rgj1r[...]
        r_gj = 1.0 / jnp.maximum(sgj[:, 8:9], 1.0)

        ze = (_split_dot(t0[:, :32], t1[:, :32], we_x[...])
              + _split_dot(jA0[:, :32] * r_jj, jA1[:, :32] * r_jj, we_jj[...])
              + _split_dot(gA0[:, :32] * r_gj, gA1[:, :32] * r_gj, we_gj[...])
              + be[...])
        hE, cE = _lstm(ze, None)
        zd = (_split_dot(t0[:, 32:], t1[:, 32:], wd_x[...])
              + _dot(hE, wd_h[...])
              + _split_dot(jA0[:, 32:] * r_jj, jA1[:, 32:] * r_jj, wd_jj[...])
              + _split_dot(gA0[:, 32:] * r_gj, gA1[:, 32:] * r_gj, wd_gj[...])
              + bd[...])
        hD, cD = _lstm(zd, cE)
        wh = whr[...]
        zh = _dot(hD, wh[:64]) + _dot(cD, wh[64:128]) + _dot(x, wh[128:144])
        lane = lax.broadcasted_iota(jnp.int32, zh.shape, 1)
        full = jnp.where(lane < 2, jnp.tanh(zh) / 5.0, jax.nn.sigmoid(zh))
        oref[...] = full[:, :3]

    out_shape = jax.ShapeDtypeStruct((_NJP, 3), _F32)
    out_specs = pl.BlockSpec((_B, 3), lambda i: (i, 0))
    return pl.pallas_call(body, grid=grid, in_specs=specs,
                          out_specs=out_specs, out_shape=out_shape)(*arrays)



def _prep_edges(ei, nch, n_real, n_pad):
    e = ei.astype(jnp.int32)
    pad = nch * _CH - e.shape[1]
    src = jnp.concatenate([e[0], jnp.zeros((pad,), jnp.int32)])
    pad_dst = n_real + jnp.arange(pad, dtype=jnp.int32) % (n_pad - n_real)
    dst = jnp.concatenate([e[1], pad_dst])
    return jnp.stack([src.reshape(nch, _CH), dst.reshape(nch, _CH)], axis=1)


def kernel(x_joint, x_grain, params, edge_jj, edge_gj, edge_jg, edge_attr_jj):
    p = params

    def wcat(stem, tail, pad_to=None):
        w = jnp.concatenate([p[f"{stem}_{g}_{tail}"] for g in _GATES], 1)
        if pad_to is not None and w.shape[0] < pad_to:
            w = jnp.zeros((pad_to, w.shape[1]), _F32).at[:w.shape[0]].set(w)
        return w

    def bcat(pre, nt):
        return jnp.concatenate(
            [p[f"{pre}_b_{g}_{nt}"] for g in _GATES]).reshape(1, 256)

    joint_pad = (jnp.zeros((_NJP, 16), _F32)
                 .at[:_NJ, :5].set(x_joint).at[:_NJ, 5].set(1.0))
    grain_pad = (jnp.zeros((_NGP, 16), _F32)
                 .at[:_NG, :8].set(x_grain).at[:_NG, 8].set(1.0))

    e_jj = _prep_edges(edge_jj, _NCH_JJ, _NJ, _NJP)
    e_gj = _prep_edges(edge_gj, _NCH_GJ, _NJ, _NJP)
    e_jg = _prep_edges(edge_jg, _NCH_GJ, _NG, _NGP)

    z16 = jnp.zeros((_NJP // 16, 16), _F32)
    z64 = jnp.zeros((_NJP // 16, 64), _BF16)

    raw_jj = _sc_raw_agg(joint_pad, e_jj, z16, _NJP, _NCH_JJ)
    raw_gj = _sc_raw_agg(grain_pad, e_gj, z16, _NJP, _NCH_GJ)
    raw_jg = _sc_raw_agg(joint_pad, e_jg, z16[:_NGP // 16], _NGP, _NCH_GJ)
    rjj = [raw_jj[0], raw_jj[1]]
    rgj = [raw_gj[0], raw_gj[1]]
    rjg = [raw_jg[0], raw_jg[1]]

    tj0, tj1 = _tc_cell0(
        _NJP, joint_pad, [rjj, rgj], [5, 8],
        (wcat("enc0_Wx", "joint", 16),
         wcat("enc0_We", "jj", 16), wcat("enc0_We", "gj", 16),
         bcat("enc0", "joint"),
         wcat("dec0_Wx", "joint", 16), wcat("dec0_Wh", "joint"),
         wcat("dec0_We", "jj", 16), wcat("dec0_We", "gj", 16),
         bcat("dec0", "joint")))
    tg0, tg1 = _tc_cell0(
        _NGP, grain_pad, [rjg], [5],
        (wcat("enc0_Wx", "grain", 16),
         wcat("enc0_We", "jg", 16),
         bcat("enc0", "grain"),
         wcat("dec0_Wx", "grain", 16), wcat("dec0_Wh", "grain"),
         wcat("dec0_We", "jg", 16),
         bcat("dec0", "grain")))

    jjA0, jjA1, gjA0, gjA1 = _sc_h_comb(tj0, tj1, tg0, tg1, e_jj, e_gj, z64)

    whead = jnp.zeros((144, 128), _F32)
    whead = whead.at[:129, 0:2].set(p["lin1_W"])
    whead = whead.at[:129, 2:3].set(p["lin2_W"])
    whead = whead.at[133, 0:2].set(p["lin1_b"])
    whead = whead.at[133, 2].set(p["lin2_b"][0])

    out = _tc_final(
        tj0, tj1, [jjA0, jjA1], [gjA0, gjA1], rjj, rgj, joint_pad,
        (wcat("enc1_Wx", "joint"),
         wcat("enc1_We", "jj"), wcat("enc1_We", "gj"),
         bcat("enc1", "joint"),
         wcat("dec1_Wx", "joint"), wcat("dec1_Wh", "joint"),
         wcat("dec1_We", "jj"), wcat("dec1_We", "gj"),
         bcat("dec1", "joint")),
        whead)

    return out[:_NJ]

# --- scband reference (transcript-rebuilt; emitter-appended) ---
"""Pipeline reference for scband-grain-nn-classifier-36636071035479 (READ-ONLY COPY).

The authoritative reference and input builder live on the scoring server;
editing this copy changes nothing except your own understanding.
"""

import jax, jax.numpy as jnp
import numpy as np

NJ, NG = 50000, 25000
C = 64
IN = {"joint": 5, "grain": 8}
NTS = ["joint", "grain"]
ETS = [("joint", "jj", "joint"), ("grain", "gj", "joint"), ("joint", "jg", "grain")]
GATES = ["i", "f", "g", "o"]


def init_params(key):
    p = {}
    k = [key]
    def nxt():
        k[0], sub = jax.random.split(k[0])
        return sub
    for model in ["enc", "dec"]:
        for l in range(2):
            ind = IN if l == 0 else {nt: C for nt in NTS}
            for g in GATES:
                for nt in NTS:
                    p[f"{model}{l}_Wx_{g}_{nt}"] = jax.random.normal(nxt(), (ind[nt], C), jnp.float32) * 0.05
                    p[f"{model}{l}_Wh_{g}_{nt}"] = jax.random.normal(nxt(), (C, C), jnp.float32) * 0.05
                    p[f"{model}{l}_b_{g}_{nt}"] = jnp.zeros((C,), jnp.float32)
                for (src, name, dst) in ETS:
                    p[f"{model}{l}_We_{g}_{name}"] = jax.random.normal(nxt(), (ind[src], C), jnp.float32) * 0.05
    p["lin1_W"] = jax.random.normal(nxt(), (2 * C + 1, 2), jnp.float32) * 0.05
    p["lin1_b"] = jnp.zeros((2,), jnp.float32)
    p["lin2_W"] = jax.random.normal(nxt(), (2 * C + 1, 1), jnp.float32) * 0.05
    p["lin2_b"] = jnp.zeros((1,), jnp.float32)
    return p


def setup_inputs(seed: int = 0):
    key = jax.random.key(seed)
    ks = jax.random.split(key, 8)
    x_joint = jax.random.normal(ks[0], (NJ, IN["joint"]), jnp.float32)
    x_grain = jax.random.normal(ks[1], (NG, IN["grain"]), jnp.float32)
    edge_jj = jax.random.randint(ks[2], (2, 800000), 0, NJ)
    edge_gj = jax.random.randint(ks[3], (2, 150000), 0, NG)
    edge_jg = jax.random.randint(ks[4], (2, 150000), 0, NG)
    edge_attr_jj = jax.random.normal(ks[5], (800000, 4), jnp.float32)
    params = init_params(ks[6])
    return {"x_joint": x_joint, "x_grain": x_grain, "params": params,
            "edge_jj": edge_jj, "edge_gj": edge_gj, "edge_jg": edge_jg,
            "edge_attr_jj": edge_attr_jj}


def _mean_agg(msgs, dst, n):
    s = jax.ops.segment_sum(msgs, dst, num_segments=n)
    cnt = jax.ops.segment_sum(jnp.ones((dst.shape[0], 1), msgs.dtype), dst, num_segments=n)
    return s / jnp.maximum(cnt, 1.0)


def _cell(prefix, x, h, c, p, edges):
    N = {nt: x[nt].shape[0] for nt in NTS}
    z = {nt: {g: x[nt] @ p[f"{prefix}_Wx_{g}_{nt}"] + h[nt] @ p[f"{prefix}_Wh_{g}_{nt}"] + p[f"{prefix}_b_{g}_{nt}"]
              for g in GATES} for nt in NTS}
    for (src, name, dst) in ETS:
        ei = edges[name]
        gathered = x[src][ei[0]]
        for g in GATES:
            m = gathered @ p[f"{prefix}_We_{g}_{name}"]
            z[dst][g] = z[dst][g] + _mean_agg(m, ei[1], N[dst])
    h2, c2 = {}, {}
    for nt in NTS:
        i = jax.nn.sigmoid(z[nt]["i"])
        f = jax.nn.sigmoid(z[nt]["f"])
        gg = jnp.tanh(z[nt]["g"])
        o = jax.nn.sigmoid(z[nt]["o"])
        c2[nt] = f * c[nt] + i * gg
        h2[nt] = o * jnp.tanh(c2[nt])
    return h2, c2


def _seq(model, x, hidden, p, edges):
    cur = x
    out = []
    for l in range(2):
        h, c = hidden[l]
        h, c = _cell(f"{model}{l}", cur, h, c, p, edges)
        cur = h
        out.append((h, c))
    return out


def reference(x_joint, x_grain, params, edge_jj, edge_gj, edge_jg, edge_attr_jj):
    x = {"joint": x_joint, "grain": x_grain}
    edges = {"jj": edge_jj, "gj": edge_gj, "jg": edge_jg}
    def zdict():
        return {nt: jnp.zeros((x[nt].shape[0], C), jnp.float32) for nt in NTS}
    init_hidden = [(zdict(), zdict()) for _ in range(2)]
    hid = _seq("enc", x, init_hidden, params, edges)
    hid = _seq("dec", x, hid, params, edges)
    h_j, c_j = hid[-1][0]["joint"], hid[-1][1]["joint"]
    feat = jnp.concatenate([h_j, c_j, x_joint[:, :1]], axis=-1)
    dx = jnp.tanh(feat @ params["lin1_W"] + params["lin1_b"]) / 5.0
    prob = jax.nn.sigmoid(feat @ params["lin2_W"] + params["lin2_b"])
    return jnp.concatenate([dx, prob], axis=-1)

if __name__ == "__main__":
    import jax
    _d = setup_inputs()
    print(jax.jit(kernel)(*tuple(_d.values())))

</pallas_src>

<mosaic_0001>
#map = affine_map<(d0, d1) -> (0, 0)>
#map1 = affine_map<(d0, d1) -> (0, 0, 0)>
module attributes {stable_mosaic.version = 14 : i64} {
  func.func @k(%arg0: i32, %arg1: i32, %arg2: memref<50176x64xbf16, #tpu.memory_space<hbm>>, %arg3: memref<50176x64xbf16, #tpu.memory_space<hbm>>, %arg4: memref<25088x64xbf16, #tpu.memory_space<hbm>>, %arg5: memref<25088x64xbf16, #tpu.memory_space<hbm>>, %arg6: memref<1600x2x512xi32, #tpu.memory_space<hbm>>, %arg7: memref<320x2x512xi32, #tpu.memory_space<hbm>>, %arg8: memref<3136x64xbf16, #tpu.memory_space<hbm>>, %arg9: memref<50176x64xbf16, #tpu.memory_space<hbm>>, %arg10: memref<50176x64xbf16, #tpu.memory_space<hbm>>, %arg11: memref<50176x64xbf16, #tpu.memory_space<hbm>>, %arg12: memref<50176x64xbf16, #tpu.memory_space<hbm>>, %arg13: memref<1x2x512xi32, #tpu.memory_space<vmem>>, %arg14: memref<256x64xbf16, #tpu.memory_space<vmem>>, %arg15: memref<256x64xbf16, #tpu.memory_space<vmem>>, %arg16: memref<50176x64xbf16, #tpu.memory_space<vmem_shared>>, %arg17: memref<!tpu.dma_semaphore, #tpu.memory_space<semaphore_mem>>, %arg18: memref<!tpu.dma_semaphore, #tpu.memory_space<semaphore_mem>>) attributes {dimension_semantics = [#tpu.dimension_semantics<core_parallel>, #tpu.dimension_semantics<subcore_parallel>], iteration_bounds = array<i64: 2, 16>, scalar_prefetch = 0 : i64, scratch_operands = 6 : i64, tpu.core_type = #tpu.core_type<sc_vector_subcore>, window_params = [{transform_indices = #map}, {transform_indices = #map}, {transform_indices = #map}, {transform_indices = #map}, {transform_indices = #map1}, {transform_indices = #map1}, {transform_indices = #map}, {transform_indices = #map}, {transform_indices = #map}, {transform_indices = #map}, {transform_indices = #map}]} {
    %mul3A = arith.constant 3136 : i32
    %mul3A_0 = arith.muli %arg1, %mul3A : i32
    %mul3A_1 = arith.constant 100 : i32
    %mul3A_2 = arith.muli %arg1, %mul3A_1 : i32
    "tpu.region"() ({
      %run_scoped3A = tpu.sem_alloc : memref<!tpu.dma_semaphore, #tpu.memory_space<semaphore_mem>>
      %dma_start3A = arith.constant 0 : i32
      %dma_start3A_45 = tpu.memref_slice %arg16[%mul3A_0, %dma_start3A] : memref<50176x64xbf16, #tpu.memory_space<vmem_shared>> -> memref<3136x64xbf16, #tpu.memory_space<vmem_shared>>
      %dma_start3A_46 = arith.constant 0 : i32
      %dma_start3A_47 = arith.constant 0 : i32
      %dma_start3A_48 = tpu.memref_slice %arg8[%dma_start3A_46, %dma_start3A_47] : memref<3136x64xbf16, #tpu.memory_space<hbm>> -> memref<3136x64xbf16, #tpu.memory_space<hbm>>
      tpu.enqueue_dma source(%dma_start3A_48 : memref<3136x64xbf16, #tpu.memory_space<hbm>>) target(%dma_start3A_45 : memref<3136x64xbf16, #tpu.memory_space<vmem_shared>>) target_semaphore(%run_scoped3A : memref<!tpu.dma_semaphore, #tpu.memory_space<semaphore_mem>>)
      %dma_wait3A = arith.constant 0 : i32
      %dma_wait3A_49 = tpu.memref_slice %arg16[%mul3A_0, %dma_wait3A] : memref<50176x64xbf16, #tpu.memory_space<vmem_shared>> -> memref<3136x64xbf16, #tpu.memory_space<vmem_shared>>
      %dma_wait3A_50 = arith.constant 0 : i32
      %dma_wait3A_51 = arith.constant 0 : i32
      %dma_wait3A_52 = tpu.memref_slice %arg8[%dma_wait3A_50, %dma_wait3A_51] : memref<3136x64xbf16, #tpu.memory_space<hbm>> -> memref<3136x64xbf16, #tpu.memory_space<hbm>>
      tpu.wait_dma2 semaphore(%run_scoped3A : memref<!tpu.dma_semaphore, #tpu.memory_space<semaphore_mem>>) src(%dma_wait3A_52 : memref<3136x64xbf16, #tpu.memory_space<hbm>>) dst(%dma_wait3A_49 : memref<3136x64xbf16, #tpu.memory_space<vmem_shared>>)
      tpu.yield
    }) : () -> ()
    %barrier3A = arith.constant 0 : index
    tpu.barrier barrier_id(%barrier3A)
    %eq3A = arith.constant 0 : i32
    %eq3A_3 = arith.cmpi eq, %arg0, %eq3A : i32
    %convert_element_type3A = arith.extui %eq3A_3 : i1 to i32
    %cond3A = arith.constant 0 : i32
    %cond3A_4 = arith.cmpi ne, %convert_element_type3A, %cond3A : i32
    scf.if %cond3A_4 {
      %scan3A = arith.constant 0 : i32
      %scan3A_45 = arith.constant 100 : i32
      %scan3A_46 = arith.addi %scan3A, %scan3A_45 : i32
      %scan3A_47 = arith.constant 1 : i32
      scf.for %scan3A_49 = %scan3A to %scan3A_46 step %scan3A_47  : i32 {
        %mul3A_50 = arith.constant 1 : i32
        %mul3A_51 = arith.muli %scan3A_49, %mul3A_50 : i32
        %add3A = arith.constant 0 : i32
        %add3A_52 = arith.addi %add3A, %mul3A_51 : i32
        %add3A_53 = arith.addi %mul3A_2, %add3A_52 : i32
        "tpu.region"() ({
          %run_scoped3A_87 = tpu.sem_alloc : memref<!tpu.dma_semaphore, #tpu.memory_space<semaphore_mem>>
          %dma_start3A_88 = arith.constant 0 : i32
          %dma_start3A_89 = arith.constant 0 : i32
          %dma_start3A_90 = tpu.memref_slice %arg6[%add3A_53, %dma_start3A_88, %dma_start3A_89] : memref<1600x2x512xi32, #tpu.memory_space<hbm>> -> memref<1x2x512xi32, #tpu.memory_space<hbm>>
          %dma_start3A_91 = arith.constant 0 : i32
          %dma_start3A_92 = arith.constant 0 : i32
          %dma_start3A_93 = tpu.memref_slice %arg6[%add3A_53, %dma_start3A_91, %dma_start3A_92] : memref<1600x2x512xi32, #tpu.memory_space<hbm>> -> memref<1x2x512xi32, #tpu.memory_space<hbm>>
          tpu.enqueue_dma source(%dma_start3A_93 : memref<1x2x512xi32, #tpu.memory_space<hbm>>) target(%arg13 : memref<1x2x512xi32, #tpu.memory_space<vmem>>) target_semaphore(%run_scoped3A_87 : memref<!tpu.dma_semaphore, #tpu.memory_space<semaphore_mem>>)
          %dma_wait3A_94 = arith.constant 0 : i32
          %dma_wait3A_95 = arith.constant 0 : i32
          %dma_wait3A_96 = tpu.memref_slice %arg6[%add3A_53, %dma_wait3A_94, %dma_wait3A_95] : memref<1600x2x512xi32, #tpu.memory_space<hbm>> -> memref<1x2x512xi32, #tpu.memory_space<hbm>>
          %dma_wait3A_97 = arith.constant 0 : i32
          %dma_wait3A_98 = arith.constant 0 : i32
          %dma_wait3A_99 = tpu.memref_slice %arg6[%add3A_53, %dma_wait3A_97, %dma_wait3A_98] : memref<1600x2x512xi32, #tpu.memory_space<hbm>> -> memref<1x2x512xi32, #tpu.memory_space<hbm>>
          tpu.wait_dma2 semaphore(%run_scoped3A_87 : memref<!tpu.dma_semaphore, #tpu.memory_space<semaphore_mem>>) src(%dma_wait3A_99 : memref<1x2x512xi32, #tpu.memory_space<hbm>>) dst(%arg13 : memref<1x2x512xi32, #tpu.memory_space<vmem>>)
          tpu.yield
        }) : () -> ()
        %dma_start3A = arith.constant 0 : i32
        %dma_start3A_54 = arith.constant 0 : i32
        %dma_start3A_55 = arith.constant 0 : i32
        %dma_start3A_56 = tpu.memref_slice %arg13[%dma_start3A, %dma_start3A_54, %dma_start3A_55] : memref<1x2x512xi32, #tpu.memory_space<vmem>> -> memref<1x1x256xi32, #tpu.memory_space<vmem>>
        %dma_start3A_57 = tpu.memref_squeeze %dma_start3A_56 : memref<1x1x256xi32, #tpu.memory_space<vmem>> -> memref<256xi32, #tpu.memory_space<vmem>>
        %dma_start3A_58 = arith.constant 0 : i32
        %dma_start3A_59 = arith.constant 0 : i32
        %dma_start3A_60 = tpu.memref_slice %arg2[%dma_start3A_58, %dma_start3A_59] : memref<50176x64xbf16, #tpu.memory_space<hbm>> -> memref<50176x64xbf16, #tpu.memory_space<hbm>>
        tpu.enqueue_indirect_dma source(%dma_start3A_60 : memref<50176x64xbf16, #tpu.memory_space<hbm>>) target(%arg14 : memref<256x64xbf16, #tpu.memory_space<vmem>>) offsets(%dma_start3A_57 : memref<256xi32, #tpu.memory_space<vmem>>) semaphore(%arg17 : memref<!tpu.dma_semaphore, #tpu.memory_space<semaphore_mem>>)
        %dma_start3A_61 = arith.constant 0 : i32
        %dma_start3A_62 = arith.constant 0 : i32
        %dma_start3A_63 = arith.constant 256 : i32
        %dma_start3A_64 = tpu.memref_slice %arg13[%dma_start3A_61, %dma_start3A_62, %dma_start3A_63] : memref<1x2x512xi32, #tpu.memory_space<vmem>> -> memref<1x1x256xi32, #tpu.memory_space<vmem>>
        %dma_start3A_65 = tpu.memref_squeeze %dma_start3A_64 : memref<1x1x256xi32, #tpu.memory_space<vmem>> -> memref<256xi32, #tpu.memory_space<vmem>>
        %dma_start3A_66 = arith.constant 0 : i32
        %dma_start3A_67 = arith.constant 0 : i32
        %dma_start3A_68 = tpu.memref_slice %arg2[%dma_start3A_66, %dma_start3A_67] : memref<50176x64xbf16, #tpu.memory_space<hbm>> -> memref<50176x64xbf16, #tpu.memory_space<hbm>>
        tpu.enqueue_indirect_dma source(%dma_start3A_68 : memref<50176x64xbf16, #tpu.memory_space<hbm>>) target(%arg15 : memref<256x64xbf16, #tpu.memory_space<vmem>>) offsets(%dma_start3A_65 : memref<256xi32, #tpu.memory_space<vmem>>) semaphore(%arg18 : memref<!tpu.dma_semaphore, #tpu.memory_space<semaphore_mem>>)
        %dma_wait3A = arith.constant 0 : i32
        %dma_wait3A_69 = arith.constant 0 : i32
        %dma_wait3A_70 = arith.constant 0 : i32
        %dma_wait3A_71 = tpu.memref_slice %arg13[%dma_wait3A, %dma_wait3A_69, %dma_wait3A_70] : memref<1x2x512xi32, #tpu.memory_space<vmem>> -> memref<1x1x256xi32, #tpu.memory_space<vmem>>
        %dma_wait3A_72 = tpu.memref_squeeze %dma_wait3A_71 : memref<1x1x256xi32, #tpu.memory_space<vmem>> -> memref<256xi32, #tpu.memory_space<vmem>>
        %dma_wait3A_73 = arith.constant 0 : i32
        %dma_wait3A_74 = arith.constant 0 : i32
        %dma_wait3A_75 = tpu.memref_slice %arg2[%dma_wait3A_73, %dma_wait3A_74] : memref<50176x64xbf16, #tpu.memory_space<hbm>> -> memref<50176x64xbf16, #tpu.memory_space<hbm>>
        tpu.wait_indirect_dma semaphore(%arg17 : memref<!tpu.dma_semaphore, #tpu.memory_space<semaphore_mem>>) src(%dma_wait3A_75 : memref<50176x64xbf16, #tpu.memory_space<hbm>>) dst(%arg14 : memref<256x64xbf16, #tpu.memory_space<vmem>>)
        %run_scoped3A = arith.constant 0 : i32
        %run_scoped3A_76 = arith.constant 1 : i32
        "tpu.region"() ({
          %run_scoped3A_87 = tpu.sem_alloc : memref<!tpu.dma_semaphore, #tpu.memory_space<semaphore_mem>>
          %dma_start3A_88 = arith.constant 0 : i32
          %dma_start3A_89 = tpu.memref_slice %arg13[%run_scoped3A, %run_scoped3A_76, %dma_start3A_88] : memref<1x2x512xi32, #tpu.memory_space<vmem>> -> memref<1x1x256xi32, #tpu.memory_space<vmem>>
          %dma_start3A_90 = tpu.memref_squeeze %dma_start3A_89 : memref<1x1x256xi32, #tpu.memory_space<vmem>> -> memref<256xi32, #tpu.memory_space<vmem>>
          %dma_start3A_91 = arith.constant 0 : i32
          %dma_start3A_92 = arith.constant 0 : i32
          %dma_start3A_93 = tpu.memref_slice %arg16[%dma_start3A_91, %dma_start3A_92] : memref<50176x64xbf16, #tpu.memory_space<vmem_shared>> -> memref<50176x64xbf16, #tpu.memory_space<vmem_shared>>
          tpu.enqueue_indirect_dma source(%arg14 : memref<256x64xbf16, #tpu.memory_space<vmem>>) target(%dma_start3A_93 : memref<50176x64xbf16, #tpu.memory_space<vmem_shared>>) offsets(%dma_start3A_90 : memref<256xi32, #tpu.memory_space<vmem>>) semaphore(%run_scoped3A_87 : memref<!tpu.dma_semaphore, #tpu.memory_space<semaphore_mem>>) {add = true}
          %dma_wait3A_94 = arith.constant 0 : i32
          %dma_wait3A_95 = tpu.memref_slice %arg13[%run_scoped3A, %run_scoped3A_76, %dma_wait3A_94] : memref<1x2x512xi32, #tpu.memory_space<vmem>> -> memref<1x1x256xi32, #tpu.memory_space<vmem>>
          %dma_wait3A_96 = tpu.memref_squeeze %dma_wait3A_95 : memref<1x1x256xi32, #tpu.memory_space<vmem>> -> memref<256xi32, #tpu.memory_space<vmem>>
          %dma_wait3A_97 = arith.constant 0 : i32
          %dma_wait3A_98 = arith.constant 0 : i32
          %dma_wait3A_99 = tpu.memref_slice %arg16[%dma_wait3A_97, %dma_wait3A_98] : memref<50176x64xbf16, #tpu.memory_space<vmem_shared>> -> memref<50176x64xbf16, #tpu.memory_space<vmem_shared>>
          tpu.wait_indirect_dma semaphore(%run_scoped3A_87 : memref<!tpu.dma_semaphore, #tpu.memory_space<semaphore_mem>>) src(%arg14 : memref<256x64xbf16, #tpu.memory_space<vmem>>) dst(%dma_wait3A_99 : memref<50176x64xbf16, #tpu.memory_space<vmem_shared>>)
          tpu.yield
        }) : () -> ()
        %dma_wait3A_77 = arith.constant 0 : i32
        %dma_wait3A_78 = arith.constant 0 : i32
        %dma_wait3A_79 = arith.constant 256 : i32
        %dma_wait3A_80 = tpu.memref_slice %arg13[%dma_wait3A_77, %dma_wait3A_78, %dma_wait3A_79] : memref<1x2x512xi32, #tpu.memory_space<vmem>> -> memref<1x1x256xi32, #tpu.memory_space<vmem>>
        %dma_wait3A_81 = tpu.memref_squeeze %dma_wait3A_80 : memref<1x1x256xi32, #tpu.memory_space<vmem>> -> memref<256xi32, #tpu.memory_space<vmem>>
        %dma_wait3A_82 = arith.constant 0 : i32
        %dma_wait3A_83 = arith.constant 0 : i32
        %dma_wait3A_84 = tpu.memref_slice %arg2[%dma_wait3A_82, %dma_wait3A_83] : memref<50176x64xbf16, #tpu.memory_space<hbm>> -> memref<50176x64xbf16, #tpu.memory_space<hbm>>
        tpu.wait_indirect_dma semaphore(%arg18 : memref<!tpu.dma_semaphore, #tpu.memory_space<semaphore_mem>>) src(%dma_wait3A_84 : memref<50176x64xbf16, #tpu.memory_space<hbm>>) dst(%arg15 : memref<256x64xbf16, #tpu.memory_space<vmem>>)
        %run_scoped3A_85 = arith.constant 0 : i32
        %run_scoped3A_86 = arith.constant 1 : i32
        "tpu.region"() ({
          %run_scoped3A_87 = tpu.sem_alloc : memref<!tpu.dma_semaphore, #tpu.memory_space<semaphore_mem>>
          %dma_start3A_88 = arith.constant 256 : i32
          %dma_start3A_89 = tpu.memref_slice %arg13[%run_scoped3A_85, %run_scoped3A_86, %dma_start3A_88] : memref<1x2x512xi32, #tpu.memory_space<vmem>> -> memref<1x1x256xi32, #tpu.memory_space<vmem>>
          %dma_start3A_90 = tpu.memref_squeeze %dma_start3A_89 : memref<1x1x256xi32, #tpu.memory_space<vmem>> -> memref<256xi32, #tpu.memory_space<vmem>>
          %dma_start3A_91 = arith.constant 0 : i32
          %dma_start3A_92 = arith.constant 0 : i32
          %dma_start3A_93 = tpu.memref_slice %arg16[%dma_start3A_91, %dma_start3A_92] : memref<50176x64xbf16, #tpu.memory_space<vmem_shared>> -> memref<50176x64xbf16, #tpu.memory_space<vmem_shared>>
          tpu.enqueue_indirect_dma source(%arg15 : memref<256x64xbf16, #tpu.memory_space<vmem>>) target(%dma_start3A_93 : memref<50176x64xbf16, #tpu.memory_space<vmem_shared>>) offsets(%dma_start3A_90 : memref<256xi32, #tpu.memory_space<vmem>>) semaphore(%run_scoped3A_87 : memref<!tpu.dma_semaphore, #tpu.memory_space<semaphore_mem>>) {add = true}
          %dma_wait3A_94 = arith.constant 256 : i32
          %dma_wait3A_95 = tpu.memref_slice %arg13[%run_scoped3A_85, %run_scoped3A_86, %dma_wait3A_94] : memref<1x2x512xi32, #tpu.memory_space<vmem>> -> memref<1x1x256xi32, #tpu.memory_space<vmem>>
          %dma_wait3A_96 = tpu.memref_squeeze %dma_wait3A_95 : memref<1x1x256xi32, #tpu.memory_space<vmem>> -> memref<256xi32, #tpu.memory_space<vmem>>
          %dma_wait3A_97 = arith.constant 0 : i32
          %dma_wait3A_98 = arith.constant 0 : i32
          %dma_wait3A_99 = tpu.memref_slice %arg16[%dma_wait3A_97, %dma_wait3A_98] : memref<50176x64xbf16, #tpu.memory_space<vmem_shared>> -> memref<50176x64xbf16, #tpu.memory_space<vmem_shared>>
          tpu.wait_indirect_dma semaphore(%run_scoped3A_87 : memref<!tpu.dma_semaphore, #tpu.memory_space<semaphore_mem>>) src(%arg15 : memref<256x64xbf16, #tpu.memory_space<vmem>>) dst(%dma_wait3A_99 : memref<50176x64xbf16, #tpu.memory_space<vmem_shared>>)
          tpu.yield
        }) : () -> ()
      }
      %scan3A_48 = arith.constant 100 : i32
    } else {
    }
    %eq3A_5 = arith.constant 1 : i32
    %eq3A_6 = arith.cmpi eq, %arg0, %eq3A_5 : i32
    %convert_element_type3A_7 = arith.extui %eq3A_6 : i1 to i32
    %cond3A_8 = arith.constant 0 : i32
    %cond3A_9 = arith.cmpi ne, %convert_element_type3A_7, %cond3A_8 : i32
    scf.if %cond3A_9 {
      %scan3A = arith.constant 0 : i32
      %scan3A_45 = arith.constant 100 : i32
      %scan3A_46 = arith.addi %scan3A, %scan3A_45 : i32
      %scan3A_47 = arith.constant 1 : i32
      scf.for %scan3A_49 = %scan3A to %scan3A_46 step %scan3A_47  : i32 {
        %mul3A_50 = arith.constant 1 : i32
        %mul3A_51 = arith.muli %scan3A_49, %mul3A_50 : i32
        %add3A = arith.constant 0 : i32
        %add3A_52 = arith.addi %add3A, %mul3A_51 : i32
        %add3A_53 = arith.addi %mul3A_2, %add3A_52 : i32
        "tpu.region"() ({
          %run_scoped3A_87 = tpu.sem_alloc : memref<!tpu.dma_semaphore, #tpu.memory_space<semaphore_mem>>
          %dma_start3A_88 = arith.constant 0 : i32
          %dma_start3A_89 = arith.constant 0 : i32
          %dma_start3A_90 = tpu.memref_slice %arg6[%add3A_53, %dma_start3A_88, %dma_start3A_89] : memref<1600x2x512xi32, #tpu.memory_space<hbm>> -> memref<1x2x512xi32, #tpu.memory_space<hbm>>
          %dma_start3A_91 = arith.constant 0 : i32
          %dma_start3A_92 = arith.constant 0 : i32
          %dma_start3A_93 = tpu.memref_slice %arg6[%add3A_53, %dma_start3A_91, %dma_start3A_92] : memref<1600x2x512xi32, #tpu.memory_space<hbm>> -> memref<1x2x512xi32, #tpu.memory_space<hbm>>
          tpu.enqueue_dma source(%dma_start3A_93 : memref<1x2x512xi32, #tpu.memory_space<hbm>>) target(%arg13 : memref<1x2x512xi32, #tpu.memory_space<vmem>>) target_semaphore(%run_scoped3A_87 : memref<!tpu.dma_semaphore, #tpu.memory_space<semaphore_mem>>)
          %dma_wait3A_94 = arith.constant 0 : i32
          %dma_wait3A_95 = arith.constant 0 : i32
          %dma_wait3A_96 = tpu.memref_slice %arg6[%add3A_53, %dma_wait3A_94, %dma_wait3A_95] : memref<1600x2x512xi32, #tpu.memory_space<hbm>> -> memref<1x2x512xi32, #tpu.memory_space<hbm>>
          %dma_wait3A_97 = arith.constant 0 : i32
          %dma_wait3A_98 = arith.constant 0 : i32
          %dma_wait3A_99 = tpu.memref_slice %arg6[%add3A_53, %dma_wait3A_97, %dma_wait3A_98] : memref<1600x2x512xi32, #tpu.memory_space<hbm>> -> memref<1x2x512xi32, #tpu.memory_space<hbm>>
          tpu.wait_dma2 semaphore(%run_scoped3A_87 : memref<!tpu.dma_semaphore, #tpu.memory_space<semaphore_mem>>) src(%dma_wait3A_99 : memref<1x2x512xi32, #tpu.memory_space<hbm>>) dst(%arg13 : memref<1x2x512xi32, #tpu.memory_space<vmem>>)
          tpu.yield
        }) : () -> ()
        %dma_start3A = arith.constant 0 : i32
        %dma_start3A_54 = arith.constant 0 : i32
        %dma_start3A_55 = arith.constant 0 : i32
        %dma_start3A_56 = tpu.memref_slice %arg13[%dma_start3A, %dma_start3A_54, %dma_start3A_55] : memref<1x2x512xi32, #tpu.memory_space<vmem>> -> memref<1x1x256xi32, #tpu.memory_space<vmem>>
        %dma_start3A_57 = tpu.memref_squeeze %dma_start3A_56 : memref<1x1x256xi32, #tpu.memory_space<vmem>> -> memref<256xi32, #tpu.memory_space<vmem>>
        %dma_start3A_58 = arith.constant 0 : i32
        %dma_start3A_59 = arith.constant 0 : i32
        %dma_start3A_60 = tpu.memref_slice %arg3[%dma_start3A_58, %dma_start3A_59] : memref<50176x64xbf16, #tpu.memory_space<hbm>> -> memref<50176x64xbf16, #tpu.memory_space<hbm>>
        tpu.enqueue_indirect_dma source(%dma_start3A_60 : memref<50176x64xbf16, #tpu.memory_space<hbm>>) target(%arg14 : memref<256x64xbf16, #tpu.memory_space<vmem>>) offsets(%dma_start3A_57 : memref<256xi32, #tpu.memory_space<vmem>>) semaphore(%arg17 : memref<!tpu.dma_semaphore, #tpu.memory_space<semaphore_mem>>)
        %dma_start3A_61 = arith.constant 0 : i32
        %dma_start3A_62 = arith.constant 0 : i32
        %dma_start3A_63 = arith.constant 256 : i32
        %dma_start3A_64 = tpu.memref_slice %arg13[%dma_start3A_61, %dma_start3A_62, %dma_start3A_63] : memref<1x2x512xi32, #tpu.memory_space<vmem>> -> memref<1x1x256xi32, #tpu.memory_space<vmem>>
        %dma_start3A_65 = tpu.memref_squeeze %dma_start3A_64 : memref<1x1x256xi32, #tpu.memory_space<vmem>> -> memref<256xi32, #tpu.memory_space<vmem>>
        %dma_start3A_66 = arith.constant 0 : i32
        %dma_start3A_67 = arith.constant 0 : i32
        %dma_start3A_68 = tpu.memref_slice %arg3[%dma_start3A_66, %dma_start3A_67] : memref<50176x64xbf16, #tpu.memory_space<hbm>> -> memref<50176x64xbf16, #tpu.memory_space<hbm>>
        tpu.enqueue_indirect_dma source(%dma_start3A_68 : memref<50176x64xbf16, #tpu.memory_space<hbm>>) target(%arg15 : memref<256x64xbf16, #tpu.memory_space<vmem>>) offsets(%dma_start3A_65 : memref<256xi32, #tpu.memory_space<vmem>>) semaphore(%arg18 : memref<!tpu.dma_semaphore, #tpu.memory_space<semaphore_mem>>)
        %dma_wait3A = arith.constant 0 : i32
        %dma_wait3A_69 = arith.constant 0 : i32
        %dma_wait3A_70 = arith.constant 0 : i32
        %dma_wait3A_71 = tpu.memref_slice %arg13[%dma_wait3A, %dma_wait3A_69, %dma_wait3A_70] : memref<1x2x512xi32, #tpu.memory_space<vmem>> -> memref<1x1x256xi32, #tpu.memory_space<vmem>>
        %dma_wait3A_72 = tpu.memref_squeeze %dma_wait3A_71 : memref<1x1x256xi32, #tpu.memory_space<vmem>> -> memref<256xi32, #tpu.memory_space<vmem>>
        %dma_wait3A_73 = arith.constant 0 : i32
        %dma_wait3A_74 = arith.constant 0 : i32
        %dma_wait3A_75 = tpu.memref_slice %arg3[%dma_wait3A_73, %dma_wait3A_74] : memref<50176x64xbf16, #tpu.memory_space<hbm>> -> memref<50176x64xbf16, #tpu.memory_space<hbm>>
        tpu.wait_indirect_dma semaphore(%arg17 : memref<!tpu.dma_semaphore, #tpu.memory_space<semaphore_mem>>) src(%dma_wait3A_75 : memref<50176x64xbf16, #tpu.memory_space<hbm>>) dst(%arg14 : memref<256x64xbf16, #tpu.memory_space<vmem>>)
        %run_scoped3A = arith.constant 0 : i32
        %run_scoped3A_76 = arith.constant 1 : i32
        "tpu.region"() ({
          %run_scoped3A_87 = tpu.sem_alloc : memref<!tpu.dma_semaphore, #tpu.memory_space<semaphore_mem>>
          %dma_start3A_88 = arith.constant 0 : i32
          %dma_start3A_89 = tpu.memref_slice %arg13[%run_scoped3A, %run_scoped3A_76, %dma_start3A_88] : memref<1x2x512xi32, #tpu.memory_space<vmem>> -> memref<1x1x256xi32, #tpu.memory_space<vmem>>
          %dma_start3A_90 = tpu.memref_squeeze %dma_start3A_89 : memref<1x1x256xi32, #tpu.memory_space<vmem>> -> memref<256xi32, #tpu.memory_space<vmem>>
          %dma_start3A_91 = arith.constant 0 : i32
          %dma_start3A_92 = arith.constant 0 : i32
          %dma_start3A_93 = tpu.memref_slice %arg16[%dma_start3A_91, %dma_start3A_92] : memref<50176x64xbf16, #tpu.memory_space<vmem_shared>> -> memref<50176x64xbf16, #tpu.memory_space<vmem_shared>>
          tpu.enqueue_indirect_dma source(%arg14 : memref<256x64xbf16, #tpu.memory_space<vmem>>) target(%dma_start3A_93 : memref<50176x64xbf16, #tpu.memory_space<vmem_shared>>) offsets(%dma_start3A_90 : memref<256xi32, #tpu.memory_space<vmem>>) semaphore(%run_scoped3A_87 : memref<!tpu.dma_semaphore, #tpu.memory_space<semaphore_mem>>) {add = true}
          %dma_wait3A_94 = arith.constant 0 : i32
          %dma_wait3A_95 = tpu.memref_slice %arg13[%run_scoped3A, %run_scoped3A_76, %dma_wait3A_94] : memref<1x2x512xi32, #tpu.memory_space<vmem>> -> memref<1x1x256xi32, #tpu.memory_space<vmem>>
          %dma_wait3A_96 = tpu.memref_squeeze %dma_wait3A_95 : memref<1x1x256xi32, #tpu.memory_space<vmem>> -> memref<256xi32, #tpu.memory_space<vmem>>
          %dma_wait3A_97 = arith.constant 0 : i32
          %dma_wait3A_98 = arith.constant 0 : i32
          %dma_wait3A_99 = tpu.memref_slice %arg16[%dma_wait3A_97, %dma_wait3A_98] : memref<50176x64xbf16, #tpu.memory_space<vmem_shared>> -> memref<50176x64xbf16, #tpu.memory_space<vmem_shared>>
          tpu.wait_indirect_dma semaphore(%run_scoped3A_87 : memref<!tpu.dma_semaphore, #tpu.memory_space<semaphore_mem>>) src(%arg14 : memref<256x64xbf16, #tpu.memory_space<vmem>>) dst(%dma_wait3A_99 : memref<50176x64xbf16, #tpu.memory_space<vmem_shared>>)
          tpu.yield
        }) : () -> ()
        %dma_wait3A_77 = arith.constant 0 : i32
        %dma_wait3A_78 = arith.constant 0 : i32
        %dma_wait3A_79 = arith.constant 256 : i32
        %dma_wait3A_80 = tpu.memref_slice %arg13[%dma_wait3A_77, %dma_wait3A_78, %dma_wait3A_79] : memref<1x2x512xi32, #tpu.memory_space<vmem>> -> memref<1x1x256xi32, #tpu.memory_space<vmem>>
        %dma_wait3A_81 = tpu.memref_squeeze %dma_wait3A_80 : memref<1x1x256xi32, #tpu.memory_space<vmem>> -> memref<256xi32, #tpu.memory_space<vmem>>
        %dma_wait3A_82 = arith.constant 0 : i32
        %dma_wait3A_83 = arith.constant 0 : i32
        %dma_wait3A_84 = tpu.memref_slice %arg3[%dma_wait3A_82, %dma_wait3A_83] : memref<50176x64xbf16, #tpu.memory_space<hbm>> -> memref<50176x64xbf16, #tpu.memory_space<hbm>>
        tpu.wait_indirect_dma semaphore(%arg18 : memref<!tpu.dma_semaphore, #tpu.memory_space<semaphore_mem>>) src(%dma_wait3A_84 : memref<50176x64xbf16, #tpu.memory_space<hbm>>) dst(%arg15 : memref<256x64xbf16, #tpu.memory_space<vmem>>)
        %run_scoped3A_85 = arith.constant 0 : i32
        %run_scoped3A_86 = arith.constant 1 : i32
        "tpu.region"() ({
          %run_scoped3A_87 = tpu.sem_alloc : memref<!tpu.dma_semaphore, #tpu.memory_space<semaphore_mem>>
          %dma_start3A_88 = arith.constant 256 : i32
          %dma_start3A_89 = tpu.memref_slice %arg13[%run_scoped3A_85, %run_scoped3A_86, %dma_start3A_88] : memref<1x2x512xi32, #tpu.memory_space<vmem>> -> memref<1x1x256xi32, #tpu.memory_space<vmem>>
          %dma_start3A_90 = tpu.memref_squeeze %dma_start3A_89 : memref<1x1x256xi32, #tpu.memory_space<vmem>> -> memref<256xi32, #tpu.memory_space<vmem>>
          %dma_start3A_91 = arith.constant 0 : i32
          %dma_start3A_92 = arith.constant 0 : i32
          %dma_start3A_93 = tpu.memref_slice %arg16[%dma_start3A_91, %dma_start3A_92] : memref<50176x64xbf16, #tpu.memory_space<vmem_shared>> -> memref<50176x64xbf16, #tpu.memory_space<vmem_shared>>
          tpu.enqueue_indirect_dma source(%arg15 : memref<256x64xbf16, #tpu.memory_space<vmem>>) target(%dma_start3A_93 : memref<50176x64xbf16, #tpu.memory_space<vmem_shared>>) offsets(%dma_start3A_90 : memref<256xi32, #tpu.memory_space<vmem>>) semaphore(%run_scoped3A_87 : memref<!tpu.dma_semaphore, #tpu.memory_space<semaphore_mem>>) {add = true}
          %dma_wait3A_94 = arith.constant 256 : i32
          %dma_wait3A_95 = tpu.memref_slice %arg13[%run_scoped3A_85, %run_scoped3A_86, %dma_wait3A_94] : memref<1x2x512xi32, #tpu.memory_space<vmem>> -> memref<1x1x256xi32, #tpu.memory_space<vmem>>
          %dma_wait3A_96 = tpu.memref_squeeze %dma_wait3A_95 : memref<1x1x256xi32, #tpu.memory_space<vmem>> -> memref<256xi32, #tpu.memory_space<vmem>>
          %dma_wait3A_97 = arith.constant 0 : i32
          %dma_wait3A_98 = arith.constant 0 : i32
          %dma_wait3A_99 = tpu.memref_slice %arg16[%dma_wait3A_97, %dma_wait3A_98] : memref<50176x64xbf16, #tpu.memory_space<vmem_shared>> -> memref<50176x64xbf16, #tpu.memory_space<vmem_shared>>
          tpu.wait_indirect_dma semaphore(%run_scoped3A_87 : memref<!tpu.dma_semaphore, #tpu.memory_space<semaphore_mem>>) src(%arg15 : memref<256x64xbf16, #tpu.memory_space<vmem>>) dst(%dma_wait3A_99 : memref<50176x64xbf16, #tpu.memory_space<vmem_shared>>)
          tpu.yield
        }) : () -> ()
      }
      %scan3A_48 = arith.constant 100 : i32
    } else {
    }
    %barrier3A_10 = arith.constant 0 : index
    tpu.barrier barrier_id(%barrier3A_10)
    %eq3A_11 = arith.constant 0 : i32
    %eq3A_12 = arith.cmpi eq, %arg0, %eq3A_11 : i32
    %convert_element_type3A_13 = arith.extui %eq3A_12 : i1 to i32
    %cond3A_14 = arith.constant 0 : i32
    %cond3A_15 = arith.cmpi ne, %convert_element_type3A_13, %cond3A_14 : i32
    scf.if %cond3A_15 {
      "tpu.region"() ({
        %run_scoped3A = tpu.sem_alloc : memref<!tpu.dma_semaphore, #tpu.memory_space<semaphore_mem>>
        %dma_start3A = arith.constant 0 : i32
        %dma_start3A_45 = tpu.memref_slice %arg9[%mul3A_0, %dma_start3A] : memref<50176x64xbf16, #tpu.memory_space<hbm>> -> memref<3136x64xbf16, #tpu.memory_space<hbm>>
        %dma_start3A_46 = arith.constant 0 : i32
        %dma_start3A_47 = tpu.memref_slice %arg16[%mul3A_0, %dma_start3A_46] : memref<50176x64xbf16, #tpu.memory_space<vmem_shared>> -> memref<3136x64xbf16, #tpu.memory_space<vmem_shared>>
        tpu.enqueue_dma source(%dma_start3A_47 : memref<3136x64xbf16, #tpu.memory_space<vmem_shared>>) target(%dma_start3A_45 : memref<3136x64xbf16, #tpu.memory_space<hbm>>) target_semaphore(%run_scoped3A : memref<!tpu.dma_semaphore, #tpu.memory_space<semaphore_mem>>)
        %dma_wait3A = arith.constant 0 : i32
        %dma_wait3A_48 = tpu.memref_slice %arg9[%mul3A_0, %dma_wait3A] : memref<50176x64xbf16, #tpu.memory_space<hbm>> -> memref<3136x64xbf16, #tpu.memory_space<hbm>>
        %dma_wait3A_49 = arith.constant 0 : i32
        %dma_wait3A_50 = tpu.memref_slice %arg16[%mul3A_0, %dma_wait3A_49] : memref<50176x64xbf16, #tpu.memory_space<vmem_shared>> -> memref<3136x64xbf16, #tpu.memory_space<vmem_shared>>
        tpu.wait_dma2 semaphore(%run_scoped3A : memref<!tpu.dma_semaphore, #tpu.memory_space<semaphore_mem>>) src(%dma_wait3A_50 : memref<3136x64xbf16, #tpu.memory_space<vmem_shared>>) dst(%dma_wait3A_48 : memref<3136x64xbf16, #tpu.memory_space<hbm>>)
        tpu.yield
      }) : () -> ()
    } else {
    }
    %eq3A_16 = arith.constant 1 : i32
    %eq3A_17 = arith.cmpi eq, %arg0, %eq3A_16 : i32
    %convert_element_type3A_18 = arith.extui %eq3A_17 : i1 to i32
    %cond3A_19 = arith.constant 0 : i32
    %cond3A_20 = arith.cmpi ne, %convert_element_type3A_18, %cond3A_19 : i32
    scf.if %cond3A_20 {
      "tpu.region"() ({
        %run_scoped3A = tpu.sem_alloc : memref<!tpu.dma_semaphore, #tpu.memory_space<semaphore_mem>>
        %dma_start3A = arith.constant 0 : i32
        %dma_start3A_45 = tpu.memref_slice %arg10[%mul3A_0, %dma_start3A] : memref<50176x64xbf16, #tpu.memory_space<hbm>> -> memref<3136x64xbf16, #tpu.memory_space<hbm>>
        %dma_start3A_46 = arith.constant 0 : i32
        %dma_start3A_47 = tpu.memref_slice %arg16[%mul3A_0, %dma_start3A_46] : memref<50176x64xbf16, #tpu.memory_space<vmem_shared>> -> memref<3136x64xbf16, #tpu.memory_space<vmem_shared>>
        tpu.enqueue_dma source(%dma_start3A_47 : memref<3136x64xbf16, #tpu.memory_space<vmem_shared>>) target(%dma_start3A_45 : memref<3136x64xbf16, #tpu.memory_space<hbm>>) target_semaphore(%run_scoped3A : memref<!tpu.dma_semaphore, #tpu.memory_space<semaphore_mem>>)
        %dma_wait3A = arith.constant 0 : i32
        %dma_wait3A_48 = tpu.memref_slice %arg10[%mul3A_0, %dma_wait3A] : memref<50176x64xbf16, #tpu.memory_space<hbm>> -> memref<3136x64xbf16, #tpu.memory_space<hbm>>
        %dma_wait3A_49 = arith.constant 0 : i32
        %dma_wait3A_50 = tpu.memref_slice %arg16[%mul3A_0, %dma_wait3A_49] : memref<50176x64xbf16, #tpu.memory_space<vmem_shared>> -> memref<3136x64xbf16, #tpu.memory_space<vmem_shared>>
        tpu.wait_dma2 semaphore(%run_scoped3A : memref<!tpu.dma_semaphore, #tpu.memory_space<semaphore_mem>>) src(%dma_wait3A_50 : memref<3136x64xbf16, #tpu.memory_space<vmem_shared>>) dst(%dma_wait3A_48 : memref<3136x64xbf16, #tpu.memory_space<hbm>>)
        tpu.yield
      }) : () -> ()
    } else {
    }
    %mul3A_21 = arith.constant 20 : i32
    %mul3A_22 = arith.muli %arg1, %mul3A_21 : i32
    "tpu.region"() ({
      %run_scoped3A = tpu.sem_alloc : memref<!tpu.dma_semaphore, #tpu.memory_space<semaphore_mem>>
      %dma_start3A = arith.constant 0 : i32
      %dma_start3A_45 = tpu.memref_slice %arg16[%mul3A_0, %dma_start3A] : memref<50176x64xbf16, #tpu.memory_space<vmem_shared>> -> memref<3136x64xbf16, #tpu.memory_space<vmem_shared>>
      %dma_start3A_46 = arith.constant 0 : i32
      %dma_start3A_47 = arith.constant 0 : i32
      %dma_start3A_48 = tpu.memref_slice %arg8[%dma_start3A_46, %dma_start3A_47] : memref<3136x64xbf16, #tpu.memory_space<hbm>> -> memref<3136x64xbf16, #tpu.memory_space<hbm>>
      tpu.enqueue_dma source(%dma_start3A_48 : memref<3136x64xbf16, #tpu.memory_space<hbm>>) target(%dma_start3A_45 : memref<3136x64xbf16, #tpu.memory_space<vmem_shared>>) target_semaphore(%run_scoped3A : memref<!tpu.dma_semaphore, #tpu.memory_space<semaphore_mem>>)
      %dma_wait3A = arith.constant 0 : i32
      %dma_wait3A_49 = tpu.memref_slice %arg16[%mul3A_0, %dma_wait3A] : memref<50176x64xbf16, #tpu.memory_space<vmem_shared>> -> memref<3136x64xbf16, #tpu.memory_space<vmem_shared>>
      %dma_wait3A_50 = arith.constant 0 : i32
      %dma_wait3A_51 = arith.constant 0 : i32
      %dma_wait3A_52 = tpu.memref_slice %arg8[%dma_wait3A_50, %dma_wait3A_51] : memref<3136x64xbf16, #tpu.memory_space<hbm>> -> memref<3136x64xbf16, #tpu.memory_space<hbm>>
      tpu.wait_dma2 semaphore(%run_scoped3A : memref<!tpu.dma_semaphore, #tpu.memory_space<semaphore_mem>>) src(%dma_wait3A_52 : memref<3136x64xbf16, #tpu.memory_space<hbm>>) dst(%dma_wait3A_49 : memref<3136x64xbf16, #tpu.memory_space<vmem_shared>>)
      tpu.yield
    }) : () -> ()
    %barrier3A_23 = arith.constant 0 : index
    tpu.barrier barrier_id(%barrier3A_23)
    %eq3A_24 = arith.constant 0 : i32
    %eq3A_25 = arith.cmpi eq, %arg0, %eq3A_24 : i32
    %convert_element_type3A_26 = arith.extui %eq3A_25 : i1 to i32
    %cond3A_27 = arith.constant 0 : i32
    %cond3A_28 = arith.cmpi ne, %convert_element_type3A_26, %cond3A_27 : i32
    scf.if %cond3A_28 {
      %scan3A = arith.constant 0 : i32
      %scan3A_45 = arith.constant 20 : i32
      %scan3A_46 = arith.addi %scan3A, %scan3A_45 : i32
      %scan3A_47 = arith.constant 1 : i32
      scf.for %scan3A_49 = %scan3A to %scan3A_46 step %scan3A_47  : i32 {
        %mul3A_50 = arith.constant 1 : i32
        %mul3A_51 = arith.muli %scan3A_49, %mul3A_50 : i32
        %add3A = arith.constant 0 : i32
        %add3A_52 = arith.addi %add3A, %mul3A_51 : i32
        %add3A_53 = arith.addi %mul3A_22, %add3A_52 : i32
        "tpu.region"() ({
          %run_scoped3A_87 = tpu.sem_alloc : memref<!tpu.dma_semaphore, #tpu.memory_space<semaphore_mem>>
          %dma_start3A_88 = arith.constant 0 : i32
          %dma_start3A_89 = arith.constant 0 : i32
          %dma_start3A_90 = tpu.memref_slice %arg7[%add3A_53, %dma_start3A_88, %dma_start3A_89] : memref<320x2x512xi32, #tpu.memory_space<hbm>> -> memref<1x2x512xi32, #tpu.memory_space<hbm>>
          %dma_start3A_91 = arith.constant 0 : i32
          %dma_start3A_92 = arith.constant 0 : i32
          %dma_start3A_93 = tpu.memref_slice %arg7[%add3A_53, %dma_start3A_91, %dma_start3A_92] : memref<320x2x512xi32, #tpu.memory_space<hbm>> -> memref<1x2x512xi32, #tpu.memory_space<hbm>>
          tpu.enqueue_dma source(%dma_start3A_93 : memref<1x2x512xi32, #tpu.memory_space<hbm>>) target(%arg13 : memref<1x2x512xi32, #tpu.memory_space<vmem>>) target_semaphore(%run_scoped3A_87 : memref<!tpu.dma_semaphore, #tpu.memory_space<semaphore_mem>>)
          %dma_wait3A_94 = arith.constant 0 : i32
          %dma_wait3A_95 = arith.constant 0 : i32
          %dma_wait3A_96 = tpu.memref_slice %arg7[%add3A_53, %dma_wait3A_94, %dma_wait3A_95] : memref<320x2x512xi32, #tpu.memory_space<hbm>> -> memref<1x2x512xi32, #tpu.memory_space<hbm>>
          %dma_wait3A_97 = arith.constant 0 : i32
          %dma_wait3A_98 = arith.constant 0 : i32
          %dma_wait3A_99 = tpu.memref_slice %arg7[%add3A_53, %dma_wait3A_97, %dma_wait3A_98] : memref<320x2x512xi32, #tpu.memory_space<hbm>> -> memref<1x2x512xi32, #tpu.memory_space<hbm>>
          tpu.wait_dma2 semaphore(%run_scoped3A_87 : memref<!tpu.dma_semaphore, #tpu.memory_space<semaphore_mem>>) src(%dma_wait3A_99 : memref<1x2x512xi32, #tpu.memory_space<hbm>>) dst(%arg13 : memref<1x2x512xi32, #tpu.memory_space<vmem>>)
          tpu.yield
        }) : () -> ()
        %dma_start3A = arith.constant 0 : i32
        %dma_start3A_54 = arith.constant 0 : i32
        %dma_start3A_55 = arith.constant 0 : i32
        %dma_start3A_56 = tpu.memref_slice %arg13[%dma_start3A, %dma_start3A_54, %dma_start3A_55] : memref<1x2x512xi32, #tpu.memory_space<vmem>> -> memref<1x1x256xi32, #tpu.memory_space<vmem>>
        %dma_start3A_57 = tpu.memref_squeeze %dma_start3A_56 : memref<1x1x256xi32, #tpu.memory_space<vmem>> -> memref<256xi32, #tpu.memory_space<vmem>>
        %dma_start3A_58 = arith.constant 0 : i32
        %dma_start3A_59 = arith.constant 0 : i32
        %dma_start3A_60 = tpu.memref_slice %arg4[%dma_start3A_58, %dma_start3A_59] : memref<25088x64xbf16, #tpu.memory_space<hbm>> -> memref<25088x64xbf16, #tpu.memory_space<hbm>>
        tpu.enqueue_indirect_dma source(%dma_start3A_60 : memref<25088x64xbf16, #tpu.memory_space<hbm>>) target(%arg14 : memref<256x64xbf16, #tpu.memory_space<vmem>>) offsets(%dma_start3A_57 : memref<256xi32, #tpu.memory_space<vmem>>) semaphore(%arg17 : memref<!tpu.dma_semaphore, #tpu.memory_space<semaphore_mem>>)
        %dma_start3A_61 = arith.constant 0 : i32
        %dma_start3A_62 = arith.constant 0 : i32
        %dma_start3A_63 = arith.constant 256 : i32
        %dma_start3A_64 = tpu.memref_slice %arg13[%dma_start3A_61, %dma_start3A_62, %dma_start3A_63] : memref<1x2x512xi32, #tpu.memory_space<vmem>> -> memref<1x1x256xi32, #tpu.memory_space<vmem>>
        %dma_start3A_65 = tpu.memref_squeeze %dma_start3A_64 : memref<1x1x256xi32, #tpu.memory_space<vmem>> -> memref<256xi32, #tpu.memory_space<vmem>>
        %dma_start3A_66 = arith.constant 0 : i32
        %dma_start3A_67 = arith.constant 0 : i32
        %dma_start3A_68 = tpu.memref_slice %arg4[%dma_start3A_66, %dma_start3A_67] : memref<25088x64xbf16, #tpu.memory_space<hbm>> -> memref<25088x64xbf16, #tpu.memory_space<hbm>>
        tpu.enqueue_indirect_dma source(%dma_start3A_68 : memref<25088x64xbf16, #tpu.memory_space<hbm>>) target(%arg15 : memref<256x64xbf16, #tpu.memory_space<vmem>>) offsets(%dma_start3A_65 : memref<256xi32, #tpu.memory_space<vmem>>) semaphore(%arg18 : memref<!tpu.dma_semaphore, #tpu.memory_space<semaphore_mem>>)
        %dma_wait3A = arith.constant 0 : i32
        %dma_wait3A_69 = arith.constant 0 : i32
        %dma_wait3A_70 = arith.constant 0 : i32
        %dma_wait3A_71 = tpu.memref_slice %arg13[%dma_wait3A, %dma_wait3A_69, %dma_wait3A_70] : memref<1x2x512xi32, #tpu.memory_space<vmem>> -> memref<1x1x256xi32, #tpu.memory_space<vmem>>
        %dma_wait3A_72 = tpu.memref_squeeze %dma_wait3A_71 : memref<1x1x256xi32, #tpu.memory_space<vmem>> -> memref<256xi32, #tpu.memory_space<vmem>>
        %dma_wait3A_73 = arith.constant 0 : i32
        %dma_wait3A_74 = arith.constant 0 : i32
        %dma_wait3A_75 = tpu.memref_slice %arg4[%dma_wait3A_73, %dma_wait3A_74] : memref<25088x64xbf16, #tpu.memory_space<hbm>> -> memref<25088x64xbf16, #tpu.memory_space<hbm>>
        tpu.wait_indirect_dma semaphore(%arg17 : memref<!tpu.dma_semaphore, #tpu.memory_space<semaphore_mem>>) src(%dma_wait3A_75 : memref<25088x64xbf16, #tpu.memory_space<hbm>>) dst(%arg14 : memref<256x64xbf16, #tpu.memory_space<vmem>>)
        %run_scoped3A = arith.constant 0 : i32
        %run_scoped3A_76 = arith.constant 1 : i32
        "tpu.region"() ({
          %run_scoped3A_87 = tpu.sem_alloc : memref<!tpu.dma_semaphore, #tpu.memory_space<semaphore_mem>>
          %dma_start3A_88 = arith.constant 0 : i32
          %dma_start3A_89 = tpu.memref_slice %arg13[%run_scoped3A, %run_scoped3A_76, %dma_start3A_88] : memref<1x2x512xi32, #tpu.memory_space<vmem>> -> memref<1x1x256xi32, #tpu.memory_space<vmem>>
          %dma_start3A_90 = tpu.memref_squeeze %dma_start3A_89 : memref<1x1x256xi32, #tpu.memory_space<vmem>> -> memref<256xi32, #tpu.memory_space<vmem>>
          %dma_start3A_91 = arith.constant 0 : i32
          %dma_start3A_92 = arith.constant 0 : i32
          %dma_start3A_93 = tpu.memref_slice %arg16[%dma_start3A_91, %dma_start3A_92] : memref<50176x64xbf16, #tpu.memory_space<vmem_shared>> -> memref<50176x64xbf16, #tpu.memory_space<vmem_shared>>
          tpu.enqueue_indirect_dma source(%arg14 : memref<256x64xbf16, #tpu.memory_space<vmem>>) target(%dma_start3A_93 : memref<50176x64xbf16, #tpu.memory_space<vmem_shared>>) offsets(%dma_start3A_90 : memref<256xi32, #tpu.memory_space<vmem>>) semaphore(%run_scoped3A_87 : memref<!tpu.dma_semaphore, #tpu.memory_space<semaphore_mem>>) {add = true}
          %dma_wait3A_94 = arith.constant 0 : i32
          %dma_wait3A_95 = tpu.memref_slice %arg13[%run_scoped3A, %run_scoped3A_76, %dma_wait3A_94] : memref<1x2x512xi32, #tpu.memory_space<vmem>> -> memref<1x1x256xi32, #tpu.memory_space<vmem>>
          %dma_wait3A_96 = tpu.memref_squeeze %dma_wait3A_95 : memref<1x1x256xi32, #tpu.memory_space<vmem>> -> memref<256xi32, #tpu.memory_space<vmem>>
          %dma_wait3A_97 = arith.constant 0 : i32
          %dma_wait3A_98 = arith.constant 0 : i32
          %dma_wait3A_99 = tpu.memref_slice %arg16[%dma_wait3A_97, %dma_wait3A_98] : memref<50176x64xbf16, #tpu.memory_space<vmem_shared>> -> memref<50176x64xbf16, #tpu.memory_space<vmem_shared>>
          tpu.wait_indirect_dma semaphore(%run_scoped3A_87 : memref<!tpu.dma_semaphore, #tpu.memory_space<semaphore_mem>>) src(%arg14 : memref<256x64xbf16, #tpu.memory_space<vmem>>) dst(%dma_wait3A_99 : memref<50176x64xbf16, #tpu.memory_space<vmem_shared>>)
          tpu.yield
        }) : () -> ()
        %dma_wait3A_77 = arith.constant 0 : i32
        %dma_wait3A_78 = arith.constant 0 : i32
        %dma_wait3A_79 = arith.constant 256 : i32
        %dma_wait3A_80 = tpu.memref_slice %arg13[%dma_wait3A_77, %dma_wait3A_78, %dma_wait3A_79] : memref<1x2x512xi32, #tpu.memory_space<vmem>> -> memref<1x1x256xi32, #tpu.memory_space<vmem>>
        %dma_wait3A_81 = tpu.memref_squeeze %dma_wait3A_80 : memref<1x1x256xi32, #tpu.memory_space<vmem>> -> memref<256xi32, #tpu.memory_space<vmem>>
        %dma_wait3A_82 = arith.constant 0 : i32
        %dma_wait3A_83 = arith.constant 0 : i32
        %dma_wait3A_84 = tpu.memref_slice %arg4[%dma_wait3A_82, %dma_wait3A_83] : memref<25088x64xbf16, #tpu.memory_space<hbm>> -> memref<25088x64xbf16, #tpu.memory_space<hbm>>
        tpu.wait_indirect_dma semaphore(%arg18 : memref<!tpu.dma_semaphore, #tpu.memory_space<semaphore_mem>>) src(%dma_wait3A_84 : memref<25088x64xbf16, #tpu.memory_space<hbm>>) dst(%arg15 : memref<256x64xbf16, #tpu.memory_space<vmem>>)
        %run_scoped3A_85 = arith.constant 0 : i32
        %run_scoped3A_86 = arith.constant 1 : i32
        "tpu.region"() ({
          %run_scoped3A_87 = tpu.sem_alloc : memref<!tpu.dma_semaphore, #tpu.memory_space<semaphore_mem>>
          %dma_start3A_88 = arith.constant 256 : i32
          %dma_start3A_89 = tpu.memref_slice %arg13[%run_scoped3A_85, %run_scoped3A_86, %dma_start3A_88] : memref<1x2x512xi32, #tpu.memory_space<vmem>> -> memref<1x1x256xi32, #tpu.memory_space<vmem>>
          %dma_start3A_90 = tpu.memref_squeeze %dma_start3A_89 : memref<1x1x256xi32, #tpu.memory_space<vmem>> -> memref<256xi32, #tpu.memory_space<vmem>>
          %dma_start3A_91 = arith.constant 0 : i32
          %dma_start3A_92 = arith.constant 0 : i32
          %dma_start3A_93 = tpu.memref_slice %arg16[%dma_start3A_91, %dma_start3A_92] : memref<50176x64xbf16, #tpu.memory_space<vmem_shared>> -> memref<50176x64xbf16, #tpu.memory_space<vmem_shared>>
          tpu.enqueue_indirect_dma source(%arg15 : memref<256x64xbf16, #tpu.memory_space<vmem>>) target(%dma_start3A_93 : memref<50176x64xbf16, #tpu.memory_space<vmem_shared>>) offsets(%dma_start3A_90 : memref<256xi32, #tpu.memory_space<vmem>>) semaphore(%run_scoped3A_87 : memref<!tpu.dma_semaphore, #tpu.memory_space<semaphore_mem>>) {add = true}
          %dma_wait3A_94 = arith.constant 256 : i32
          %dma_wait3A_95 = tpu.memref_slice %arg13[%run_scoped3A_85, %run_scoped3A_86, %dma_wait3A_94] : memref<1x2x512xi32, #tpu.memory_space<vmem>> -> memref<1x1x256xi32, #tpu.memory_space<vmem>>
          %dma_wait3A_96 = tpu.memref_squeeze %dma_wait3A_95 : memref<1x1x256xi32, #tpu.memory_space<vmem>> -> memref<256xi32, #tpu.memory_space<vmem>>
          %dma_wait3A_97 = arith.constant 0 : i32
          %dma_wait3A_98 = arith.constant 0 : i32
          %dma_wait3A_99 = tpu.memref_slice %arg16[%dma_wait3A_97, %dma_wait3A_98] : memref<50176x64xbf16, #tpu.memory_space<vmem_shared>> -> memref<50176x64xbf16, #tpu.memory_space<vmem_shared>>
          tpu.wait_indirect_dma semaphore(%run_scoped3A_87 : memref<!tpu.dma_semaphore, #tpu.memory_space<semaphore_mem>>) src(%arg15 : memref<256x64xbf16, #tpu.memory_space<vmem>>) dst(%dma_wait3A_99 : memref<50176x64xbf16, #tpu.memory_space<vmem_shared>>)
          tpu.yield
        }) : () -> ()
      }
      %scan3A_48 = arith.constant 20 : i32
    } else {
    }
    %eq3A_29 = arith.constant 1 : i32
    %eq3A_30 = arith.cmpi eq, %arg0, %eq3A_29 : i32
    %convert_element_type3A_31 = arith.extui %eq3A_30 : i1 to i32
    %cond3A_32 = arith.constant 0 : i32
    %cond3A_33 = arith.cmpi ne, %convert_element_type3A_31, %cond3A_32 : i32
    scf.if %cond3A_33 {
      %scan3A = arith.constant 0 : i32
      %scan3A_45 = arith.constant 20 : i32
      %scan3A_46 = arith.addi %scan3A, %scan3A_45 : i32
      %scan3A_47 = arith.constant 1 : i32
      scf.for %scan3A_49 = %scan3A to %scan3A_46 step %scan3A_47  : i32 {
        %mul3A_50 = arith.constant 1 : i32
        %mul3A_51 = arith.muli %scan3A_49, %mul3A_50 : i32
        %add3A = arith.constant 0 : i32
        %add3A_52 = arith.addi %add3A, %mul3A_51 : i32
        %add3A_53 = arith.addi %mul3A_22, %add3A_52 : i32
        "tpu.region"() ({
          %run_scoped3A_87 = tpu.sem_alloc : memref<!tpu.dma_semaphore, #tpu.memory_space<semaphore_mem>>
          %dma_start3A_88 = arith.constant 0 : i32
          %dma_start3A_89 = arith.constant 0 : i32
          %dma_start3A_90 = tpu.memref_slice %arg7[%add3A_53, %dma_start3A_88, %dma_start3A_89] : memref<320x2x512xi32, #tpu.memory_space<hbm>> -> memref<1x2x512xi32, #tpu.memory_space<hbm>>
          %dma_start3A_91 = arith.constant 0 : i32
          %dma_start3A_92 = arith.constant 0 : i32
          %dma_start3A_93 = tpu.memref_slice %arg7[%add3A_53, %dma_start3A_91, %dma_start3A_92] : memref<320x2x512xi32, #tpu.memory_space<hbm>> -> memref<1x2x512xi32, #tpu.memory_space<hbm>>
          tpu.enqueue_dma source(%dma_start3A_93 : memref<1x2x512xi32, #tpu.memory_space<hbm>>) target(%arg13 : memref<1x2x512xi32, #tpu.memory_space<vmem>>) target_semaphore(%run_scoped3A_87 : memref<!tpu.dma_semaphore, #tpu.memory_space<semaphore_mem>>)
          %dma_wait3A_94 = arith.constant 0 : i32
          %dma_wait3A_95 = arith.constant 0 : i32
          %dma_wait3A_96 = tpu.memref_slice %arg7[%add3A_53, %dma_wait3A_94, %dma_wait3A_95] : memref<320x2x512xi32, #tpu.memory_space<hbm>> -> memref<1x2x512xi32, #tpu.memory_space<hbm>>
          %dma_wait3A_97 = arith.constant 0 : i32
          %dma_wait3A_98 = arith.constant 0 : i32
          %dma_wait3A_99 = tpu.memref_slice %arg7[%add3A_53, %dma_wait3A_97, %dma_wait3A_98] : memref<320x2x512xi32, #tpu.memory_space<hbm>> -> memref<1x2x512xi32, #tpu.memory_space<hbm>>
          tpu.wait_dma2 semaphore(%run_scoped3A_87 : memref<!tpu.dma_semaphore, #tpu.memory_space<semaphore_mem>>) src(%dma_wait3A_99 : memref<1x2x512xi32, #tpu.memory_space<hbm>>) dst(%arg13 : memref<1x2x512xi32, #tpu.memory_space<vmem>>)
          tpu.yield
        }) : () -> ()
        %dma_start3A = arith.constant 0 : i32
        %dma_start3A_54 = arith.constant 0 : i32
        %dma_start3A_55 = arith.constant 0 : i32
        %dma_start3A_56 = tpu.memref_slice %arg13[%dma_start3A, %dma_start3A_54, %dma_start3A_55] : memref<1x2x512xi32, #tpu.memory_space<vmem>> -> memref<1x1x256xi32, #tpu.memory_space<vmem>>
        %dma_start3A_57 = tpu.memref_squeeze %dma_start3A_56 : memref<1x1x256xi32, #tpu.memory_space<vmem>> -> memref<256xi32, #tpu.memory_space<vmem>>
        %dma_start3A_58 = arith.constant 0 : i32
        %dma_start3A_59 = arith.constant 0 : i32
        %dma_start3A_60 = tpu.memref_slice %arg5[%dma_start3A_58, %dma_start3A_59] : memref<25088x64xbf16, #tpu.memory_space<hbm>> -> memref<25088x64xbf16, #tpu.memory_space<hbm>>
        tpu.enqueue_indirect_dma source(%dma_start3A_60 : memref<25088x64xbf16, #tpu.memory_space<hbm>>) target(%arg14 : memref<256x64xbf16, #tpu.memory_space<vmem>>) offsets(%dma_start3A_57 : memref<256xi32, #tpu.memory_space<vmem>>) semaphore(%arg17 : memref<!tpu.dma_semaphore, #tpu.memory_space<semaphore_mem>>)
        %dma_start3A_61 = arith.constant 0 : i32
        %dma_start3A_62 = arith.constant 0 : i32
        %dma_start3A_63 = arith.constant 256 : i32
        %dma_start3A_64 = tpu.memref_slice %arg13[%dma_start3A_61, %dma_start3A_62, %dma_start3A_63] : memref<1x2x512xi32, #tpu.memory_space<vmem>> -> memref<1x1x256xi32, #tpu.memory_space<vmem>>
        %dma_start3A_65 = tpu.memref_squeeze %dma_start3A_64 : memref<1x1x256xi32, #tpu.memory_space<vmem>> -> memref<256xi32, #tpu.memory_space<vmem>>
        %dma_start3A_66 = arith.constant 0 : i32
        %dma_start3A_67 = arith.constant 0 : i32
        %dma_start3A_68 = tpu.memref_slice %arg5[%dma_start3A_66, %dma_start3A_67] : memref<25088x64xbf16, #tpu.memory_space<hbm>> -> memref<25088x64xbf16, #tpu.memory_space<hbm>>
        tpu.enqueue_indirect_dma source(%dma_start3A_68 : memref<25088x64xbf16, #tpu.memory_space<hbm>>) target(%arg15 : memref<256x64xbf16, #tpu.memory_space<vmem>>) offsets(%dma_start3A_65 : memref<256xi32, #tpu.memory_space<vmem>>) semaphore(%arg18 : memref<!tpu.dma_semaphore, #tpu.memory_space<semaphore_mem>>)
        %dma_wait3A = arith.constant 0 : i32
        %dma_wait3A_69 = arith.constant 0 : i32
        %dma_wait3A_70 = arith.constant 0 : i32
        %dma_wait3A_71 = tpu.memref_slice %arg13[%dma_wait3A, %dma_wait3A_69, %dma_wait3A_70] : memref<1x2x512xi32, #tpu.memory_space<vmem>> -> memref<1x1x256xi32, #tpu.memory_space<vmem>>
        %dma_wait3A_72 = tpu.memref_squeeze %dma_wait3A_71 : memref<1x1x256xi32, #tpu.memory_space<vmem>> -> memref<256xi32, #tpu.memory_space<vmem>>
        %dma_wait3A_73 = arith.constant 0 : i32
        %dma_wait3A_74 = arith.constant 0 : i32
        %dma_wait3A_75 = tpu.memref_slice %arg5[%dma_wait3A_73, %dma_wait3A_74] : memref<25088x64xbf16, #tpu.memory_space<hbm>> -> memref<25088x64xbf16, #tpu.memory_space<hbm>>
        tpu.wait_indirect_dma semaphore(%arg17 : memref<!tpu.dma_semaphore, #tpu.memory_space<semaphore_mem>>) src(%dma_wait3A_75 : memref<25088x64xbf16, #tpu.memory_space<hbm>>) dst(%arg14 : memref<256x64xbf16, #tpu.memory_space<vmem>>)
        %run_scoped3A = arith.constant 0 : i32
        %run_scoped3A_76 = arith.constant 1 : i32
        "tpu.region"() ({
          %run_scoped3A_87 = tpu.sem_alloc : memref<!tpu.dma_semaphore, #tpu.memory_space<semaphore_mem>>
          %dma_start3A_88 = arith.constant 0 : i32
          %dma_start3A_89 = tpu.memref_slice %arg13[%run_scoped3A, %run_scoped3A_76, %dma_start3A_88] : memref<1x2x512xi32, #tpu.memory_space<vmem>> -> memref<1x1x256xi32, #tpu.memory_space<vmem>>
          %dma_start3A_90 = tpu.memref_squeeze %dma_start3A_89 : memref<1x1x256xi32, #tpu.memory_space<vmem>> -> memref<256xi32, #tpu.memory_space<vmem>>
          %dma_start3A_91 = arith.constant 0 : i32
          %dma_start3A_92 = arith.constant 0 : i32
          %dma_start3A_93 = tpu.memref_slice %arg16[%dma_start3A_91, %dma_start3A_92] : memref<50176x64xbf16, #tpu.memory_space<vmem_shared>> -> memref<50176x64xbf16, #tpu.memory_space<vmem_shared>>
          tpu.enqueue_indirect_dma source(%arg14 : memref<256x64xbf16, #tpu.memory_space<vmem>>) target(%dma_start3A_93 : memref<50176x64xbf16, #tpu.memory_space<vmem_shared>>) offsets(%dma_start3A_90 : memref<256xi32, #tpu.memory_space<vmem>>) semaphore(%run_scoped3A_87 : memref<!tpu.dma_semaphore, #tpu.memory_space<semaphore_mem>>) {add = true}
          %dma_wait3A_94 = arith.constant 0 : i32
          %dma_wait3A_95 = tpu.memref_slice %arg13[%run_scoped3A, %run_scoped3A_76, %dma_wait3A_94] : memref<1x2x512xi32, #tpu.memory_space<vmem>> -> memref<1x1x256xi32, #tpu.memory_space<vmem>>
          %dma_wait3A_96 = tpu.memref_squeeze %dma_wait3A_95 : memref<1x1x256xi32, #tpu.memory_space<vmem>> -> memref<256xi32, #tpu.memory_space<vmem>>
          %dma_wait3A_97 = arith.constant 0 : i32
          %dma_wait3A_98 = arith.constant 0 : i32
          %dma_wait3A_99 = tpu.memref_slice %arg16[%dma_wait3A_97, %dma_wait3A_98] : memref<50176x64xbf16, #tpu.memory_space<vmem_shared>> -> memref<50176x64xbf16, #tpu.memory_space<vmem_shared>>
          tpu.wait_indirect_dma semaphore(%run_scoped3A_87 : memref<!tpu.dma_semaphore, #tpu.memory_space<semaphore_mem>>) src(%arg14 : memref<256x64xbf16, #tpu.memory_space<vmem>>) dst(%dma_wait3A_99 : memref<50176x64xbf16, #tpu.memory_space<vmem_shared>>)
          tpu.yield
        }) : () -> ()
        %dma_wait3A_77 = arith.constant 0 : i32
        %dma_wait3A_78 = arith.constant 0 : i32
        %dma_wait3A_79 = arith.constant 256 : i32
        %dma_wait3A_80 = tpu.memref_slice %arg13[%dma_wait3A_77, %dma_wait3A_78, %dma_wait3A_79] : memref<1x2x512xi32, #tpu.memory_space<vmem>> -> memref<1x1x256xi32, #tpu.memory_space<vmem>>
        %dma_wait3A_81 = tpu.memref_squeeze %dma_wait3A_80 : memref<1x1x256xi32, #tpu.memory_space<vmem>> -> memref<256xi32, #tpu.memory_space<vmem>>
        %dma_wait3A_82 = arith.constant 0 : i32
        %dma_wait3A_83 = arith.constant 0 : i32
        %dma_wait3A_84 = tpu.memref_slice %arg5[%dma_wait3A_82, %dma_wait3A_83] : memref<25088x64xbf16, #tpu.memory_space<hbm>> -> memref<25088x64xbf16, #tpu.memory_space<hbm>>
        tpu.wait_indirect_dma semaphore(%arg18 : memref<!tpu.dma_semaphore, #tpu.memory_space<semaphore_mem>>) src(%dma_wait3A_84 : memref<25088x64xbf16, #tpu.memory_space<hbm>>) dst(%arg15 : memref<256x64xbf16, #tpu.memory_space<vmem>>)
        %run_scoped3A_85 = arith.constant 0 : i32
        %run_scoped3A_86 = arith.constant 1 : i32
        "tpu.region"() ({
          %run_scoped3A_87 = tpu.sem_alloc : memref<!tpu.dma_semaphore, #tpu.memory_space<semaphore_mem>>
          %dma_start3A_88 = arith.constant 256 : i32
          %dma_start3A_89 = tpu.memref_slice %arg13[%run_scoped3A_85, %run_scoped3A_86, %dma_start3A_88] : memref<1x2x512xi32, #tpu.memory_space<vmem>> -> memref<1x1x256xi32, #tpu.memory_space<vmem>>
          %dma_start3A_90 = tpu.memref_squeeze %dma_start3A_89 : memref<1x1x256xi32, #tpu.memory_space<vmem>> -> memref<256xi32, #tpu.memory_space<vmem>>
          %dma_start3A_91 = arith.constant 0 : i32
          %dma_start3A_92 = arith.constant 0 : i32
          %dma_start3A_93 = tpu.memref_slice %arg16[%dma_start3A_91, %dma_start3A_92] : memref<50176x64xbf16, #tpu.memory_space<vmem_shared>> -> memref<50176x64xbf16, #tpu.memory_space<vmem_shared>>
          tpu.enqueue_indirect_dma source(%arg15 : memref<256x64xbf16, #tpu.memory_space<vmem>>) target(%dma_start3A_93 : memref<50176x64xbf16, #tpu.memory_space<vmem_shared>>) offsets(%dma_start3A_90 : memref<256xi32, #tpu.memory_space<vmem>>) semaphore(%run_scoped3A_87 : memref<!tpu.dma_semaphore, #tpu.memory_space<semaphore_mem>>) {add = true}
          %dma_wait3A_94 = arith.constant 256 : i32
          %dma_wait3A_95 = tpu.memref_slice %arg13[%run_scoped3A_85, %run_scoped3A_86, %dma_wait3A_94] : memref<1x2x512xi32, #tpu.memory_space<vmem>> -> memref<1x1x256xi32, #tpu.memory_space<vmem>>
          %dma_wait3A_96 = tpu.memref_squeeze %dma_wait3A_95 : memref<1x1x256xi32, #tpu.memory_space<vmem>> -> memref<256xi32, #tpu.memory_space<vmem>>
          %dma_wait3A_97 = arith.constant 0 : i32
          %dma_wait3A_98 = arith.constant 0 : i32
          %dma_wait3A_99 = tpu.memref_slice %arg16[%dma_wait3A_97, %dma_wait3A_98] : memref<50176x64xbf16, #tpu.memory_space<vmem_shared>> -> memref<50176x64xbf16, #tpu.memory_space<vmem_shared>>
          tpu.wait_indirect_dma semaphore(%run_scoped3A_87 : memref<!tpu.dma_semaphore, #tpu.memory_space<semaphore_mem>>) src(%arg15 : memref<256x64xbf16, #tpu.memory_space<vmem>>) dst(%dma_wait3A_99 : memref<50176x64xbf16, #tpu.memory_space<vmem_shared>>)
          tpu.yield
        }) : () -> ()
      }
      %scan3A_48 = arith.constant 20 : i32
    } else {
    }
    %barrier3A_34 = arith.constant 0 : index
    tpu.barrier barrier_id(%barrier3A_34)
    %eq3A_35 = arith.constant 0 : i32
    %eq3A_36 = arith.cmpi eq, %arg0, %eq3A_35 : i32
    %convert_element_type3A_37 = arith.extui %eq3A_36 : i1 to i32
    %cond3A_38 = arith.constant 0 : i32
    %cond3A_39 = arith.cmpi ne, %convert_element_type3A_37, %cond3A_38 : i32
    scf.if %cond3A_39 {
      "tpu.region"() ({
        %run_scoped3A = tpu.sem_alloc : memref<!tpu.dma_semaphore, #tpu.memory_space<semaphore_mem>>
        %dma_start3A = arith.constant 0 : i32
        %dma_start3A_45 = tpu.memref_slice %arg11[%mul3A_0, %dma_start3A] : memref<50176x64xbf16, #tpu.memory_space<hbm>> -> memref<3136x64xbf16, #tpu.memory_space<hbm>>
        %dma_start3A_46 = arith.constant 0 : i32
        %dma_start3A_47 = tpu.memref_slice %arg16[%mul3A_0, %dma_start3A_46] : memref<50176x64xbf16, #tpu.memory_space<vmem_shared>> -> memref<3136x64xbf16, #tpu.memory_space<vmem_shared>>
        tpu.enqueue_dma source(%dma_start3A_47 : memref<3136x64xbf16, #tpu.memory_space<vmem_shared>>) target(%dma_start3A_45 : memref<3136x64xbf16, #tpu.memory_space<hbm>>) target_semaphore(%run_scoped3A : memref<!tpu.dma_semaphore, #tpu.memory_space<semaphore_mem>>)
        %dma_wait3A = arith.constant 0 : i32
        %dma_wait3A_48 = tpu.memref_slice %arg11[%mul3A_0, %dma_wait3A] : memref<50176x64xbf16, #tpu.memory_space<hbm>> -> memref<3136x64xbf16, #tpu.memory_space<hbm>>
        %dma_wait3A_49 = arith.constant 0 : i32
        %dma_wait3A_50 = tpu.memref_slice %arg16[%mul3A_0, %dma_wait3A_49] : memref<50176x64xbf16, #tpu.memory_space<vmem_shared>> -> memref<3136x64xbf16, #tpu.memory_space<vmem_shared>>
        tpu.wait_dma2 semaphore(%run_scoped3A : memref<!tpu.dma_semaphore, #tpu.memory_space<semaphore_mem>>) src(%dma_wait3A_50 : memref<3136x64xbf16, #tpu.memory_space<vmem_shared>>) dst(%dma_wait3A_48 : memref<3136x64xbf16, #tpu.memory_space<hbm>>)
        tpu.yield
      }) : () -> ()
    } else {
    }
    %eq3A_40 = arith.constant 1 : i32
    %eq3A_41 = arith.cmpi eq, %arg0, %eq3A_40 : i32
    %convert_element_type3A_42 = arith.extui %eq3A_41 : i1 to i32
    %cond3A_43 = arith.constant 0 : i32
    %cond3A_44 = arith.cmpi ne, %convert_element_type3A_42, %cond3A_43 : i32
    scf.if %cond3A_44 {
      "tpu.region"() ({
        %run_scoped3A = tpu.sem_alloc : memref<!tpu.dma_semaphore, #tpu.memory_space<semaphore_mem>>
        %dma_start3A = arith.constant 0 : i32
        %dma_start3A_45 = tpu.memref_slice %arg12[%mul3A_0, %dma_start3A] : memref<50176x64xbf16, #tpu.memory_space<hbm>> -> memref<3136x64xbf16, #tpu.memory_space<hbm>>
        %dma_start3A_46 = arith.constant 0 : i32
        %dma_start3A_47 = tpu.memref_slice %arg16[%mul3A_0, %dma_start3A_46] : memref<50176x64xbf16, #tpu.memory_space<vmem_shared>> -> memref<3136x64xbf16, #tpu.memory_space<vmem_shared>>
        tpu.enqueue_dma source(%dma_start3A_47 : memref<3136x64xbf16, #tpu.memory_space<vmem_shared>>) target(%dma_start3A_45 : memref<3136x64xbf16, #tpu.memory_space<hbm>>) target_semaphore(%run_scoped3A : memref<!tpu.dma_semaphore, #tpu.memory_space<semaphore_mem>>)
        %dma_wait3A = arith.constant 0 : i32
        %dma_wait3A_48 = tpu.memref_slice %arg12[%mul3A_0, %dma_wait3A] : memref<50176x64xbf16, #tpu.memory_space<hbm>> -> memref<3136x64xbf16, #tpu.memory_space<hbm>>
        %dma_wait3A_49 = arith.constant 0 : i32
        %dma_wait3A_50 = tpu.memref_slice %arg16[%mul3A_0, %dma_wait3A_49] : memref<50176x64xbf16, #tpu.memory_space<vmem_shared>> -> memref<3136x64xbf16, #tpu.memory_space<vmem_shared>>
        tpu.wait_dma2 semaphore(%run_scoped3A : memref<!tpu.dma_semaphore, #tpu.memory_space<semaphore_mem>>) src(%dma_wait3A_50 : memref<3136x64xbf16, #tpu.memory_space<vmem_shared>>) dst(%dma_wait3A_48 : memref<3136x64xbf16, #tpu.memory_space<hbm>>)
        tpu.yield
      }) : () -> ()
    } else {
    }
    return
  }
}

#map = affine_map<(d0, d1) -> (0, 0)>
#map1 = affine_map<(d0, d1) -> (0, 0, 0)>
module attributes {stable_mosaic.version = 14 : i64} {
  func.func @k(%arg0: i32, %arg1: i32, %arg2: memref<50176x16xf32, #tpu.memory_space<hbm>>, %arg3: memref<1600x2x512xi32, #tpu.memory_space<hbm>>, %arg4: memref<3136x16xf32, #tpu.memory_space<hbm>>, %arg5: memref<2x50176x16xf32, #tpu.memory_space<hbm>>, %arg6: memref<1x2x512xi32, #tpu.memory_space<vmem>>, %arg7: memref<1x2x512xi32, #tpu.memory_space<vmem>>, %arg8: memref<512x16xf32, #tpu.memory_space<vmem>>, %arg9: memref<512x16xf32, #tpu.memory_space<vmem>>, %arg10: memref<50176x16xf32, #tpu.memory_space<vmem_shared>>, %arg11: memref<!tpu.dma_semaphore, #tpu.memory_space<semaphore_mem>>, %arg12: memref<!tpu.dma_semaphore, #tpu.memory_space<semaphore_mem>>) attributes {dimension_semantics = [#tpu.dimension_semantics<core_parallel>, #tpu.dimension_semantics<subcore_parallel>], iteration_bounds = array<i64: 2, 16>, scalar_prefetch = 0 : i64, scratch_operands = 7 : i64, tpu.core_type = #tpu.core_type<sc_vector_subcore>, window_params = [{transform_indices = #map}, {transform_indices = #map1}, {transform_indices = #map}, {transform_indices = #map1}]} {
    %mul3A = arith.constant 3136 : i32
    %mul3A_0 = arith.muli %arg1, %mul3A : i32
    "tpu.region"() ({
      %run_scoped3A = tpu.sem_alloc : memref<!tpu.dma_semaphore, #tpu.memory_space<semaphore_mem>>
      %dma_start3A = arith.constant 0 : i32
      %dma_start3A_17 = tpu.memref_slice %arg10[%mul3A_0, %dma_start3A] : memref<50176x16xf32, #tpu.memory_space<vmem_shared>> -> memref<3136x16xf32, #tpu.memory_space<vmem_shared>>
      %dma_start3A_18 = arith.constant 0 : i32
      %dma_start3A_19 = arith.constant 0 : i32
      %dma_start3A_20 = tpu.memref_slice %arg4[%dma_start3A_18, %dma_start3A_19] : memref<3136x16xf32, #tpu.memory_space<hbm>> -> memref<3136x16xf32, #tpu.memory_space<hbm>>
      tpu.enqueue_dma source(%dma_start3A_20 : memref<3136x16xf32, #tpu.memory_space<hbm>>) target(%dma_start3A_17 : memref<3136x16xf32, #tpu.memory_space<vmem_shared>>) target_semaphore(%run_scoped3A : memref<!tpu.dma_semaphore, #tpu.memory_space<semaphore_mem>>)
      %dma_wait3A = arith.constant 0 : i32
      %dma_wait3A_21 = tpu.memref_slice %arg10[%mul3A_0, %dma_wait3A] : memref<50176x16xf32, #tpu.memory_space<vmem_shared>> -> memref<3136x16xf32, #tpu.memory_space<vmem_shared>>
      %dma_wait3A_22 = arith.constant 0 : i32
      %dma_wait3A_23 = arith.constant 0 : i32
      %dma_wait3A_24 = tpu.memref_slice %arg4[%dma_wait3A_22, %dma_wait3A_23] : memref<3136x16xf32, #tpu.memory_space<hbm>> -> memref<3136x16xf32, #tpu.memory_space<hbm>>
      tpu.wait_dma2 semaphore(%run_scoped3A : memref<!tpu.dma_semaphore, #tpu.memory_space<semaphore_mem>>) src(%dma_wait3A_24 : memref<3136x16xf32, #tpu.memory_space<hbm>>) dst(%dma_wait3A_21 : memref<3136x16xf32, #tpu.memory_space<vmem_shared>>)
      tpu.yield
    }) : () -> ()
    %barrier3A = arith.constant 0 : index
    tpu.barrier barrier_id(%barrier3A)
    %mul3A_1 = arith.constant 800 : i32
    %mul3A_2 = arith.muli %arg0, %mul3A_1 : i32
    %mul3A_3 = arith.constant 50 : i32
    %mul3A_4 = arith.muli %arg1, %mul3A_3 : i32
    %add3A = arith.addi %mul3A_2, %mul3A_4 : i32
    %scan3A = arith.constant 0 : i32
    %scan3A_5 = arith.constant 25 : i32
    %scan3A_6 = arith.addi %scan3A, %scan3A_5 : i32
    %scan3A_7 = arith.constant 1 : i32
    scf.for %scan3A_17 = %scan3A to %scan3A_6 step %scan3A_7  : i32 {
      %mul3A_18 = arith.constant 1 : i32
      %mul3A_19 = arith.muli %scan3A_17, %mul3A_18 : i32
      %add3A_20 = arith.constant 0 : i32
      %add3A_21 = arith.addi %add3A_20, %mul3A_19 : i32
      %mul3A_22 = arith.constant 2 : i32
      %mul3A_23 = arith.muli %mul3A_22, %add3A_21 : i32
      %add3A_24 = arith.addi %add3A, %mul3A_23 : i32
      "tpu.region"() ({
        %run_scoped3A_60 = tpu.sem_alloc : memref<!tpu.dma_semaphore, #tpu.memory_space<semaphore_mem>>
        %dma_start3A_61 = arith.constant 0 : i32
        %dma_start3A_62 = arith.constant 0 : i32
        %dma_start3A_63 = tpu.memref_slice %arg3[%add3A_24, %dma_start3A_61, %dma_start3A_62] : memref<1600x2x512xi32, #tpu.memory_space<hbm>> -> memref<1x2x512xi32, #tpu.memory_space<hbm>>
        %dma_start3A_64 = arith.constant 0 : i32
        %dma_start3A_65 = arith.constant 0 : i32
        %dma_start3A_66 = tpu.memref_slice %arg3[%add3A_24, %dma_start3A_64, %dma_start3A_65] : memref<1600x2x512xi32, #tpu.memory_space<hbm>> -> memref<1x2x512xi32, #tpu.memory_space<hbm>>
        tpu.enqueue_dma source(%dma_start3A_66 : memref<1x2x512xi32, #tpu.memory_space<hbm>>) target(%arg6 : memref<1x2x512xi32, #tpu.memory_space<vmem>>) target_semaphore(%run_scoped3A_60 : memref<!tpu.dma_semaphore, #tpu.memory_space<semaphore_mem>>)
        %dma_wait3A_67 = arith.constant 0 : i32
        %dma_wait3A_68 = arith.constant 0 : i32
        %dma_wait3A_69 = tpu.memref_slice %arg3[%add3A_24, %dma_wait3A_67, %dma_wait3A_68] : memref<1600x2x512xi32, #tpu.memory_space<hbm>> -> memref<1x2x512xi32, #tpu.memory_space<hbm>>
        %dma_wait3A_70 = arith.constant 0 : i32
        %dma_wait3A_71 = arith.constant 0 : i32
        %dma_wait3A_72 = tpu.memref_slice %arg3[%add3A_24, %dma_wait3A_70, %dma_wait3A_71] : memref<1600x2x512xi32, #tpu.memory_space<hbm>> -> memref<1x2x512xi32, #tpu.memory_space<hbm>>
        tpu.wait_dma2 semaphore(%run_scoped3A_60 : memref<!tpu.dma_semaphore, #tpu.memory_space<semaphore_mem>>) src(%dma_wait3A_72 : memref<1x2x512xi32, #tpu.memory_space<hbm>>) dst(%arg6 : memref<1x2x512xi32, #tpu.memory_space<vmem>>)
        tpu.yield
      }) : () -> ()
      %dma_start3A = arith.constant 0 : i32
      %dma_start3A_25 = arith.constant 0 : i32
      %dma_start3A_26 = arith.constant 0 : i32
      %dma_start3A_27 = tpu.memref_slice %arg6[%dma_start3A, %dma_start3A_25, %dma_start3A_26] : memref<1x2x512xi32, #tpu.memory_space<vmem>> -> memref<1x1x512xi32, #tpu.memory_space<vmem>>
      %dma_start3A_28 = tpu.memref_squeeze %dma_start3A_27 : memref<1x1x512xi32, #tpu.memory_space<vmem>> -> memref<512xi32, #tpu.memory_space<vmem>>
      %dma_start3A_29 = arith.constant 0 : i32
      %dma_start3A_30 = arith.constant 0 : i32
      %dma_start3A_31 = tpu.memref_slice %arg2[%dma_start3A_29, %dma_start3A_30] : memref<50176x16xf32, #tpu.memory_space<hbm>> -> memref<50176x16xf32, #tpu.memory_space<hbm>>
      tpu.enqueue_indirect_dma source(%dma_start3A_31 : memref<50176x16xf32, #tpu.memory_space<hbm>>) target(%arg8 : memref<512x16xf32, #tpu.memory_space<vmem>>) offsets(%dma_start3A_28 : memref<512xi32, #tpu.memory_space<vmem>>) semaphore(%arg11 : memref<!tpu.dma_semaphore, #tpu.memory_space<semaphore_mem>>)
      %add3A_32 = arith.constant 1 : i32
      %add3A_33 = arith.addi %add3A_24, %add3A_32 : i32
      "tpu.region"() ({
        %run_scoped3A_60 = tpu.sem_alloc : memref<!tpu.dma_semaphore, #tpu.memory_space<semaphore_mem>>
        %dma_start3A_61 = arith.constant 0 : i32
        %dma_start3A_62 = arith.constant 0 : i32
        %dma_start3A_63 = tpu.memref_slice %arg3[%add3A_33, %dma_start3A_61, %dma_start3A_62] : memref<1600x2x512xi32, #tpu.memory_space<hbm>> -> memref<1x2x512xi32, #tpu.memory_space<hbm>>
        %dma_start3A_64 = arith.constant 0 : i32
        %dma_start3A_65 = arith.constant 0 : i32
        %dma_start3A_66 = tpu.memref_slice %arg3[%add3A_33, %dma_start3A_64, %dma_start3A_65] : memref<1600x2x512xi32, #tpu.memory_space<hbm>> -> memref<1x2x512xi32, #tpu.memory_space<hbm>>
        tpu.enqueue_dma source(%dma_start3A_66 : memref<1x2x512xi32, #tpu.memory_space<hbm>>) target(%arg7 : memref<1x2x512xi32, #tpu.memory_space<vmem>>) target_semaphore(%run_scoped3A_60 : memref<!tpu.dma_semaphore, #tpu.memory_space<semaphore_mem>>)
        %dma_wait3A_67 = arith.constant 0 : i32
        %dma_wait3A_68 = arith.constant 0 : i32
        %dma_wait3A_69 = tpu.memref_slice %arg3[%add3A_33, %dma_wait3A_67, %dma_wait3A_68] : memref<1600x2x512xi32, #tpu.memory_space<hbm>> -> memref<1x2x512xi32, #tpu.memory_space<hbm>>
        %dma_wait3A_70 = arith.constant 0 : i32
        %dma_wait3A_71 = arith.constant 0 : i32
        %dma_wait3A_72 = tpu.memref_slice %arg3[%add3A_33, %dma_wait3A_70, %dma_wait3A_71] : memref<1600x2x512xi32, #tpu.memory_space<hbm>> -> memref<1x2x512xi32, #tpu.memory_space<hbm>>
        tpu.wait_dma2 semaphore(%run_scoped3A_60 : memref<!tpu.dma_semaphore, #tpu.memory_space<semaphore_mem>>) src(%dma_wait3A_72 : memref<1x2x512xi32, #tpu.memory_space<hbm>>) dst(%arg7 : memref<1x2x512xi32, #tpu.memory_space<vmem>>)
        tpu.yield
      }) : () -> ()
      %dma_start3A_34 = arith.constant 0 : i32
      %dma_start3A_35 = arith.constant 0 : i32
      %dma_start3A_36 = arith.constant 0 : i32
      %dma_start3A_37 = tpu.memref_slice %arg7[%dma_start3A_34, %dma_start3A_35, %dma_start3A_36] : memref<1x2x512xi32, #tpu.memory_space<vmem>> -> memref<1x1x512xi32, #tpu.memory_space<vmem>>
      %dma_start3A_38 = tpu.memref_squeeze %dma_start3A_37 : memref<1x1x512xi32, #tpu.memory_space<vmem>> -> memref<512xi32, #tpu.memory_space<vmem>>
      %dma_start3A_39 = arith.constant 0 : i32
      %dma_start3A_40 = arith.constant 0 : i32
      %dma_start3A_41 = tpu.memref_slice %arg2[%dma_start3A_39, %dma_start3A_40] : memref<50176x16xf32, #tpu.memory_space<hbm>> -> memref<50176x16xf32, #tpu.memory_space<hbm>>
      tpu.enqueue_indirect_dma source(%dma_start3A_41 : memref<50176x16xf32, #tpu.memory_space<hbm>>) target(%arg9 : memref<512x16xf32, #tpu.memory_space<vmem>>) offsets(%dma_start3A_38 : memref<512xi32, #tpu.memory_space<vmem>>) semaphore(%arg12 : memref<!tpu.dma_semaphore, #tpu.memory_space<semaphore_mem>>)
      %dma_wait3A = arith.constant 0 : i32
      %dma_wait3A_42 = arith.constant 0 : i32
      %dma_wait3A_43 = arith.constant 0 : i32
      %dma_wait3A_44 = tpu.memref_slice %arg6[%dma_wait3A, %dma_wait3A_42, %dma_wait3A_43] : memref<1x2x512xi32, #tpu.memory_space<vmem>> -> memref<1x1x512xi32, #tpu.memory_space<vmem>>
      %dma_wait3A_45 = tpu.memref_squeeze %dma_wait3A_44 : memref<1x1x512xi32, #tpu.memory_space<vmem>> -> memref<512xi32, #tpu.memory_space<vmem>>
      %dma_wait3A_46 = arith.constant 0 : i32
      %dma_wait3A_47 = arith.constant 0 : i32
      %dma_wait3A_48 = tpu.memref_slice %arg2[%dma_wait3A_46, %dma_wait3A_47] : memref<50176x16xf32, #tpu.memory_space<hbm>> -> memref<50176x16xf32, #tpu.memory_space<hbm>>
      tpu.wait_indirect_dma semaphore(%arg11 : memref<!tpu.dma_semaphore, #tpu.memory_space<semaphore_mem>>) src(%dma_wait3A_48 : memref<50176x16xf32, #tpu.memory_space<hbm>>) dst(%arg8 : memref<512x16xf32, #tpu.memory_space<vmem>>)
      %run_scoped3A = arith.constant 0 : i32
      %run_scoped3A_49 = arith.constant 1 : i32
      "tpu.region"() ({
        %run_scoped3A_60 = tpu.sem_alloc : memref<!tpu.dma_semaphore, #tpu.memory_space<semaphore_mem>>
        %dma_start3A_61 = arith.constant 0 : i32
        %dma_start3A_62 = tpu.memref_slice %arg6[%run_scoped3A, %run_scoped3A_49, %dma_start3A_61] : memref<1x2x512xi32, #tpu.memory_space<vmem>> -> memref<1x1x512xi32, #tpu.memory_space<vmem>>
        %dma_start3A_63 = tpu.memref_squeeze %dma_start3A_62 : memref<1x1x512xi32, #tpu.memory_space<vmem>> -> memref<512xi32, #tpu.memory_space<vmem>>
        %dma_start3A_64 = arith.constant 0 : i32
        %dma_start3A_65 = arith.constant 0 : i32
        %dma_start3A_66 = tpu.memref_slice %arg10[%dma_start3A_64, %dma_start3A_65] : memref<50176x16xf32, #tpu.memory_space<vmem_shared>> -> memref<50176x16xf32, #tpu.memory_space<vmem_shared>>
        tpu.enqueue_indirect_dma source(%arg8 : memref<512x16xf32, #tpu.memory_space<vmem>>) target(%dma_start3A_66 : memref<50176x16xf32, #tpu.memory_space<vmem_shared>>) offsets(%dma_start3A_63 : memref<512xi32, #tpu.memory_space<vmem>>) semaphore(%run_scoped3A_60 : memref<!tpu.dma_semaphore, #tpu.memory_space<semaphore_mem>>) {add = true}
        %dma_wait3A_67 = arith.constant 0 : i32
        %dma_wait3A_68 = tpu.memref_slice %arg6[%run_scoped3A, %run_scoped3A_49, %dma_wait3A_67] : memref<1x2x512xi32, #tpu.memory_space<vmem>> -> memref<1x1x512xi32, #tpu.memory_space<vmem>>
        %dma_wait3A_69 = tpu.memref_squeeze %dma_wait3A_68 : memref<1x1x512xi32, #tpu.memory_space<vmem>> -> memref<512xi32, #tpu.memory_space<vmem>>
        %dma_wait3A_70 = arith.constant 0 : i32
        %dma_wait3A_71 = arith.constant 0 : i32
        %dma_wait3A_72 = tpu.memref_slice %arg10[%dma_wait3A_70, %dma_wait3A_71] : memref<50176x16xf32, #tpu.memory_space<vmem_shared>> -> memref<50176x16xf32, #tpu.memory_space<vmem_shared>>
        tpu.wait_indirect_dma semaphore(%run_scoped3A_60 : memref<!tpu.dma_semaphore, #tpu.memory_space<semaphore_mem>>) src(%arg8 : memref<512x16xf32, #tpu.memory_space<vmem>>) dst(%dma_wait3A_72 : memref<50176x16xf32, #tpu.memory_space<vmem_shared>>)
        tpu.yield
      }) : () -> ()
      %dma_wait3A_50 = arith.constant 0 : i32
      %dma_wait3A_51 = arith.constant 0 : i32
      %dma_wait3A_52 = arith.constant 0 : i32
      %dma_wait3A_53 = tpu.memref_slice %arg7[%dma_wait3A_50, %dma_wait3A_51, %dma_wait3A_52] : memref<1x2x512xi32, #tpu.memory_space<vmem>> -> memref<1x1x512xi32, #tpu.memory_space<vmem>>
      %dma_wait3A_54 = tpu.memref_squeeze %dma_wait3A_53 : memref<1x1x512xi32, #tpu.memory_space<vmem>> -> memref<512xi32, #tpu.memory_space<vmem>>
      %dma_wait3A_55 = arith.constant 0 : i32
      %dma_wait3A_56 = arith.constant 0 : i32
      %dma_wait3A_57 = tpu.memref_slice %arg2[%dma_wait3A_55, %dma_wait3A_56] : memref<50176x16xf32, #tpu.memory_space<hbm>> -> memref<50176x16xf32, #tpu.memory_space<hbm>>
      tpu.wait_indirect_dma semaphore(%arg12 : memref<!tpu.dma_semaphore, #tpu.memory_space<semaphore_mem>>) src(%dma_wait3A_57 : memref<50176x16xf32, #tpu.memory_space<hbm>>) dst(%arg9 : memref<512x16xf32, #tpu.memory_space<vmem>>)
      %run_scoped3A_58 = arith.constant 0 : i32
      %run_scoped3A_59 = arith.constant 1 : i32
      "tpu.region"() ({
        %run_scoped3A_60 = tpu.sem_alloc : memref<!tpu.dma_semaphore, #tpu.memory_space<semaphore_mem>>
        %dma_start3A_61 = arith.constant 0 : i32
        %dma_start3A_62 = tpu.memref_slice %arg7[%run_scoped3A_58, %run_scoped3A_59, %dma_start3A_61] : memref<1x2x512xi32, #tpu.memory_space<vmem>> -> memref<1x1x512xi32, #tpu.memory_space<vmem>>
        %dma_start3A_63 = tpu.memref_squeeze %dma_start3A_62 : memref<1x1x512xi32, #tpu.memory_space<vmem>> -> memref<512xi32, #tpu.memory_space<vmem>>
        %dma_start3A_64 = arith.constant 0 : i32
        %dma_start3A_65 = arith.constant 0 : i32
        %dma_start3A_66 = tpu.memref_slice %arg10[%dma_start3A_64, %dma_start3A_65] : memref<50176x16xf32, #tpu.memory_space<vmem_shared>> -> memref<50176x16xf32, #tpu.memory_space<vmem_shared>>
        tpu.enqueue_indirect_dma source(%arg9 : memref<512x16xf32, #tpu.memory_space<vmem>>) target(%dma_start3A_66 : memref<50176x16xf32, #tpu.memory_space<vmem_shared>>) offsets(%dma_start3A_63 : memref<512xi32, #tpu.memory_space<vmem>>) semaphore(%run_scoped3A_60 : memref<!tpu.dma_semaphore, #tpu.memory_space<semaphore_mem>>) {add = true}
        %dma_wait3A_67 = arith.constant 0 : i32
        %dma_wait3A_68 = tpu.memref_slice %arg7[%run_scoped3A_58, %run_scoped3A_59, %dma_wait3A_67] : memref<1x2x512xi32, #tpu.memory_space<vmem>> -> memref<1x1x512xi32, #tpu.memory_space<vmem>>
        %dma_wait3A_69 = tpu.memref_squeeze %dma_wait3A_68 : memref<1x1x512xi32, #tpu.memory_space<vmem>> -> memref<512xi32, #tpu.memory_space<vmem>>
        %dma_wait3A_70 = arith.constant 0 : i32
        %dma_wait3A_71 = arith.constant 0 : i32
        %dma_wait3A_72 = tpu.memref_slice %arg10[%dma_wait3A_70, %dma_wait3A_71] : memref<50176x16xf32, #tpu.memory_space<vmem_shared>> -> memref<50176x16xf32, #tpu.memory_space<vmem_shared>>
        tpu.wait_indirect_dma semaphore(%run_scoped3A_60 : memref<!tpu.dma_semaphore, #tpu.memory_space<semaphore_mem>>) src(%arg9 : memref<512x16xf32, #tpu.memory_space<vmem>>) dst(%dma_wait3A_72 : memref<50176x16xf32, #tpu.memory_space<vmem_shared>>)
        tpu.yield
      }) : () -> ()
    }
    %scan3A_8 = arith.constant 25 : i32
    %barrier3A_9 = arith.constant 0 : index
    tpu.barrier barrier_id(%barrier3A_9)
    %eq3A = arith.constant 0 : i32
    %eq3A_10 = arith.cmpi eq, %arg0, %eq3A : i32
    %convert_element_type3A = arith.extui %eq3A_10 : i1 to i32
    %cond3A = arith.constant 0 : i32
    %cond3A_11 = arith.cmpi ne, %convert_element_type3A, %cond3A : i32
    scf.if %cond3A_11 {
      %run_scoped3A = arith.constant 0 : i32
      "tpu.region"() ({
        %run_scoped3A_17 = tpu.sem_alloc : memref<!tpu.dma_semaphore, #tpu.memory_space<semaphore_mem>>
        %dma_start3A = arith.constant 0 : i32
        %dma_start3A_18 = arith.constant 0 : i32
        %dma_start3A_19 = tpu.memref_slice %arg5[%run_scoped3A, %dma_start3A, %dma_start3A_18] : memref<2x50176x16xf32, #tpu.memory_space<hbm>> -> memref<1x50176x16xf32, #tpu.memory_space<hbm>>
        %dma_start3A_20 = tpu.memref_squeeze %dma_start3A_19 : memref<1x50176x16xf32, #tpu.memory_space<hbm>> -> memref<50176x16xf32, #tpu.memory_space<hbm>>
        %dma_start3A_21 = arith.constant 0 : i32
        %dma_start3A_22 = tpu.memref_slice %dma_start3A_20[%mul3A_0, %dma_start3A_21] : memref<50176x16xf32, #tpu.memory_space<hbm>> -> memref<3136x16xf32, #tpu.memory_space<hbm>>
        %dma_start3A_23 = arith.constant 0 : i32
        %dma_start3A_24 = tpu.memref_slice %arg10[%mul3A_0, %dma_start3A_23] : memref<50176x16xf32, #tpu.memory_space<vmem_shared>> -> memref<3136x16xf32, #tpu.memory_space<vmem_shared>>
        tpu.enqueue_dma source(%dma_start3A_24 : memref<3136x16xf32, #tpu.memory_space<vmem_shared>>) target(%dma_start3A_22 : memref<3136x16xf32, #tpu.memory_space<hbm>>) target_semaphore(%run_scoped3A_17 : memref<!tpu.dma_semaphore, #tpu.memory_space<semaphore_mem>>)
        %dma_wait3A = arith.constant 0 : i32
        %dma_wait3A_25 = arith.constant 0 : i32
        %dma_wait3A_26 = tpu.memref_slice %arg5[%run_scoped3A, %dma_wait3A, %dma_wait3A_25] : memref<2x50176x16xf32, #tpu.memory_space<hbm>> -> memref<1x50176x16xf32, #tpu.memory_space<hbm>>
        %dma_wait3A_27 = tpu.memref_squeeze %dma_wait3A_26 : memref<1x50176x16xf32, #tpu.memory_space<hbm>> -> memref<50176x16xf32, #tpu.memory_space<hbm>>
        %dma_wait3A_28 = arith.constant 0 : i32
        %dma_wait3A_29 = tpu.memref_slice %dma_wait3A_27[%mul3A_0, %dma_wait3A_28] : memref<50176x16xf32, #tpu.memory_space<hbm>> -> memref<3136x16xf32, #tpu.memory_space<hbm>>
        %dma_wait3A_30 = arith.constant 0 : i32
        %dma_wait3A_31 = tpu.memref_slice %arg10[%mul3A_0, %dma_wait3A_30] : memref<50176x16xf32, #tpu.memory_space<vmem_shared>> -> memref<3136x16xf32, #tpu.memory_space<vmem_shared>>
        tpu.wait_dma2 semaphore(%run_scoped3A_17 : memref<!tpu.dma_semaphore, #tpu.memory_space<semaphore_mem>>) src(%dma_wait3A_31 : memref<3136x16xf32, #tpu.memory_space<vmem_shared>>) dst(%dma_wait3A_29 : memref<3136x16xf32, #tpu.memory_space<hbm>>)
        tpu.yield
      }) : () -> ()
    } else {
    }
    %eq3A_12 = arith.constant 1 : i32
    %eq3A_13 = arith.cmpi eq, %arg0, %eq3A_12 : i32
    %convert_element_type3A_14 = arith.extui %eq3A_13 : i1 to i32
    %cond3A_15 = arith.constant 0 : i32
    %cond3A_16 = arith.cmpi ne, %convert_element_type3A_14, %cond3A_15 : i32
    scf.if %cond3A_16 {
      %run_scoped3A = arith.constant 1 : i32
      "tpu.region"() ({
        %run_scoped3A_17 = tpu.sem_alloc : memref<!tpu.dma_semaphore, #tpu.memory_space<semaphore_mem>>
        %dma_start3A = arith.constant 0 : i32
        %dma_start3A_18 = arith.constant 0 : i32
        %dma_start3A_19 = tpu.memref_slice %arg5[%run_scoped3A, %dma_start3A, %dma_start3A_18] : memref<2x50176x16xf32, #tpu.memory_space<hbm>> -> memref<1x50176x16xf32, #tpu.memory_space<hbm>>
        %dma_start3A_20 = tpu.memref_squeeze %dma_start3A_19 : memref<1x50176x16xf32, #tpu.memory_space<hbm>> -> memref<50176x16xf32, #tpu.memory_space<hbm>>
        %dma_start3A_21 = arith.constant 0 : i32
        %dma_start3A_22 = tpu.memref_slice %dma_start3A_20[%mul3A_0, %dma_start3A_21] : memref<50176x16xf32, #tpu.memory_space<hbm>> -> memref<3136x16xf32, #tpu.memory_space<hbm>>
        %dma_start3A_23 = arith.constant 0 : i32
        %dma_start3A_24 = tpu.memref_slice %arg10[%mul3A_0, %dma_start3A_23] : memref<50176x16xf32, #tpu.memory_space<vmem_shared>> -> memref<3136x16xf32, #tpu.memory_space<vmem_shared>>
        tpu.enqueue_dma source(%dma_start3A_24 : memref<3136x16xf32, #tpu.memory_space<vmem_shared>>) target(%dma_start3A_22 : memref<3136x16xf32, #tpu.memory_space<hbm>>) target_semaphore(%run_scoped3A_17 : memref<!tpu.dma_semaphore, #tpu.memory_space<semaphore_mem>>)
        %dma_wait3A = arith.constant 0 : i32
        %dma_wait3A_25 = arith.constant 0 : i32
        %dma_wait3A_26 = tpu.memref_slice %arg5[%run_scoped3A, %dma_wait3A, %dma_wait3A_25] : memref<2x50176x16xf32, #tpu.memory_space<hbm>> -> memref<1x50176x16xf32, #tpu.memory_space<hbm>>
        %dma_wait3A_27 = tpu.memref_squeeze %dma_wait3A_26 : memref<1x50176x16xf32, #tpu.memory_space<hbm>> -> memref<50176x16xf32, #tpu.memory_space<hbm>>
        %dma_wait3A_28 = arith.constant 0 : i32
        %dma_wait3A_29 = tpu.memref_slice %dma_wait3A_27[%mul3A_0, %dma_wait3A_28] : memref<50176x16xf32, #tpu.memory_space<hbm>> -> memref<3136x16xf32, #tpu.memory_space<hbm>>
        %dma_wait3A_30 = arith.constant 0 : i32
        %dma_wait3A_31 = tpu.memref_slice %arg10[%mul3A_0, %dma_wait3A_30] : memref<50176x16xf32, #tpu.memory_space<vmem_shared>> -> memref<3136x16xf32, #tpu.memory_space<vmem_shared>>
        tpu.wait_dma2 semaphore(%run_scoped3A_17 : memref<!tpu.dma_semaphore, #tpu.memory_space<semaphore_mem>>) src(%dma_wait3A_31 : memref<3136x16xf32, #tpu.memory_space<vmem_shared>>) dst(%dma_wait3A_29 : memref<3136x16xf32, #tpu.memory_space<hbm>>)
        tpu.yield
      }) : () -> ()
    } else {
    }
    return
  }
}

#map = affine_map<(d0, d1) -> (0, 0)>
#map1 = affine_map<(d0, d1) -> (0, 0, 0)>
module attributes {stable_mosaic.version = 14 : i64} {
  func.func @k(%arg0: i32, %arg1: i32, %arg2: memref<50176x16xf32, #tpu.memory_space<hbm>>, %arg3: memref<320x2x512xi32, #tpu.memory_space<hbm>>, %arg4: memref<1568x16xf32, #tpu.memory_space<hbm>>, %arg5: memref<2x25088x16xf32, #tpu.memory_space<hbm>>, %arg6: memref<1x2x512xi32, #tpu.memory_space<vmem>>, %arg7: memref<1x2x512xi32, #tpu.memory_space<vmem>>, %arg8: memref<512x16xf32, #tpu.memory_space<vmem>>, %arg9: memref<512x16xf32, #tpu.memory_space<vmem>>, %arg10: memref<25088x16xf32, #tpu.memory_space<vmem_shared>>, %arg11: memref<!tpu.dma_semaphore, #tpu.memory_space<semaphore_mem>>, %arg12: memref<!tpu.dma_semaphore, #tpu.memory_space<semaphore_mem>>) attributes {dimension_semantics = [#tpu.dimension_semantics<core_parallel>, #tpu.dimension_semantics<subcore_parallel>], iteration_bounds = array<i64: 2, 16>, scalar_prefetch = 0 : i64, scratch_operands = 7 : i64, tpu.core_type = #tpu.core_type<sc_vector_subcore>, window_params = [{transform_indices = #map}, {transform_indices = #map1}, {transform_indices = #map}, {transform_indices = #map1}]} {
    %mul3A = arith.constant 1568 : i32
    %mul3A_0 = arith.muli %arg1, %mul3A : i32
    "tpu.region"() ({
      %run_scoped3A = tpu.sem_alloc : memref<!tpu.dma_semaphore, #tpu.memory_space<semaphore_mem>>
      %dma_start3A = arith.constant 0 : i32
      %dma_start3A_17 = tpu.memref_slice %arg10[%mul3A_0, %dma_start3A] : memref<25088x16xf32, #tpu.memory_space<vmem_shared>> -> memref<1568x16xf32, #tpu.memory_space<vmem_shared>>
      %dma_start3A_18 = arith.constant 0 : i32
      %dma_start3A_19 = arith.constant 0 : i32
      %dma_start3A_20 = tpu.memref_slice %arg4[%dma_start3A_18, %dma_start3A_19] : memref<1568x16xf32, #tpu.memory_space<hbm>> -> memref<1568x16xf32, #tpu.memory_space<hbm>>
      tpu.enqueue_dma source(%dma_start3A_20 : memref<1568x16xf32, #tpu.memory_space<hbm>>) target(%dma_start3A_17 : memref<1568x16xf32, #tpu.memory_space<vmem_shared>>) target_semaphore(%run_scoped3A : memref<!tpu.dma_semaphore, #tpu.memory_space<semaphore_mem>>)
      %dma_wait3A = arith.constant 0 : i32
      %dma_wait3A_21 = tpu.memref_slice %arg10[%mul3A_0, %dma_wait3A] : memref<25088x16xf32, #tpu.memory_space<vmem_shared>> -> memref<1568x16xf32, #tpu.memory_space<vmem_shared>>
      %dma_wait3A_22 = arith.constant 0 : i32
      %dma_wait3A_23 = arith.constant 0 : i32
      %dma_wait3A_24 = tpu.memref_slice %arg4[%dma_wait3A_22, %dma_wait3A_23] : memref<1568x16xf32, #tpu.memory_space<hbm>> -> memref<1568x16xf32, #tpu.memory_space<hbm>>
      tpu.wait_dma2 semaphore(%run_scoped3A : memref<!tpu.dma_semaphore, #tpu.memory_space<semaphore_mem>>) src(%dma_wait3A_24 : memref<1568x16xf32, #tpu.memory_space<hbm>>) dst(%dma_wait3A_21 : memref<1568x16xf32, #tpu.memory_space<vmem_shared>>)
      tpu.yield
    }) : () -> ()
    %barrier3A = arith.constant 0 : index
    tpu.barrier barrier_id(%barrier3A)
    %mul3A_1 = arith.constant 160 : i32
    %mul3A_2 = arith.muli %arg0, %mul3A_1 : i32
    %mul3A_3 = arith.constant 10 : i32
    %mul3A_4 = arith.muli %arg1, %mul3A_3 : i32
    %add3A = arith.addi %mul3A_2, %mul3A_4 : i32
    %scan3A = arith.constant 0 : i32
    %scan3A_5 = arith.constant 5 : i32
    %scan3A_6 = arith.addi %scan3A, %scan3A_5 : i32
    %scan3A_7 = arith.constant 1 : i32
    scf.for %scan3A_17 = %scan3A to %scan3A_6 step %scan3A_7  : i32 {
      %mul3A_18 = arith.constant 1 : i32
      %mul3A_19 = arith.muli %scan3A_17, %mul3A_18 : i32
      %add3A_20 = arith.constant 0 : i32
      %add3A_21 = arith.addi %add3A_20, %mul3A_19 : i32
      %mul3A_22 = arith.constant 2 : i32
      %mul3A_23 = arith.muli %mul3A_22, %add3A_21 : i32
      %add3A_24 = arith.addi %add3A, %mul3A_23 : i32
      "tpu.region"() ({
        %run_scoped3A_60 = tpu.sem_alloc : memref<!tpu.dma_semaphore, #tpu.memory_space<semaphore_mem>>
        %dma_start3A_61 = arith.constant 0 : i32
        %dma_start3A_62 = arith.constant 0 : i32
        %dma_start3A_63 = tpu.memref_slice %arg3[%add3A_24, %dma_start3A_61, %dma_start3A_62] : memref<320x2x512xi32, #tpu.memory_space<hbm>> -> memref<1x2x512xi32, #tpu.memory_space<hbm>>
        %dma_start3A_64 = arith.constant 0 : i32
        %dma_start3A_65 = arith.constant 0 : i32
        %dma_start3A_66 = tpu.memref_slice %arg3[%add3A_24, %dma_start3A_64, %dma_start3A_65] : memref<320x2x512xi32, #tpu.memory_space<hbm>> -> memref<1x2x512xi32, #tpu.memory_space<hbm>>
        tpu.enqueue_dma source(%dma_start3A_66 : memref<1x2x512xi32, #tpu.memory_space<hbm>>) target(%arg6 : memref<1x2x512xi32, #tpu.memory_space<vmem>>) target_semaphore(%run_scoped3A_60 : memref<!tpu.dma_semaphore, #tpu.memory_space<semaphore_mem>>)
        %dma_wait3A_67 = arith.constant 0 : i32
        %dma_wait3A_68 = arith.constant 0 : i32
        %dma_wait3A_69 = tpu.memref_slice %arg3[%add3A_24, %dma_wait3A_67, %dma_wait3A_68] : memref<320x2x512xi32, #tpu.memory_space<hbm>> -> memref<1x2x512xi32, #tpu.memory_space<hbm>>
        %dma_wait3A_70 = arith.constant 0 : i32
        %dma_wait3A_71 = arith.constant 0 : i32
        %dma_wait3A_72 = tpu.memref_slice %arg3[%add3A_24, %dma_wait3A_70, %dma_wait3A_71] : memref<320x2x512xi32, #tpu.memory_space<hbm>> -> memref<1x2x512xi32, #tpu.memory_space<hbm>>
        tpu.wait_dma2 semaphore(%run_scoped3A_60 : memref<!tpu.dma_semaphore, #tpu.memory_space<semaphore_mem>>) src(%dma_wait3A_72 : memref<1x2x512xi32, #tpu.memory_space<hbm>>) dst(%arg6 : memref<1x2x512xi32, #tpu.memory_space<vmem>>)
        tpu.yield
      }) : () -> ()
      %dma_start3A = arith.constant 0 : i32
      %dma_start3A_25 = arith.constant 0 : i32
      %dma_start3A_26 = arith.constant 0 : i32
      %dma_start3A_27 = tpu.memref_slice %arg6[%dma_start3A, %dma_start3A_25, %dma_start3A_26] : memref<1x2x512xi32, #tpu.memory_space<vmem>> -> memref<1x1x512xi32, #tpu.memory_space<vmem>>
      %dma_start3A_28 = tpu.memref_squeeze %dma_start3A_27 : memref<1x1x512xi32, #tpu.memory_space<vmem>> -> memref<512xi32, #tpu.memory_space<vmem>>
      %dma_start3A_29 = arith.constant 0 : i32
      %dma_start3A_30 = arith.constant 0 : i32
      %dma_start3A_31 = tpu.memref_slice %arg2[%dma_start3A_29, %dma_start3A_30] : memref<50176x16xf32, #tpu.memory_space<hbm>> -> memref<50176x16xf32, #tpu.memory_space<hbm>>
      tpu.enqueue_indirect_dma source(%dma_start3A_31 : memref<50176x16xf32, #tpu.memory_space<hbm>>) target(%arg8 : memref<512x16xf32, #tpu.memory_space<vmem>>) offsets(%dma_start3A_28 : memref<512xi32, #tpu.memory_space<vmem>>) semaphore(%arg11 : memref<!tpu.dma_semaphore, #tpu.memory_space<semaphore_mem>>)
      %add3A_32 = arith.constant 1 : i32
      %add3A_33 = arith.addi %add3A_24, %add3A_32 : i32
      "tpu.region"() ({
        %run_scoped3A_60 = tpu.sem_alloc : memref<!tpu.dma_semaphore, #tpu.memory_space<semaphore_mem>>
        %dma_start3A_61 = arith.constant 0 : i32
        %dma_start3A_62 = arith.constant 0 : i32
        %dma_start3A_63 = tpu.memref_slice %arg3[%add3A_33, %dma_start3A_61, %dma_start3A_62] : memref<320x2x512xi32, #tpu.memory_space<hbm>> -> memref<1x2x512xi32, #tpu.memory_space<hbm>>
        %dma_start3A_64 = arith.constant 0 : i32
        %dma_start3A_65 = arith.constant 0 : i32
        %dma_start3A_66 = tpu.memref_slice %arg3[%add3A_33, %dma_start3A_64, %dma_start3A_65] : memref<320x2x512xi32, #tpu.memory_space<hbm>> -> memref<1x2x512xi32, #tpu.memory_space<hbm>>
        tpu.enqueue_dma source(%dma_start3A_66 : memref<1x2x512xi32, #tpu.memory_space<hbm>>) target(%arg7 : memref<1x2x512xi32, #tpu.memory_space<vmem>>) target_semaphore(%run_scoped3A_60 : memref<!tpu.dma_semaphore, #tpu.memory_space<semaphore_mem>>)
        %dma_wait3A_67 = arith.constant 0 : i32
        %dma_wait3A_68 = arith.constant 0 : i32
        %dma_wait3A_69 = tpu.memref_slice %arg3[%add3A_33, %dma_wait3A_67, %dma_wait3A_68] : memref<320x2x512xi32, #tpu.memory_space<hbm>> -> memref<1x2x512xi32, #tpu.memory_space<hbm>>
        %dma_wait3A_70 = arith.constant 0 : i32
        %dma_wait3A_71 = arith.constant 0 : i32
        %dma_wait3A_72 = tpu.memref_slice %arg3[%add3A_33, %dma_wait3A_70, %dma_wait3A_71] : memref<320x2x512xi32, #tpu.memory_space<hbm>> -> memref<1x2x512xi32, #tpu.memory_space<hbm>>
        tpu.wait_dma2 semaphore(%run_scoped3A_60 : memref<!tpu.dma_semaphore, #tpu.memory_space<semaphore_mem>>) src(%dma_wait3A_72 : memref<1x2x512xi32, #tpu.memory_space<hbm>>) dst(%arg7 : memref<1x2x512xi32, #tpu.memory_space<vmem>>)
        tpu.yield
      }) : () -> ()
      %dma_start3A_34 = arith.constant 0 : i32
      %dma_start3A_35 = arith.constant 0 : i32
      %dma_start3A_36 = arith.constant 0 : i32
      %dma_start3A_37 = tpu.memref_slice %arg7[%dma_start3A_34, %dma_start3A_35, %dma_start3A_36] : memref<1x2x512xi32, #tpu.memory_space<vmem>> -> memref<1x1x512xi32, #tpu.memory_space<vmem>>
      %dma_start3A_38 = tpu.memref_squeeze %dma_start3A_37 : memref<1x1x512xi32, #tpu.memory_space<vmem>> -> memref<512xi32, #tpu.memory_space<vmem>>
      %dma_start3A_39 = arith.constant 0 : i32
      %dma_start3A_40 = arith.constant 0 : i32
      %dma_start3A_41 = tpu.memref_slice %arg2[%dma_start3A_39, %dma_start3A_40] : memref<50176x16xf32, #tpu.memory_space<hbm>> -> memref<50176x16xf32, #tpu.memory_space<hbm>>
      tpu.enqueue_indirect_dma source(%dma_start3A_41 : memref<50176x16xf32, #tpu.memory_space<hbm>>) target(%arg9 : memref<512x16xf32, #tpu.memory_space<vmem>>) offsets(%dma_start3A_38 : memref<512xi32, #tpu.memory_space<vmem>>) semaphore(%arg12 : memref<!tpu.dma_semaphore, #tpu.memory_space<semaphore_mem>>)
      %dma_wait3A = arith.constant 0 : i32
      %dma_wait3A_42 = arith.constant 0 : i32
      %dma_wait3A_43 = arith.constant 0 : i32
      %dma_wait3A_44 = tpu.memref_slice %arg6[%dma_wait3A, %dma_wait3A_42, %dma_wait3A_43] : memref<1x2x512xi32, #tpu.memory_space<vmem>> -> memref<1x1x512xi32, #tpu.memory_space<vmem>>
      %dma_wait3A_45 = tpu.memref_squeeze %dma_wait3A_44 : memref<1x1x512xi32, #tpu.memory_space<vmem>> -> memref<512xi32, #tpu.memory_space<vmem>>
      %dma_wait3A_46 = arith.constant 0 : i32
      %dma_wait3A_47 = arith.constant 0 : i32
      %dma_wait3A_48 = tpu.memref_slice %arg2[%dma_wait3A_46, %dma_wait3A_47] : memref<50176x16xf32, #tpu.memory_space<hbm>> -> memref<50176x16xf32, #tpu.memory_space<hbm>>
      tpu.wait_indirect_dma semaphore(%arg11 : memref<!tpu.dma_semaphore, #tpu.memory_space<semaphore_mem>>) src(%dma_wait3A_48 : memref<50176x16xf32, #tpu.memory_space<hbm>>) dst(%arg8 : memref<512x16xf32, #tpu.memory_space<vmem>>)
      %run_scoped3A = arith.constant 0 : i32
      %run_scoped3A_49 = arith.constant 1 : i32
      "tpu.region"() ({
        %run_scoped3A_60 = tpu.sem_alloc : memref<!tpu.dma_semaphore, #tpu.memory_space<semaphore_mem>>
        %dma_start3A_61 = arith.constant 0 : i32
        %dma_start3A_62 = tpu.memref_slice %arg6[%run_scoped3A, %run_scoped3A_49, %dma_start3A_61] : memref<1x2x512xi32, #tpu.memory_space<vmem>> -> memref<1x1x512xi32, #tpu.memory_space<vmem>>
        %dma_start3A_63 = tpu.memref_squeeze %dma_start3A_62 : memref<1x1x512xi32, #tpu.memory_space<vmem>> -> memref<512xi32, #tpu.memory_space<vmem>>
        %dma_start3A_64 = arith.constant 0 : i32
        %dma_start3A_65 = arith.constant 0 : i32
        %dma_start3A_66 = tpu.memref_slice %arg10[%dma_start3A_64, %dma_start3A_65] : memref<25088x16xf32, #tpu.memory_space<vmem_shared>> -> memref<25088x16xf32, #tpu.memory_space<vmem_shared>>
        tpu.enqueue_indirect_dma source(%arg8 : memref<512x16xf32, #tpu.memory_space<vmem>>) target(%dma_start3A_66 : memref<25088x16xf32, #tpu.memory_space<vmem_shared>>) offsets(%dma_start3A_63 : memref<512xi32, #tpu.memory_space<vmem>>) semaphore(%run_scoped3A_60 : memref<!tpu.dma_semaphore, #tpu.memory_space<semaphore_mem>>) {add = true}
        %dma_wait3A_67 = arith.constant 0 : i32
        %dma_wait3A_68 = tpu.memref_slice %arg6[%run_scoped3A, %run_scoped3A_49, %dma_wait3A_67] : memref<1x2x512xi32, #tpu.memory_space<vmem>> -> memref<1x1x512xi32, #tpu.memory_space<vmem>>
        %dma_wait3A_69 = tpu.memref_squeeze %dma_wait3A_68 : memref<1x1x512xi32, #tpu.memory_space<vmem>> -> memref<512xi32, #tpu.memory_space<vmem>>
        %dma_wait3A_70 = arith.constant 0 : i32
        %dma_wait3A_71 = arith.constant 0 : i32
        %dma_wait3A_72 = tpu.memref_slice %arg10[%dma_wait3A_70, %dma_wait3A_71] : memref<25088x16xf32, #tpu.memory_space<vmem_shared>> -> memref<25088x16xf32, #tpu.memory_space<vmem_shared>>
        tpu.wait_indirect_dma semaphore(%run_scoped3A_60 : memref<!tpu.dma_semaphore, #tpu.memory_space<semaphore_mem>>) src(%arg8 : memref<512x16xf32, #tpu.memory_space<vmem>>) dst(%dma_wait3A_72 : memref<25088x16xf32, #tpu.memory_space<vmem_shared>>)
        tpu.yield
      }) : () -> ()
      %dma_wait3A_50 = arith.constant 0 : i32
      %dma_wait3A_51 = arith.constant 0 : i32
      %dma_wait3A_52 = arith.constant 0 : i32
      %dma_wait3A_53 = tpu.memref_slice %arg7[%dma_wait3A_50, %dma_wait3A_51, %dma_wait3A_52] : memref<1x2x512xi32, #tpu.memory_space<vmem>> -> memref<1x1x512xi32, #tpu.memory_space<vmem>>
      %dma_wait3A_54 = tpu.memref_squeeze %dma_wait3A_53 : memref<1x1x512xi32, #tpu.memory_space<vmem>> -> memref<512xi32, #tpu.memory_space<vmem>>
      %dma_wait3A_55 = arith.constant 0 : i32
      %dma_wait3A_56 = arith.constant 0 : i32
      %dma_wait3A_57 = tpu.memref_slice %arg2[%dma_wait3A_55, %dma_wait3A_56] : memref<50176x16xf32, #tpu.memory_space<hbm>> -> memref<50176x16xf32, #tpu.memory_space<hbm>>
      tpu.wait_indirect_dma semaphore(%arg12 : memref<!tpu.dma_semaphore, #tpu.memory_space<semaphore_mem>>) src(%dma_wait3A_57 : memref<50176x16xf32, #tpu.memory_space<hbm>>) dst(%arg9 : memref<512x16xf32, #tpu.memory_space<vmem>>)
      %run_scoped3A_58 = arith.constant 0 : i32
      %run_scoped3A_59 = arith.constant 1 : i32
      "tpu.region"() ({
        %run_scoped3A_60 = tpu.sem_alloc : memref<!tpu.dma_semaphore, #tpu.memory_space<semaphore_mem>>
        %dma_start3A_61 = arith.constant 0 : i32
        %dma_start3A_62 = tpu.memref_slice %arg7[%run_scoped3A_58, %run_scoped3A_59, %dma_start3A_61] : memref<1x2x512xi32, #tpu.memory_space<vmem>> -> memref<1x1x512xi32, #tpu.memory_space<vmem>>
        %dma_start3A_63 = tpu.memref_squeeze %dma_start3A_62 : memref<1x1x512xi32, #tpu.memory_space<vmem>> -> memref<512xi32, #tpu.memory_space<vmem>>
        %dma_start3A_64 = arith.constant 0 : i32
        %dma_start3A_65 = arith.constant 0 : i32
        %dma_start3A_66 = tpu.memref_slice %arg10[%dma_start3A_64, %dma_start3A_65] : memref<25088x16xf32, #tpu.memory_space<vmem_shared>> -> memref<25088x16xf32, #tpu.memory_space<vmem_shared>>
        tpu.enqueue_indirect_dma source(%arg9 : memref<512x16xf32, #tpu.memory_space<vmem>>) target(%dma_start3A_66 : memref<25088x16xf32, #tpu.memory_space<vmem_shared>>) offsets(%dma_start3A_63 : memref<512xi32, #tpu.memory_space<vmem>>) semaphore(%run_scoped3A_60 : memref<!tpu.dma_semaphore, #tpu.memory_space<semaphore_mem>>) {add = true}
        %dma_wait3A_67 = arith.constant 0 : i32
        %dma_wait3A_68 = tpu.memref_slice %arg7[%run_scoped3A_58, %run_scoped3A_59, %dma_wait3A_67] : memref<1x2x512xi32, #tpu.memory_space<vmem>> -> memref<1x1x512xi32, #tpu.memory_space<vmem>>
        %dma_wait3A_69 = tpu.memref_squeeze %dma_wait3A_68 : memref<1x1x512xi32, #tpu.memory_space<vmem>> -> memref<512xi32, #tpu.memory_space<vmem>>
        %dma_wait3A_70 = arith.constant 0 : i32
        %dma_wait3A_71 = arith.constant 0 : i32
        %dma_wait3A_72 = tpu.memref_slice %arg10[%dma_wait3A_70, %dma_wait3A_71] : memref<25088x16xf32, #tpu.memory_space<vmem_shared>> -> memref<25088x16xf32, #tpu.memory_space<vmem_shared>>
        tpu.wait_indirect_dma semaphore(%run_scoped3A_60 : memref<!tpu.dma_semaphore, #tpu.memory_space<semaphore_mem>>) src(%arg9 : memref<512x16xf32, #tpu.memory_space<vmem>>) dst(%dma_wait3A_72 : memref<25088x16xf32, #tpu.memory_space<vmem_shared>>)
        tpu.yield
      }) : () -> ()
    }
    %scan3A_8 = arith.constant 5 : i32
    %barrier3A_9 = arith.constant 0 : index
    tpu.barrier barrier_id(%barrier3A_9)
    %eq3A = arith.constant 0 : i32
    %eq3A_10 = arith.cmpi eq, %arg0, %eq3A : i32
    %convert_element_type3A = arith.extui %eq3A_10 : i1 to i32
    %cond3A = arith.constant 0 : i32
    %cond3A_11 = arith.cmpi ne, %convert_element_type3A, %cond3A : i32
    scf.if %cond3A_11 {
      %run_scoped3A = arith.constant 0 : i32
      "tpu.region"() ({
        %run_scoped3A_17 = tpu.sem_alloc : memref<!tpu.dma_semaphore, #tpu.memory_space<semaphore_mem>>
        %dma_start3A = arith.constant 0 : i32
        %dma_start3A_18 = arith.constant 0 : i32
        %dma_start3A_19 = tpu.memref_slice %arg5[%run_scoped3A, %dma_start3A, %dma_start3A_18] : memref<2x25088x16xf32, #tpu.memory_space<hbm>> -> memref<1x25088x16xf32, #tpu.memory_space<hbm>>
        %dma_start3A_20 = tpu.memref_squeeze %dma_start3A_19 : memref<1x25088x16xf32, #tpu.memory_space<hbm>> -> memref<25088x16xf32, #tpu.memory_space<hbm>>
        %dma_start3A_21 = arith.constant 0 : i32
        %dma_start3A_22 = tpu.memref_slice %dma_start3A_20[%mul3A_0, %dma_start3A_21] : memref<25088x16xf32, #tpu.memory_space<hbm>> -> memref<1568x16xf32, #tpu.memory_space<hbm>>
        %dma_start3A_23 = arith.constant 0 : i32
        %dma_start3A_24 = tpu.memref_slice %arg10[%mul3A_0, %dma_start3A_23] : memref<25088x16xf32, #tpu.memory_space<vmem_shared>> -> memref<1568x16xf32, #tpu.memory_space<vmem_shared>>
        tpu.enqueue_dma source(%dma_start3A_24 : memref<1568x16xf32, #tpu.memory_space<vmem_shared>>) target(%dma_start3A_22 : memref<1568x16xf32, #tpu.memory_space<hbm>>) target_semaphore(%run_scoped3A_17 : memref<!tpu.dma_semaphore, #tpu.memory_space<semaphore_mem>>)
        %dma_wait3A = arith.constant 0 : i32
        %dma_wait3A_25 = arith.constant 0 : i32
        %dma_wait3A_26 = tpu.memref_slice %arg5[%run_scoped3A, %dma_wait3A, %dma_wait3A_25] : memref<2x25088x16xf32, #tpu.memory_space<hbm>> -> memref<1x25088x16xf32, #tpu.memory_space<hbm>>
        %dma_wait3A_27 = tpu.memref_squeeze %dma_wait3A_26 : memref<1x25088x16xf32, #tpu.memory_space<hbm>> -> memref<25088x16xf32, #tpu.memory_space<hbm>>
        %dma_wait3A_28 = arith.constant 0 : i32
        %dma_wait3A_29 = tpu.memref_slice %dma_wait3A_27[%mul3A_0, %dma_wait3A_28] : memref<25088x16xf32, #tpu.memory_space<hbm>> -> memref<1568x16xf32, #tpu.memory_space<hbm>>
        %dma_wait3A_30 = arith.constant 0 : i32
        %dma_wait3A_31 = tpu.memref_slice %arg10[%mul3A_0, %dma_wait3A_30] : memref<25088x16xf32, #tpu.memory_space<vmem_shared>> -> memref<1568x16xf32, #tpu.memory_space<vmem_shared>>
        tpu.wait_dma2 semaphore(%run_scoped3A_17 : memref<!tpu.dma_semaphore, #tpu.memory_space<semaphore_mem>>) src(%dma_wait3A_31 : memref<1568x16xf32, #tpu.memory_space<vmem_shared>>) dst(%dma_wait3A_29 : memref<1568x16xf32, #tpu.memory_space<hbm>>)
        tpu.yield
      }) : () -> ()
    } else {
    }
    %eq3A_12 = arith.constant 1 : i32
    %eq3A_13 = arith.cmpi eq, %arg0, %eq3A_12 : i32
    %convert_element_type3A_14 = arith.extui %eq3A_13 : i1 to i32
    %cond3A_15 = arith.constant 0 : i32
    %cond3A_16 = arith.cmpi ne, %convert_element_type3A_14, %cond3A_15 : i32
    scf.if %cond3A_16 {
      %run_scoped3A = arith.constant 1 : i32
      "tpu.region"() ({
        %run_scoped3A_17 = tpu.sem_alloc : memref<!tpu.dma_semaphore, #tpu.memory_space<semaphore_mem>>
        %dma_start3A = arith.constant 0 : i32
        %dma_start3A_18 = arith.constant 0 : i32
        %dma_start3A_19 = tpu.memref_slice %arg5[%run_scoped3A, %dma_start3A, %dma_start3A_18] : memref<2x25088x16xf32, #tpu.memory_space<hbm>> -> memref<1x25088x16xf32, #tpu.memory_space<hbm>>
        %dma_start3A_20 = tpu.memref_squeeze %dma_start3A_19 : memref<1x25088x16xf32, #tpu.memory_space<hbm>> -> memref<25088x16xf32, #tpu.memory_space<hbm>>
        %dma_start3A_21 = arith.constant 0 : i32
        %dma_start3A_22 = tpu.memref_slice %dma_start3A_20[%mul3A_0, %dma_start3A_21] : memref<25088x16xf32, #tpu.memory_space<hbm>> -> memref<1568x16xf32, #tpu.memory_space<hbm>>
        %dma_start3A_23 = arith.constant 0 : i32
        %dma_start3A_24 = tpu.memref_slice %arg10[%mul3A_0, %dma_start3A_23] : memref<25088x16xf32, #tpu.memory_space<vmem_shared>> -> memref<1568x16xf32, #tpu.memory_space<vmem_shared>>
        tpu.enqueue_dma source(%dma_start3A_24 : memref<1568x16xf32, #tpu.memory_space<vmem_shared>>) target(%dma_start3A_22 : memref<1568x16xf32, #tpu.memory_space<hbm>>) target_semaphore(%run_scoped3A_17 : memref<!tpu.dma_semaphore, #tpu.memory_space<semaphore_mem>>)
        %dma_wait3A = arith.constant 0 : i32
        %dma_wait3A_25 = arith.constant 0 : i32
        %dma_wait3A_26 = tpu.memref_slice %arg5[%run_scoped3A, %dma_wait3A, %dma_wait3A_25] : memref<2x25088x16xf32, #tpu.memory_space<hbm>> -> memref<1x25088x16xf32, #tpu.memory_space<hbm>>
        %dma_wait3A_27 = tpu.memref_squeeze %dma_wait3A_26 : memref<1x25088x16xf32, #tpu.memory_space<hbm>> -> memref<25088x16xf32, #tpu.memory_space<hbm>>
        %dma_wait3A_28 = arith.constant 0 : i32
        %dma_wait3A_29 = tpu.memref_slice %dma_wait3A_27[%mul3A_0, %dma_wait3A_28] : memref<25088x16xf32, #tpu.memory_space<hbm>> -> memref<1568x16xf32, #tpu.memory_space<hbm>>
        %dma_wait3A_30 = arith.constant 0 : i32
        %dma_wait3A_31 = tpu.memref_slice %arg10[%mul3A_0, %dma_wait3A_30] : memref<25088x16xf32, #tpu.memory_space<vmem_shared>> -> memref<1568x16xf32, #tpu.memory_space<vmem_shared>>
        tpu.wait_dma2 semaphore(%run_scoped3A_17 : memref<!tpu.dma_semaphore, #tpu.memory_space<semaphore_mem>>) src(%dma_wait3A_31 : memref<1568x16xf32, #tpu.memory_space<vmem_shared>>) dst(%dma_wait3A_29 : memref<1568x16xf32, #tpu.memory_space<hbm>>)
        tpu.yield
      }) : () -> ()
    } else {
    }
    return
  }
}

#map = affine_map<(d0, d1) -> (0, 0)>
#map1 = affine_map<(d0, d1) -> (0, 0, 0)>
module attributes {stable_mosaic.version = 14 : i64} {
  func.func @k(%arg0: i32, %arg1: i32, %arg2: memref<25088x16xf32, #tpu.memory_space<hbm>>, %arg3: memref<320x2x512xi32, #tpu.memory_space<hbm>>, %arg4: memref<3136x16xf32, #tpu.memory_space<hbm>>, %arg5: memref<2x50176x16xf32, #tpu.memory_space<hbm>>, %arg6: memref<1x2x512xi32, #tpu.memory_space<vmem>>, %arg7: memref<1x2x512xi32, #tpu.memory_space<vmem>>, %arg8: memref<512x16xf32, #tpu.memory_space<vmem>>, %arg9: memref<512x16xf32, #tpu.memory_space<vmem>>, %arg10: memref<50176x16xf32, #tpu.memory_space<vmem_shared>>, %arg11: memref<!tpu.dma_semaphore, #tpu.memory_space<semaphore_mem>>, %arg12: memref<!tpu.dma_semaphore, #tpu.memory_space<semaphore_mem>>) attributes {dimension_semantics = [#tpu.dimension_semantics<core_parallel>, #tpu.dimension_semantics<subcore_parallel>], iteration_bounds = array<i64: 2, 16>, scalar_prefetch = 0 : i64, scratch_operands = 7 : i64, tpu.core_type = #tpu.core_type<sc_vector_subcore>, window_params = [{transform_indices = #map}, {transform_indices = #map1}, {transform_indices = #map}, {transform_indices = #map1}]} {
    %mul3A = arith.constant 3136 : i32
    %mul3A_0 = arith.muli %arg1, %mul3A : i32
    "tpu.region"() ({
      %run_scoped3A = tpu.sem_alloc : memref<!tpu.dma_semaphore, #tpu.memory_space<semaphore_mem>>
      %dma_start3A = arith.constant 0 : i32
      %dma_start3A_17 = tpu.memref_slice %arg10[%mul3A_0, %dma_start3A] : memref<50176x16xf32, #tpu.memory_space<vmem_shared>> -> memref<3136x16xf32, #tpu.memory_space<vmem_shared>>
      %dma_start3A_18 = arith.constant 0 : i32
      %dma_start3A_19 = arith.constant 0 : i32
      %dma_start3A_20 = tpu.memref_slice %arg4[%dma_start3A_18, %dma_start3A_19] : memref<3136x16xf32, #tpu.memory_space<hbm>> -> memref<3136x16xf32, #tpu.memory_space<hbm>>
      tpu.enqueue_dma source(%dma_start3A_20 : memref<3136x16xf32, #tpu.memory_space<hbm>>) target(%dma_start3A_17 : memref<3136x16xf32, #tpu.memory_space<vmem_shared>>) target_semaphore(%run_scoped3A : memref<!tpu.dma_semaphore, #tpu.memory_space<semaphore_mem>>)
      %dma_wait3A = arith.constant 0 : i32
      %dma_wait3A_21 = tpu.memref_slice %arg10[%mul3A_0, %dma_wait3A] : memref<50176x16xf32, #tpu.memory_space<vmem_shared>> -> memref<3136x16xf32, #tpu.memory_space<vmem_shared>>
      %dma_wait3A_22 = arith.constant 0 : i32
      %dma_wait3A_23 = arith.constant 0 : i32
      %dma_wait3A_24 = tpu.memref_slice %arg4[%dma_wait3A_22, %dma_wait3A_23] : memref<3136x16xf32, #tpu.memory_space<hbm>> -> memref<3136x16xf32, #tpu.memory_space<hbm>>
      tpu.wait_dma2 semaphore(%run_scoped3A : memref<!tpu.dma_semaphore, #tpu.memory_space<semaphore_mem>>) src(%dma_wait3A_24 : memref<3136x16xf32, #tpu.memory_space<hbm>>) dst(%dma_wait3A_21 : memref<3136x16xf32, #tpu.memory_space<vmem_shared>>)
      tpu.yield
    }) : () -> ()
    %barrier3A = arith.constant 0 : index
    tpu.barrier barrier_id(%barrier3A)
    %mul3A_1 = arith.constant 160 : i32
    %mul3A_2 = arith.muli %arg0, %mul3A_1 : i32
    %mul3A_3 = arith.constant 10 : i32
    %mul3A_4 = arith.muli %arg1, %mul3A_3 : i32
    %add3A = arith.addi %mul3A_2, %mul3A_4 : i32
    %scan3A = arith.constant 0 : i32
    %scan3A_5 = arith.constant 5 : i32
    %scan3A_6 = arith.addi %scan3A, %scan3A_5 : i32
    %scan3A_7 = arith.constant 1 : i32
    scf.for %scan3A_17 = %scan3A to %scan3A_6 step %scan3A_7  : i32 {
      %mul3A_18 = arith.constant 1 : i32
      %mul3A_19 = arith.muli %scan3A_17, %mul3A_18 : i32
      %add3A_20 = arith.constant 0 : i32
      %add3A_21 = arith.addi %add3A_20, %mul3A_19 : i32
      %mul3A_22 = arith.constant 2 : i32
      %mul3A_23 = arith.muli %mul3A_22, %add3A_21 : i32
      %add3A_24 = arith.addi %add3A, %mul3A_23 : i32
      "tpu.region"() ({
        %run_scoped3A_60 = tpu.sem_alloc : memref<!tpu.dma_semaphore, #tpu.memory_space<semaphore_mem>>
        %dma_start3A_61 = arith.constant 0 : i32
        %dma_start3A_62 = arith.constant 0 : i32
        %dma_start3A_63 = tpu.memref_slice %arg3[%add3A_24, %dma_start3A_61, %dma_start3A_62] : memref<320x2x512xi32, #tpu.memory_space<hbm>> -> memref<1x2x512xi32, #tpu.memory_space<hbm>>
        %dma_start3A_64 = arith.constant 0 : i32
        %dma_start3A_65 = arith.constant 0 : i32
        %dma_start3A_66 = tpu.memref_slice %arg3[%add3A_24, %dma_start3A_64, %dma_start3A_65] : memref<320x2x512xi32, #tpu.memory_space<hbm>> -> memref<1x2x512xi32, #tpu.memory_space<hbm>>
        tpu.enqueue_dma source(%dma_start3A_66 : memref<1x2x512xi32, #tpu.memory_space<hbm>>) target(%arg6 : memref<1x2x512xi32, #tpu.memory_space<vmem>>) target_semaphore(%run_scoped3A_60 : memref<!tpu.dma_semaphore, #tpu.memory_space<semaphore_mem>>)
        %dma_wait3A_67 = arith.constant 0 : i32
        %dma_wait3A_68 = arith.constant 0 : i32
        %dma_wait3A_69 = tpu.memref_slice %arg3[%add3A_24, %dma_wait3A_67, %dma_wait3A_68] : memref<320x2x512xi32, #tpu.memory_space<hbm>> -> memref<1x2x512xi32, #tpu.memory_space<hbm>>
        %dma_wait3A_70 = arith.constant 0 : i32
        %dma_wait3A_71 = arith.constant 0 : i32
        %dma_wait3A_72 = tpu.memref_slice %arg3[%add3A_24, %dma_wait3A_70, %dma_wait3A_71] : memref<320x2x512xi32, #tpu.memory_space<hbm>> -> memref<1x2x512xi32, #tpu.memory_space<hbm>>
        tpu.wait_dma2 semaphore(%run_scoped3A_60 : memref<!tpu.dma_semaphore, #tpu.memory_space<semaphore_mem>>) src(%dma_wait3A_72 : memref<1x2x512xi32, #tpu.memory_space<hbm>>) dst(%arg6 : memref<1x2x512xi32, #tpu.memory_space<vmem>>)
        tpu.yield
      }) : () -> ()
      %dma_start3A = arith.constant 0 : i32
      %dma_start3A_25 = arith.constant 0 : i32
      %dma_start3A_26 = arith.constant 0 : i32
      %dma_start3A_27 = tpu.memref_slice %arg6[%dma_start3A, %dma_start3A_25, %dma_start3A_26] : memref<1x2x512xi32, #tpu.memory_space<vmem>> -> memref<1x1x512xi32, #tpu.memory_space<vmem>>
      %dma_start3A_28 = tpu.memref_squeeze %dma_start3A_27 : memref<1x1x512xi32, #tpu.memory_space<vmem>> -> memref<512xi32, #tpu.memory_space<vmem>>
      %dma_start3A_29 = arith.constant 0 : i32
      %dma_start3A_30 = arith.constant 0 : i32
      %dma_start3A_31 = tpu.memref_slice %arg2[%dma_start3A_29, %dma_start3A_30] : memref<25088x16xf32, #tpu.memory_space<hbm>> -> memref<25088x16xf32, #tpu.memory_space<hbm>>
      tpu.enqueue_indirect_dma source(%dma_start3A_31 : memref<25088x16xf32, #tpu.memory_space<hbm>>) target(%arg8 : memref<512x16xf32, #tpu.memory_space<vmem>>) offsets(%dma_start3A_28 : memref<512xi32, #tpu.memory_space<vmem>>) semaphore(%arg11 : memref<!tpu.dma_semaphore, #tpu.memory_space<semaphore_mem>>)
      %add3A_32 = arith.constant 1 : i32
      %add3A_33 = arith.addi %add3A_24, %add3A_32 : i32
      "tpu.region"() ({
        %run_scoped3A_60 = tpu.sem_alloc : memref<!tpu.dma_semaphore, #tpu.memory_space<semaphore_mem>>
        %dma_start3A_61 = arith.constant 0 : i32
        %dma_start3A_62 = arith.constant 0 : i32
        %dma_start3A_63 = tpu.memref_slice %arg3[%add3A_33, %dma_start3A_61, %dma_start3A_62] : memref<320x2x512xi32, #tpu.memory_space<hbm>> -> memref<1x2x512xi32, #tpu.memory_space<hbm>>
        %dma_start3A_64 = arith.constant 0 : i32
        %dma_start3A_65 = arith.constant 0 : i32
        %dma_start3A_66 = tpu.memref_slice %arg3[%add3A_33, %dma_start3A_64, %dma_start3A_65] : memref<320x2x512xi32, #tpu.memory_space<hbm>> -> memref<1x2x512xi32, #tpu.memory_space<hbm>>
        tpu.enqueue_dma source(%dma_start3A_66 : memref<1x2x512xi32, #tpu.memory_space<hbm>>) target(%arg7 : memref<1x2x512xi32, #tpu.memory_space<vmem>>) target_semaphore(%run_scoped3A_60 : memref<!tpu.dma_semaphore, #tpu.memory_space<semaphore_mem>>)
        %dma_wait3A_67 = arith.constant 0 : i32
        %dma_wait3A_68 = arith.constant 0 : i32
        %dma_wait3A_69 = tpu.memref_slice %arg3[%add3A_33, %dma_wait3A_67, %dma_wait3A_68] : memref<320x2x512xi32, #tpu.memory_space<hbm>> -> memref<1x2x512xi32, #tpu.memory_space<hbm>>
        %dma_wait3A_70 = arith.constant 0 : i32
        %dma_wait3A_71 = arith.constant 0 : i32
        %dma_wait3A_72 = tpu.memref_slice %arg3[%add3A_33, %dma_wait3A_70, %dma_wait3A_71] : memref<320x2x512xi32, #tpu.memory_space<hbm>> -> memref<1x2x512xi32, #tpu.memory_space<hbm>>
        tpu.wait_dma2 semaphore(%run_scoped3A_60 : memref<!tpu.dma_semaphore, #tpu.memory_space<semaphore_mem>>) src(%dma_wait3A_72 : memref<1x2x512xi32, #tpu.memory_space<hbm>>) dst(%arg7 : memref<1x2x512xi32, #tpu.memory_space<vmem>>)
        tpu.yield
      }) : () -> ()
      %dma_start3A_34 = arith.constant 0 : i32
      %dma_start3A_35 = arith.constant 0 : i32
      %dma_start3A_36 = arith.constant 0 : i32
      %dma_start3A_37 = tpu.memref_slice %arg7[%dma_start3A_34, %dma_start3A_35, %dma_start3A_36] : memref<1x2x512xi32, #tpu.memory_space<vmem>> -> memref<1x1x512xi32, #tpu.memory_space<vmem>>
      %dma_start3A_38 = tpu.memref_squeeze %dma_start3A_37 : memref<1x1x512xi32, #tpu.memory_space<vmem>> -> memref<512xi32, #tpu.memory_space<vmem>>
      %dma_start3A_39 = arith.constant 0 : i32
      %dma_start3A_40 = arith.constant 0 : i32
      %dma_start3A_41 = tpu.memref_slice %arg2[%dma_start3A_39, %dma_start3A_40] : memref<25088x16xf32, #tpu.memory_space<hbm>> -> memref<25088x16xf32, #tpu.memory_space<hbm>>
      tpu.enqueue_indirect_dma source(%dma_start3A_41 : memref<25088x16xf32, #tpu.memory_space<hbm>>) target(%arg9 : memref<512x16xf32, #tpu.memory_space<vmem>>) offsets(%dma_start3A_38 : memref<512xi32, #tpu.memory_space<vmem>>) semaphore(%arg12 : memref<!tpu.dma_semaphore, #tpu.memory_space<semaphore_mem>>)
      %dma_wait3A = arith.constant 0 : i32
      %dma_wait3A_42 = arith.constant 0 : i32
      %dma_wait3A_43 = arith.constant 0 : i32
      %dma_wait3A_44 = tpu.memref_slice %arg6[%dma_wait3A, %dma_wait3A_42, %dma_wait3A_43] : memref<1x2x512xi32, #tpu.memory_space<vmem>> -> memref<1x1x512xi32, #tpu.memory_space<vmem>>
      %dma_wait3A_45 = tpu.memref_squeeze %dma_wait3A_44 : memref<1x1x512xi32, #tpu.memory_space<vmem>> -> memref<512xi32, #tpu.memory_space<vmem>>
      %dma_wait3A_46 = arith.constant 0 : i32
      %dma_wait3A_47 = arith.constant 0 : i32
      %dma_wait3A_48 = tpu.memref_slice %arg2[%dma_wait3A_46, %dma_wait3A_47] : memref<25088x16xf32, #tpu.memory_space<hbm>> -> memref<25088x16xf32, #tpu.memory_space<hbm>>
      tpu.wait_indirect_dma semaphore(%arg11 : memref<!tpu.dma_semaphore, #tpu.memory_space<semaphore_mem>>) src(%dma_wait3A_48 : memref<25088x16xf32, #tpu.memory_space<hbm>>) dst(%arg8 : memref<512x16xf32, #tpu.memory_space<vmem>>)
      %run_scoped3A = arith.constant 0 : i32
      %run_scoped3A_49 = arith.constant 1 : i32
      "tpu.region"() ({
        %run_scoped3A_60 = tpu.sem_alloc : memref<!tpu.dma_semaphore, #tpu.memory_space<semaphore_mem>>
        %dma_start3A_61 = arith.constant 0 : i32
        %dma_start3A_62 = tpu.memref_slice %arg6[%run_scoped3A, %run_scoped3A_49, %dma_start3A_61] : memref<1x2x512xi32, #tpu.memory_space<vmem>> -> memref<1x1x512xi32, #tpu.memory_space<vmem>>
        %dma_start3A_63 = tpu.memref_squeeze %dma_start3A_62 : memref<1x1x512xi32, #tpu.memory_space<vmem>> -> memref<512xi32, #tpu.memory_space<vmem>>
        %dma_start3A_64 = arith.constant 0 : i32
        %dma_start3A_65 = arith.constant 0 : i32
        %dma_start3A_66 = tpu.memref_slice %arg10[%dma_start3A_64, %dma_start3A_65] : memref<50176x16xf32, #tpu.memory_space<vmem_shared>> -> memref<50176x16xf32, #tpu.memory_space<vmem_shared>>
        tpu.enqueue_indirect_dma source(%arg8 : memref<512x16xf32, #tpu.memory_space<vmem>>) target(%dma_start3A_66 : memref<50176x16xf32, #tpu.memory_space<vmem_shared>>) offsets(%dma_start3A_63 : memref<512xi32, #tpu.memory_space<vmem>>) semaphore(%run_scoped3A_60 : memref<!tpu.dma_semaphore, #tpu.memory_space<semaphore_mem>>) {add = true}
        %dma_wait3A_67 = arith.constant 0 : i32
        %dma_wait3A_68 = tpu.memref_slice %arg6[%run_scoped3A, %run_scoped3A_49, %dma_wait3A_67] : memref<1x2x512xi32, #tpu.memory_space<vmem>> -> memref<1x1x512xi32, #tpu.memory_space<vmem>>
        %dma_wait3A_69 = tpu.memref_squeeze %dma_wait3A_68 : memref<1x1x512xi32, #tpu.memory_space<vmem>> -> memref<512xi32, #tpu.memory_space<vmem>>
        %dma_wait3A_70 = arith.constant 0 : i32
        %dma_wait3A_71 = arith.constant 0 : i32
        %dma_wait3A_72 = tpu.memref_slice %arg10[%dma_wait3A_70, %dma_wait3A_71] : memref<50176x16xf32, #tpu.memory_space<vmem_shared>> -> memref<50176x16xf32, #tpu.memory_space<vmem_shared>>
        tpu.wait_indirect_dma semaphore(%run_scoped3A_60 : memref<!tpu.dma_semaphore, #tpu.memory_space<semaphore_mem>>) src(%arg8 : memref<512x16xf32, #tpu.memory_space<vmem>>) dst(%dma_wait3A_72 : memref<50176x16xf32, #tpu.memory_space<vmem_shared>>)
        tpu.yield
      }) : () -> ()
      %dma_wait3A_50 = arith.constant 0 : i32
      %dma_wait3A_51 = arith.constant 0 : i32
      %dma_wait3A_52 = arith.constant 0 : i32
      %dma_wait3A_53 = tpu.memref_slice %arg7[%dma_wait3A_50, %dma_wait3A_51, %dma_wait3A_52] : memref<1x2x512xi32, #tpu.memory_space<vmem>> -> memref<1x1x512xi32, #tpu.memory_space<vmem>>
      %dma_wait3A_54 = tpu.memref_squeeze %dma_wait3A_53 : memref<1x1x512xi32, #tpu.memory_space<vmem>> -> memref<512xi32, #tpu.memory_space<vmem>>
      %dma_wait3A_55 = arith.constant 0 : i32
      %dma_wait3A_56 = arith.constant 0 : i32
      %dma_wait3A_57 = tpu.memref_slice %arg2[%dma_wait3A_55, %dma_wait3A_56] : memref<25088x16xf32, #tpu.memory_space<hbm>> -> memref<25088x16xf32, #tpu.memory_space<hbm>>
      tpu.wait_indirect_dma semaphore(%arg12 : memref<!tpu.dma_semaphore, #tpu.memory_space<semaphore_mem>>) src(%dma_wait3A_57 : memref<25088x16xf32, #tpu.memory_space<hbm>>) dst(%arg9 : memref<512x16xf32, #tpu.memory_space<vmem>>)
      %run_scoped3A_58 = arith.constant 0 : i32
      %run_scoped3A_59 = arith.constant 1 : i32
      "tpu.region"() ({
        %run_scoped3A_60 = tpu.sem_alloc : memref<!tpu.dma_semaphore, #tpu.memory_space<semaphore_mem>>
        %dma_start3A_61 = arith.constant 0 : i32
        %dma_start3A_62 = tpu.memref_slice %arg7[%run_scoped3A_58, %run_scoped3A_59, %dma_start3A_61] : memref<1x2x512xi32, #tpu.memory_space<vmem>> -> memref<1x1x512xi32, #tpu.memory_space<vmem>>
        %dma_start3A_63 = tpu.memref_squeeze %dma_start3A_62 : memref<1x1x512xi32, #tpu.memory_space<vmem>> -> memref<512xi32, #tpu.memory_space<vmem>>
        %dma_start3A_64 = arith.constant 0 : i32
        %dma_start3A_65 = arith.constant 0 : i32
        %dma_start3A_66 = tpu.memref_slice %arg10[%dma_start3A_64, %dma_start3A_65] : memref<50176x16xf32, #tpu.memory_space<vmem_shared>> -> memref<50176x16xf32, #tpu.memory_space<vmem_shared>>
        tpu.enqueue_indirect_dma source(%arg9 : memref<512x16xf32, #tpu.memory_space<vmem>>) target(%dma_start3A_66 : memref<50176x16xf32, #tpu.memory_space<vmem_shared>>) offsets(%dma_start3A_63 : memref<512xi32, #tpu.memory_space<vmem>>) semaphore(%run_scoped3A_60 : memref<!tpu.dma_semaphore, #tpu.memory_space<semaphore_mem>>) {add = true}
        %dma_wait3A_67 = arith.constant 0 : i32
        %dma_wait3A_68 = tpu.memref_slice %arg7[%run_scoped3A_58, %run_scoped3A_59, %dma_wait3A_67] : memref<1x2x512xi32, #tpu.memory_space<vmem>> -> memref<1x1x512xi32, #tpu.memory_space<vmem>>
        %dma_wait3A_69 = tpu.memref_squeeze %dma_wait3A_68 : memref<1x1x512xi32, #tpu.memory_space<vmem>> -> memref<512xi32, #tpu.memory_space<vmem>>
        %dma_wait3A_70 = arith.constant 0 : i32
        %dma_wait3A_71 = arith.constant 0 : i32
        %dma_wait3A_72 = tpu.memref_slice %arg10[%dma_wait3A_70, %dma_wait3A_71] : memref<50176x16xf32, #tpu.memory_space<vmem_shared>> -> memref<50176x16xf32, #tpu.memory_space<vmem_shared>>
        tpu.wait_indirect_dma semaphore(%run_scoped3A_60 : memref<!tpu.dma_semaphore, #tpu.memory_space<semaphore_mem>>) src(%arg9 : memref<512x16xf32, #tpu.memory_space<vmem>>) dst(%dma_wait3A_72 : memref<50176x16xf32, #tpu.memory_space<vmem_shared>>)
        tpu.yield
      }) : () -> ()
    }
    %scan3A_8 = arith.constant 5 : i32
    %barrier3A_9 = arith.constant 0 : index
    tpu.barrier barrier_id(%barrier3A_9)
    %eq3A = arith.constant 0 : i32
    %eq3A_10 = arith.cmpi eq, %arg0, %eq3A : i32
    %convert_element_type3A = arith.extui %eq3A_10 : i1 to i32
    %cond3A = arith.constant 0 : i32
    %cond3A_11 = arith.cmpi ne, %convert_element_type3A, %cond3A : i32
    scf.if %cond3A_11 {
      %run_scoped3A = arith.constant 0 : i32
      "tpu.region"() ({
        %run_scoped3A_17 = tpu.sem_alloc : memref<!tpu.dma_semaphore, #tpu.memory_space<semaphore_mem>>
        %dma_start3A = arith.constant 0 : i32
        %dma_start3A_18 = arith.constant 0 : i32
        %dma_start3A_19 = tpu.memref_slice %arg5[%run_scoped3A, %dma_start3A, %dma_start3A_18] : memref<2x50176x16xf32, #tpu.memory_space<hbm>> -> memref<1x50176x16xf32, #tpu.memory_space<hbm>>
        %dma_start3A_20 = tpu.memref_squeeze %dma_start3A_19 : memref<1x50176x16xf32, #tpu.memory_space<hbm>> -> memref<50176x16xf32, #tpu.memory_space<hbm>>
        %dma_start3A_21 = arith.constant 0 : i32
        %dma_start3A_22 = tpu.memref_slice %dma_start3A_20[%mul3A_0, %dma_start3A_21] : memref<50176x16xf32, #tpu.memory_space<hbm>> -> memref<3136x16xf32, #tpu.memory_space<hbm>>
        %dma_start3A_23 = arith.constant 0 : i32
        %dma_start3A_24 = tpu.memref_slice %arg10[%mul3A_0, %dma_start3A_23] : memref<50176x16xf32, #tpu.memory_space<vmem_shared>> -> memref<3136x16xf32, #tpu.memory_space<vmem_shared>>
        tpu.enqueue_dma source(%dma_start3A_24 : memref<3136x16xf32, #tpu.memory_space<vmem_shared>>) target(%dma_start3A_22 : memref<3136x16xf32, #tpu.memory_space<hbm>>) target_semaphore(%run_scoped3A_17 : memref<!tpu.dma_semaphore, #tpu.memory_space<semaphore_mem>>)
        %dma_wait3A = arith.constant 0 : i32
        %dma_wait3A_25 = arith.constant 0 : i32
        %dma_wait3A_26 = tpu.memref_slice %arg5[%run_scoped3A, %dma_wait3A, %dma_wait3A_25] : memref<2x50176x16xf32, #tpu.memory_space<hbm>> -> memref<1x50176x16xf32, #tpu.memory_space<hbm>>
        %dma_wait3A_27 = tpu.memref_squeeze %dma_wait3A_26 : memref<1x50176x16xf32, #tpu.memory_space<hbm>> -> memref<50176x16xf32, #tpu.memory_space<hbm>>
        %dma_wait3A_28 = arith.constant 0 : i32
        %dma_wait3A_29 = tpu.memref_slice %dma_wait3A_27[%mul3A_0, %dma_wait3A_28] : memref<50176x16xf32, #tpu.memory_space<hbm>> -> memref<3136x16xf32, #tpu.memory_space<hbm>>
        %dma_wait3A_30 = arith.constant 0 : i32
        %dma_wait3A_31 = tpu.memref_slice %arg10[%mul3A_0, %dma_wait3A_30] : memref<50176x16xf32, #tpu.memory_space<vmem_shared>> -> memref<3136x16xf32, #tpu.memory_space<vmem_shared>>
        tpu.wait_dma2 semaphore(%run_scoped3A_17 : memref<!tpu.dma_semaphore, #tpu.memory_space<semaphore_mem>>) src(%dma_wait3A_31 : memref<3136x16xf32, #tpu.memory_space<vmem_shared>>) dst(%dma_wait3A_29 : memref<3136x16xf32, #tpu.memory_space<hbm>>)
        tpu.yield
      }) : () -> ()
    } else {
    }
    %eq3A_12 = arith.constant 1 : i32
    %eq3A_13 = arith.cmpi eq, %arg0, %eq3A_12 : i32
    %convert_element_type3A_14 = arith.extui %eq3A_13 : i1 to i32
    %cond3A_15 = arith.constant 0 : i32
    %cond3A_16 = arith.cmpi ne, %convert_element_type3A_14, %cond3A_15 : i32
    scf.if %cond3A_16 {
      %run_scoped3A = arith.constant 1 : i32
      "tpu.region"() ({
        %run_scoped3A_17 = tpu.sem_alloc : memref<!tpu.dma_semaphore, #tpu.memory_space<semaphore_mem>>
        %dma_start3A = arith.constant 0 : i32
        %dma_start3A_18 = arith.constant 0 : i32
        %dma_start3A_19 = tpu.memref_slice %arg5[%run_scoped3A, %dma_start3A, %dma_start3A_18] : memref<2x50176x16xf32, #tpu.memory_space<hbm>> -> memref<1x50176x16xf32, #tpu.memory_space<hbm>>
        %dma_start3A_20 = tpu.memref_squeeze %dma_start3A_19 : memref<1x50176x16xf32, #tpu.memory_space<hbm>> -> memref<50176x16xf32, #tpu.memory_space<hbm>>
        %dma_start3A_21 = arith.constant 0 : i32
        %dma_start3A_22 = tpu.memref_slice %dma_start3A_20[%mul3A_0, %dma_start3A_21] : memref<50176x16xf32, #tpu.memory_space<hbm>> -> memref<3136x16xf32, #tpu.memory_space<hbm>>
        %dma_start3A_23 = arith.constant 0 : i32
        %dma_start3A_24 = tpu.memref_slice %arg10[%mul3A_0, %dma_start3A_23] : memref<50176x16xf32, #tpu.memory_space<vmem_shared>> -> memref<3136x16xf32, #tpu.memory_space<vmem_shared>>
        tpu.enqueue_dma source(%dma_start3A_24 : memref<3136x16xf32, #tpu.memory_space<vmem_shared>>) target(%dma_start3A_22 : memref<3136x16xf32, #tpu.memory_space<hbm>>) target_semaphore(%run_scoped3A_17 : memref<!tpu.dma_semaphore, #tpu.memory_space<semaphore_mem>>)
        %dma_wait3A = arith.constant 0 : i32
        %dma_wait3A_25 = arith.constant 0 : i32
        %dma_wait3A_26 = tpu.memref_slice %arg5[%run_scoped3A, %dma_wait3A, %dma_wait3A_25] : memref<2x50176x16xf32, #tpu.memory_space<hbm>> -> memref<1x50176x16xf32, #tpu.memory_space<hbm>>
        %dma_wait3A_27 = tpu.memref_squeeze %dma_wait3A_26 : memref<1x50176x16xf32, #tpu.memory_space<hbm>> -> memref<50176x16xf32, #tpu.memory_space<hbm>>
        %dma_wait3A_28 = arith.constant 0 : i32
        %dma_wait3A_29 = tpu.memref_slice %dma_wait3A_27[%mul3A_0, %dma_wait3A_28] : memref<50176x16xf32, #tpu.memory_space<hbm>> -> memref<3136x16xf32, #tpu.memory_space<hbm>>
        %dma_wait3A_30 = arith.constant 0 : i32
        %dma_wait3A_31 = tpu.memref_slice %arg10[%mul3A_0, %dma_wait3A_30] : memref<50176x16xf32, #tpu.memory_space<vmem_shared>> -> memref<3136x16xf32, #tpu.memory_space<vmem_shared>>
        tpu.wait_dma2 semaphore(%run_scoped3A_17 : memref<!tpu.dma_semaphore, #tpu.memory_space<semaphore_mem>>) src(%dma_wait3A_31 : memref<3136x16xf32, #tpu.memory_space<vmem_shared>>) dst(%dma_wait3A_29 : memref<3136x16xf32, #tpu.memory_space<hbm>>)
        tpu.yield
      }) : () -> ()
    } else {
    }
    return
  }
}

module attributes {stable_mosaic.version = 14 : i64} {
  func.func @body(%arg0: i32, %arg1: memref<512x16xf32, #tpu.memory_space<vmem>>, %arg2: memref<512x16xf32, #tpu.memory_space<vmem>>, %arg3: memref<512x16xf32, #tpu.memory_space<vmem>>, %arg4: memref<16x256xf32, #tpu.memory_space<vmem>>, %arg5: memref<16x256xf32, #tpu.memory_space<vmem>>, %arg6: memref<1x256xf32, #tpu.memory_space<vmem>>, %arg7: memref<16x256xf32, #tpu.memory_space<vmem>>, %arg8: memref<64x256xf32, #tpu.memory_space<vmem>>, %arg9: memref<16x256xf32, #tpu.memory_space<vmem>>, %arg10: memref<1x256xf32, #tpu.memory_space<vmem>>, %arg11: memref<512x64xbf16, #tpu.memory_space<vmem>>, %arg12: memref<512x64xbf16, #tpu.memory_space<vmem>>) attributes {dimension_semantics = [#tpu.dimension_semantics<arbitrary>], iteration_bounds = array<i64: 49>, scalar_prefetch = 0 : i64, scratch_operands = 0 : i64, tpu.core_type = #tpu.core_type<tc>, window_params = [{transform_indices = @transform_0, window_bounds = array<i64: 512, 16>}, {transform_indices = @transform_1, window_bounds = array<i64: 512, 16>}, {transform_indices = @transform_2, window_bounds = array<i64: 512, 16>}, {pipeline_mode = #tpu.pipeline_mode<synchronous>, transform_indices = @transform_3, window_bounds = array<i64: 16, 256>}, {pipeline_mode = #tpu.pipeline_mode<synchronous>, transform_indices = @transform_4, window_bounds = array<i64: 16, 256>}, {pipeline_mode = #tpu.pipeline_mode<synchronous>, transform_indices = @transform_5, window_bounds = array<i64: 1, 256>}, {pipeline_mode = #tpu.pipeline_mode<synchronous>, transform_indices = @transform_6, window_bounds = array<i64: 16, 256>}, {pipeline_mode = #tpu.pipeline_mode<synchronous>, transform_indices = @transform_7, window_bounds = array<i64: 64, 256>}, {pipeline_mode = #tpu.pipeline_mode<synchronous>, transform_indices = @transform_8, window_bounds = array<i64: 16, 256>}, {pipeline_mode = #tpu.pipeline_mode<synchronous>, transform_indices = @transform_9, window_bounds = array<i64: 1, 256>}, {transform_indices = @transform_10, window_bounds = array<i64: 512, 64>}, {transform_indices = @transform_11, window_bounds = array<i64: 512, 64>}]} {
    %get3A = arith.constant 0 : index
    %get3A_0 = arith.constant 0 : index
    %get3A_1 = vector.load %arg1[%get3A, %get3A_0] : memref<512x16xf32, #tpu.memory_space<vmem>>, vector<512x16xf32>
    %get3A_2 = arith.constant 0 : index
    %get3A_3 = arith.constant 0 : index
    %get3A_4 = vector.load %arg2[%get3A_2, %get3A_3] : memref<512x16xf32, #tpu.memory_space<vmem>>, vector<512x16xf32>
    %get3A_5 = arith.constant 0 : index
    %get3A_6 = arith.constant 0 : index
    %get3A_7 = vector.load %arg3[%get3A_5, %get3A_6] : memref<512x16xf32, #tpu.memory_space<vmem>>, vector<512x16xf32>
    %add3A = arith.addf %get3A_4, %get3A_7 : vector<512x16xf32>
    %slice3A = vector.extract_strided_slice %add3A {offsets = [0, 5], sizes = [512, 1], strides = [1, 1]} : vector<512x16xf32> to vector<512x1xf32>
    %max3A = arith.constant 1.000000e+00 : f32
    %max3A_8 = vector.broadcast %max3A : f32 to vector<512x1xf32>
    %max3A_9 = arith.maximumf %slice3A, %max3A_8 : vector<512x1xf32>
    %div3A = arith.constant 1.000000e+00 : f32
    %div3A_10 = vector.broadcast %div3A : f32 to vector<512x1xf32>
    %div3A_11 = arith.divf %div3A_10, %max3A_9 : vector<512x1xf32>
    %mul3A = vector.broadcast %div3A_11 : vector<512x1xf32> to vector<512x16xf32>
    %mul3A_12 = arith.mulf %add3A, %mul3A : vector<512x16xf32>
    %get3A_13 = arith.constant 0 : index
    %get3A_14 = arith.constant 0 : index
    %get3A_15 = vector.load %arg4[%get3A_13, %get3A_14] : memref<16x256xf32, #tpu.memory_space<vmem>>, vector<16x256xf32>
    %dot_general3A = arith.constant dense<0.000000e+00> : vector<512x256xf32>
    %dot_general3A_16 = tpu.matmul %get3A_1, %get3A_15, %dot_general3A {dimension_numbers = #tpu.dot_dimension_numbers<[1], [0], [0], [1], [0, 0, 1, 1], [], []>, transpose_lhs_hint = false} : vector<512x16xf32>, vector<16x256xf32>, vector<512x256xf32> -> vector<512x256xf32>
    %get3A_17 = arith.constant 0 : index
    %get3A_18 = arith.constant 0 : index
    %get3A_19 = vector.load %arg5[%get3A_17, %get3A_18] : memref<16x256xf32, #tpu.memory_space<vmem>>, vector<16x256xf32>
    %dot_general3A_20 = arith.constant dense<0.000000e+00> : vector<512x256xf32>
    %dot_general3A_21 = tpu.matmul %mul3A_12, %get3A_19, %dot_general3A_20 {dimension_numbers = #tpu.dot_dimension_numbers<[1], [0], [0], [1], [0, 0, 1, 1], [], []>, transpose_lhs_hint = false} : vector<512x16xf32>, vector<16x256xf32>, vector<512x256xf32> -> vector<512x256xf32>
    %add3A_22 = arith.addf %dot_general3A_16, %dot_general3A_21 : vector<512x256xf32>
    %get3A_23 = arith.constant 0 : index
    %get3A_24 = arith.constant 0 : index
    %get3A_25 = vector.load %arg6[%get3A_23, %get3A_24] : memref<1x256xf32, #tpu.memory_space<vmem>>, vector<1x256xf32>
    %add3A_26 = vector.broadcast %get3A_25 : vector<1x256xf32> to vector<512x256xf32>
    %add3A_27 = arith.addf %add3A_22, %add3A_26 : vector<512x256xf32>
    %slice3A_28 = vector.extract_strided_slice %add3A_27 {offsets = [0, 0], sizes = [512, 64], strides = [1, 1]} : vector<512x256xf32> to vector<512x64xf32>
    %logistic3A = arith.negf %slice3A_28 : vector<512x64xf32>
    %logistic3A_29 = math.exp %logistic3A : vector<512x64xf32>
    %logistic3A_30 = arith.constant 1.000000e+00 : f32
    %logistic3A_31 = vector.broadcast %logistic3A_30 : f32 to vector<512x64xf32>
    %logistic3A_32 = arith.addf %logistic3A_31, %logistic3A_29 : vector<512x64xf32>
    %logistic3A_33 = arith.divf %logistic3A_31, %logistic3A_32 : vector<512x64xf32>
    %slice3A_34 = vector.extract_strided_slice %add3A_27 {offsets = [0, 128], sizes = [512, 64], strides = [1, 1]} : vector<512x256xf32> to vector<512x64xf32>
    %tanh3A = math.tanh %slice3A_34 : vector<512x64xf32>
    %slice3A_35 = vector.extract_strided_slice %add3A_27 {offsets = [0, 192], sizes = [512, 64], strides = [1, 1]} : vector<512x256xf32> to vector<512x64xf32>
    %logistic3A_36 = arith.negf %slice3A_35 : vector<512x64xf32>
    %logistic3A_37 = math.exp %logistic3A_36 : vector<512x64xf32>
    %logistic3A_38 = arith.constant 1.000000e+00 : f32
    %logistic3A_39 = vector.broadcast %logistic3A_38 : f32 to vector<512x64xf32>
    %logistic3A_40 = arith.addf %logistic3A_39, %logistic3A_37 : vector<512x64xf32>
    %logistic3A_41 = arith.divf %logistic3A_39, %logistic3A_40 : vector<512x64xf32>
    %mul3A_42 = arith.mulf %logistic3A_33, %tanh3A : vector<512x64xf32>
    %tanh3A_43 = math.tanh %mul3A_42 : vector<512x64xf32>
    %mul3A_44 = arith.mulf %logistic3A_41, %tanh3A_43 : vector<512x64xf32>
    %get3A_45 = arith.constant 0 : index
    %get3A_46 = arith.constant 0 : index
    %get3A_47 = vector.load %arg7[%get3A_45, %get3A_46] : memref<16x256xf32, #tpu.memory_space<vmem>>, vector<16x256xf32>
    %dot_general3A_48 = arith.constant dense<0.000000e+00> : vector<512x256xf32>
    %dot_general3A_49 = tpu.matmul %get3A_1, %get3A_47, %dot_general3A_48 {dimension_numbers = #tpu.dot_dimension_numbers<[1], [0], [0], [1], [0, 0, 1, 1], [], []>, transpose_lhs_hint = false} : vector<512x16xf32>, vector<16x256xf32>, vector<512x256xf32> -> vector<512x256xf32>
    %get3A_50 = arith.constant 0 : index
    %get3A_51 = arith.constant 0 : index
    %get3A_52 = vector.load %arg8[%get3A_50, %get3A_51] : memref<64x256xf32, #tpu.memory_space<vmem>>, vector<64x256xf32>
    %dot_general3A_53 = arith.constant dense<0.000000e+00> : vector<512x256xf32>
    %dot_general3A_54 = tpu.matmul %mul3A_44, %get3A_52, %dot_general3A_53 {dimension_numbers = #tpu.dot_dimension_numbers<[1], [0], [0], [1], [0, 0, 1, 1], [], []>, transpose_lhs_hint = false} : vector<512x64xf32>, vector<64x256xf32>, vector<512x256xf32> -> vector<512x256xf32>
    %add3A_55 = arith.addf %dot_general3A_49, %dot_general3A_54 : vector<512x256xf32>
    %get3A_56 = arith.constant 0 : index
    %get3A_57 = arith.constant 0 : index
    %get3A_58 = vector.load %arg9[%get3A_56, %get3A_57] : memref<16x256xf32, #tpu.memory_space<vmem>>, vector<16x256xf32>
    %dot_general3A_59 = arith.constant dense<0.000000e+00> : vector<512x256xf32>
    %dot_general3A_60 = tpu.matmul %mul3A_12, %get3A_58, %dot_general3A_59 {dimension_numbers = #tpu.dot_dimension_numbers<[1], [0], [0], [1], [0, 0, 1, 1], [], []>, transpose_lhs_hint = false} : vector<512x16xf32>, vector<16x256xf32>, vector<512x256xf32> -> vector<512x256xf32>
    %add3A_61 = arith.addf %add3A_55, %dot_general3A_60 : vector<512x256xf32>
    %get3A_62 = arith.constant 0 : index
    %get3A_63 = arith.constant 0 : index
    %get3A_64 = vector.load %arg10[%get3A_62, %get3A_63] : memref<1x256xf32, #tpu.memory_space<vmem>>, vector<1x256xf32>
    %add3A_65 = vector.broadcast %get3A_64 : vector<1x256xf32> to vector<512x256xf32>
    %add3A_66 = arith.addf %add3A_61, %add3A_65 : vector<512x256xf32>
    %slice3A_67 = vector.extract_strided_slice %add3A_66 {offsets = [0, 0], sizes = [512, 64], strides = [1, 1]} : vector<512x256xf32> to vector<512x64xf32>
    %logistic3A_68 = arith.negf %slice3A_67 : vector<512x64xf32>
    %logistic3A_69 = math.exp %logistic3A_68 : vector<512x64xf32>
    %logistic3A_70 = arith.constant 1.000000e+00 : f32
    %logistic3A_71 = vector.broadcast %logistic3A_70 : f32 to vector<512x64xf32>
    %logistic3A_72 = arith.addf %logistic3A_71, %logistic3A_69 : vector<512x64xf32>
    %logistic3A_73 = arith.divf %logistic3A_71, %logistic3A_72 : vector<512x64xf32>
    %slice3A_74 = vector.extract_strided_slice %add3A_66 {offsets = [0, 64], sizes = [512, 64], strides = [1, 1]} : vector<512x256xf32> to vector<512x64xf32>
    %logistic3A_75 = arith.negf %slice3A_74 : vector<512x64xf32>
    %logistic3A_76 = math.exp %logistic3A_75 : vector<512x64xf32>
    %logistic3A_77 = arith.constant 1.000000e+00 : f32
    %logistic3A_78 = vector.broadcast %logistic3A_77 : f32 to vector<512x64xf32>
    %logistic3A_79 = arith.addf %logistic3A_78, %logistic3A_76 : vector<512x64xf32>
    %logistic3A_80 = arith.divf %logistic3A_78, %logistic3A_79 : vector<512x64xf32>
    %slice3A_81 = vector.extract_strided_slice %add3A_66 {offsets = [0, 128], sizes = [512, 64], strides = [1, 1]} : vector<512x256xf32> to vector<512x64xf32>
    %tanh3A_82 = math.tanh %slice3A_81 : vector<512x64xf32>
    %slice3A_83 = vector.extract_strided_slice %add3A_66 {offsets = [0, 192], sizes = [512, 64], strides = [1, 1]} : vector<512x256xf32> to vector<512x64xf32>
    %logistic3A_84 = arith.negf %slice3A_83 : vector<512x64xf32>
    %logistic3A_85 = math.exp %logistic3A_84 : vector<512x64xf32>
    %logistic3A_86 = arith.constant 1.000000e+00 : f32
    %logistic3A_87 = vector.broadcast %logistic3A_86 : f32 to vector<512x64xf32>
    %logistic3A_88 = arith.addf %logistic3A_87, %logistic3A_85 : vector<512x64xf32>
    %logistic3A_89 = arith.divf %logistic3A_87, %logistic3A_88 : vector<512x64xf32>
    %mul3A_90 = arith.mulf %logistic3A_80, %mul3A_42 : vector<512x64xf32>
    %mul3A_91 = arith.mulf %logistic3A_73, %tanh3A_82 : vector<512x64xf32>
    %add3A_92 = arith.addf %mul3A_90, %mul3A_91 : vector<512x64xf32>
    %tanh3A_93 = math.tanh %add3A_92 : vector<512x64xf32>
    %mul3A_94 = arith.mulf %logistic3A_89, %tanh3A_93 : vector<512x64xf32>
    %slice3A_95 = vector.extract_strided_slice %mul3A_44 {offsets = [0, 0], sizes = [512, 32], strides = [1, 1]} : vector<512x64xf32> to vector<512x32xf32>
    %slice3A_96 = vector.extract_strided_slice %mul3A_94 {offsets = [0, 0], sizes = [512, 32], strides = [1, 1]} : vector<512x64xf32> to vector<512x32xf32>
    %concatenate3A = tpu.concatenate %slice3A_95, %slice3A_96 in 1 : vector<512x32xf32>, vector<512x32xf32> -> vector<512x64xf32>
    %convert_element_type3A = arith.truncf %concatenate3A : vector<512x64xf32> to vector<512x64xbf16>
    %swap3A = arith.constant 0 : index
    %swap3A_97 = arith.constant 0 : index
    %swap3A_98 = vector.load %arg11[%swap3A, %swap3A_97] : memref<512x64xbf16, #tpu.memory_space<vmem>>, vector<512x64xbf16>
    tpu.vector_store %arg11[%swap3A, %swap3A_97], %convert_element_type3A {strides = array<i32>} : memref<512x64xbf16, #tpu.memory_space<vmem>>, vector<512x64xbf16>,
    %slice3A_99 = vector.extract_strided_slice %mul3A_44 {offsets = [0, 32], sizes = [512, 32], strides = [1, 1]} : vector<512x64xf32> to vector<512x32xf32>
    %slice3A_100 = vector.extract_strided_slice %mul3A_94 {offsets = [0, 32], sizes = [512, 32], strides = [1, 1]} : vector<512x64xf32> to vector<512x32xf32>
    %concatenate3A_101 = tpu.concatenate %slice3A_99, %slice3A_100 in 1 : vector<512x32xf32>, vector<512x32xf32> -> vector<512x64xf32>
    %convert_element_type3A_102 = arith.truncf %concatenate3A_101 : vector<512x64xf32> to vector<512x64xbf16>
    %swap3A_103 = arith.constant 0 : index
    %swap3A_104 = arith.constant 0 : index
    %swap3A_105 = vector.load %arg12[%swap3A_103, %swap3A_104] : memref<512x64xbf16, #tpu.memory_space<vmem>>, vector<512x64xbf16>
    tpu.vector_store %arg12[%swap3A_103, %swap3A_104], %convert_element_type3A_102 {strides = array<i32>} : memref<512x64xbf16, #tpu.memory_space<vmem>>, vector<512x64xbf16>,
    return
  }
  func.func @transform_0(%arg0: i32) -> (i32, i32) {
    %c0_i32 = arith.constant 0 : i32
    %c0_i32_0 = arith.constant 0 : i32
    return %arg0, %c0_i32 : i32, i32
  }
  func.func @transform_1(%arg0: i32) -> (i32, i32) {
    %c0_i32 = arith.constant 0 : i32
    %c0_i32_0 = arith.constant 0 : i32
    return %arg0, %c0_i32 : i32, i32
  }
  func.func @transform_2(%arg0: i32) -> (i32, i32) {
    %c0_i32 = arith.constant 0 : i32
    %c0_i32_0 = arith.constant 0 : i32
    return %arg0, %c0_i32 : i32, i32
  }
  func.func @transform_3(%arg0: i32) -> (i32, i32) {
    %c0_i32 = arith.constant 0 : i32
    %c0_i32_0 = arith.constant 0 : i32
    %c0_i32_1 = arith.constant 0 : i32
    return %c0_i32, %c0_i32_0 : i32, i32
  }
  func.func @transform_4(%arg0: i32) -> (i32, i32) {
    %c0_i32 = arith.constant 0 : i32
    %c0_i32_0 = arith.constant 0 : i32
    %c0_i32_1 = arith.constant 0 : i32
    return %c0_i32, %c0_i32_0 : i32, i32
  }
  func.func @transform_5(%arg0: i32) -> (i32, i32) {
    %c0_i32 = arith.constant 0 : i32
    %c0_i32_0 = arith.constant 0 : i32
    %c0_i32_1 = arith.constant 0 : i32
    return %c0_i32, %c0_i32_0 : i32, i32
  }
  func.func @transform_6(%arg0: i32) -> (i32, i32) {
    %c0_i32 = arith.constant 0 : i32
    %c0_i32_0 = arith.constant 0 : i32
    %c0_i32_1 = arith.constant 0 : i32
    return %c0_i32, %c0_i32_0 : i32, i32
  }
  func.func @transform_7(%arg0: i32) -> (i32, i32) {
    %c0_i32 = arith.constant 0 : i32
    %c0_i32_0 = arith.constant 0 : i32
    %c0_i32_1 = arith.constant 0 : i32
    return %c0_i32, %c0_i32_0 : i32, i32
  }
  func.func @transform_8(%arg0: i32) -> (i32, i32) {
    %c0_i32 = arith.constant 0 : i32
    %c0_i32_0 = arith.constant 0 : i32
    %c0_i32_1 = arith.constant 0 : i32
    return %c0_i32, %c0_i32_0 : i32, i32
  }
  func.func @transform_9(%arg0: i32) -> (i32, i32) {
    %c0_i32 = arith.constant 0 : i32
    %c0_i32_0 = arith.constant 0 : i32
    %c0_i32_1 = arith.constant 0 : i32
    return %c0_i32, %c0_i32_0 : i32, i32
  }
  func.func @transform_10(%arg0: i32) -> (i32, i32) {
    %c0_i32 = arith.constant 0 : i32
    %c0_i32_0 = arith.constant 0 : i32
    return %arg0, %c0_i32 : i32, i32
  }
  func.func @transform_11(%arg0: i32) -> (i32, i32) {
    %c0_i32 = arith.constant 0 : i32
    %c0_i32_0 = arith.constant 0 : i32
    return %arg0, %c0_i32 : i32, i32
  }
}

module attributes {stable_mosaic.version = 14 : i64} {
  func.func @body(%arg0: i32, %arg1: memref<512x16xf32, #tpu.memory_space<vmem>>, %arg2: memref<512x16xf32, #tpu.memory_space<vmem>>, %arg3: memref<512x16xf32, #tpu.memory_space<vmem>>, %arg4: memref<512x16xf32, #tpu.memory_space<vmem>>, %arg5: memref<512x16xf32, #tpu.memory_space<vmem>>, %arg6: memref<16x256xf32, #tpu.memory_space<vmem>>, %arg7: memref<16x256xf32, #tpu.memory_space<vmem>>, %arg8: memref<16x256xf32, #tpu.memory_space<vmem>>, %arg9: memref<1x256xf32, #tpu.memory_space<vmem>>, %arg10: memref<16x256xf32, #tpu.memory_space<vmem>>, %arg11: memref<64x256xf32, #tpu.memory_space<vmem>>, %arg12: memref<16x256xf32, #tpu.memory_space<vmem>>, %arg13: memref<16x256xf32, #tpu.memory_space<vmem>>, %arg14: memref<1x256xf32, #tpu.memory_space<vmem>>, %arg15: memref<512x64xbf16, #tpu.memory_space<vmem>>, %arg16: memref<512x64xbf16, #tpu.memory_space<vmem>>) attributes {dimension_semantics = [#tpu.dimension_semantics<arbitrary>], iteration_bounds = array<i64: 98>, scalar_prefetch = 0 : i64, scratch_operands = 0 : i64, tpu.core_type = #tpu.core_type<tc>, window_params = [{transform_indices = @transform_0, window_bounds = array<i64: 512, 16>}, {transform_indices = @transform_1, window_bounds = array<i64: 512, 16>}, {transform_indices = @transform_2, window_bounds = array<i64: 512, 16>}, {transform_indices = @transform_3, window_bounds = array<i64: 512, 16>}, {transform_indices = @transform_4, window_bounds = array<i64: 512, 16>}, {pipeline_mode = #tpu.pipeline_mode<synchronous>, transform_indices = @transform_5, window_bounds = array<i64: 16, 256>}, {pipeline_mode = #tpu.pipeline_mode<synchronous>, transform_indices = @transform_6, window_bounds = array<i64: 16, 256>}, {pipeline_mode = #tpu.pipeline_mode<synchronous>, transform_indices = @transform_7, window_bounds = array<i64: 16, 256>}, {pipeline_mode = #tpu.pipeline_mode<synchronous>, transform_indices = @transform_8, window_bounds = array<i64: 1, 256>}, {pipeline_mode = #tpu.pipeline_mode<synchronous>, transform_indices = @transform_9, window_bounds = array<i64: 16, 256>}, {pipeline_mode = #tpu.pipeline_mode<synchronous>, transform_indices = @transform_10, window_bounds = array<i64: 64, 256>}, {pipeline_mode = #tpu.pipeline_mode<synchronous>, transform_indices = @transform_11, window_bounds = array<i64: 16, 256>}, {pipeline_mode = #tpu.pipeline_mode<synchronous>, transform_indices = @transform_12, window_bounds = array<i64: 16, 256>}, {pipeline_mode = #tpu.pipeline_mode<synchronous>, transform_indices = @transform_13, window_bounds = array<i64: 1, 256>}, {transform_indices = @transform_14, window_bounds = array<i64: 512, 64>}, {transform_indices = @transform_15, window_bounds = array<i64: 512, 64>}]} {
    %get3A = arith.constant 0 : index
    %get3A_0 = arith.constant 0 : index
    %get3A_1 = vector.load %arg1[%get3A, %get3A_0] : memref<512x16xf32, #tpu.memory_space<vmem>>, vector<512x16xf32>
    %get3A_2 = arith.constant 0 : index
    %get3A_3 = arith.constant 0 : index
    %get3A_4 = vector.load %arg2[%get3A_2, %get3A_3] : memref<512x16xf32, #tpu.memory_space<vmem>>, vector<512x16xf32>
    %get3A_5 = arith.constant 0 : index
    %get3A_6 = arith.constant 0 : index
    %get3A_7 = vector.load %arg3[%get3A_5, %get3A_6] : memref<512x16xf32, #tpu.memory_space<vmem>>, vector<512x16xf32>
    %add3A = arith.addf %get3A_4, %get3A_7 : vector<512x16xf32>
    %slice3A = vector.extract_strided_slice %add3A {offsets = [0, 5], sizes = [512, 1], strides = [1, 1]} : vector<512x16xf32> to vector<512x1xf32>
    %max3A = arith.constant 1.000000e+00 : f32
    %max3A_8 = vector.broadcast %max3A : f32 to vector<512x1xf32>
    %max3A_9 = arith.maximumf %slice3A, %max3A_8 : vector<512x1xf32>
    %div3A = arith.constant 1.000000e+00 : f32
    %div3A_10 = vector.broadcast %div3A : f32 to vector<512x1xf32>
    %div3A_11 = arith.divf %div3A_10, %max3A_9 : vector<512x1xf32>
    %mul3A = vector.broadcast %div3A_11 : vector<512x1xf32> to vector<512x16xf32>
    %mul3A_12 = arith.mulf %add3A, %mul3A : vector<512x16xf32>
    %get3A_13 = arith.constant 0 : index
    %get3A_14 = arith.constant 0 : index
    %get3A_15 = vector.load %arg4[%get3A_13, %get3A_14] : memref<512x16xf32, #tpu.memory_space<vmem>>, vector<512x16xf32>
    %get3A_16 = arith.constant 0 : index
    %get3A_17 = arith.constant 0 : index
    %get3A_18 = vector.load %arg5[%get3A_16, %get3A_17] : memref<512x16xf32, #tpu.memory_space<vmem>>, vector<512x16xf32>
    %add3A_19 = arith.addf %get3A_15, %get3A_18 : vector<512x16xf32>
    %slice3A_20 = vector.extract_strided_slice %add3A_19 {offsets = [0, 8], sizes = [512, 1], strides = [1, 1]} : vector<512x16xf32> to vector<512x1xf32>
    %max3A_21 = arith.constant 1.000000e+00 : f32
    %max3A_22 = vector.broadcast %max3A_21 : f32 to vector<512x1xf32>
    %max3A_23 = arith.maximumf %slice3A_20, %max3A_22 : vector<512x1xf32>
    %div3A_24 = arith.constant 1.000000e+00 : f32
    %div3A_25 = vector.broadcast %div3A_24 : f32 to vector<512x1xf32>
    %div3A_26 = arith.divf %div3A_25, %max3A_23 : vector<512x1xf32>
    %mul3A_27 = vector.broadcast %div3A_26 : vector<512x1xf32> to vector<512x16xf32>
    %mul3A_28 = arith.mulf %add3A_19, %mul3A_27 : vector<512x16xf32>
    %get3A_29 = arith.constant 0 : index
    %get3A_30 = arith.constant 0 : index
    %get3A_31 = vector.load %arg6[%get3A_29, %get3A_30] : memref<16x256xf32, #tpu.memory_space<vmem>>, vector<16x256xf32>
    %dot_general3A = arith.constant dense<0.000000e+00> : vector<512x256xf32>
    %dot_general3A_32 = tpu.matmul %get3A_1, %get3A_31, %dot_general3A {dimension_numbers = #tpu.dot_dimension_numbers<[1], [0], [0], [1], [0, 0, 1, 1], [], []>, transpose_lhs_hint = false} : vector<512x16xf32>, vector<16x256xf32>, vector<512x256xf32> -> vector<512x256xf32>
    %get3A_33 = arith.constant 0 : index
    %get3A_34 = arith.constant 0 : index
    %get3A_35 = vector.load %arg7[%get3A_33, %get3A_34] : memref<16x256xf32, #tpu.memory_space<vmem>>, vector<16x256xf32>
    %dot_general3A_36 = arith.constant dense<0.000000e+00> : vector<512x256xf32>
    %dot_general3A_37 = tpu.matmul %mul3A_12, %get3A_35, %dot_general3A_36 {dimension_numbers = #tpu.dot_dimension_numbers<[1], [0], [0], [1], [0, 0, 1, 1], [], []>, transpose_lhs_hint = false} : vector<512x16xf32>, vector<16x256xf32>, vector<512x256xf32> -> vector<512x256xf32>
    %add3A_38 = arith.addf %dot_general3A_32, %dot_general3A_37 : vector<512x256xf32>
    %get3A_39 = arith.constant 0 : index
    %get3A_40 = arith.constant 0 : index
    %get3A_41 = vector.load %arg8[%get3A_39, %get3A_40] : memref<16x256xf32, #tpu.memory_space<vmem>>, vector<16x256xf32>
    %dot_general3A_42 = arith.constant dense<0.000000e+00> : vector<512x256xf32>
    %dot_general3A_43 = tpu.matmul %mul3A_28, %get3A_41, %dot_general3A_42 {dimension_numbers = #tpu.dot_dimension_numbers<[1], [0], [0], [1], [0, 0, 1, 1], [], []>, transpose_lhs_hint = false} : vector<512x16xf32>, vector<16x256xf32>, vector<512x256xf32> -> vector<512x256xf32>
    %add3A_44 = arith.addf %add3A_38, %dot_general3A_43 : vector<512x256xf32>
    %get3A_45 = arith.constant 0 : index
    %get3A_46 = arith.constant 0 : index
    %get3A_47 = vector.load %arg9[%get3A_45, %get3A_46] : memref<1x256xf32, #tpu.memory_space<vmem>>, vector<1x256xf32>
    %add3A_48 = vector.broadcast %get3A_47 : vector<1x256xf32> to vector<512x256xf32>
    %add3A_49 = arith.addf %add3A_44, %add3A_48 : vector<512x256xf32>
    %slice3A_50 = vector.extract_strided_slice %add3A_49 {offsets = [0, 0], sizes = [512, 64], strides = [1, 1]} : vector<512x256xf32> to vector<512x64xf32>
    %logistic3A = arith.negf %slice3A_50 : vector<512x64xf32>
    %logistic3A_51 = math.exp %logistic3A : vector<512x64xf32>
    %logistic3A_52 = arith.constant 1.000000e+00 : f32
    %logistic3A_53 = vector.broadcast %logistic3A_52 : f32 to vector<512x64xf32>
    %logistic3A_54 = arith.addf %logistic3A_53, %logistic3A_51 : vector<512x64xf32>
    %logistic3A_55 = arith.divf %logistic3A_53, %logistic3A_54 : vector<512x64xf32>
    %slice3A_56 = vector.extract_strided_slice %add3A_49 {offsets = [0, 128], sizes = [512, 64], strides = [1, 1]} : vector<512x256xf32> to vector<512x64xf32>
    %tanh3A = math.tanh %slice3A_56 : vector<512x64xf32>
    %slice3A_57 = vector.extract_strided_slice %add3A_49 {offsets = [0, 192], sizes = [512, 64], strides = [1, 1]} : vector<512x256xf32> to vector<512x64xf32>
    %logistic3A_58 = arith.negf %slice3A_57 : vector<512x64xf32>
    %logistic3A_59 = math.exp %logistic3A_58 : vector<512x64xf32>
    %logistic3A_60 = arith.constant 1.000000e+00 : f32
    %logistic3A_61 = vector.broadcast %logistic3A_60 : f32 to vector<512x64xf32>
    %logistic3A_62 = arith.addf %logistic3A_61, %logistic3A_59 : vector<512x64xf32>
    %logistic3A_63 = arith.divf %logistic3A_61, %logistic3A_62 : vector<512x64xf32>
    %mul3A_64 = arith.mulf %logistic3A_55, %tanh3A : vector<512x64xf32>
    %tanh3A_65 = math.tanh %mul3A_64 : vector<512x64xf32>
    %mul3A_66 = arith.mulf %logistic3A_63, %tanh3A_65 : vector<512x64xf32>
    %get3A_67 = arith.constant 0 : index
    %get3A_68 = arith.constant 0 : index
    %get3A_69 = vector.load %arg10[%get3A_67, %get3A_68] : memref<16x256xf32, #tpu.memory_space<vmem>>, vector<16x256xf32>
    %dot_general3A_70 = arith.constant dense<0.000000e+00> : vector<512x256xf32>
    %dot_general3A_71 = tpu.matmul %get3A_1, %get3A_69, %dot_general3A_70 {dimension_numbers = #tpu.dot_dimension_numbers<[1], [0], [0], [1], [0, 0, 1, 1], [], []>, transpose_lhs_hint = false} : vector<512x16xf32>, vector<16x256xf32>, vector<512x256xf32> -> vector<512x256xf32>
    %get3A_72 = arith.constant 0 : index
    %get3A_73 = arith.constant 0 : index
    %get3A_74 = vector.load %arg11[%get3A_72, %get3A_73] : memref<64x256xf32, #tpu.memory_space<vmem>>, vector<64x256xf32>
    %dot_general3A_75 = arith.constant dense<0.000000e+00> : vector<512x256xf32>
    %dot_general3A_76 = tpu.matmul %mul3A_66, %get3A_74, %dot_general3A_75 {dimension_numbers = #tpu.dot_dimension_numbers<[1], [0], [0], [1], [0, 0, 1, 1], [], []>, transpose_lhs_hint = false} : vector<512x64xf32>, vector<64x256xf32>, vector<512x256xf32> -> vector<512x256xf32>
    %add3A_77 = arith.addf %dot_general3A_71, %dot_general3A_76 : vector<512x256xf32>
    %get3A_78 = arith.constant 0 : index
    %get3A_79 = arith.constant 0 : index
    %get3A_80 = vector.load %arg12[%get3A_78, %get3A_79] : memref<16x256xf32, #tpu.memory_space<vmem>>, vector<16x256xf32>
    %dot_general3A_81 = arith.constant dense<0.000000e+00> : vector<512x256xf32>
    %dot_general3A_82 = tpu.matmul %mul3A_12, %get3A_80, %dot_general3A_81 {dimension_numbers = #tpu.dot_dimension_numbers<[1], [0], [0], [1], [0, 0, 1, 1], [], []>, transpose_lhs_hint = false} : vector<512x16xf32>, vector<16x256xf32>, vector<512x256xf32> -> vector<512x256xf32>
    %add3A_83 = arith.addf %add3A_77, %dot_general3A_82 : vector<512x256xf32>
    %get3A_84 = arith.constant 0 : index
    %get3A_85 = arith.constant 0 : index
    %get3A_86 = vector.load %arg13[%get3A_84, %get3A_85] : memref<16x256xf32, #tpu.memory_space<vmem>>, vector<16x256xf32>
    %dot_general3A_87 = arith.constant dense<0.000000e+00> : vector<512x256xf32>
    %dot_general3A_88 = tpu.matmul %mul3A_28, %get3A_86, %dot_general3A_87 {dimension_numbers = #tpu.dot_dimension_numbers<[1], [0], [0], [1], [0, 0, 1, 1], [], []>, transpose_lhs_hint = false} : vector<512x16xf32>, vector<16x256xf32>, vector<512x256xf32> -> vector<512x256xf32>
    %add3A_89 = arith.addf %add3A_83, %dot_general3A_88 : vector<512x256xf32>
    %get3A_90 = arith.constant 0 : index
    %get3A_91 = arith.constant 0 : index
    %get3A_92 = vector.load %arg14[%get3A_90, %get3A_91] : memref<1x256xf32, #tpu.memory_space<vmem>>, vector<1x256xf32>
    %add3A_93 = vector.broadcast %get3A_92 : vector<1x256xf32> to vector<512x256xf32>
    %add3A_94 = arith.addf %add3A_89, %add3A_93 : vector<512x256xf32>
    %slice3A_95 = vector.extract_strided_slice %add3A_94 {offsets = [0, 0], sizes = [512, 64], strides = [1, 1]} : vector<512x256xf32> to vector<512x64xf32>
    %logistic3A_96 = arith.negf %slice3A_95 : vector<512x64xf32>
    %logistic3A_97 = math.exp %logistic3A_96 : vector<512x64xf32>
    %logistic3A_98 = arith.constant 1.000000e+00 : f32
    %logistic3A_99 = vector.broadcast %logistic3A_98 : f32 to vector<512x64xf32>
    %logistic3A_100 = arith.addf %logistic3A_99, %logistic3A_97 : vector<512x64xf32>
    %logistic3A_101 = arith.divf %logistic3A_99, %logistic3A_100 : vector<512x64xf32>
    %slice3A_102 = vector.extract_strided_slice %add3A_94 {offsets = [0, 64], sizes = [512, 64], strides = [1, 1]} : vector<512x256xf32> to vector<512x64xf32>
    %logistic3A_103 = arith.negf %slice3A_102 : vector<512x64xf32>
    %logistic3A_104 = math.exp %logistic3A_103 : vector<512x64xf32>
    %logistic3A_105 = arith.constant 1.000000e+00 : f32
    %logistic3A_106 = vector.broadcast %logistic3A_105 : f32 to vector<512x64xf32>
    %logistic3A_107 = arith.addf %logistic3A_106, %logistic3A_104 : vector<512x64xf32>
    %logistic3A_108 = arith.divf %logistic3A_106, %logistic3A_107 : vector<512x64xf32>
    %slice3A_109 = vector.extract_strided_slice %add3A_94 {offsets = [0, 128], sizes = [512, 64], strides = [1, 1]} : vector<512x256xf32> to vector<512x64xf32>
    %tanh3A_110 = math.tanh %slice3A_109 : vector<512x64xf32>
    %slice3A_111 = vector.extract_strided_slice %add3A_94 {offsets = [0, 192], sizes = [512, 64], strides = [1, 1]} : vector<512x256xf32> to vector<512x64xf32>
    %logistic3A_112 = arith.negf %slice3A_111 : vector<512x64xf32>
    %logistic3A_113 = math.exp %logistic3A_112 : vector<512x64xf32>
    %logistic3A_114 = arith.constant 1.000000e+00 : f32
    %logistic3A_115 = vector.broadcast %logistic3A_114 : f32 to vector<512x64xf32>
    %logistic3A_116 = arith.addf %logistic3A_115, %logistic3A_113 : vector<512x64xf32>
    %logistic3A_117 = arith.divf %logistic3A_115, %logistic3A_116 : vector<512x64xf32>
    %mul3A_118 = arith.mulf %logistic3A_108, %mul3A_64 : vector<512x64xf32>
    %mul3A_119 = arith.mulf %logistic3A_101, %tanh3A_110 : vector<512x64xf32>
    %add3A_120 = arith.addf %mul3A_118, %mul3A_119 : vector<512x64xf32>
    %tanh3A_121 = math.tanh %add3A_120 : vector<512x64xf32>
    %mul3A_122 = arith.mulf %logistic3A_117, %tanh3A_121 : vector<512x64xf32>
    %slice3A_123 = vector.extract_strided_slice %mul3A_66 {offsets = [0, 0], sizes = [512, 32], strides = [1, 1]} : vector<512x64xf32> to vector<512x32xf32>
    %slice3A_124 = vector.extract_strided_slice %mul3A_122 {offsets = [0, 0], sizes = [512, 32], strides = [1, 1]} : vector<512x64xf32> to vector<512x32xf32>
    %concatenate3A = tpu.concatenate %slice3A_123, %slice3A_124 in 1 : vector<512x32xf32>, vector<512x32xf32> -> vector<512x64xf32>
    %convert_element_type3A = arith.truncf %concatenate3A : vector<512x64xf32> to vector<512x64xbf16>
    %swap3A = arith.constant 0 : index
    %swap3A_125 = arith.constant 0 : index
    %swap3A_126 = vector.load %arg15[%swap3A, %swap3A_125] : memref<512x64xbf16, #tpu.memory_space<vmem>>, vector<512x64xbf16>
    tpu.vector_store %arg15[%swap3A, %swap3A_125], %convert_element_type3A {strides = array<i32>} : memref<512x64xbf16, #tpu.memory_space<vmem>>, vector<512x64xbf16>,
    %slice3A_127 = vector.extract_strided_slice %mul3A_66 {offsets = [0, 32], sizes = [512, 32], strides = [1, 1]} : vector<512x64xf32> to vector<512x32xf32>
    %slice3A_128 = vector.extract_strided_slice %mul3A_122 {offsets = [0, 32], sizes = [512, 32], strides = [1, 1]} : vector<512x64xf32> to vector<512x32xf32>
    %concatenate3A_129 = tpu.concatenate %slice3A_127, %slice3A_128 in 1 : vector<512x32xf32>, vector<512x32xf32> -> vector<512x64xf32>
    %convert_element_type3A_130 = arith.truncf %concatenate3A_129 : vector<512x64xf32> to vector<512x64xbf16>
    %swap3A_131 = arith.constant 0 : index
    %swap3A_132 = arith.constant 0 : index
    %swap3A_133 = vector.load %arg16[%swap3A_131, %swap3A_132] : memref<512x64xbf16, #tpu.memory_space<vmem>>, vector<512x64xbf16>
    tpu.vector_store %arg16[%swap3A_131, %swap3A_132], %convert_element_type3A_130 {strides = array<i32>} : memref<512x64xbf16, #tpu.memory_space<vmem>>, vector<512x64xbf16>,
    return
  }
  func.func @transform_0(%arg0: i32) -> (i32, i32) {
    %c0_i32 = arith.constant 0 : i32
    %c0_i32_0 = arith.constant 0 : i32
    return %arg0, %c0_i32 : i32, i32
  }
  func.func @transform_1(%arg0: i32) -> (i32, i32) {
    %c0_i32 = arith.constant 0 : i32
    %c0_i32_0 = arith.constant 0 : i32
    return %arg0, %c0_i32 : i32, i32
  }
  func.func @transform_2(%arg0: i32) -> (i32, i32) {
    %c0_i32 = arith.constant 0 : i32
    %c0_i32_0 = arith.constant 0 : i32
    return %arg0, %c0_i32 : i32, i32
  }
  func.func @transform_3(%arg0: i32) -> (i32, i32) {
    %c0_i32 = arith.constant 0 : i32
    %c0_i32_0 = arith.constant 0 : i32
    return %arg0, %c0_i32 : i32, i32
  }
  func.func @transform_4(%arg0: i32) -> (i32, i32) {
    %c0_i32 = arith.constant 0 : i32
    %c0_i32_0 = arith.constant 0 : i32
    return %arg0, %c0_i32 : i32, i32
  }
  func.func @transform_5(%arg0: i32) -> (i32, i32) {
    %c0_i32 = arith.constant 0 : i32
    %c0_i32_0 = arith.constant 0 : i32
    %c0_i32_1 = arith.constant 0 : i32
    return %c0_i32, %c0_i32_0 : i32, i32
  }
  func.func @transform_6(%arg0: i32) -> (i32, i32) {
    %c0_i32 = arith.constant 0 : i32
    %c0_i32_0 = arith.constant 0 : i32
    %c0_i32_1 = arith.constant 0 : i32
    return %c0_i32, %c0_i32_0 : i32, i32
  }
  func.func @transform_7(%arg0: i32) -> (i32, i32) {
    %c0_i32 = arith.constant 0 : i32
    %c0_i32_0 = arith.constant 0 : i32
    %c0_i32_1 = arith.constant 0 : i32
    return %c0_i32, %c0_i32_0 : i32, i32
  }
  func.func @transform_8(%arg0: i32) -> (i32, i32) {
    %c0_i32 = arith.constant 0 : i32
    %c0_i32_0 = arith.constant 0 : i32
    %c0_i32_1 = arith.constant 0 : i32
    return %c0_i32, %c0_i32_0 : i32, i32
  }
  func.func @transform_9(%arg0: i32) -> (i32, i32) {
    %c0_i32 = arith.constant 0 : i32
    %c0_i32_0 = arith.constant 0 : i32
    %c0_i32_1 = arith.constant 0 : i32
    return %c0_i32, %c0_i32_0 : i32, i32
  }
  func.func @transform_10(%arg0: i32) -> (i32, i32) {
    %c0_i32 = arith.constant 0 : i32
    %c0_i32_0 = arith.constant 0 : i32
    %c0_i32_1 = arith.constant 0 : i32
    return %c0_i32, %c0_i32_0 : i32, i32
  }
  func.func @transform_11(%arg0: i32) -> (i32, i32) {
    %c0_i32 = arith.constant 0 : i32
    %c0_i32_0 = arith.constant 0 : i32
    %c0_i32_1 = arith.constant 0 : i32
    return %c0_i32, %c0_i32_0 : i32, i32
  }
  func.func @transform_12(%arg0: i32) -> (i32, i32) {
    %c0_i32 = arith.constant 0 : i32
    %c0_i32_0 = arith.constant 0 : i32
    %c0_i32_1 = arith.constant 0 : i32
    return %c0_i32, %c0_i32_0 : i32, i32
  }
  func.func @transform_13(%arg0: i32) -> (i32, i32) {
    %c0_i32 = arith.constant 0 : i32
    %c0_i32_0 = arith.constant 0 : i32
    %c0_i32_1 = arith.constant 0 : i32
    return %c0_i32, %c0_i32_0 : i32, i32
  }
  func.func @transform_14(%arg0: i32) -> (i32, i32) {
    %c0_i32 = arith.constant 0 : i32
    %c0_i32_0 = arith.constant 0 : i32
    return %arg0, %c0_i32 : i32, i32
  }
  func.func @transform_15(%arg0: i32) -> (i32, i32) {
    %c0_i32 = arith.constant 0 : i32
    %c0_i32_0 = arith.constant 0 : i32
    return %arg0, %c0_i32 : i32, i32
  }
}

module attributes {stable_mosaic.version = 14 : i64} {
  func.func @body(%arg0: i32, %arg1: memref<512x64xbf16, #tpu.memory_space<vmem>>, %arg2: memref<512x64xbf16, #tpu.memory_space<vmem>>, %arg3: memref<512x64xbf16, #tpu.memory_space<vmem>>, %arg4: memref<512x64xbf16, #tpu.memory_space<vmem>>, %arg5: memref<512x64xbf16, #tpu.memory_space<vmem>>, %arg6: memref<512x64xbf16, #tpu.memory_space<vmem>>, %arg7: memref<512x16xf32, #tpu.memory_space<vmem>>, %arg8: memref<512x16xf32, #tpu.memory_space<vmem>>, %arg9: memref<512x16xf32, #tpu.memory_space<vmem>>, %arg10: memref<512x16xf32, #tpu.memory_space<vmem>>, %arg11: memref<512x16xf32, #tpu.memory_space<vmem>>, %arg12: memref<64x256xf32, #tpu.memory_space<vmem>>, %arg13: memref<64x256xf32, #tpu.memory_space<vmem>>, %arg14: memref<64x256xf32, #tpu.memory_space<vmem>>, %arg15: memref<1x256xf32, #tpu.memory_space<vmem>>, %arg16: memref<64x256xf32, #tpu.memory_space<vmem>>, %arg17: memref<64x256xf32, #tpu.memory_space<vmem>>, %arg18: memref<64x256xf32, #tpu.memory_space<vmem>>, %arg19: memref<64x256xf32, #tpu.memory_space<vmem>>, %arg20: memref<1x256xf32, #tpu.memory_space<vmem>>, %arg21: memref<144x128xf32, #tpu.memory_space<vmem>>, %arg22: memref<512x3xf32, #tpu.memory_space<vmem>>) attributes {dimension_semantics = [#tpu.dimension_semantics<arbitrary>], iteration_bounds = array<i64: 98>, scalar_prefetch = 0 : i64, scratch_operands = 0 : i64, tpu.core_type = #tpu.core_type<tc>, window_params = [{transform_indices = @transform_0, window_bounds = array<i64: 512, 64>}, {transform_indices = @transform_1, window_bounds = array<i64: 512, 64>}, {transform_indices = @transform_2, window_bounds = array<i64: 512, 64>}, {transform_indices = @transform_3, window_bounds = array<i64: 512, 64>}, {transform_indices = @transform_4, window_bounds = array<i64: 512, 64>}, {transform_indices = @transform_5, window_bounds = array<i64: 512, 64>}, {transform_indices = @transform_6, window_bounds = array<i64: 512, 16>}, {transform_indices = @transform_7, window_bounds = array<i64: 512, 16>}, {transform_indices = @transform_8, window_bounds = array<i64: 512, 16>}, {transform_indices = @transform_9, window_bounds = array<i64: 512, 16>}, {transform_indices = @transform_10, window_bounds = array<i64: 512, 16>}, {pipeline_mode = #tpu.pipeline_mode<synchronous>, transform_indices = @transform_11, window_bounds = array<i64: 64, 256>}, {pipeline_mode = #tpu.pipeline_mode<synchronous>, transform_indices = @transform_12, window_bounds = array<i64: 64, 256>}, {pipeline_mode = #tpu.pipeline_mode<synchronous>, transform_indices = @transform_13, window_bounds = array<i64: 64, 256>}, {pipeline_mode = #tpu.pipeline_mode<synchronous>, transform_indices = @transform_14, window_bounds = array<i64: 1, 256>}, {pipeline_mode = #tpu.pipeline_mode<synchronous>, transform_indices = @transform_15, window_bounds = array<i64: 64, 256>}, {pipeline_mode = #tpu.pipeline_mode<synchronous>, transform_indices = @transform_16, window_bounds = array<i64: 64, 256>}, {pipeline_mode = #tpu.pipeline_mode<synchronous>, transform_indices = @transform_17, window_bounds = array<i64: 64, 256>}, {pipeline_mode = #tpu.pipeline_mode<synchronous>, transform_indices = @transform_18, window_bounds = array<i64: 64, 256>}, {pipeline_mode = #tpu.pipeline_mode<synchronous>, transform_indices = @transform_19, window_bounds = array<i64: 1, 256>}, {pipeline_mode = #tpu.pipeline_mode<synchronous>, transform_indices = @transform_20, window_bounds = array<i64: 144, 128>}, {transform_indices = @transform_21, window_bounds = array<i64: 512, 3>}]} {
    %get3A = arith.constant 0 : index
    %get3A_0 = arith.constant 0 : index
    %get3A_1 = vector.load %arg1[%get3A, %get3A_0] : memref<512x64xbf16, #tpu.memory_space<vmem>>, vector<512x64xbf16>
    %convert_element_type3A = arith.extf %get3A_1 : vector<512x64xbf16> to vector<512x64xf32>
    %get3A_2 = arith.constant 0 : index
    %get3A_3 = arith.constant 0 : index
    %get3A_4 = vector.load %arg2[%get3A_2, %get3A_3] : memref<512x64xbf16, #tpu.memory_space<vmem>>, vector<512x64xbf16>
    %convert_element_type3A_5 = arith.extf %get3A_4 : vector<512x64xbf16> to vector<512x64xf32>
    %get3A_6 = arith.constant 0 : index
    %get3A_7 = arith.constant 0 : index
    %get3A_8 = vector.load %arg3[%get3A_6, %get3A_7] : memref<512x64xbf16, #tpu.memory_space<vmem>>, vector<512x64xbf16>
    %convert_element_type3A_9 = arith.extf %get3A_8 : vector<512x64xbf16> to vector<512x64xf32>
    %get3A_10 = arith.constant 0 : index
    %get3A_11 = arith.constant 0 : index
    %get3A_12 = vector.load %arg4[%get3A_10, %get3A_11] : memref<512x64xbf16, #tpu.memory_space<vmem>>, vector<512x64xbf16>
    %convert_element_type3A_13 = arith.extf %get3A_12 : vector<512x64xbf16> to vector<512x64xf32>
    %get3A_14 = arith.constant 0 : index
    %get3A_15 = arith.constant 0 : index
    %get3A_16 = vector.load %arg5[%get3A_14, %get3A_15] : memref<512x64xbf16, #tpu.memory_space<vmem>>, vector<512x64xbf16>
    %convert_element_type3A_17 = arith.extf %get3A_16 : vector<512x64xbf16> to vector<512x64xf32>
    %get3A_18 = arith.constant 0 : index
    %get3A_19 = arith.constant 0 : index
    %get3A_20 = vector.load %arg6[%get3A_18, %get3A_19] : memref<512x64xbf16, #tpu.memory_space<vmem>>, vector<512x64xbf16>
    %convert_element_type3A_21 = arith.extf %get3A_20 : vector<512x64xbf16> to vector<512x64xf32>
    %get3A_22 = arith.constant 0 : index
    %get3A_23 = arith.constant 0 : index
    %get3A_24 = vector.load %arg11[%get3A_22, %get3A_23] : memref<512x16xf32, #tpu.memory_space<vmem>>, vector<512x16xf32>
    %get3A_25 = arith.constant 0 : index
    %get3A_26 = arith.constant 0 : index
    %get3A_27 = vector.load %arg7[%get3A_25, %get3A_26] : memref<512x16xf32, #tpu.memory_space<vmem>>, vector<512x16xf32>
    %get3A_28 = arith.constant 0 : index
    %get3A_29 = arith.constant 0 : index
    %get3A_30 = vector.load %arg8[%get3A_28, %get3A_29] : memref<512x16xf32, #tpu.memory_space<vmem>>, vector<512x16xf32>
    %add3A = arith.addf %get3A_27, %get3A_30 : vector<512x16xf32>
    %slice3A = vector.extract_strided_slice %add3A {offsets = [0, 5], sizes = [512, 1], strides = [1, 1]} : vector<512x16xf32> to vector<512x1xf32>
    %max3A = arith.constant 1.000000e+00 : f32
    %max3A_31 = vector.broadcast %max3A : f32 to vector<512x1xf32>
    %max3A_32 = arith.maximumf %slice3A, %max3A_31 : vector<512x1xf32>
    %div3A = arith.constant 1.000000e+00 : f32
    %div3A_33 = vector.broadcast %div3A : f32 to vector<512x1xf32>
    %div3A_34 = arith.divf %div3A_33, %max3A_32 : vector<512x1xf32>
    %get3A_35 = arith.constant 0 : index
    %get3A_36 = arith.constant 0 : index
    %get3A_37 = vector.load %arg9[%get3A_35, %get3A_36] : memref<512x16xf32, #tpu.memory_space<vmem>>, vector<512x16xf32>
    %get3A_38 = arith.constant 0 : index
    %get3A_39 = arith.constant 0 : index
    %get3A_40 = vector.load %arg10[%get3A_38, %get3A_39] : memref<512x16xf32, #tpu.memory_space<vmem>>, vector<512x16xf32>
    %add3A_41 = arith.addf %get3A_37, %get3A_40 : vector<512x16xf32>
    %slice3A_42 = vector.extract_strided_slice %add3A_41 {offsets = [0, 8], sizes = [512, 1], strides = [1, 1]} : vector<512x16xf32> to vector<512x1xf32>
    %max3A_43 = arith.constant 1.000000e+00 : f32
    %max3A_44 = vector.broadcast %max3A_43 : f32 to vector<512x1xf32>
    %max3A_45 = arith.maximumf %slice3A_42, %max3A_44 : vector<512x1xf32>
    %div3A_46 = arith.constant 1.000000e+00 : f32
    %div3A_47 = vector.broadcast %div3A_46 : f32 to vector<512x1xf32>
    %div3A_48 = arith.divf %div3A_47, %max3A_45 : vector<512x1xf32>
    %slice3A_49 = vector.extract_strided_slice %convert_element_type3A {offsets = [0, 0], sizes = [512, 32], strides = [1, 1]} : vector<512x64xf32> to vector<512x32xf32>
    %slice3A_50 = vector.extract_strided_slice %convert_element_type3A_5 {offsets = [0, 0], sizes = [512, 32], strides = [1, 1]} : vector<512x64xf32> to vector<512x32xf32>
    %get3A_51 = arith.constant 0 : index
    %get3A_52 = arith.constant 0 : index
    %get3A_53 = vector.load %arg12[%get3A_51, %get3A_52] : memref<64x256xf32, #tpu.memory_space<vmem>>, vector<64x256xf32>
    %slice3A_54 = vector.extract_strided_slice %get3A_53 {offsets = [0, 0], sizes = [32, 256], strides = [1, 1]} : vector<64x256xf32> to vector<32x256xf32>
    %dot_general3A = arith.constant dense<0.000000e+00> : vector<512x256xf32>
    %dot_general3A_55 = tpu.matmul %slice3A_49, %slice3A_54, %dot_general3A {dimension_numbers = #tpu.dot_dimension_numbers<[1], [0], [0], [1], [0, 0, 1, 1], [], []>, transpose_lhs_hint = false} : vector<512x32xf32>, vector<32x256xf32>, vector<512x256xf32> -> vector<512x256xf32>
    %slice3A_56 = vector.extract_strided_slice %get3A_53 {offsets = [32, 0], sizes = [32, 256], strides = [1, 1]} : vector<64x256xf32> to vector<32x256xf32>
    %dot_general3A_57 = arith.constant dense<0.000000e+00> : vector<512x256xf32>
    %dot_general3A_58 = tpu.matmul %slice3A_50, %slice3A_56, %dot_general3A_57 {dimension_numbers = #tpu.dot_dimension_numbers<[1], [0], [0], [1], [0, 0, 1, 1], [], []>, transpose_lhs_hint = false} : vector<512x32xf32>, vector<32x256xf32>, vector<512x256xf32> -> vector<512x256xf32>
    %add3A_59 = arith.addf %dot_general3A_55, %dot_general3A_58 : vector<512x256xf32>
    %slice3A_60 = vector.extract_strided_slice %convert_element_type3A_9 {offsets = [0, 0], sizes = [512, 32], strides = [1, 1]} : vector<512x64xf32> to vector<512x32xf32>
    %mul3A = vector.broadcast %div3A_34 : vector<512x1xf32> to vector<512x32xf32>
    %mul3A_61 = arith.mulf %slice3A_60, %mul3A : vector<512x32xf32>
    %slice3A_62 = vector.extract_strided_slice %convert_element_type3A_13 {offsets = [0, 0], sizes = [512, 32], strides = [1, 1]} : vector<512x64xf32> to vector<512x32xf32>
    %mul3A_63 = vector.broadcast %div3A_34 : vector<512x1xf32> to vector<512x32xf32>
    %mul3A_64 = arith.mulf %slice3A_62, %mul3A_63 : vector<512x32xf32>
    %get3A_65 = arith.constant 0 : index
    %get3A_66 = arith.constant 0 : index
    %get3A_67 = vector.load %arg13[%get3A_65, %get3A_66] : memref<64x256xf32, #tpu.memory_space<vmem>>, vector<64x256xf32>
    %slice3A_68 = vector.extract_strided_slice %get3A_67 {offsets = [0, 0], sizes = [32, 256], strides = [1, 1]} : vector<64x256xf32> to vector<32x256xf32>
    %dot_general3A_69 = arith.constant dense<0.000000e+00> : vector<512x256xf32>
    %dot_general3A_70 = tpu.matmul %mul3A_61, %slice3A_68, %dot_general3A_69 {dimension_numbers = #tpu.dot_dimension_numbers<[1], [0], [0], [1], [0, 0, 1, 1], [], []>, transpose_lhs_hint = false} : vector<512x32xf32>, vector<32x256xf32>, vector<512x256xf32> -> vector<512x256xf32>
    %slice3A_71 = vector.extract_strided_slice %get3A_67 {offsets = [32, 0], sizes = [32, 256], strides = [1, 1]} : vector<64x256xf32> to vector<32x256xf32>
    %dot_general3A_72 = arith.constant dense<0.000000e+00> : vector<512x256xf32>
    %dot_general3A_73 = tpu.matmul %mul3A_64, %slice3A_71, %dot_general3A_72 {dimension_numbers = #tpu.dot_dimension_numbers<[1], [0], [0], [1], [0, 0, 1, 1], [], []>, transpose_lhs_hint = false} : vector<512x32xf32>, vector<32x256xf32>, vector<512x256xf32> -> vector<512x256xf32>
    %add3A_74 = arith.addf %dot_general3A_70, %dot_general3A_73 : vector<512x256xf32>
    %add3A_75 = arith.addf %add3A_59, %add3A_74 : vector<512x256xf32>
    %slice3A_76 = vector.extract_strided_slice %convert_element_type3A_17 {offsets = [0, 0], sizes = [512, 32], strides = [1, 1]} : vector<512x64xf32> to vector<512x32xf32>
    %mul3A_77 = vector.broadcast %div3A_48 : vector<512x1xf32> to vector<512x32xf32>
    %mul3A_78 = arith.mulf %slice3A_76, %mul3A_77 : vector<512x32xf32>
    %slice3A_79 = vector.extract_strided_slice %convert_element_type3A_21 {offsets = [0, 0], sizes = [512, 32], strides = [1, 1]} : vector<512x64xf32> to vector<512x32xf32>
    %mul3A_80 = vector.broadcast %div3A_48 : vector<512x1xf32> to vector<512x32xf32>
    %mul3A_81 = arith.mulf %slice3A_79, %mul3A_80 : vector<512x32xf32>
    %get3A_82 = arith.constant 0 : index
    %get3A_83 = arith.constant 0 : index
    %get3A_84 = vector.load %arg14[%get3A_82, %get3A_83] : memref<64x256xf32, #tpu.memory_space<vmem>>, vector<64x256xf32>
    %slice3A_85 = vector.extract_strided_slice %get3A_84 {offsets = [0, 0], sizes = [32, 256], strides = [1, 1]} : vector<64x256xf32> to vector<32x256xf32>
    %dot_general3A_86 = arith.constant dense<0.000000e+00> : vector<512x256xf32>
    %dot_general3A_87 = tpu.matmul %mul3A_78, %slice3A_85, %dot_general3A_86 {dimension_numbers = #tpu.dot_dimension_numbers<[1], [0], [0], [1], [0, 0, 1, 1], [], []>, transpose_lhs_hint = false} : vector<512x32xf32>, vector<32x256xf32>, vector<512x256xf32> -> vector<512x256xf32>
    %slice3A_88 = vector.extract_strided_slice %get3A_84 {offsets = [32, 0], sizes = [32, 256], strides = [1, 1]} : vector<64x256xf32> to vector<32x256xf32>
    %dot_general3A_89 = arith.constant dense<0.000000e+00> : vector<512x256xf32>
    %dot_general3A_90 = tpu.matmul %mul3A_81, %slice3A_88, %dot_general3A_89 {dimension_numbers = #tpu.dot_dimension_numbers<[1], [0], [0], [1], [0, 0, 1, 1], [], []>, transpose_lhs_hint = false} : vector<512x32xf32>, vector<32x256xf32>, vector<512x256xf32> -> vector<512x256xf32>
    %add3A_91 = arith.addf %dot_general3A_87, %dot_general3A_90 : vector<512x256xf32>
    %add3A_92 = arith.addf %add3A_75, %add3A_91 : vector<512x256xf32>
    %get3A_93 = arith.constant 0 : index
    %get3A_94 = arith.constant 0 : index
    %get3A_95 = vector.load %arg15[%get3A_93, %get3A_94] : memref<1x256xf32, #tpu.memory_space<vmem>>, vector<1x256xf32>
    %add3A_96 = vector.broadcast %get3A_95 : vector<1x256xf32> to vector<512x256xf32>
    %add3A_97 = arith.addf %add3A_92, %add3A_96 : vector<512x256xf32>
    %slice3A_98 = vector.extract_strided_slice %add3A_97 {offsets = [0, 0], sizes = [512, 64], strides = [1, 1]} : vector<512x256xf32> to vector<512x64xf32>
    %logistic3A = arith.negf %slice3A_98 : vector<512x64xf32>
    %logistic3A_99 = math.exp %logistic3A : vector<512x64xf32>
    %logistic3A_100 = arith.constant 1.000000e+00 : f32
    %logistic3A_101 = vector.broadcast %logistic3A_100 : f32 to vector<512x64xf32>
    %logistic3A_102 = arith.addf %logistic3A_101, %logistic3A_99 : vector<512x64xf32>
    %logistic3A_103 = arith.divf %logistic3A_101, %logistic3A_102 : vector<512x64xf32>
    %slice3A_104 = vector.extract_strided_slice %add3A_97 {offsets = [0, 128], sizes = [512, 64], strides = [1, 1]} : vector<512x256xf32> to vector<512x64xf32>
    %tanh3A = math.tanh %slice3A_104 : vector<512x64xf32>
    %slice3A_105 = vector.extract_strided_slice %add3A_97 {offsets = [0, 192], sizes = [512, 64], strides = [1, 1]} : vector<512x256xf32> to vector<512x64xf32>
    %logistic3A_106 = arith.negf %slice3A_105 : vector<512x64xf32>
    %logistic3A_107 = math.exp %logistic3A_106 : vector<512x64xf32>
    %logistic3A_108 = arith.constant 1.000000e+00 : f32
    %logistic3A_109 = vector.broadcast %logistic3A_108 : f32 to vector<512x64xf32>
    %logistic3A_110 = arith.addf %logistic3A_109, %logistic3A_107 : vector<512x64xf32>
    %logistic3A_111 = arith.divf %logistic3A_109, %logistic3A_110 : vector<512x64xf32>
    %mul3A_112 = arith.mulf %logistic3A_103, %tanh3A : vector<512x64xf32>
    %tanh3A_113 = math.tanh %mul3A_112 : vector<512x64xf32>
    %mul3A_114 = arith.mulf %logistic3A_111, %tanh3A_113 : vector<512x64xf32>
    %slice3A_115 = vector.extract_strided_slice %convert_element_type3A {offsets = [0, 32], sizes = [512, 32], strides = [1, 1]} : vector<512x64xf32> to vector<512x32xf32>
    %slice3A_116 = vector.extract_strided_slice %convert_element_type3A_5 {offsets = [0, 32], sizes = [512, 32], strides = [1, 1]} : vector<512x64xf32> to vector<512x32xf32>
    %get3A_117 = arith.constant 0 : index
    %get3A_118 = arith.constant 0 : index
    %get3A_119 = vector.load %arg16[%get3A_117, %get3A_118] : memref<64x256xf32, #tpu.memory_space<vmem>>, vector<64x256xf32>
    %slice3A_120 = vector.extract_strided_slice %get3A_119 {offsets = [0, 0], sizes = [32, 256], strides = [1, 1]} : vector<64x256xf32> to vector<32x256xf32>
    %dot_general3A_121 = arith.constant dense<0.000000e+00> : vector<512x256xf32>
    %dot_general3A_122 = tpu.matmul %slice3A_115, %slice3A_120, %dot_general3A_121 {dimension_numbers = #tpu.dot_dimension_numbers<[1], [0], [0], [1], [0, 0, 1, 1], [], []>, transpose_lhs_hint = false} : vector<512x32xf32>, vector<32x256xf32>, vector<512x256xf32> -> vector<512x256xf32>
    %slice3A_123 = vector.extract_strided_slice %get3A_119 {offsets = [32, 0], sizes = [32, 256], strides = [1, 1]} : vector<64x256xf32> to vector<32x256xf32>
    %dot_general3A_124 = arith.constant dense<0.000000e+00> : vector<512x256xf32>
    %dot_general3A_125 = tpu.matmul %slice3A_116, %slice3A_123, %dot_general3A_124 {dimension_numbers = #tpu.dot_dimension_numbers<[1], [0], [0], [1], [0, 0, 1, 1], [], []>, transpose_lhs_hint = false} : vector<512x32xf32>, vector<32x256xf32>, vector<512x256xf32> -> vector<512x256xf32>
    %add3A_126 = arith.addf %dot_general3A_122, %dot_general3A_125 : vector<512x256xf32>
    %get3A_127 = arith.constant 0 : index
    %get3A_128 = arith.constant 0 : index
    %get3A_129 = vector.load %arg17[%get3A_127, %get3A_128] : memref<64x256xf32, #tpu.memory_space<vmem>>, vector<64x256xf32>
    %dot_general3A_130 = arith.constant dense<0.000000e+00> : vector<512x256xf32>
    %dot_general3A_131 = tpu.matmul %mul3A_114, %get3A_129, %dot_general3A_130 {dimension_numbers = #tpu.dot_dimension_numbers<[1], [0], [0], [1], [0, 0, 1, 1], [], []>, transpose_lhs_hint = false} : vector<512x64xf32>, vector<64x256xf32>, vector<512x256xf32> -> vector<512x256xf32>
    %add3A_132 = arith.addf %add3A_126, %dot_general3A_131 : vector<512x256xf32>
    %slice3A_133 = vector.extract_strided_slice %convert_element_type3A_9 {offsets = [0, 32], sizes = [512, 32], strides = [1, 1]} : vector<512x64xf32> to vector<512x32xf32>
    %mul3A_134 = vector.broadcast %div3A_34 : vector<512x1xf32> to vector<512x32xf32>
    %mul3A_135 = arith.mulf %slice3A_133, %mul3A_134 : vector<512x32xf32>
    %slice3A_136 = vector.extract_strided_slice %convert_element_type3A_13 {offsets = [0, 32], sizes = [512, 32], strides = [1, 1]} : vector<512x64xf32> to vector<512x32xf32>
    %mul3A_137 = vector.broadcast %div3A_34 : vector<512x1xf32> to vector<512x32xf32>
    %mul3A_138 = arith.mulf %slice3A_136, %mul3A_137 : vector<512x32xf32>
    %get3A_139 = arith.constant 0 : index
    %get3A_140 = arith.constant 0 : index
    %get3A_141 = vector.load %arg18[%get3A_139, %get3A_140] : memref<64x256xf32, #tpu.memory_space<vmem>>, vector<64x256xf32>
    %slice3A_142 = vector.extract_strided_slice %get3A_141 {offsets = [0, 0], sizes = [32, 256], strides = [1, 1]} : vector<64x256xf32> to vector<32x256xf32>
    %dot_general3A_143 = arith.constant dense<0.000000e+00> : vector<512x256xf32>
    %dot_general3A_144 = tpu.matmul %mul3A_135, %slice3A_142, %dot_general3A_143 {dimension_numbers = #tpu.dot_dimension_numbers<[1], [0], [0], [1], [0, 0, 1, 1], [], []>, transpose_lhs_hint = false} : vector<512x32xf32>, vector<32x256xf32>, vector<512x256xf32> -> vector<512x256xf32>
    %slice3A_145 = vector.extract_strided_slice %get3A_141 {offsets = [32, 0], sizes = [32, 256], strides = [1, 1]} : vector<64x256xf32> to vector<32x256xf32>
    %dot_general3A_146 = arith.constant dense<0.000000e+00> : vector<512x256xf32>
    %dot_general3A_147 = tpu.matmul %mul3A_138, %slice3A_145, %dot_general3A_146 {dimension_numbers = #tpu.dot_dimension_numbers<[1], [0], [0], [1], [0, 0, 1, 1], [], []>, transpose_lhs_hint = false} : vector<512x32xf32>, vector<32x256xf32>, vector<512x256xf32> -> vector<512x256xf32>
    %add3A_148 = arith.addf %dot_general3A_144, %dot_general3A_147 : vector<512x256xf32>
    %add3A_149 = arith.addf %add3A_132, %add3A_148 : vector<512x256xf32>
    %slice3A_150 = vector.extract_strided_slice %convert_element_type3A_17 {offsets = [0, 32], sizes = [512, 32], strides = [1, 1]} : vector<512x64xf32> to vector<512x32xf32>
    %mul3A_151 = vector.broadcast %div3A_48 : vector<512x1xf32> to vector<512x32xf32>
    %mul3A_152 = arith.mulf %slice3A_150, %mul3A_151 : vector<512x32xf32>
    %slice3A_153 = vector.extract_strided_slice %convert_element_type3A_21 {offsets = [0, 32], sizes = [512, 32], strides = [1, 1]} : vector<512x64xf32> to vector<512x32xf32>
    %mul3A_154 = vector.broadcast %div3A_48 : vector<512x1xf32> to vector<512x32xf32>
    %mul3A_155 = arith.mulf %slice3A_153, %mul3A_154 : vector<512x32xf32>
    %get3A_156 = arith.constant 0 : index
    %get3A_157 = arith.constant 0 : index
    %get3A_158 = vector.load %arg19[%get3A_156, %get3A_157] : memref<64x256xf32, #tpu.memory_space<vmem>>, vector<64x256xf32>
    %slice3A_159 = vector.extract_strided_slice %get3A_158 {offsets = [0, 0], sizes = [32, 256], strides = [1, 1]} : vector<64x256xf32> to vector<32x256xf32>
    %dot_general3A_160 = arith.constant dense<0.000000e+00> : vector<512x256xf32>
    %dot_general3A_161 = tpu.matmul %mul3A_152, %slice3A_159, %dot_general3A_160 {dimension_numbers = #tpu.dot_dimension_numbers<[1], [0], [0], [1], [0, 0, 1, 1], [], []>, transpose_lhs_hint = false} : vector<512x32xf32>, vector<32x256xf32>, vector<512x256xf32> -> vector<512x256xf32>
    %slice3A_162 = vector.extract_strided_slice %get3A_158 {offsets = [32, 0], sizes = [32, 256], strides = [1, 1]} : vector<64x256xf32> to vector<32x256xf32>
    %dot_general3A_163 = arith.constant dense<0.000000e+00> : vector<512x256xf32>
    %dot_general3A_164 = tpu.matmul %mul3A_155, %slice3A_162, %dot_general3A_163 {dimension_numbers = #tpu.dot_dimension_numbers<[1], [0], [0], [1], [0, 0, 1, 1], [], []>, transpose_lhs_hint = false} : vector<512x32xf32>, vector<32x256xf32>, vector<512x256xf32> -> vector<512x256xf32>
    %add3A_165 = arith.addf %dot_general3A_161, %dot_general3A_164 : vector<512x256xf32>
    %add3A_166 = arith.addf %add3A_149, %add3A_165 : vector<512x256xf32>
    %get3A_167 = arith.constant 0 : index
    %get3A_168 = arith.constant 0 : index
    %get3A_169 = vector.load %arg20[%get3A_167, %get3A_168] : memref<1x256xf32, #tpu.memory_space<vmem>>, vector<1x256xf32>
    %add3A_170 = vector.broadcast %get3A_169 : vector<1x256xf32> to vector<512x256xf32>
    %add3A_171 = arith.addf %add3A_166, %add3A_170 : vector<512x256xf32>
    %slice3A_172 = vector.extract_strided_slice %add3A_171 {offsets = [0, 0], sizes = [512, 64], strides = [1, 1]} : vector<512x256xf32> to vector<512x64xf32>
    %logistic3A_173 = arith.negf %slice3A_172 : vector<512x64xf32>
    %logistic3A_174 = math.exp %logistic3A_173 : vector<512x64xf32>
    %logistic3A_175 = arith.constant 1.000000e+00 : f32
    %logistic3A_176 = vector.broadcast %logistic3A_175 : f32 to vector<512x64xf32>
    %logistic3A_177 = arith.addf %logistic3A_176, %logistic3A_174 : vector<512x64xf32>
    %logistic3A_178 = arith.divf %logistic3A_176, %logistic3A_177 : vector<512x64xf32>
    %slice3A_179 = vector.extract_strided_slice %add3A_171 {offsets = [0, 64], sizes = [512, 64], strides = [1, 1]} : vector<512x256xf32> to vector<512x64xf32>
    %logistic3A_180 = arith.negf %slice3A_179 : vector<512x64xf32>
    %logistic3A_181 = math.exp %logistic3A_180 : vector<512x64xf32>
    %logistic3A_182 = arith.constant 1.000000e+00 : f32
    %logistic3A_183 = vector.broadcast %logistic3A_182 : f32 to vector<512x64xf32>
    %logistic3A_184 = arith.addf %logistic3A_183, %logistic3A_181 : vector<512x64xf32>
    %logistic3A_185 = arith.divf %logistic3A_183, %logistic3A_184 : vector<512x64xf32>
    %slice3A_186 = vector.extract_strided_slice %add3A_171 {offsets = [0, 128], sizes = [512, 64], strides = [1, 1]} : vector<512x256xf32> to vector<512x64xf32>
    %tanh3A_187 = math.tanh %slice3A_186 : vector<512x64xf32>
    %slice3A_188 = vector.extract_strided_slice %add3A_171 {offsets = [0, 192], sizes = [512, 64], strides = [1, 1]} : vector<512x256xf32> to vector<512x64xf32>
    %logistic3A_189 = arith.negf %slice3A_188 : vector<512x64xf32>
    %logistic3A_190 = math.exp %logistic3A_189 : vector<512x64xf32>
    %logistic3A_191 = arith.constant 1.000000e+00 : f32
    %logistic3A_192 = vector.broadcast %logistic3A_191 : f32 to vector<512x64xf32>
    %logistic3A_193 = arith.addf %logistic3A_192, %logistic3A_190 : vector<512x64xf32>
    %logistic3A_194 = arith.divf %logistic3A_192, %logistic3A_193 : vector<512x64xf32>
    %mul3A_195 = arith.mulf %logistic3A_185, %mul3A_112 : vector<512x64xf32>
    %mul3A_196 = arith.mulf %logistic3A_178, %tanh3A_187 : vector<512x64xf32>
    %add3A_197 = arith.addf %mul3A_195, %mul3A_196 : vector<512x64xf32>
    %tanh3A_198 = math.tanh %add3A_197 : vector<512x64xf32>
    %mul3A_199 = arith.mulf %logistic3A_194, %tanh3A_198 : vector<512x64xf32>
    %get3A_200 = arith.constant 0 : index
    %get3A_201 = arith.constant 0 : index
    %get3A_202 = vector.load %arg21[%get3A_200, %get3A_201] : memref<144x128xf32, #tpu.memory_space<vmem>>, vector<144x128xf32>
    %slice3A_203 = vector.extract_strided_slice %get3A_202 {offsets = [0, 0], sizes = [64, 128], strides = [1, 1]} : vector<144x128xf32> to vector<64x128xf32>
    %dot_general3A_204 = arith.constant dense<0.000000e+00> : vector<512x128xf32>
    %dot_general3A_205 = tpu.matmul %mul3A_199, %slice3A_203, %dot_general3A_204 {dimension_numbers = #tpu.dot_dimension_numbers<[1], [0], [0], [1], [0, 0, 1, 1], [], []>, transpose_lhs_hint = false} : vector<512x64xf32>, vector<64x128xf32>, vector<512x128xf32> -> vector<512x128xf32>
    %slice3A_206 = vector.extract_strided_slice %get3A_202 {offsets = [64, 0], sizes = [64, 128], strides = [1, 1]} : vector<144x128xf32> to vector<64x128xf32>
    %dot_general3A_207 = arith.constant dense<0.000000e+00> : vector<512x128xf32>
    %dot_general3A_208 = tpu.matmul %add3A_197, %slice3A_206, %dot_general3A_207 {dimension_numbers = #tpu.dot_dimension_numbers<[1], [0], [0], [1], [0, 0, 1, 1], [], []>, transpose_lhs_hint = false} : vector<512x64xf32>, vector<64x128xf32>, vector<512x128xf32> -> vector<512x128xf32>
    %add3A_209 = arith.addf %dot_general3A_205, %dot_general3A_208 : vector<512x128xf32>
    %slice3A_210 = vector.extract_strided_slice %get3A_202 {offsets = [128, 0], sizes = [16, 128], strides = [1, 1]} : vector<144x128xf32> to vector<16x128xf32>
    %dot_general3A_211 = arith.constant dense<0.000000e+00> : vector<512x128xf32>
    %dot_general3A_212 = tpu.matmul %get3A_24, %slice3A_210, %dot_general3A_211 {dimension_numbers = #tpu.dot_dimension_numbers<[1], [0], [0], [1], [0, 0, 1, 1], [], []>, transpose_lhs_hint = false} : vector<512x16xf32>, vector<16x128xf32>, vector<512x128xf32> -> vector<512x128xf32>
    %add3A_213 = arith.addf %add3A_209, %dot_general3A_212 : vector<512x128xf32>
    %iota3A = tpu.iota {dimensions = array<i32: 1>} : vector<512x128xi32>
    %lt3A = arith.constant 2 : i32
    %lt3A_214 = vector.broadcast %lt3A : i32 to vector<512x128xi32>
    %lt3A_215 = arith.cmpi slt, %iota3A, %lt3A_214 : vector<512x128xi32>
    %tanh3A_216 = math.tanh %add3A_213 : vector<512x128xf32>
    %div3A_217 = arith.constant 5.000000e+00 : f32
    %div3A_218 = vector.broadcast %div3A_217 : f32 to vector<512x128xf32>
    %div3A_219 = arith.divf %tanh3A_216, %div3A_218 : vector<512x128xf32>
    %logistic3A_220 = arith.negf %add3A_213 : vector<512x128xf32>
    %logistic3A_221 = math.exp %logistic3A_220 : vector<512x128xf32>
    %logistic3A_222 = arith.constant 1.000000e+00 : f32
    %logistic3A_223 = vector.broadcast %logistic3A_222 : f32 to vector<512x128xf32>
    %logistic3A_224 = arith.addf %logistic3A_223, %logistic3A_221 : vector<512x128xf32>
    %logistic3A_225 = arith.divf %logistic3A_223, %logistic3A_224 : vector<512x128xf32>
    %select_n3A = arith.select %lt3A_215, %div3A_219, %logistic3A_225 : vector<512x128xi1>, vector<512x128xf32>
    %slice3A_226 = vector.extract_strided_slice %select_n3A {offsets = [0, 0], sizes = [512, 3], strides = [1, 1]} : vector<512x128xf32> to vector<512x3xf32>
    %swap3A = arith.constant 0 : index
    %swap3A_227 = arith.constant 0 : index
    %swap3A_228 = vector.load %arg22[%swap3A, %swap3A_227] : memref<512x3xf32, #tpu.memory_space<vmem>>, vector<512x3xf32>
    tpu.vector_store %arg22[%swap3A, %swap3A_227], %slice3A_226 {strides = array<i32>} : memref<512x3xf32, #tpu.memory_space<vmem>>, vector<512x3xf32>,
    return
  }
  func.func @transform_0(%arg0: i32) -> (i32, i32) {
    %c0_i32 = arith.constant 0 : i32
    %c0_i32_0 = arith.constant 0 : i32
    return %arg0, %c0_i32 : i32, i32
  }
  func.func @transform_1(%arg0: i32) -> (i32, i32) {
    %c0_i32 = arith.constant 0 : i32
    %c0_i32_0 = arith.constant 0 : i32
    return %arg0, %c0_i32 : i32, i32
  }
  func.func @transform_2(%arg0: i32) -> (i32, i32) {
    %c0_i32 = arith.constant 0 : i32
    %c0_i32_0 = arith.constant 0 : i32
    return %arg0, %c0_i32 : i32, i32
  }
  func.func @transform_3(%arg0: i32) -> (i32, i32) {
    %c0_i32 = arith.constant 0 : i32
    %c0_i32_0 = arith.constant 0 : i32
    return %arg0, %c0_i32 : i32, i32
  }
  func.func @transform_4(%arg0: i32) -> (i32, i32) {
    %c0_i32 = arith.constant 0 : i32
    %c0_i32_0 = arith.constant 0 : i32
    return %arg0, %c0_i32 : i32, i32
  }
  func.func @transform_5(%arg0: i32) -> (i32, i32) {
    %c0_i32 = arith.constant 0 : i32
    %c0_i32_0 = arith.constant 0 : i32
    return %arg0, %c0_i32 : i32, i32
  }
  func.func @transform_6(%arg0: i32) -> (i32, i32) {
    %c0_i32 = arith.constant 0 : i32
    %c0_i32_0 = arith.constant 0 : i32
    return %arg0, %c0_i32 : i32, i32
  }
  func.func @transform_7(%arg0: i32) -> (i32, i32) {
    %c0_i32 = arith.constant 0 : i32
    %c0_i32_0 = arith.constant 0 : i32
    return %arg0, %c0_i32 : i32, i32
  }
  func.func @transform_8(%arg0: i32) -> (i32, i32) {
    %c0_i32 = arith.constant 0 : i32
    %c0_i32_0 = arith.constant 0 : i32
    return %arg0, %c0_i32 : i32, i32
  }
  func.func @transform_9(%arg0: i32) -> (i32, i32) {
    %c0_i32 = arith.constant 0 : i32
    %c0_i32_0 = arith.constant 0 : i32
    return %arg0, %c0_i32 : i32, i32
  }
  func.func @transform_10(%arg0: i32) -> (i32, i32) {
    %c0_i32 = arith.constant 0 : i32
    %c0_i32_0 = arith.constant 0 : i32
    return %arg0, %c0_i32 : i32, i32
  }
  func.func @transform_11(%arg0: i32) -> (i32, i32) {
    %c0_i32 = arith.constant 0 : i32
    %c0_i32_0 = arith.constant 0 : i32
    %c0_i32_1 = arith.constant 0 : i32
    return %c0_i32, %c0_i32_0 : i32, i32
  }
  func.func @transform_12(%arg0: i32) -> (i32, i32) {
    %c0_i32 = arith.constant 0 : i32
    %c0_i32_0 = arith.constant 0 : i32
    %c0_i32_1 = arith.constant 0 : i32
    return %c0_i32, %c0_i32_0 : i32, i32
  }
  func.func @transform_13(%arg0: i32) -> (i32, i32) {
    %c0_i32 = arith.constant 0 : i32
    %c0_i32_0 = arith.constant 0 : i32
    %c0_i32_1 = arith.constant 0 : i32
    return %c0_i32, %c0_i32_0 : i32, i32
  }
  func.func @transform_14(%arg0: i32) -> (i32, i32) {
    %c0_i32 = arith.constant 0 : i32
    %c0_i32_0 = arith.constant 0 : i32
    %c0_i32_1 = arith.constant 0 : i32
    return %c0_i32, %c0_i32_0 : i32, i32
  }
  func.func @transform_15(%arg0: i32) -> (i32, i32) {
    %c0_i32 = arith.constant 0 : i32
    %c0_i32_0 = arith.constant 0 : i32
    %c0_i32_1 = arith.constant 0 : i32
    return %c0_i32, %c0_i32_0 : i32, i32
  }
  func.func @transform_16(%arg0: i32) -> (i32, i32) {
    %c0_i32 = arith.constant 0 : i32
    %c0_i32_0 = arith.constant 0 : i32
    %c0_i32_1 = arith.constant 0 : i32
    return %c0_i32, %c0_i32_0 : i32, i32
  }
  func.func @transform_17(%arg0: i32) -> (i32, i32) {
    %c0_i32 = arith.constant 0 : i32
    %c0_i32_0 = arith.constant 0 : i32
    %c0_i32_1 = arith.constant 0 : i32
    return %c0_i32, %c0_i32_0 : i32, i32
  }
  func.func @transform_18(%arg0: i32) -> (i32, i32) {
    %c0_i32 = arith.constant 0 : i32
    %c0_i32_0 = arith.constant 0 : i32
    %c0_i32_1 = arith.constant 0 : i32
    return %c0_i32, %c0_i32_0 : i32, i32
  }
  func.func @transform_19(%arg0: i32) -> (i32, i32) {
    %c0_i32 = arith.constant 0 : i32
    %c0_i32_0 = arith.constant 0 : i32
    %c0_i32_1 = arith.constant 0 : i32
    return %c0_i32, %c0_i32_0 : i32, i32
  }
  func.func @transform_20(%arg0: i32) -> (i32, i32) {
    %c0_i32 = arith.constant 0 : i32
    %c0_i32_0 = arith.constant 0 : i32
    %c0_i32_1 = arith.constant 0 : i32
    return %c0_i32, %c0_i32_0 : i32, i32
  }
  func.func @transform_21(%arg0: i32) -> (i32, i32) {
    %c0_i32 = arith.constant 0 : i32
    %c0_i32_0 = arith.constant 0 : i32
    return %arg0, %c0_i32 : i32, i32
  }
}

</mosaic_0001>

<sc_bundles>
// kernel: kernel.12.cloned.1.call-start
scs
__scs_entry_jumppad:
0x0: {  	(pc) =	sbr.rel $0x88, $3  }
0x1: {  	(tag) =	ssettag $0x0;
	lr =	simm.s32 $0x1  }
0x2: {  	[smem:$0x3F34] =	sst lr;
	_ =	strace $0xD0000000  }
0x3: {  	_ = 	snop  }
0x4: {  	_ = 	snop  }
0x5: {  	_ = 	snop  }
0x6: {  	_ = 	snop  }
0x7: {  	_ = 	snop  }
__scs_overlays_trampoline_lowered:
0x8: {  	[smem:$0x3F43] =	sst s0  }
0x9: {  	[smem:$0x3F44] =	sst s1  }
0xa: {  	[smem:$0x3F45] =	sst s2  }
0xb: {  	[smem:$0x3F46] =	sst s3  }
0xc: {  	[smem:$0x3F47] =	sst s4  }
0xd: {  	[smem:$0x3F48] =	sst s5  }
0xe: {  	[smem:$0x3F49] =	sst s6  }
0xf: {  	[smem:$0x3F4A] =	sst s7  }
0x10: {  	[smem:$0x3F4B] =	sst s8  }
0x11: {  	[smem:$0x3F4C] =	sst s9;
	s0 =	simm.s32 @!p0 $0x0  }
0x12: {  	s1 =	sld [smem:$0x3F32];
	s0 =	simm.s32 @p0 $0x1  }
0x13: {  	[smem:$0x3F4D] =	sst s0;
	s0 =	simm.s32 @!p1 $0x0  }
0x14: {  	s2 =	sld [smem:$0x3F31];
	s0 =	simm.s32 @p1 $0x1  }
0x15: {  	[smem:$0x3F4E] =	sst s0;
	s0 =	simm.s32 @!p2 $0x0  }
0x16: {  	s3 =	sld [smem:$0x3FDB];
	s0 =	simm.s32 @p2 $0x1  }
0x17: {  	s4 =	simm.s32 $0x1BF5;
	[smem:$0x3F50] =	sst s0  }
0x18: {  	s0 =	sld [smem:$0x3F33];
	_ =	swait.ge [sflag:s4], $0x0  }
0x19: {  	s7 =	sld [smem:$0x3F34]  }
0x1a: {  	s8 =	sadd.s32 $0xFFFFE003, lr  }
0x1b: {  	s9 =	sadd.s32 $0xFFFFFEF7, lr;
	s5 =	simm.s32 $0xFFFFFFFF;
	p2 =	slt.u32 s8, $0xFFFFF086  }
0x1c: {  	p1 =	slt.u32 s9, $0xF7A;
	s5 =	simm.s32 @!p2 $0x0  }
0x1d: {  	s5 =	simm.s32 @p1 $0x1;
	p0 =	seq.s32 s7, s2  }
0x1e: {  	s7 =	smul.u32 @!p0 $0xF7A, s2;
	p2 =	seq.s32 @!p0 s5, $0x0  }
0x1f: {  	s9 =	smul.u32 $0xF7A, s1;
	s8 =	simm.s32 @!p0 $0x1BF5;
	p2 =	por !p2, p0  }
0x20: {  	[sflag:s8] =	ssyncset.s32 @!p0 $0xFFFFF086;
	s6 =	sadd.s32 @!p0 s3, s7;
	s7 =	simm.s32 @!p0 $0x108  }
0x21: {  	s3 =	sadd.s32 s3, s9;
	s6 =	sadd.s32 @!p0 $0x88, s6;
	s7 =	simm.s32 @p2 $0x1082  }
0x22: {  	[simem:s7], [sflag:s8] =	dma.local @!p0 [hbm:s6], $0xF7A  }
0x23: {  	s9 =	sor.u32 $0xD0000000, s2;
	s6 =	simm.s32 $0x108;
	_ =	swait.ge @!p0 [sflag:s8], $0x0  }
0x24: {  	s3 =	sadd.s32 $0x88, s3;
	s6 =	simm.s32 @!p1 $0x1082;
	[sflag:s4] =	ssyncset.s32 $0xFFFFF086  }
0x25: {  	[simem:s6], [sflag:s4] =	dma.local [hbm:s3], $0xF7A  }
0x26: {  	[smem:$0x3F34] =	sst s1;
	(tag) =	ssettag s2;
	_ =	strace s9  }
0x27: {  	s1 =	sld [smem:$0x3F44]  }
0x28: {  	s2 =	sld [smem:$0x3F45]  }
0x29: {  	s4 =	sld [smem:$0x3F47]  }
0x2a: {  	p0 =	seq.s32 s5, $0x0;
	s5 =	sld [smem:$0x3F48]  }
0x2b: {  	s6 =	sld [smem:$0x3F49]  }
0x2c: {  	s7 =	sld [smem:$0x3F4A]  }
0x2d: {  	s3 =	simm.s32 $0x108;
	s8 =	sld [smem:$0x3F4B]  }
0x2e: {  	s3 =	simm.s32 @!p0 $0x1082;
	s9 =	sld [smem:$0x3F4C]  }
0x2f: {  	lr =	sadd.s32 s0, s3;
	s0 =	sld [smem:$0x3F43]  }
0x30: {  	s3 =	sld [smem:$0x3F46]  }
0x31: {  	[smem:$0x3F4F] =	sst s10  }
0x32: {  	s10 =	sld [smem:$0x3F4D];
	_ =	sdelay $0x3  }
0x33: {  	p0 =	seq.s32 s10, $0x1;
	s10 =	sld [smem:$0x3F4F];
	_ =	sdelay $0x3  }
0x34: {  	[smem:$0x3F4F] =	sst s10  }
0x35: {  	s10 =	sld [smem:$0x3F4E];
	_ =	sdelay $0x3  }
0x36: {  	p1 =	seq.s32 s10, $0x1;
	s10 =	sld [smem:$0x3F4F];
	_ =	sdelay $0x3  }
0x37: {  	[smem:$0x3F4F] =	sst s10  }
0x38: {  	s10 =	sld [smem:$0x3F50]  }
0x39: {  	_ = 	snop;
	(pc) =	sbr.ind lr, $3  }
0x3a: {  	_ = 	snop  }
0x3b: {  	_ = 	snop  }
0x3c: {  	p2 =	seq.s32 s10, $0x1;
	s10 =	sld [smem:$0x3F4F]  }
0x3d: {  	_ =	shalt  }
0x3e: {  	_ =	shalt  }
0x3f: {  	_ =	shalt  }
0x40: {  	_ =	shalt  }
0x41: {  	_ =	shalt  }
0x42: {  	_ =	shalt  }
0x43: {  	_ =	shalt  }
0x44: {  	_ =	shalt  }
0x45: {  	_ =	shalt  }
0x46: {  	_ =	shalt  }
0x47: {  	_ =	shalt  }
0x48: {  	_ =	shalt  }
0x49: {  	_ =	shalt  }
0x4a: {  	_ =	shalt  }
0x4b: {  	_ =	shalt  }
0x4c: {  	_ =	shalt  }
0x4d: {  	_ =	shalt  }
0x4e: {  	_ =	shalt  }
0x4f: {  	_ =	shalt  }
0x50: {  	_ =	shalt  }
0x51: {  	_ =	shalt  }
0x52: {  	_ =	shalt  }
0x53: {  	_ =	shalt  }
0x54: {  	_ =	shalt  }
0x55: {  	_ =	shalt  }
0x56: {  	_ =	shalt  }
0x57: {  	_ =	shalt  }
0x58: {  	_ =	shalt  }
0x59: {  	_ =	shalt  }
0x5a: {  	_ =	shalt  }
0x5b: {  	_ =	shalt  }
0x5c: {  	_ =	shalt  }
0x5d: {  	_ =	shalt  }
0x5e: {  	_ =	shalt  }
0x5f: {  	_ =	shalt  }
0x60: {  	_ =	shalt  }
0x61: {  	_ =	shalt  }
0x62: {  	_ =	shalt  }
0x63: {  	_ =	shalt  }
0x64: {  	_ =	shalt  }
0x65: {  	_ =	shalt  }
0x66: {  	_ =	shalt  }
0x67: {  	_ =	shalt  }
0x68: {  	_ =	shalt  }
0x69: {  	_ =	shalt  }
0x6a: {  	_ =	shalt  }
0x6b: {  	_ =	shalt  }
0x6c: {  	_ =	shalt  }
0x6d: {  	_ =	shalt  }
0x6e: {  	_ =	shalt  }
0x6f: {  	_ =	shalt  }
0x70: {  	_ =	shalt  }
0x71: {  	_ =	shalt  }
0x72: {  	_ =	shalt  }
0x73: {  	_ =	shalt  }
0x74: {  	_ =	shalt  }
0x75: {  	_ =	shalt  }
0x76: {  	_ =	shalt  }
0x77: {  	_ =	shalt  }
0x78: {  	_ =	shalt  }
0x79: {  	_ =	shalt  }
0x7a: {  	_ =	shalt  }
0x7b: {  	_ =	shalt  }
0x7c: {  	_ =	shalt  }
0x7d: {  	_ =	shalt  }
0x7e: {  	_ =	shalt  }
0x7f: {  	_ =	shalt  }
0x80: {  	_ =	shalt  }
0x81: {  	_ =	shalt  }
0x82: {  	_ =	shalt  }
0x83: {  	_ =	shalt  }
0x84: {  	_ =	shalt  }
0x85: {  	_ =	shalt  }
0x86: {  	_ =	shalt  }
0x87: {  	_ =	shalt  }
.Lfunc_end0:
.L_simem_size_0:
called_computation.1_lowered:
.L_overlay_start_0:
0x88: {  	s2 =	sld [smem:$0x3FD9]  }
0x89: {  	s3 =	sld [smem:$0x3FFE];
	_ =	sdelay $0x1  }
0x8a: {  	s1 =	srdreg.scid  }
0x8b: {  	s0 =	sand.u32 $0x1, s1  }
0x8c: {  	s17 =	sshll.u32 s0, $0xA;
	s2 =	sadd.s32 s3, s2  }
0x8d: {  	s2 =	sadd.s32 s2, s17  }
0x8e: {  	[smem:$0x3F5B] =	sst s2  }
0x8f: {  	_ = 	snop  }
0x90: {  	(tm) =	ssettm $0x1  }
0x91: {  	s18 =	sld [smem:$0x3FFB];
	_ =	sdelay $0x3  }
0x92: {  	_ =	strace s18  }
0x93: {  	s2 =	sld [smem:$0x3FFC];
	_ =	sdelay $0x3  }
0x94: {  	_ =	strace s2  }
0x95: {  	s2 =	sld [smem:$0x3FFD];
	_ =	sdelay $0x3  }
0x96: {  	_ =	strace s2  }
0x97: {  	_ =	strace $0x8FFFFFFF  }
0x98: {  	s19 =	sld [smem:$0x3FDB];
	_ =	sdelay $0x1  }
0x99: {  	s20 =	simm.s32 $_scs_section_size  }
0x9a: {  	s4 =	simm.s32 $_size__tile_overlayer_lowered;
	s5 =	simm.s32 $_tile_overlayer_lowered  }
0x9b: {  	s6 =	simm.s32 $0x1BFF;
	s21 =	sshll.u32 s5, $0x1;
	s3 =	sadd.s32 s20, s19  }
0x9c: {  	s22 =	simm.s32 $0x0;
	s4 =	sshll.u32 s4, $0x1;
	s5 =	sadd.s32 s21, s3  }
0x9d: {  	[timem:s22], [sflag:s6] =	dma.local [hbm:s5], s4  }
0x9e: {  	_ =	swait.ge [sflag:s6], s4  }
0x9f: {  	s4 =	ssub.s32 $0x0, s4;
	[sflag:s6] =	ssyncset.done $0x0  }
0xa0: {  	[sflag:s6] =	ssyncadd.s32 s4;
	_ =	sdelay $0x1  }
0xa1: {  	s23 =	simm.s32 $0x1B8B  }
0xa2: {  	_ =	swait.ge [sflag:s23], $0x1  }
0xa3: {  	[sflag:s23] =	ssyncset.done $0x0  }
0xa4: {  	[sflag:s23] =	ssyncadd.s32 $0xFFFFFFFF  }
0xa5: {  	s4 =	sld [smem:$0x0]  }
0xa6: {  	s5 =	sand.u32 $0xFFFFFFFE, s1  }
0xa7: {  	p0 =	sne.s32 s1, s5  }
0xa8: {  	s5 =	sshll.u32 @p0 s5, $0xE  }
0xa9: {  	s5 =	sadd.s32 @p0 $0x11B8D, s5;
	s6 =	sshll.u32 @p0 s4, $0x11  }
0xaa: {  	s5 =	sor.u32 @p0 s6, s5  }
0xab: {  	[sflag:s5] =	ssyncadd.remote.s32 @p0 $0x1;
	_ =	sdelay $0x1  }
0xac: {  	s5 =	simm.s32 @p0 $0x1B8D  }
0xad: {  	_ =	swait.eq @p0 [sflag:s5], $0x1  }
0xae: {  	[sflag:s5] =	ssyncadd.s32 @p0 $0xFFFFFFFF  }
0xaf: {  	s6 =	sshll.u32 @!p0 s1, $0xE  }
0xb0: {  	s6 =	sor.u32 @!p0 $0x4000, s6;
	s5 =	simm.s32 @!p0 $0x1B8D  }
0xb1: {  	s4 =	sshll.u32 @!p0 s4, $0x11;
	s6 =	sadd.s32 @!p0 $0x11B8D, s6;
	_ =	swait.eq @!p0 [sflag:s5], $0x1  }
0xb2: {  	s4 =	sor.u32 @!p0 s4, s6;
	[sflag:s5] =	ssyncadd.s32 @!p0 $0xFFFFFFFF  }
0xb3: {  	s25 =	simm.s32 $0x1B8E;
	s24 =	sld [smem:$0x3FFE];
	[sflag:s4] =	ssyncadd.remote.s32 @!p0 $0x1  }
0xb4: {  	s26 =	simm.s32 $execute0_lowered;
	[smem:$0x3FD2] =	sst s25  }
0xb5: {  	s5 =	sshll.u32 s26, $0x1;
	_ =	strace $0x8000004C;
	[dreg:$0x1] =	wrdreg $0xFFFFFFFF  }
0xb6: {  	s28 =	simm.s32 $_size_execute0_lowered;
	s3 =	sadd.s32 s3, s5;
	[dreg:$0x0] =	wrdreg $0x0  }
0xb7: {  	s5 =	sshll.u32 s28, $0x1;
	[dreg:$0x2] =	wrdreg s3  }
0xb8: {  	[dreg:$0x3] =	wrdreg s5  }
0xb9: {  	[dreg:$0x4] =	wrdreg $0xC0  }
0xba: {  	_ =	task [dreg:s22], $0x5FFFF  }
0xbb: {  	[dreg:$0x1] =	wrdreg $0xFFFFFFFF  }
0xbc: {  	[dreg:$0x0] =	wrdreg $0x60  }
0xbd: {  	[dreg:$0x2] =	wrdreg s24  }
0xbe: {  	[dreg:$0x3] =	wrdreg $0x48000  }
0xbf: {  	[dreg:$0x4] =	wrdreg $0xA  }
0xc0: {  	_ =	task.clear_ibuf [dreg:s22], $0x5FFFF;
	_ =	strace $0x9000004C  }
0xc1: {  	s29 =	simm.s32 $0xA;
	_ =	strace $0x8000004E  }
0xc2: {  	_ =	swait.ge [sflag:s29], $0x1  }
0xc3: {  	[sflag:s29] =	ssyncadd.s32 $0xFFFFFFFF  }
0xc4: {  	_ =	strace $0x9000004E  }
0xc5: {  	_ =	sfence  }
0xc6: {  	s30 =	sld [smem:$0x0];
	_ =	sdelay $0x2  }
0xc7: {  	s31 =	sshll.u32 s1, $0xD;
	s1 =	sshrl.u32 s1, $0x2  }
0xc8: {  	s4 =	sand.u32 $0x4000, s31;
	s1 =	sadd.s32 s1, s30  }
0xc9: {  	s0 =	sor.u32 s4, s0;
	s1 =	sshll.u32 s1, $0x11  }
0xca: {  	s0 =	sor.u32 s1, s0  }
0xcb: {  	s0 =	sadd.s32 $0x8F2B, s0  }
0xcc: {  	[sflag:s0] =	ssyncadd.remote.s32 $0x1  }
0xcd: {  	_ =	sfence.sel $0xFFFF  }
0xce: {  	[dreg:$0x0] =	wrdreg $0xFFFFFFFF;
	(pc) =	sbr.abs _section_cstart, $3  }
0xcf: {  	[dreg:$0x1] =	wrdreg $0xFFFFFFFF  }
0xd0: {  	_ =	task.clear_ibuf [dreg:s22], $0x2FFFF;
	_ =	strace $0x9FFFFFFF  }
0xd1: {  	(tm) =	ssettm $0x7FFFFFFF  }
tec
execute0_lowered:
.L_overlay_start_1:
0x0: {  	(tag) =	ssettag $0x1  }
0x1: {  	s7 =	rddreg [dreg:$0x0]  }
0x2: {  	s2 =	rddreg [dreg:$0x1]  }
0x3: {  	s0 =	rddreg [dreg:$0x2];
	s4 =	simm.s32 $0x0;
	s1 =	stileid.u32  }
0x4: {  	s3 =	srdreg.scid;
	s5 =	sadd.s32 $0x1DDC00, s7;
	s6 =	smul.u32 $0xC400, s1  }
0x5: {  	[smem:$0x7FF] =	sst s4;
	s9 =	sadd.s32 $0x171C00, s7;
	s12 =	smul.u32 $0xA, s1  }
0x6: {  	s8 =	sand.u32 $0x1, s3;
	s24 =	sadd.s32 $0x13F200, s7;
	s15 =	sadd.s32 $0x171C80, s7  }
0x7: {  	s31 =	sshll.u32 s1, $0x6;
	_ =	strace $0x8000004D;
	s3 =	smul.u32 $0xA0, s8  }
0x8: {  	s11 =	ssub.s32 $0x2, s8;
	p0 =	seq.s32 s8, $0x1;
	s8 =	simm.s32 $0x200  }
0x9: {  	s10 =	sshrl.u32 s6, $0x3;
	s14 =	sshrl.u32 s11, $0x1;
	s29 =	sadd.s32 s6, s2  }
0xa: {  	s13 =	sadd.s32 s10, s7;
	s11 =	ssub.s32 s11, s14;
	s12 =	sadd.s32 s12, s3  }
0xb: {  	s3 =	sor.u32 $0x1C03, s31;
	s12 =	sshll.u32 s12, $0x7;
	s6 =	sadd.s32 $0x1EA000, s13  }
0xc: {  	s13 =	sadd.s32 $0x202800, s7;
	s16 =	smax.u32 s11, $0x1;
	s7 =	simm.s32 $0x3  }
0xd: {  	s11 =	simm.s32 $0x800;
	s26 =	sadd.s32 s9, s12;
	s25 =	sadd.s32 s12, s15  }
0xe: {  	s19 =	sadd.s32 $0x100, s12;
	s20 =	sadd.s32 $0x200, s12;
	s30 =	sadd.s32 $0x300, s12  }
0xf: {  	s31 =	sadd.s32 $0x400, s12;
	s10 =	sadd.s32 @p0 s10, s13;
	s28 =	sadd.s32 $0xFFFFFFFF, s16  }
0x10: {  	s16 =	simm.s32 $0x1;
	s12 =	simm.s32 $0x2;
	p1 =	sne.s32 s28, $0x0  }
.Ltmp0:
0x11: {  	s13 =	simm.s32 $0x600;
	s23 =	sadd.s32 s9, s19;
	(pc) =	sbr.rel @!p1 .LBB2_3-.Ltmp0, $4  }
0x12: {  	s22 =	sadd.s32 s19, s15;
	s21 =	sadd.s32 s9, s20;
	s20 =	sadd.s32 s20, s15  }
0x13: {  	s19 =	sadd.s32 s9, s30;
	s18 =	sadd.s32 s30, s15;
	s17 =	sadd.s32 s9, s31  }
0x14: {  	s14 =	sadd.s32 s31, s15;
	s15 =	simm.s32 $0x400;
	s9 =	simm.s32 $0x2800  }
0x15: {  	s6 =	smov.u32 @p0 s10;
	p0 =	por $0x0, $0x0;
	s10 =	sshrl.u32 s29, $0x3  }
0x16: {  	[spmem:s10], [sflag:s3] =	dma.local [hbm:s24], $0x1880  }
0x17: {  	_ =	swait.ge [sflag:s7], $0x1880  }
0x18: {  	[sflag:s7] =	ssyncset.done $0x0  }
0x19: {  	[sflag:s7] =	ssyncadd.s32 $0xFFFFE780  }
0x1a: {  	[bflag:$0x0] =	sbarrier.arrive $0xFFFF  }
0x1b: {  	[tilespmem:s4], [sflag:$0x3] =	stream.linear.gather [hbm4b:s26+s4], $0x400, $0x38;
	[tilespmem:$0x10C00] =	vst v63  }
0x1c: {  	_ =	swait.ge [sflag:s7], $0x400  }
0x1d: {  	[sflag:s7] =	ssyncset.done $0x0  }
0x1e: {  	[sflag:s7] =	ssyncadd.s32 $0xFFFFFC00  }
0x1f: {  	[tilespmem:s11], [sflag:$0x1] =	stream.indirect.gather [hbm4b:s5+s8], $0x10, s4, s8, $0xb8;
	[tilespmem:$0x10C00] =	vst v63  }
0x20: {  	_ = 	snop  }
0x21: {  	[tilespmem:s15], [sflag:$0x3] =	stream.linear.gather [hbm4b:s25+s4], $0x400, $0x38;
	[tilespmem:$0x10C00] =	vst v63  }
0x22: {  	_ =	swait.ge [sflag:s7], $0x400  }
0x23: {  	[sflag:s7] =	ssyncset.done $0x0  }
0x24: {  	[sflag:s7] =	ssyncadd.s32 $0xFFFFFC00  }
0x25: {  	[tilespmem:s9], [sflag:$0x2] =	stream.indirect.gather [hbm4b:s5+s8], $0x10, s15, s8, $0xb8;
	[tilespmem:$0x10C00] =	vst v63  }
0x26: {  	_ =	swait.ge [sflag:s16], $0x2000  }
0x27: {  	[sflag:s16] =	ssyncset.done $0x0  }
0x28: {  	[sflag:s16] =	ssyncadd.s32 $0xFFFFE000  }
0x29: {  	[spmem:s2] =	stream.indirect.scatter.add.f32 [tilespmem:s11], [sflag:$0x3], $0x10, s8, s8, $0xb8;
	[tilespmem:$0x10C00] =	vst v63  }
0x2a: {  	_ =	swait.ge [sflag:s7], $0x2000  }
0x2b: {  	[sflag:s7] =	ssyncset.done $0x0  }
0x2c: {  	[sflag:s7] =	ssyncadd.s32 $0xFFFFE000  }
0x2d: {  	_ =	swait.ge [sflag:s12], $0x2000  }
0x2e: {  	[sflag:s12] =	ssyncset.done $0x0  }
0x2f: {  	[sflag:s12] =	ssyncadd.s32 $0xFFFFE000  }
0x30: {  	[spmem:s2] =	stream.indirect.scatter.add.f32 [tilespmem:s9], [sflag:$0x3], $0x10, s13, s8, $0xb8;
	[tilespmem:$0x10C00] =	vst v63  }
0x31: {  	_ =	swait.ge [sflag:s7], $0x2000  }
0x32: {  	[sflag:s7] =	ssyncset.done $0x0  }
0x33: {  	[sflag:s7] =	ssyncadd.s32 $0xFFFFE000  }
0x34: {  	[tilespmem:s4], [sflag:$0x3] =	stream.linear.gather [hbm4b:s23+s4], $0x400, $0x38;
	[tilespmem:$0x10C00] =	vst v63  }
0x35: {  	_ =	swait.ge [sflag:s7], $0x400  }
0x36: {  	[sflag:s7] =	ssyncset.done $0x0  }
0x37: {  	[sflag:s7] =	ssyncadd.s32 $0xFFFFFC00  }
0x38: {  	[tilespmem:s11], [sflag:$0x1] =	stream.indirect.gather [hbm4b:s5+s8], $0x10, s4, s8, $0xb8;
	[tilespmem:$0x10C00] =	vst v63  }
0x39: {  	_ = 	snop  }
0x3a: {  	[tilespmem:s15], [sflag:$0x3] =	stream.linear.gather [hbm4b:s22+s4], $0x400, $0x38;
	[tilespmem:$0x10C00] =	vst v63  }
0x3b: {  	_ =	swait.ge [sflag:s7], $0x400  }
0x3c: {  	[sflag:s7] =	ssyncset.done $0x0  }
0x3d: {  	[sflag:s7] =	ssyncadd.s32 $0xFFFFFC00  }
0x3e: {  	[tilespmem:s9], [sflag:$0x2] =	stream.indirect.gather [hbm4b:s5+s8], $0x10, s15, s8, $0xb8;
	[tilespmem:$0x10C00] =	vst v63  }
0x3f: {  	_ =	swait.ge [sflag:s16], $0x2000  }
0x40: {  	[sflag:s16] =	ssyncset.done $0x0  }
0x41: {  	[sflag:s16] =	ssyncadd.s32 $0xFFFFE000  }
0x42: {  	[spmem:s2] =	stream.indirect.scatter.add.f32 [tilespmem:s11], [sflag:$0x3], $0x10, s8, s8, $0xb8;
	[tilespmem:$0x10C00] =	vst v63  }
0x43: {  	_ =	swait.ge [sflag:s7], $0x2000  }
0x44: {  	[sflag:s7] =	ssyncset.done $0x0  }
0x45: {  	[sflag:s7] =	ssyncadd.s32 $0xFFFFE000  }
0x46: {  	_ =	swait.ge [sflag:s12], $0x2000  }
0x47: {  	[sflag:s12] =	ssyncset.done $0x0  }
0x48: {  	[sflag:s12] =	ssyncadd.s32 $0xFFFFE000  }
0x49: {  	[spmem:s2] =	stream.indirect.scatter.add.f32 [tilespmem:s9], [sflag:$0x3], $0x10, s13, s8, $0xb8;
	[tilespmem:$0x10C00] =	vst v63  }
0x4a: {  	_ =	swait.ge [sflag:s7], $0x2000  }
0x4b: {  	[sflag:s7] =	ssyncset.done $0x0  }
0x4c: {  	[sflag:s7] =	ssyncadd.s32 $0xFFFFE000  }
0x4d: {  	[tilespmem:s4], [sflag:$0x3] =	stream.linear.gather [hbm4b:s21+s4], $0x400, $0x38;
	[tilespmem:$0x10C00] =	vst v63  }
0x4e: {  	_ =	swait.ge [sflag:s7], $0x400  }
0x4f: {  	[sflag:s7] =	ssyncset.done $0x0  }
0x50: {  	[sflag:s7] =	ssyncadd.s32 $0xFFFFFC00  }
0x51: {  	[tilespmem:s11], [sflag:$0x1] =	stream.indirect.gather [hbm4b:s5+s8], $0x10, s4, s8, $0xb8;
	[tilespmem:$0x10C00] =	vst v63  }
0x52: {  	_ = 	snop  }
0x53: {  	[tilespmem:s15], [sflag:$0x3] =	stream.linear.gather [hbm4b:s20+s4], $0x400, $0x38;
	[tilespmem:$0x10C00] =	vst v63  }
0x54: {  	_ =	swait.ge [sflag:s7], $0x400  }
0x55: {  	[sflag:s7] =	ssyncset.done $0x0  }
0x56: {  	[sflag:s7] =	ssyncadd.s32 $0xFFFFFC00  }
0x57: {  	[tilespmem:s9], [sflag:$0x2] =	stream.indirect.gather [hbm4b:s5+s8], $0x10, s15, s8, $0xb8;
	[tilespmem:$0x10C00] =	vst v63  }
0x58: {  	_ =	swait.ge [sflag:s16], $0x2000  }
0x59: {  	[sflag:s16] =	ssyncset.done $0x0  }
0x5a: {  	[sflag:s16] =	ssyncadd.s32 $0xFFFFE000  }
0x5b: {  	[spmem:s2] =	stream.indirect.scatter.add.f32 [tilespmem:s11], [sflag:$0x3], $0x10, s8, s8, $0xb8;
	[tilespmem:$0x10C00] =	vst v63  }
0x5c: {  	_ =	swait.ge [sflag:s7], $0x2000  }
0x5d: {  	[sflag:s7] =	ssyncset.done $0x0  }
0x5e: {  	[sflag:s7] =	ssyncadd.s32 $0xFFFFE000  }
0x5f: {  	_ =	swait.ge [sflag:s12], $0x2000  }
0x60: {  	[sflag:s12] =	ssyncset.done $0x0  }
0x61: {  	[sflag:s12] =	ssyncadd.s32 $0xFFFFE000  }
0x62: {  	[spmem:s2] =	stream.indirect.scatter.add.f32 [tilespmem:s9], [sflag:$0x3], $0x10, s13, s8, $0xb8;
	[tilespmem:$0x10C00] =	vst v63  }
0x63: {  	_ =	swait.ge [sflag:s7], $0x2000  }
0x64: {  	[sflag:s7] =	ssyncset.done $0x0  }
0x65: {  	[sflag:s7] =	ssyncadd.s32 $0xFFFFE000  }
0x66: {  	[tilespmem:s4], [sflag:$0x3] =	stream.linear.gather [hbm4b:s19+s4], $0x400, $0x38;
	[tilespmem:$0x10C00] =	vst v63  }
0x67: {  	_ =	swait.ge [sflag:s7], $0x400  }
0x68: {  	[sflag:s7] =	ssyncset.done $0x0  }
0x69: {  	[sflag:s7] =	ssyncadd.s32 $0xFFFFFC00  }
0x6a: {  	[tilespmem:s11], [sflag:$0x1] =	stream.indirect.gather [hbm4b:s5+s8], $0x10, s4, s8, $0xb8;
	[tilespmem:$0x10C00] =	vst v63  }
0x6b: {  	_ = 	snop  }
0x6c: {  	[tilespmem:s15], [sflag:$0x3] =	stream.linear.gather [hbm4b:s18+s4], $0x400, $0x38;
	[tilespmem:$0x10C00] =	vst v63  }
0x6d: {  	_ =	swait.ge [sflag:s7], $0x400  }
0x6e: {  	[sflag:s7] =	ssyncset.done $0x0  }
0x6f: {  	[sflag:s7] =	ssyncadd.s32 $0xFFFFFC00  }
0x70: {  	[tilespmem:s9], [sflag:$0x2] =	stream.indirect.gather [hbm4b:s5+s8], $0x10, s15, s8, $0xb8;
	[tilespmem:$0x10C00] =	vst v63  }
0x71: {  	_ =	swait.ge [sflag:s16], $0x2000  }
0x72: {  	[sflag:s16] =	ssyncset.done $0x0  }
0x73: {  	[sflag:s16] =	ssyncadd.s32 $0xFFFFE000  }
0x74: {  	[spmem:s2] =	stream.indirect.scatter.add.f32 [tilespmem:s11], [sflag:$0x3], $0x10, s8, s8, $0xb8;
	[tilespmem:$0x10C00] =	vst v63  }
0x75: {  	_ =	swait.ge [sflag:s7], $0x2000  }
0x76: {  	[sflag:s7] =	ssyncset.done $0x0  }
0x77: {  	[sflag:s7] =	ssyncadd.s32 $0xFFFFE000  }
0x78: {  	_ =	swait.ge [sflag:s12], $0x2000  }
0x79: {  	[sflag:s12] =	ssyncset.done $0x0  }
0x7a: {  	[sflag:s12] =	ssyncadd.s32 $0xFFFFE000  }
0x7b: {  	[spmem:s2] =	stream.indirect.scatter.add.f32 [tilespmem:s9], [sflag:$0x3], $0x10, s13, s8, $0xb8;
	[tilespmem:$0x10C00] =	vst v63  }
0x7c: {  	_ =	swait.ge [sflag:s7], $0x2000  }
0x7d: {  	[sflag:s7] =	ssyncset.done $0x0  }
0x7e: {  	[sflag:s7] =	ssyncadd.s32 $0xFFFFE000  }
0x7f: {  	[tilespmem:s4], [sflag:$0x3] =	stream.linear.gather [hbm4b:s17+s4], $0x400, $0x38;
	[tilespmem:$0x10C00] =	vst v63  }
0x80: {  	_ =	swait.ge [sflag:s7], $0x400  }
0x81: {  	[sflag:s7] =	ssyncset.done $0x0  }
0x82: {  	[sflag:s7] =	ssyncadd.s32 $0xFFFFFC00  }
0x83: {  	[tilespmem:s11], [sflag:$0x1] =	stream.indirect.gather [hbm4b:s5+s8], $0x10, s4, s8, $0xb8;
	[tilespmem:$0x10C00] =	vst v63  }
0x84: {  	_ = 	snop  }
0x85: {  	[tilespmem:s15], [sflag:$0x3] =	stream.linear.gather [hbm4b:s14+s4], $0x400, $0x38;
	[tilespmem:$0x10C00] =	vst v63  }
0x86: {  	_ =	swait.ge [sflag:s7], $0x400  }
0x87: {  	[sflag:s7] =	ssyncset.done $0x0  }
0x88: {  	[sflag:s7] =	ssyncadd.s32 $0xFFFFFC00  }
0x89: {  	[tilespmem:s9], [sflag:$0x2] =	stream.indirect.gather [hbm4b:s5+s8], $0x10, s15, s8, $0xb8;
	[tilespmem:$0x10C00] =	vst v63  }
0x8a: {  	_ =	swait.ge [sflag:s16], $0x2000  }
0x8b: {  	[sflag:s16] =	ssyncset.done $0x0  }
0x8c: {  	[sflag:s16] =	ssyncadd.s32 $0xFFFFE000  }
0x8d: {  	[spmem:s2] =	stream.indirect.scatter.add.f32 [tilespmem:s11], [sflag:$0x3], $0x10, s8, s8, $0xb8;
	[tilespmem:$0x10C00] =	vst v63  }
0x8e: {  	_ =	swait.ge [sflag:s7], $0x2000  }
0x8f: {  	[sflag:s7] =	ssyncset.done $0x0  }
0x90: {  	[sflag:s7] =	ssyncadd.s32 $0xFFFFE000  }
0x91: {  	_ =	swait.ge [sflag:s12], $0x2000  }
0x92: {  	[sflag:s12] =	ssyncset.done $0x0  }
0x93: {  	[sflag:s12] =	ssyncadd.s32 $0xFFFFE000  }
0x94: {  	[spmem:s2] =	stream.indirect.scatter.add.f32 [tilespmem:s9], [sflag:$0x3], $0x10, s13, s8, $0xb8;
	[tilespmem:$0x10C00] =	vst v63  }
0x95: {  	s28 =	sadd.s32 $0xFFFFFFFF, s28;
	_ =	swait.ge [sflag:s7], $0x2000  }
0x96: {  	p1 =	sne.s32 s28, $0x0;
	[sflag:s7] =	ssyncset.done $0x0  }
.Ltmp1:
0x97: {  	[sflag:s7] =	ssyncadd.s32 $0xFFFFE000;
	(pc) =	sbr.rel @!p1 .LBB2_3-.Ltmp1, $4  }
0x98: {  	[bflag:$0x0] =	sbarrier.arrive $0xFFFF  }
0x99: {  	[hbm:s6], [sflag:s3] =	dma.local [spmem:s10], $0x1880  }
0x9a: {  	_ =	swait.ge [sflag:s7], $0x1880  }
0x9b: {  	p0 =	por $0x1, $0x1;
	[sflag:s7] =	ssyncset.done $0x0  }
.LBB2_2:
0x9c: {  	s28 =	sadd.s32 $0xFFFFFFFF, s28;
	[sflag:s7] =	ssyncadd.s32 $0xFFFFE780  }
0x9d: {  	[spmem:s10], [sflag:s3] =	dma.local [hbm:s24], $0x1880  }
0x9e: {  	p1 =	sne.s32 s28, $0x0;
	_ =	swait.ge [sflag:s7], $0x1880  }
0x9f: {  	[sflag:s7] =	ssyncset.done $0x0  }
0xa0: {  	[sflag:s7] =	ssyncadd.s32 $0xFFFFE780  }
0xa1: {  	[bflag:$0x0] =	sbarrier.arrive $0xFFFF  }
0xa2: {  	[tilespmem:s4], [sflag:$0x3] =	stream.linear.gather [hbm4b:s26+s4], $0x400, $0x38;
	[tilespmem:$0x10C00] =	vst v63  }
0xa3: {  	_ =	swait.ge [sflag:s7], $0x400  }
0xa4: {  	[sflag:s7] =	ssyncset.done $0x0  }
0xa5: {  	[sflag:s7] =	ssyncadd.s32 $0xFFFFFC00  }
0xa6: {  	[tilespmem:s11], [sflag:$0x1] =	stream.indirect.gather [hbm4b:s5+s8], $0x10, s4, s8, $0xb8;
	[tilespmem:$0x10C00] =	vst v63  }
0xa7: {  	_ = 	snop  }
0xa8: {  	[tilespmem:s15], [sflag:$0x3] =	stream.linear.gather [hbm4b:s25+s4], $0x400, $0x38;
	[tilespmem:$0x10C00] =	vst v63  }
0xa9: {  	_ =	swait.ge [sflag:s7], $0x400  }
0xaa: {  	[sflag:s7] =	ssyncset.done $0x0  }
0xab: {  	[sflag:s7] =	ssyncadd.s32 $0xFFFFFC00  }
0xac: {  	[tilespmem:s9], [sflag:$0x2] =	stream.indirect.gather [hbm4b:s5+s8], $0x10, s15, s8, $0xb8;
	[tilespmem:$0x10C00] =	vst v63  }
0xad: {  	_ =	swait.ge [sflag:s16], $0x2000  }
0xae: {  	[sflag:s16] =	ssyncset.done $0x0  }
0xaf: {  	[sflag:s16] =	ssyncadd.s32 $0xFFFFE000  }
0xb0: {  	[spmem:s2] =	stream.indirect.scatter.add.f32 [tilespmem:s11], [sflag:$0x3], $0x10, s8, s8, $0xb8;
	[tilespmem:$0x10C00] =	vst v63  }
0xb1: {  	_ =	swait.ge [sflag:s7], $0x2000  }
0xb2: {  	[sflag:s7] =	ssyncset.done $0x0  }
0xb3: {  	[sflag:s7] =	ssyncadd.s32 $0xFFFFE000  }
0xb4: {  	_ =	swait.ge [sflag:s12], $0x2000  }
0xb5: {  	[sflag:s12] =	ssyncset.done $0x0  }
0xb6: {  	[sflag:s12] =	ssyncadd.s32 $0xFFFFE000  }
0xb7: {  	[spmem:s2] =	stream.indirect.scatter.add.f32 [tilespmem:s9], [sflag:$0x3], $0x10, s13, s8, $0xb8;
	[tilespmem:$0x10C00] =	vst v63  }
0xb8: {  	_ =	swait.ge [sflag:s7], $0x2000  }
0xb9: {  	[sflag:s7] =	ssyncset.done $0x0  }
0xba: {  	[sflag:s7] =	ssyncadd.s32 $0xFFFFE000  }
0xbb: {  	[tilespmem:s4], [sflag:$0x3] =	stream.linear.gather [hbm4b:s23+s4], $0x400, $0x38;
	[tilespmem:$0x10C00] =	vst v63  }
0xbc: {  	_ =	swait.ge [sflag:s7], $0x400  }
0xbd: {  	[sflag:s7] =	ssyncset.done $0x0  }
0xbe: {  	[sflag:s7] =	ssyncadd.s32 $0xFFFFFC00  }
0xbf: {  	[tilespmem:s11], [sflag:$0x1] =	stream.indirect.gather [hbm4b:s5+s8], $0x10, s4, s8, $0xb8;
	[tilespmem:$0x10C00] =	vst v63  }
0xc0: {  	_ = 	snop  }
0xc1: {  	[tilespmem:s15], [sflag:$0x3] =	stream.linear.gather [hbm4b:s22+s4], $0x400, $0x38;
	[tilespmem:$0x10C00] =	vst v63  }
0xc2: {  	_ =	swait.ge [sflag:s7], $0x400  }
0xc3: {  	[sflag:s7] =	ssyncset.done $0x0  }
0xc4: {  	[sflag:s7] =	ssyncadd.s32 $0xFFFFFC00  }
0xc5: {  	[tilespmem:s9], [sflag:$0x2] =	stream.indirect.gather [hbm4b:s5+s8], $0x10, s15, s8, $0xb8;
	[tilespmem:$0x10C00] =	vst v63  }
0xc6: {  	_ =	swait.ge [sflag:s16], $0x2000  }
0xc7: {  	[sflag:s16] =	ssyncset.done $0x0  }
0xc8: {  	[sflag:s16] =	ssyncadd.s32 $0xFFFFE000  }
0xc9: {  	[spmem:s2] =	stream.indirect.scatter.add.f32 [tilespmem:s11], [sflag:$0x3], $0x10, s8, s8, $0xb8;
	[tilespmem:$0x10C00] =	vst v63  }
0xca: {  	_ =	swait.ge [sflag:s7], $0x2000  }
0xcb: {  	[sflag:s7] =	ssyncset.done $0x0  }
0xcc: {  	[sflag:s7] =	ssyncadd.s32 $0xFFFFE000  }
0xcd: {  	_ =	swait.ge [sflag:s12], $0x2000  }
0xce: {  	[sflag:s12] =	ssyncset.done $0x0  }
0xcf: {  	[sflag:s12] =	ssyncadd.s32 $0xFFFFE000  }
0xd0: {  	[spmem:s2] =	stream.indirect.scatter.add.f32 [tilespmem:s9], [sflag:$0x3], $0x10, s13, s8, $0xb8;
	[tilespmem:$0x10C00] =	vst v63  }
0xd1: {  	_ =	swait.ge [sflag:s7], $0x2000  }
0xd2: {  	[sflag:s7] =	ssyncset.done $0x0  }
0xd3: {  	[sflag:s7] =	ssyncadd.s32 $0xFFFFE000  }
0xd4: {  	[tilespmem:s4], [sflag:$0x3] =	stream.linear.gather [hbm4b:s21+s4], $0x400, $0x38;
	[tilespmem:$0x10C00] =	vst v63  }
0xd5: {  	_ =	swait.ge [sflag:s7], $0x400  }
0xd6: {  	[sflag:s7] =	ssyncset.done $0x0  }
0xd7: {  	[sflag:s7] =	ssyncadd.s32 $0xFFFFFC00  }
0xd8: {  	[tilespmem:s11], [sflag:$0x1] =	stream.indirect.gather [hbm4b:s5+s8], $0x10, s4, s8, $0xb8;
	[tilespmem:$0x10C00] =	vst v63  }
0xd9: {  	_ = 	snop  }
0xda: {  	[tilespmem:s15], [sflag:$0x3] =	stream.linear.gather [hbm4b:s20+s4], $0x400, $0x38;
	[tilespmem:$0x10C00] =	vst v63  }
0xdb: {  	_ =	swait.ge [sflag:s7], $0x400  }
0xdc: {  	[sflag:s7] =	ssyncset.done $0x0  }
0xdd: {  	[sflag:s7] =	ssyncadd.s32 $0xFFFFFC00  }
0xde: {  	[tilespmem:s9], [sflag:$0x2] =	stream.indirect.gather [hbm4b:s5+s8], $0x10, s15, s8, $0xb8;
	[tilespmem:$0x10C00] =	vst v63  }
0xdf: {  	_ =	swait.ge [sflag:s16], $0x2000  }
0xe0: {  	[sflag:s16] =	ssyncset.done $0x0  }
0xe1: {  	[sflag:s16] =	ssyncadd.s32 $0xFFFFE000  }
0xe2: {  	[spmem:s2] =	stream.indirect.scatter.add.f32 [tilespmem:s11], [sflag:$0x3], $0x10, s8, s8, $0xb8;
	[tilespmem:$0x10C00] =	vst v63  }
0xe3: {  	_ =	swait.ge [sflag:s7], $0x2000  }
0xe4: {  	[sflag:s7] =	ssyncset.done $0x0  }
0xe5: {  	[sflag:s7] =	ssyncadd.s32 $0xFFFFE000  }
0xe6: {  	_ =	swait.ge [sflag:s12], $0x2000  }
0xe7: {  	[sflag:s12] =	ssyncset.done $0x0  }
0xe8: {  	[sflag:s12] =	ssyncadd.s32 $0xFFFFE000  }
0xe9: {  	[spmem:s2] =	stream.indirect.scatter.add.f32 [tilespmem:s9], [sflag:$0x3], $0x10, s13, s8, $0xb8;
	[tilespmem:$0x10C00] =	vst v63  }
0xea: {  	_ =	swait.ge [sflag:s7], $0x2000  }
0xeb: {  	[sflag:s7] =	ssyncset.done $0x0  }
0xec: {  	[sflag:s7] =	ssyncadd.s32 $0xFFFFE000  }
0xed: {  	[tilespmem:s4], [sflag:$0x3] =	stream.linear.gather [hbm4b:s19+s4], $0x400, $0x38;
	[tilespmem:$0x10C00] =	vst v63  }
0xee: {  	_ =	swait.ge [sflag:s7], $0x400  }
0xef: {  	[sflag:s7] =	ssyncset.done $0x0  }
0xf0: {  	[sflag:s7] =	ssyncadd.s32 $0xFFFFFC00  }
0xf1: {  	[tilespmem:s11], [sflag:$0x1] =	stream.indirect.gather [hbm4b:s5+s8], $0x10, s4, s8, $0xb8;
	[tilespmem:$0x10C00] =	vst v63  }
0xf2: {  	_ = 	snop  }
0xf3: {  	[tilespmem:s15], [sflag:$0x3] =	stream.linear.gather [hbm4b:s18+s4], $0x400, $0x38;
	[tilespmem:$0x10C00] =	vst v63  }
0xf4: {  	_ =	swait.ge [sflag:s7], $0x400  }
0xf5: {  	[sflag:s7] =	ssyncset.done $0x0  }
0xf6: {  	[sflag:s7] =	ssyncadd.s32 $0xFFFFFC00  }
0xf7: {  	[tilespmem:s9], [sflag:$0x2] =	stream.indirect.gather [hbm4b:s5+s8], $0x10, s15, s8, $0xb8;
	[tilespmem:$0x10C00] =	vst v63  }
0xf8: {  	_ =	swait.ge [sflag:s16], $0x2000  }
0xf9: {  	[sflag:s16] =	ssyncset.done $0x0  }
0xfa: {  	[sflag:s16] =	ssyncadd.s32 $0xFFFFE000  }
0xfb: {  	[spmem:s2] =	stream.indirect.scatter.add.f32 [tilespmem:s11], [sflag:$0x3], $0x10, s8, s8, $0xb8;
	[tilespmem:$0x10C00] =	vst v63  }
0xfc: {  	_ =	swait.ge [sflag:s7], $0x2000  }
0xfd: {  	[sflag:s7] =	ssyncset.done $0x0  }
0xfe: {  	[sflag:s7] =	ssyncadd.s32 $0xFFFFE000  }
0xff: {  	_ =	swait.ge [sflag:s12], $0x2000  }
0x100: {  	[sflag:s12] =	ssyncset.done $0x0  }
0x101: {  	[sflag:s12] =	ssyncadd.s32 $0xFFFFE000  }
0x102: {  	[spmem:s2] =	stream.indirect.scatter.add.f32 [tilespmem:s9], [sflag:$0x3], $0x10, s13, s8, $0xb8;
	[tilespmem:$0x10C00] =	vst v63  }
0x103: {  	_ =	swait.ge [sflag:s7], $0x2000  }
0x104: {  	[sflag:s7] =	ssyncset.done $0x0  }
0x105: {  	[sflag:s7] =	ssyncadd.s32 $0xFFFFE000  }
0x106: {  	[tilespmem:s4], [sflag:$0x3] =	stream.linear.gather [hbm4b:s17+s4], $0x400, $0x38;
	[tilespmem:$0x10C00] =	vst v63  }
0x107: {  	_ =	swait.ge [sflag:s7], $0x400  }
0x108: {  	[sflag:s7] =	ssyncset.done $0x0  }
0x109: {  	[sflag:s7] =	ssyncadd.s32 $0xFFFFFC00  }
0x10a: {  	[tilespmem:s11], [sflag:$0x1] =	stream.indirect.gather [hbm4b:s5+s8], $0x10, s4, s8, $0xb8;
	[tilespmem:$0x10C00] =	vst v63  }
0x10b: {  	_ = 	snop  }
0x10c: {  	[tilespmem:s15], [sflag:$0x3] =	stream.linear.gather [hbm4b:s14+s4], $0x400, $0x38;
	[tilespmem:$0x10C00] =	vst v63  }
0x10d: {  	_ =	swait.ge [sflag:s7], $0x400  }
0x10e: {  	[sflag:s7] =	ssyncset.done $0x0  }
0x10f: {  	[sflag:s7] =	ssyncadd.s32 $0xFFFFFC00  }
0x110: {  	[tilespmem:s9], [sflag:$0x2] =	stream.indirect.gather [hbm4b:s5+s8], $0x10, s15, s8, $0xb8;
	[tilespmem:$0x10C00] =	vst v63  }
0x111: {  	_ =	swait.ge [sflag:s16], $0x2000  }
0x112: {  	[sflag:s16] =	ssyncset.done $0x0  }
0x113: {  	[sflag:s16] =	ssyncadd.s32 $0xFFFFE000  }
0x114: {  	[spmem:s2] =	stream.indirect.scatter.add.f32 [tilespmem:s11], [sflag:$0x3], $0x10, s8, s8, $0xb8;
	[tilespmem:$0x10C00] =	vst v63  }
0x115: {  	_ =	swait.ge [sflag:s7], $0x2000  }
0x116: {  	[sflag:s7] =	ssyncset.done $0x0  }
0x117: {  	[sflag:s7] =	ssyncadd.s32 $0xFFFFE000  }
0x118: {  	_ =	swait.ge [sflag:s12], $0x2000  }
0x119: {  	[sflag:s12] =	ssyncset.done $0x0  }
0x11a: {  	[sflag:s12] =	ssyncadd.s32 $0xFFFFE000  }
0x11b: {  	[spmem:s2] =	stream.indirect.scatter.add.f32 [tilespmem:s9], [sflag:$0x3], $0x10, s13, s8, $0xb8;
	[tilespmem:$0x10C00] =	vst v63  }
0x11c: {  	_ =	swait.ge [sflag:s7], $0x2000  }
0x11d: {  	[sflag:s7] =	ssyncset.done $0x0  }
.Ltmp2:
0x11e: {  	[sflag:s7] =	ssyncadd.s32 $0xFFFFE000;
	(pc) =	sbr.rel @p1 .LBB2_2-.Ltmp2, $4  }
0x11f: {  	[bflag:$0x0] =	sbarrier.arrive $0xFFFF  }
0x120: {  	[hbm:s6], [sflag:s3] =	dma.local [spmem:s10], $0x1880  }
0x121: {  	_ =	swait.ge [sflag:s7], $0x1880  }
0x122: {  	[sflag:s7] =	ssyncset.done $0x0  }
.LBB2_3:
0x123: {  	[sflag:s7] =	ssyncadd.s32 @p0 $0xFFFFE780  }
0x124: {  	[spmem:s10], [sflag:s3] =	dma.local [hbm:s24], $0x1880  }
0x125: {  	_ =	swait.ge [sflag:s7], $0x1880  }
0x126: {  	[sflag:s7] =	ssyncset.done $0x0  }
0x127: {  	[sflag:s7] =	ssyncadd.s32 $0xFFFFE780  }
0x128: {  	[bflag:$0x0] =	sbarrier.arrive $0xFFFF  }
0x129: {  	[tilespmem:s4], [sflag:$0x3] =	stream.linear.gather [hbm4b:s26+s4], $0x400, $0x38;
	[tilespmem:$0x10C00] =	vst v63  }
0x12a: {  	_ =	swait.ge [sflag:s7], $0x400  }
0x12b: {  	[sflag:s7] =	ssyncset.done $0x0  }
0x12c: {  	[sflag:s7] =	ssyncadd.s32 $0xFFFFFC00  }
0x12d: {  	[tilespmem:s11], [sflag:$0x1] =	stream.indirect.gather [hbm4b:s5+s8], $0x10, s4, s8, $0xb8;
	[tilespmem:$0x10C00] =	vst v63  }
0x12e: {  	_ = 	snop  }
0x12f: {  	[tilespmem:s15], [sflag:$0x3] =	stream.linear.gather [hbm4b:s25+s4], $0x400, $0x38;
	[tilespmem:$0x10C00] =	vst v63  }
0x130: {  	_ =	swait.ge [sflag:s7], $0x400  }
0x131: {  	[sflag:s7] =	ssyncset.done $0x0  }
0x132: {  	[sflag:s7] =	ssyncadd.s32 $0xFFFFFC00  }
0x133: {  	[tilespmem:s9], [sflag:$0x2] =	stream.indirect.gather [hbm4b:s5+s8], $0x10, s15, s8, $0xb8;
	[tilespmem:$0x10C00] =	vst v63  }
0x134: {  	_ =	swait.ge [sflag:s16], $0x2000  }
0x135: {  	[sflag:s16] =	ssyncset.done $0x0  }
0x136: {  	[sflag:s16] =	ssyncadd.s32 $0xFFFFE000  }
0x137: {  	[spmem:s2] =	stream.indirect.scatter.add.f32 [tilespmem:s11], [sflag:$0x3], $0x10, s8, s8, $0xb8;
	[tilespmem:$0x10C00] =	vst v63  }
0x138: {  	_ =	swait.ge [sflag:s7], $0x2000  }
0x139: {  	[sflag:s7] =	ssyncset.done $0x0  }
0x13a: {  	[sflag:s7] =	ssyncadd.s32 $0xFFFFE000  }
0x13b: {  	_ =	swait.ge [sflag:s12], $0x2000  }
0x13c: {  	[sflag:s12] =	ssyncset.done $0x0  }
0x13d: {  	[sflag:s12] =	ssyncadd.s32 $0xFFFFE000  }
0x13e: {  	[spmem:s2] =	stream.indirect.scatter.add.f32 [tilespmem:s9], [sflag:$0x3], $0x10, s13, s8, $0xb8;
	[tilespmem:$0x10C00] =	vst v63  }
0x13f: {  	_ =	swait.ge [sflag:s7], $0x2000  }
0x140: {  	[sflag:s7] =	ssyncset.done $0x0  }
0x141: {  	[sflag:s7] =	ssyncadd.s32 $0xFFFFE000  }
0x142: {  	[tilespmem:s4], [sflag:$0x3] =	stream.linear.gather [hbm4b:s23+s4], $0x400, $0x38;
	[tilespmem:$0x10C00] =	vst v63  }
0x143: {  	_ =	swait.ge [sflag:s7], $0x400  }
0x144: {  	[sflag:s7] =	ssyncset.done $0x0  }
0x145: {  	[sflag:s7] =	ssyncadd.s32 $0xFFFFFC00  }
0x146: {  	[tilespmem:s11], [sflag:$0x1] =	stream.indirect.gather [hbm4b:s5+s8], $0x10, s4, s8, $0xb8;
	[tilespmem:$0x10C00] =	vst v63  }
0x147: {  	_ = 	snop  }
0x148: {  	[tilespmem:s15], [sflag:$0x3] =	stream.linear.gather [hbm4b:s22+s4], $0x400, $0x38;
	[tilespmem:$0x10C00] =	vst v63  }
0x149: {  	_ =	swait.ge [sflag:s7], $0x400  }
0x14a: {  	[sflag:s7] =	ssyncset.done $0x0  }
0x14b: {  	[sflag:s7] =	ssyncadd.s32 $0xFFFFFC00  }
0x14c: {  	[tilespmem:s9], [sflag:$0x2] =	stream.indirect.gather [hbm4b:s5+s8], $0x10, s15, s8, $0xb8;
	[tilespmem:$0x10C00] =	vst v63  }
0x14d: {  	_ =	swait.ge [sflag:s16], $0x2000  }
0x14e: {  	[sflag:s16] =	ssyncset.done $0x0  }
0x14f: {  	[sflag:s16] =	ssyncadd.s32 $0xFFFFE000  }
0x150: {  	[spmem:s2] =	stream.indirect.scatter.add.f32 [tilespmem:s11], [sflag:$0x3], $0x10, s8, s8, $0xb8;
	[tilespmem:$0x10C00] =	vst v63  }
0x151: {  	_ =	swait.ge [sflag:s7], $0x2000  }
0x152: {  	[sflag:s7] =	ssyncset.done $0x0  }
0x153: {  	[sflag:s7] =	ssyncadd.s32 $0xFFFFE000  }
0x154: {  	_ =	swait.ge [sflag:s12], $0x2000  }
0x155: {  	[sflag:s12] =	ssyncset.done $0x0  }
0x156: {  	[sflag:s12] =	ssyncadd.s32 $0xFFFFE000  }
0x157: {  	[spmem:s2] =	stream.indirect.scatter.add.f32 [tilespmem:s9], [sflag:$0x3], $0x10, s13, s8, $0xb8;
	[tilespmem:$0x10C00] =	vst v63  }
0x158: {  	_ =	swait.ge [sflag:s7], $0x2000  }
0x159: {  	[sflag:s7] =	ssyncset.done $0x0  }
0x15a: {  	[sflag:s7] =	ssyncadd.s32 $0xFFFFE000  }
0x15b: {  	[tilespmem:s4], [sflag:$0x3] =	stream.linear.gather [hbm4b:s21+s4], $0x400, $0x38;
	[tilespmem:$0x10C00] =	vst v63  }
0x15c: {  	_ =	swait.ge [sflag:s7], $0x400  }
0x15d: {  	[sflag:s7] =	ssyncset.done $0x0  }
0x15e: {  	[sflag:s7] =	ssyncadd.s32 $0xFFFFFC00  }
0x15f: {  	[tilespmem:s11], [sflag:$0x1] =	stream.indirect.gather [hbm4b:s5+s8], $0x10, s4, s8, $0xb8;
	[tilespmem:$0x10C00] =	vst v63  }
0x160: {  	_ = 	snop  }
0x161: {  	[tilespmem:s15], [sflag:$0x3] =	stream.linear.gather [hbm4b:s20+s4], $0x400, $0x38;
	[tilespmem:$0x10C00] =	vst v63  }
0x162: {  	_ =	swait.ge [sflag:s7], $0x400  }
0x163: {  	[sflag:s7] =	ssyncset.done $0x0  }
0x164: {  	[sflag:s7] =	ssyncadd.s32 $0xFFFFFC00  }
0x165: {  	[tilespmem:s9], [sflag:$0x2] =	stream.indirect.gather [hbm4b:s5+s8], $0x10, s15, s8, $0xb8;
	[tilespmem:$0x10C00] =	vst v63  }
0x166: {  	_ =	swait.ge [sflag:s16], $0x2000  }
0x167: {  	[sflag:s16] =	ssyncset.done $0x0  }
0x168: {  	[sflag:s16] =	ssyncadd.s32 $0xFFFFE000  }
0x169: {  	[spmem:s2] =	stream.indirect.scatter.add.f32 [tilespmem:s11], [sflag:$0x3], $0x10, s8, s8, $0xb8;
	[tilespmem:$0x10C00] =	vst v63  }
0x16a: {  	_ =	swait.ge [sflag:s7], $0x2000  }
0x16b: {  	[sflag:s7] =	ssyncset.done $0x0  }
0x16c: {  	[sflag:s7] =	ssyncadd.s32 $0xFFFFE000  }
0x16d: {  	_ =	swait.ge [sflag:s12], $0x2000  }
0x16e: {  	[sflag:s12] =	ssyncset.done $0x0  }
0x16f: {  	[sflag:s12] =	ssyncadd.s32 $0xFFFFE000  }
0x170: {  	[spmem:s2] =	stream.indirect.scatter.add.f32 [tilespmem:s9], [sflag:$0x3], $0x10, s13, s8, $0xb8;
	[tilespmem:$0x10C00] =	vst v63  }
0x171: {  	_ =	swait.ge [sflag:s7], $0x2000  }
0x172: {  	[sflag:s7] =	ssyncset.done $0x0  }
0x173: {  	[sflag:s7] =	ssyncadd.s32 $0xFFFFE000  }
0x174: {  	[tilespmem:s4], [sflag:$0x3] =	stream.linear.gather [hbm4b:s19+s4], $0x400, $0x38;
	[tilespmem:$0x10C00] =	vst v63  }
0x175: {  	_ =	swait.ge [sflag:s7], $0x400  }
0x176: {  	[sflag:s7] =	ssyncset.done $0x0  }
0x177: {  	[sflag:s7] =	ssyncadd.s32 $0xFFFFFC00  }
0x178: {  	[tilespmem:s11], [sflag:$0x1] =	stream.indirect.gather [hbm4b:s5+s8], $0x10, s4, s8, $0xb8;
	[tilespmem:$0x10C00] =	vst v63  }
0x179: {  	_ = 	snop  }
0x17a: {  	[tilespmem:s15], [sflag:$0x3] =	stream.linear.gather [hbm4b:s18+s4], $0x400, $0x38;
	[tilespmem:$0x10C00] =	vst v63  }
0x17b: {  	_ =	swait.ge [sflag:s7], $0x400  }
0x17c: {  	[sflag:s7] =	ssyncset.done $0x0  }
0x17d: {  	[sflag:s7] =	ssyncadd.s32 $0xFFFFFC00  }
0x17e: {  	[tilespmem:s9], [sflag:$0x2] =	stream.indirect.gather [hbm4b:s5+s8], $0x10, s15, s8, $0xb8;
	[tilespmem:$0x10C00] =	vst v63  }
0x17f: {  	_ =	swait.ge [sflag:s16], $0x2000  }
0x180: {  	[sflag:s16] =	ssyncset.done $0x0  }
0x181: {  	[sflag:s16] =	ssyncadd.s32 $0xFFFFE000  }
0x182: {  	[spmem:s2] =	stream.indirect.scatter.add.f32 [tilespmem:s11], [sflag:$0x3], $0x10, s8, s8, $0xb8;
	[tilespmem:$0x10C00] =	vst v63  }
0x183: {  	_ =	swait.ge [sflag:s7], $0x2000  }
0x184: {  	[sflag:s7] =	ssyncset.done $0x0  }
0x185: {  	[sflag:s7] =	ssyncadd.s32 $0xFFFFE000  }
0x186: {  	_ =	swait.ge [sflag:s12], $0x2000  }
0x187: {  	[sflag:s12] =	ssyncset.done $0x0  }
0x188: {  	[sflag:s12] =	ssyncadd.s32 $0xFFFFE000  }
0x189: {  	[spmem:s2] =	stream.indirect.scatter.add.f32 [tilespmem:s9], [sflag:$0x3], $0x10, s13, s8, $0xb8;
	[tilespmem:$0x10C00] =	vst v63  }
0x18a: {  	_ =	swait.ge [sflag:s7], $0x2000  }
0x18b: {  	[sflag:s7] =	ssyncset.done $0x0  }
0x18c: {  	[sflag:s7] =	ssyncadd.s32 $0xFFFFE000  }
0x18d: {  	[tilespmem:s4], [sflag:$0x3] =	stream.linear.gather [hbm4b:s17+s4], $0x400, $0x38;
	[tilespmem:$0x10C00] =	vst v63  }
0x18e: {  	_ =	swait.ge [sflag:s7], $0x400  }
0x18f: {  	[sflag:s7] =	ssyncset.done $0x0  }
0x190: {  	[sflag:s7] =	ssyncadd.s32 $0xFFFFFC00  }
0x191: {  	[tilespmem:s11], [sflag:$0x1] =	stream.indirect.gather [hbm4b:s5+s8], $0x10, s4, s8, $0xb8;
	[tilespmem:$0x10C00] =	vst v63  }
0x192: {  	_ = 	snop  }
0x193: {  	[tilespmem:s15], [sflag:$0x3] =	stream.linear.gather [hbm4b:s14+s4], $0x400, $0x38;
	[tilespmem:$0x10C00] =	vst v63  }
0x194: {  	_ =	swait.ge [sflag:s7], $0x400  }
0x195: {  	[sflag:s7] =	ssyncset.done $0x0  }
0x196: {  	[sflag:s7] =	ssyncadd.s32 $0xFFFFFC00  }
0x197: {  	[tilespmem:s9], [sflag:$0x2] =	stream.indirect.gather [hbm4b:s5+s8], $0x10, s15, s8, $0xb8;
	[tilespmem:$0x10C00] =	vst v63  }
0x198: {  	_ =	swait.ge [sflag:s16], $0x2000  }
0x199: {  	[sflag:s16] =	ssyncset.done $0x0  }
0x19a: {  	[sflag:s16] =	ssyncadd.s32 $0xFFFFE000  }
0x19b: {  	[spmem:s2] =	stream.indirect.scatter.add.f32 [tilespmem:s11], [sflag:$0x3], $0x10, s8, s8, $0xb8;
	[tilespmem:$0x10C00] =	vst v63  }
0x19c: {  	_ =	swait.ge [sflag:s7], $0x2000  }
0x19d: {  	[sflag:s7] =	ssyncset.done $0x0  }
0x19e: {  	[sflag:s7] =	ssyncadd.s32 $0xFFFFE000  }
0x19f: {  	_ =	swait.ge [sflag:s12], $0x2000  }
0x1a0: {  	[sflag:s12] =	ssyncset.done $0x0  }
0x1a1: {  	[sflag:s12] =	ssyncadd.s32 $0xFFFFE000  }
0x1a2: {  	[spmem:s2] =	stream.indirect.scatter.add.f32 [tilespmem:s9], [sflag:$0x3], $0x10, s13, s8, $0xb8;
	[tilespmem:$0x10C00] =	vst v63  }
0x1a3: {  	_ =	swait.ge [sflag:s7], $0x2000  }
0x1a4: {  	[sflag:s7] =	ssyncset.done $0x0  }
0x1a5: {  	[sflag:s7] =	ssyncadd.s32 $0xFFFFE000  }
0x1a6: {  	[bflag:$0x0] =	sbarrier.arrive $0xFFFF  }
0x1a7: {  	[hbm:s6], [sflag:s3] =	dma.local [spmem:s10], $0x1880  }
0x1a8: {  	_ =	swait.ge [sflag:s7], $0x1880  }
0x1a9: {  	[sflag:s7] =	ssyncset.done $0x0  }
0x1aa: {  	[sflag:s7] =	ssyncadd.s32 $0xFFFFE780  }
0x1ab: {  	_ =	sfence.sel $0x180000  }
0x1ac: {  	[bflag:$0x0] =	sbarrier.arrive $0xFFFF  }
0x1ad: {  	p0 =	sne.s32 s1, $0x0;
	_ =	strace $0x9000004D  }
0x1ae: {  	s0 =	sadd.s32 @!p0 $0x100000, s0;
	[bflag:$0x2] =	sbarrier.arrive $0xFFFF  }
0x1af: {  	[sflag:s0] =	ssyncadd.tile.s32 @!p0 $0x1;
	_ =	shalt  }
.Lfunc_end2:
_tile_overlayer_lowered:
.L_overlay_start_2:
0x1b0: {  	(tag) =	ssettag $0x2  }
0x1b1: {  	s0 =	rddreg [dreg:$0x0];
	s2 =	stileid.u32  }
0x1b2: {  	s1 =	rddreg [dreg:$0x1];
	p0 =	sne.s32 s2, $0x0  }
0x1b3: {  	s3 =	rddreg [dreg:$0x2];
	[bflag:$0x3] =	sbarrier.arrive $0xFFFF;
	s2 =	simm.s32 @!p0 $0x1C03  }
0x1b4: {  	[timem:s3], [sflag:s2] =	dma.local @!p0 [hbm:s0], s1  }
0x1b5: {  	s0 =	simm.s32 @!p0 $0x3  }
0x1b6: {  	_ =	swait.ge @!p0 [sflag:s0], s1  }
0x1b7: {  	s1 =	ssub.s32 @!p0 $0x0, s1;
	[sflag:s0] =	ssyncset.done @!p0 $0x0  }
0x1b8: {  	[sflag:s0] =	ssyncadd.s32 @!p0 s1  }
0x1b9: {  	[bflag:$0x3] =	sbarrier.arrive $0xFFFF  }
0x1ba: {  	_ =	shalt  }

// kernel: kernel.15.cloned.1.call-start
scs
__scs_entry_jumppad:
0x0: {  	(pc) =	sbr.rel $0x88, $3  }
0x1: {  	(tag) =	ssettag $0x0;
	lr =	simm.s32 $0x1  }
0x2: {  	[smem:$0x3F34] =	sst lr;
	_ =	strace $0xD0000000  }
0x3: {  	_ = 	snop  }
0x4: {  	_ = 	snop  }
0x5: {  	_ = 	snop  }
0x6: {  	_ = 	snop  }
0x7: {  	_ = 	snop  }
__scs_overlays_trampoline_lowered:
0x8: {  	[smem:$0x3F43] =	sst s0  }
0x9: {  	[smem:$0x3F44] =	sst s1  }
0xa: {  	[smem:$0x3F45] =	sst s2  }
0xb: {  	[smem:$0x3F46] =	sst s3  }
0xc: {  	[smem:$0x3F47] =	sst s4  }
0xd: {  	[smem:$0x3F48] =	sst s5  }
0xe: {  	[smem:$0x3F49] =	sst s6  }
0xf: {  	[smem:$0x3F4A] =	sst s7  }
0x10: {  	[smem:$0x3F4B] =	sst s8  }
0x11: {  	[smem:$0x3F4C] =	sst s9;
	s0 =	simm.s32 @!p0 $0x0  }
0x12: {  	s1 =	sld [smem:$0x3F32];
	s0 =	simm.s32 @p0 $0x1  }
0x13: {  	[smem:$0x3F4D] =	sst s0;
	s0 =	simm.s32 @!p1 $0x0  }
0x14: {  	s2 =	sld [smem:$0x3F31];
	s0 =	simm.s32 @p1 $0x1  }
0x15: {  	[smem:$0x3F4E] =	sst s0;
	s0 =	simm.s32 @!p2 $0x0  }
0x16: {  	s3 =	sld [smem:$0x3FDB];
	s0 =	simm.s32 @p2 $0x1  }
0x17: {  	s4 =	simm.s32 $0x1BF5;
	[smem:$0x3F50] =	sst s0  }
0x18: {  	s0 =	sld [smem:$0x3F33];
	_ =	swait.ge [sflag:s4], $0x0  }
0x19: {  	s7 =	sld [smem:$0x3F34]  }
0x1a: {  	s8 =	sadd.s32 $0xFFFFE003, lr  }
0x1b: {  	s9 =	sadd.s32 $0xFFFFFEF7, lr;
	s5 =	simm.s32 $0xFFFFFFFF;
	p2 =	slt.u32 s8, $0xFFFFF086  }
0x1c: {  	p1 =	slt.u32 s9, $0xF7A;
	s5 =	simm.s32 @!p2 $0x0  }
0x1d: {  	s5 =	simm.s32 @p1 $0x1;
	p0 =	seq.s32 s7, s2  }
0x1e: {  	s7 =	smul.u32 @!p0 $0xF7A, s2;
	p2 =	seq.s32 @!p0 s5, $0x0  }
0x1f: {  	s9 =	smul.u32 $0xF7A, s1;
	s8 =	simm.s32 @!p0 $0x1BF5;
	p2 =	por !p2, p0  }
0x20: {  	[sflag:s8] =	ssyncset.s32 @!p0 $0xFFFFF086;
	s6 =	sadd.s32 @!p0 s3, s7;
	s7 =	simm.s32 @!p0 $0x108  }
0x21: {  	s3 =	sadd.s32 s3, s9;
	s6 =	sadd.s32 @!p0 $0x88, s6;
	s7 =	simm.s32 @p2 $0x1082  }
0x22: {  	[simem:s7], [sflag:s8] =	dma.local @!p0 [hbm:s6], $0xF7A  }
0x23: {  	s9 =	sor.u32 $0xD0000000, s2;
	s6 =	simm.s32 $0x108;
	_ =	swait.ge @!p0 [sflag:s8], $0x0  }
0x24: {  	s3 =	sadd.s32 $0x88, s3;
	s6 =	simm.s32 @!p1 $0x1082;
	[sflag:s4] =	ssyncset.s32 $0xFFFFF086  }
0x25: {  	[simem:s6], [sflag:s4] =	dma.local [hbm:s3], $0xF7A  }
0x26: {  	[smem:$0x3F34] =	sst s1;
	(tag) =	ssettag s2;
	_ =	strace s9  }
0x27: {  	s1 =	sld [smem:$0x3F44]  }
0x28: {  	s2 =	sld [smem:$0x3F45]  }
0x29: {  	s4 =	sld [smem:$0x3F47]  }
0x2a: {  	p0 =	seq.s32 s5, $0x0;
	s5 =	sld [smem:$0x3F48]  }
0x2b: {  	s6 =	sld [smem:$0x3F49]  }
0x2c: {  	s7 =	sld [smem:$0x3F4A]  }
0x2d: {  	s3 =	simm.s32 $0x108;
	s8 =	sld [smem:$0x3F4B]  }
0x2e: {  	s3 =	simm.s32 @!p0 $0x1082;
	s9 =	sld [smem:$0x3F4C]  }
0x2f: {  	lr =	sadd.s32 s0, s3;
	s0 =	sld [smem:$0x3F43]  }
0x30: {  	s3 =	sld [smem:$0x3F46]  }
0x31: {  	[smem:$0x3F4F] =	sst s10  }
0x32: {  	s10 =	sld [smem:$0x3F4D];
	_ =	sdelay $0x3  }
0x33: {  	p0 =	seq.s32 s10, $0x1;
	s10 =	sld [smem:$0x3F4F];
	_ =	sdelay $0x3  }
0x34: {  	[smem:$0x3F4F] =	sst s10  }
0x35: {  	s10 =	sld [smem:$0x3F4E];
	_ =	sdelay $0x3  }
0x36: {  	p1 =	seq.s32 s10, $0x1;
	s10 =	sld [smem:$0x3F4F];
	_ =	sdelay $0x3  }
0x37: {  	[smem:$0x3F4F] =	sst s10  }
0x38: {  	s10 =	sld [smem:$0x3F50]  }
0x39: {  	_ = 	snop;
	(pc) =	sbr.ind lr, $3  }
0x3a: {  	_ = 	snop  }
0x3b: {  	_ = 	snop  }
0x3c: {  	p2 =	seq.s32 s10, $0x1;
	s10 =	sld [smem:$0x3F4F]  }
0x3d: {  	_ =	shalt  }
0x3e: {  	_ =	shalt  }
0x3f: {  	_ =	shalt  }
0x40: {  	_ =	shalt  }
0x41: {  	_ =	shalt  }
0x42: {  	_ =	shalt  }
0x43: {  	_ =	shalt  }
0x44: {  	_ =	shalt  }
0x45: {  	_ =	shalt  }
0x46: {  	_ =	shalt  }
0x47: {  	_ =	shalt  }
0x48: {  	_ =	shalt  }
0x49: {  	_ =	shalt  }
0x4a: {  	_ =	shalt  }
0x4b: {  	_ =	shalt  }
0x4c: {  	_ =	shalt  }
0x4d: {  	_ =	shalt  }
0x4e: {  	_ =	shalt  }
0x4f: {  	_ =	shalt  }
0x50: {  	_ =	shalt  }
0x51: {  	_ =	shalt  }
0x52: {  	_ =	shalt  }
0x53: {  	_ =	shalt  }
0x54: {  	_ =	shalt  }
0x55: {  	_ =	shalt  }
0x56: {  	_ =	shalt  }
0x57: {  	_ =	shalt  }
0x58: {  	_ =	shalt  }
0x59: {  	_ =	shalt  }
0x5a: {  	_ =	shalt  }
0x5b: {  	_ =	shalt  }
0x5c: {  	_ =	shalt  }
0x5d: {  	_ =	shalt  }
0x5e: {  	_ =	shalt  }
0x5f: {  	_ =	shalt  }
0x60: {  	_ =	shalt  }
0x61: {  	_ =	shalt  }
0x62: {  	_ =	shalt  }
0x63: {  	_ =	shalt  }
0x64: {  	_ =	shalt  }
0x65: {  	_ =	shalt  }
0x66: {  	_ =	shalt  }
0x67: {  	_ =	shalt  }
0x68: {  	_ =	shalt  }
0x69: {  	_ =	shalt  }
0x6a: {  	_ =	shalt  }
0x6b: {  	_ =	shalt  }
0x6c: {  	_ =	shalt  }
0x6d: {  	_ =	shalt  }
0x6e: {  	_ =	shalt  }
0x6f: {  	_ =	shalt  }
0x70: {  	_ =	shalt  }
0x71: {  	_ =	shalt  }
0x72: {  	_ =	shalt  }
0x73: {  	_ =	shalt  }
0x74: {  	_ =	shalt  }
0x75: {  	_ =	shalt  }
0x76: {  	_ =	shalt  }
0x77: {  	_ =	shalt  }
0x78: {  	_ =	shalt  }
0x79: {  	_ =	shalt  }
0x7a: {  	_ =	shalt  }
0x7b: {  	_ =	shalt  }
0x7c: {  	_ =	shalt  }
0x7d: {  	_ =	shalt  }
0x7e: {  	_ =	shalt  }
0x7f: {  	_ =	shalt  }
0x80: {  	_ =	shalt  }
0x81: {  	_ =	shalt  }
0x82: {  	_ =	shalt  }
0x83: {  	_ =	shalt  }
0x84: {  	_ =	shalt  }
0x85: {  	_ =	shalt  }
0x86: {  	_ =	shalt  }
0x87: {  	_ =	shalt  }
.Lfunc_end0:
.L_simem_size_0:
called_computation.2_lowered:
.L_overlay_start_0:
0x88: {  	s2 =	sld [smem:$0x3FD9]  }
0x89: {  	s3 =	sld [smem:$0x3FFE];
	_ =	sdelay $0x1  }
0x8a: {  	s1 =	srdreg.scid  }
0x8b: {  	s0 =	sand.u32 $0x1, s1  }
0x8c: {  	s16 =	sshll.u32 s0, $0xA;
	s2 =	sadd.s32 s3, s2  }
0x8d: {  	s2 =	sadd.s32 s2, s16  }
0x8e: {  	[smem:$0x3F5B] =	sst s2  }
0x8f: {  	_ = 	snop  }
0x90: {  	(tm) =	ssettm $0x1  }
0x91: {  	s17 =	sld [smem:$0x3FFB];
	_ =	sdelay $0x3  }
0x92: {  	_ =	strace s17  }
0x93: {  	s2 =	sld [smem:$0x3FFC];
	_ =	sdelay $0x3  }
0x94: {  	_ =	strace s2  }
0x95: {  	s2 =	sld [smem:$0x3FFD];
	_ =	sdelay $0x3  }
0x96: {  	_ =	strace s2  }
0x97: {  	_ =	strace $0x8FFFFFFF  }
0x98: {  	s18 =	sld [smem:$0x3FDB];
	_ =	sdelay $0x1  }
0x99: {  	s19 =	simm.s32 $_scs_section_size  }
0x9a: {  	s4 =	simm.s32 $_size__tile_overlayer_lowered;
	s5 =	simm.s32 $_tile_overlayer_lowered  }
0x9b: {  	s22 =	simm.s32 $0x1BFF;
	s21 =	sshll.u32 s5, $0x1;
	s2 =	sadd.s32 s19, s18  }
0x9c: {  	s6 =	simm.s32 $0x0;
	s20 =	sshll.u32 s4, $0x1;
	s4 =	sadd.s32 s21, s2  }
0x9d: {  	[timem:s6], [sflag:s22] =	dma.local [hbm:s4], s20  }
0x9e: {  	_ =	swait.ge [sflag:s22], s20  }
0x9f: {  	s3 =	ssub.s32 $0x0, s20;
	[sflag:s22] =	ssyncset.done $0x0  }
0xa0: {  	[sflag:s22] =	ssyncadd.s32 s3;
	_ =	sdelay $0x1  }
0xa1: {  	s23 =	simm.s32 $0x1B8B  }
0xa2: {  	_ =	swait.ge [sflag:s23], $0x1  }
0xa3: {  	[sflag:s23] =	ssyncset.done $0x0  }
0xa4: {  	s25 =	simm.s32 $0x1B8E;
	s24 =	sld [smem:$0x3FFE];
	[sflag:s23] =	ssyncadd.s32 $0xFFFFFFFF  }
0xa5: {  	s26 =	simm.s32 $execute0_lowered;
	[smem:$0x3FD2] =	sst s25  }
0xa6: {  	s4 =	sshll.u32 s26, $0x1;
	_ =	strace $0x80000046;
	[dreg:$0x1] =	wrdreg $0xFFFFFFFF  }
0xa7: {  	s28 =	simm.s32 $_size_execute0_lowered;
	s2 =	sadd.s32 s2, s4;
	[dreg:$0x0] =	wrdreg $0x0  }
0xa8: {  	s4 =	sshll.u32 s28, $0x1;
	[dreg:$0x2] =	wrdreg s2  }
0xa9: {  	[dreg:$0x3] =	wrdreg s4  }
0xaa: {  	[dreg:$0x4] =	wrdreg $0xC0  }
0xab: {  	_ =	task [dreg:s6], $0x5FFFF  }
0xac: {  	[dreg:$0x1] =	wrdreg $0xFFFFFFFF  }
0xad: {  	[dreg:$0x0] =	wrdreg $0x60  }
0xae: {  	[dreg:$0x2] =	wrdreg s24  }
0xaf: {  	[dreg:$0x3] =	wrdreg $0x48000  }
0xb0: {  	[dreg:$0x4] =	wrdreg $0xB  }
0xb1: {  	_ =	task.clear_ibuf [dreg:s6], $0x5FFFF;
	_ =	strace $0x90000046  }
0xb2: {  	s29 =	simm.s32 $0xB;
	_ =	strace $0x80000048  }
0xb3: {  	_ =	swait.ge [sflag:s29], $0x1  }
0xb4: {  	[sflag:s29] =	ssyncadd.s32 $0xFFFFFFFF  }
0xb5: {  	_ =	strace $0x90000048  }
0xb6: {  	_ =	sfence  }
0xb7: {  	s30 =	sld [smem:$0x0];
	_ =	sdelay $0x2  }
0xb8: {  	s31 =	sshll.u32 s1, $0xD;
	s1 =	sshrl.u32 s1, $0x2  }
0xb9: {  	s3 =	sand.u32 $0x4000, s31;
	s1 =	sadd.s32 s1, s30  }
0xba: {  	s0 =	sor.u32 s3, s0;
	s1 =	sshll.u32 s1, $0x11  }
0xbb: {  	s0 =	sor.u32 s1, s0  }
0xbc: {  	s0 =	sadd.s32 $0x8F2B, s0  }
0xbd: {  	[sflag:s0] =	ssyncadd.remote.s32 $0x1  }
0xbe: {  	_ =	sfence.sel $0xFFFF  }
0xbf: {  	[dreg:$0x0] =	wrdreg $0xFFFFFFFF;
	(pc) =	sbr.abs _section_cstart, $3  }
0xc0: {  	[dreg:$0x1] =	wrdreg $0xFFFFFFFF  }
0xc1: {  	_ =	task.clear_ibuf [dreg:s6], $0x2FFFF;
	_ =	strace $0x9FFFFFFF  }
0xc2: {  	(tm) =	ssettm $0x7FFFFFFF  }
0xc3: {  	_ =	shalt  }
tec
execute0_lowered:
.L_overlay_start_1:
0x0: {  	(tag) =	ssettag $0x1  }
0x1: {  	s7 =	rddreg [dreg:$0x0]  }
0x2: {  	s2 =	rddreg [dreg:$0x1]  }
0x3: {  	s0 =	rddreg [dreg:$0x2]  }
0x4: {  	s4 =	simm.s32 $0x0;
	s1 =	stileid.u32;
	s3 =	srdreg.scid  }
0x5: {  	[smem:$0x7FF] =	sst s4;
	s6 =	smul.u32 $0x6200, s1  }
0x6: {  	s8 =	sand.u32 $0x1, s3;
	s5 =	sadd.s32 $0xDB400, s7;
	s9 =	sadd.s32 $0xD400, s7  }
0x7: {  	s12 =	smul.u32 $0xA, s1;
	s24 =	sadd.s32 $0xF3C00, s7;
	s31 =	sshll.u32 s1, $0x6  }
0x8: {  	s15 =	sadd.s32 $0xD480, s7;
	_ =	strace $0x80000047;
	s3 =	smul.u32 $0xA0, s8  }
0x9: {  	s11 =	ssub.s32 $0x2, s8;
	p0 =	seq.s32 s8, $0x1;
	s8 =	simm.s32 $0x200  }
0xa: {  	s10 =	sshrl.u32 s6, $0x3;
	s14 =	sshrl.u32 s11, $0x1;
	s29 =	sadd.s32 s6, s2  }
0xb: {  	s13 =	sadd.s32 s10, s7;
	s11 =	ssub.s32 s11, s14;
	s12 =	sadd.s32 s12, s3  }
0xc: {  	s3 =	sor.u32 $0x1C03, s31;
	s12 =	sshll.u32 s12, $0x7;
	s6 =	sadd.s32 $0xF4A00, s13  }
0xd: {  	s13 =	sadd.s32 $0x100E00, s7;
	s16 =	smax.u32 s11, $0x1;
	s7 =	simm.s32 $0x3  }
0xe: {  	s11 =	simm.s32 $0x800;
	s26 =	sadd.s32 s9, s12;
	s25 =	sadd.s32 s12, s15  }
0xf: {  	s19 =	sadd.s32 $0x100, s12;
	s20 =	sadd.s32 $0x200, s12;
	s30 =	sadd.s32 $0x300, s12  }
0x10: {  	s31 =	sadd.s32 $0x400, s12;
	s10 =	sadd.s32 @p0 s10, s13;
	s28 =	sadd.s32 $0xFFFFFFFF, s16  }
0x11: {  	s16 =	simm.s32 $0x1;
	s12 =	simm.s32 $0x2;
	p1 =	sne.s32 s28, $0x0  }
.Ltmp0:
0x12: {  	s13 =	simm.s32 $0x600;
	s23 =	sadd.s32 s9, s19;
	(pc) =	sbr.rel @!p1 .LBB2_3-.Ltmp0, $4  }
0x13: {  	s22 =	sadd.s32 s19, s15;
	s21 =	sadd.s32 s9, s20;
	s20 =	sadd.s32 s20, s15  }
0x14: {  	s19 =	sadd.s32 s9, s30;
	s18 =	sadd.s32 s30, s15;
	s17 =	sadd.s32 s9, s31  }
0x15: {  	s14 =	sadd.s32 s31, s15;
	s15 =	simm.s32 $0x400;
	s9 =	simm.s32 $0x2800  }
0x16: {  	s6 =	smov.u32 @p0 s10;
	p0 =	por $0x0, $0x0;
	s10 =	sshrl.u32 s29, $0x3  }
0x17: {  	[spmem:s10], [sflag:s3] =	dma.local [hbm:s24], $0xC40  }
0x18: {  	_ =	swait.ge [sflag:s7], $0xC40  }
0x19: {  	[sflag:s7] =	ssyncset.done $0x0  }
0x1a: {  	[sflag:s7] =	ssyncadd.s32 $0xFFFFF3C0  }
0x1b: {  	[bflag:$0x0] =	sbarrier.arrive $0xFFFF  }
0x1c: {  	[tilespmem:s4], [sflag:$0x3] =	stream.linear.gather [hbm4b:s26+s4], $0x400, $0x38;
	[tilespmem:$0xAA00] =	vst v63  }
0x1d: {  	_ =	swait.ge [sflag:s7], $0x400  }
0x1e: {  	[sflag:s7] =	ssyncset.done $0x0  }
0x1f: {  	[sflag:s7] =	ssyncadd.s32 $0xFFFFFC00  }
0x20: {  	[tilespmem:s11], [sflag:$0x1] =	stream.indirect.gather [hbm4b:s5+s8], $0x10, s4, s8, $0xb8;
	[tilespmem:$0xAA00] =	vst v63  }
0x21: {  	_ = 	snop  }
0x22: {  	[tilespmem:s15], [sflag:$0x3] =	stream.linear.gather [hbm4b:s25+s4], $0x400, $0x38;
	[tilespmem:$0xAA00] =	vst v63  }
0x23: {  	_ =	swait.ge [sflag:s7], $0x400  }
0x24: {  	[sflag:s7] =	ssyncset.done $0x0  }
0x25: {  	[sflag:s7] =	ssyncadd.s32 $0xFFFFFC00  }
0x26: {  	[tilespmem:s9], [sflag:$0x2] =	stream.indirect.gather [hbm4b:s5+s8], $0x10, s15, s8, $0xb8;
	[tilespmem:$0xAA00] =	vst v63  }
0x27: {  	_ =	swait.ge [sflag:s16], $0x2000  }
0x28: {  	[sflag:s16] =	ssyncset.done $0x0  }
0x29: {  	[sflag:s16] =	ssyncadd.s32 $0xFFFFE000  }
0x2a: {  	[spmem:s2] =	stream.indirect.scatter.add.f32 [tilespmem:s11], [sflag:$0x3], $0x10, s8, s8, $0xb8;
	[tilespmem:$0xAA00] =	vst v63  }
0x2b: {  	_ =	swait.ge [sflag:s7], $0x2000  }
0x2c: {  	[sflag:s7] =	ssyncset.done $0x0  }
0x2d: {  	[sflag:s7] =	ssyncadd.s32 $0xFFFFE000  }
0x2e: {  	_ =	swait.ge [sflag:s12], $0x2000  }
0x2f: {  	[sflag:s12] =	ssyncset.done $0x0  }
0x30: {  	[sflag:s12] =	ssyncadd.s32 $0xFFFFE000  }
0x31: {  	[spmem:s2] =	stream.indirect.scatter.add.f32 [tilespmem:s9], [sflag:$0x3], $0x10, s13, s8, $0xb8;
	[tilespmem:$0xAA00] =	vst v63  }
0x32: {  	_ =	swait.ge [sflag:s7], $0x2000  }
0x33: {  	[sflag:s7] =	ssyncset.done $0x0  }
0x34: {  	[sflag:s7] =	ssyncadd.s32 $0xFFFFE000  }
0x35: {  	[tilespmem:s4], [sflag:$0x3] =	stream.linear.gather [hbm4b:s23+s4], $0x400, $0x38;
	[tilespmem:$0xAA00] =	vst v63  }
0x36: {  	_ =	swait.ge [sflag:s7], $0x400  }
0x37: {  	[sflag:s7] =	ssyncset.done $0x0  }
0x38: {  	[sflag:s7] =	ssyncadd.s32 $0xFFFFFC00  }
0x39: {  	[tilespmem:s11], [sflag:$0x1] =	stream.indirect.gather [hbm4b:s5+s8], $0x10, s4, s8, $0xb8;
	[tilespmem:$0xAA00] =	vst v63  }
0x3a: {  	_ = 	snop  }
0x3b: {  	[tilespmem:s15], [sflag:$0x3] =	stream.linear.gather [hbm4b:s22+s4], $0x400, $0x38;
	[tilespmem:$0xAA00] =	vst v63  }
0x3c: {  	_ =	swait.ge [sflag:s7], $0x400  }
0x3d: {  	[sflag:s7] =	ssyncset.done $0x0  }
0x3e: {  	[sflag:s7] =	ssyncadd.s32 $0xFFFFFC00  }
0x3f: {  	[tilespmem:s9], [sflag:$0x2] =	stream.indirect.gather [hbm4b:s5+s8], $0x10, s15, s8, $0xb8;
	[tilespmem:$0xAA00] =	vst v63  }
0x40: {  	_ =	swait.ge [sflag:s16], $0x2000  }
0x41: {  	[sflag:s16] =	ssyncset.done $0x0  }
0x42: {  	[sflag:s16] =	ssyncadd.s32 $0xFFFFE000  }
0x43: {  	[spmem:s2] =	stream.indirect.scatter.add.f32 [tilespmem:s11], [sflag:$0x3], $0x10, s8, s8, $0xb8;
	[tilespmem:$0xAA00] =	vst v63  }
0x44: {  	_ =	swait.ge [sflag:s7], $0x2000  }
0x45: {  	[sflag:s7] =	ssyncset.done $0x0  }
0x46: {  	[sflag:s7] =	ssyncadd.s32 $0xFFFFE000  }
0x47: {  	_ =	swait.ge [sflag:s12], $0x2000  }
0x48: {  	[sflag:s12] =	ssyncset.done $0x0  }
0x49: {  	[sflag:s12] =	ssyncadd.s32 $0xFFFFE000  }
0x4a: {  	[spmem:s2] =	stream.indirect.scatter.add.f32 [tilespmem:s9], [sflag:$0x3], $0x10, s13, s8, $0xb8;
	[tilespmem:$0xAA00] =	vst v63  }
0x4b: {  	_ =	swait.ge [sflag:s7], $0x2000  }
0x4c: {  	[sflag:s7] =	ssyncset.done $0x0  }
0x4d: {  	[sflag:s7] =	ssyncadd.s32 $0xFFFFE000  }
0x4e: {  	[tilespmem:s4], [sflag:$0x3] =	stream.linear.gather [hbm4b:s21+s4], $0x400, $0x38;
	[tilespmem:$0xAA00] =	vst v63  }
0x4f: {  	_ =	swait.ge [sflag:s7], $0x400  }
0x50: {  	[sflag:s7] =	ssyncset.done $0x0  }
0x51: {  	[sflag:s7] =	ssyncadd.s32 $0xFFFFFC00  }
0x52: {  	[tilespmem:s11], [sflag:$0x1] =	stream.indirect.gather [hbm4b:s5+s8], $0x10, s4, s8, $0xb8;
	[tilespmem:$0xAA00] =	vst v63  }
0x53: {  	_ = 	snop  }
0x54: {  	[tilespmem:s15], [sflag:$0x3] =	stream.linear.gather [hbm4b:s20+s4], $0x400, $0x38;
	[tilespmem:$0xAA00] =	vst v63  }
0x55: {  	_ =	swait.ge [sflag:s7], $0x400  }
0x56: {  	[sflag:s7] =	ssyncset.done $0x0  }
0x57: {  	[sflag:s7] =	ssyncadd.s32 $0xFFFFFC00  }
0x58: {  	[tilespmem:s9], [sflag:$0x2] =	stream.indirect.gather [hbm4b:s5+s8], $0x10, s15, s8, $0xb8;
	[tilespmem:$0xAA00] =	vst v63  }
0x59: {  	_ =	swait.ge [sflag:s16], $0x2000  }
0x5a: {  	[sflag:s16] =	ssyncset.done $0x0  }
0x5b: {  	[sflag:s16] =	ssyncadd.s32 $0xFFFFE000  }
0x5c: {  	[spmem:s2] =	stream.indirect.scatter.add.f32 [tilespmem:s11], [sflag:$0x3], $0x10, s8, s8, $0xb8;
	[tilespmem:$0xAA00] =	vst v63  }
0x5d: {  	_ =	swait.ge [sflag:s7], $0x2000  }
0x5e: {  	[sflag:s7] =	ssyncset.done $0x0  }
0x5f: {  	[sflag:s7] =	ssyncadd.s32 $0xFFFFE000  }
0x60: {  	_ =	swait.ge [sflag:s12], $0x2000  }
0x61: {  	[sflag:s12] =	ssyncset.done $0x0  }
0x62: {  	[sflag:s12] =	ssyncadd.s32 $0xFFFFE000  }
0x63: {  	[spmem:s2] =	stream.indirect.scatter.add.f32 [tilespmem:s9], [sflag:$0x3], $0x10, s13, s8, $0xb8;
	[tilespmem:$0xAA00] =	vst v63  }
0x64: {  	_ =	swait.ge [sflag:s7], $0x2000  }
0x65: {  	[sflag:s7] =	ssyncset.done $0x0  }
0x66: {  	[sflag:s7] =	ssyncadd.s32 $0xFFFFE000  }
0x67: {  	[tilespmem:s4], [sflag:$0x3] =	stream.linear.gather [hbm4b:s19+s4], $0x400, $0x38;
	[tilespmem:$0xAA00] =	vst v63  }
0x68: {  	_ =	swait.ge [sflag:s7], $0x400  }
0x69: {  	[sflag:s7] =	ssyncset.done $0x0  }
0x6a: {  	[sflag:s7] =	ssyncadd.s32 $0xFFFFFC00  }
0x6b: {  	[tilespmem:s11], [sflag:$0x1] =	stream.indirect.gather [hbm4b:s5+s8], $0x10, s4, s8, $0xb8;
	[tilespmem:$0xAA00] =	vst v63  }
0x6c: {  	_ = 	snop  }
0x6d: {  	[tilespmem:s15], [sflag:$0x3] =	stream.linear.gather [hbm4b:s18+s4], $0x400, $0x38;
	[tilespmem:$0xAA00] =	vst v63  }
0x6e: {  	_ =	swait.ge [sflag:s7], $0x400  }
0x6f: {  	[sflag:s7] =	ssyncset.done $0x0  }
0x70: {  	[sflag:s7] =	ssyncadd.s32 $0xFFFFFC00  }
0x71: {  	[tilespmem:s9], [sflag:$0x2] =	stream.indirect.gather [hbm4b:s5+s8], $0x10, s15, s8, $0xb8;
	[tilespmem:$0xAA00] =	vst v63  }
0x72: {  	_ =	swait.ge [sflag:s16], $0x2000  }
0x73: {  	[sflag:s16] =	ssyncset.done $0x0  }
0x74: {  	[sflag:s16] =	ssyncadd.s32 $0xFFFFE000  }
0x75: {  	[spmem:s2] =	stream.indirect.scatter.add.f32 [tilespmem:s11], [sflag:$0x3], $0x10, s8, s8, $0xb8;
	[tilespmem:$0xAA00] =	vst v63  }
0x76: {  	_ =	swait.ge [sflag:s7], $0x2000  }
0x77: {  	[sflag:s7] =	ssyncset.done $0x0  }
0x78: {  	[sflag:s7] =	ssyncadd.s32 $0xFFFFE000  }
0x79: {  	_ =	swait.ge [sflag:s12], $0x2000  }
0x7a: {  	[sflag:s12] =	ssyncset.done $0x0  }
0x7b: {  	[sflag:s12] =	ssyncadd.s32 $0xFFFFE000  }
0x7c: {  	[spmem:s2] =	stream.indirect.scatter.add.f32 [tilespmem:s9], [sflag:$0x3], $0x10, s13, s8, $0xb8;
	[tilespmem:$0xAA00] =	vst v63  }
0x7d: {  	_ =	swait.ge [sflag:s7], $0x2000  }
0x7e: {  	[sflag:s7] =	ssyncset.done $0x0  }
0x7f: {  	[sflag:s7] =	ssyncadd.s32 $0xFFFFE000  }
0x80: {  	[tilespmem:s4], [sflag:$0x3] =	stream.linear.gather [hbm4b:s17+s4], $0x400, $0x38;
	[tilespmem:$0xAA00] =	vst v63  }
0x81: {  	_ =	swait.ge [sflag:s7], $0x400  }
0x82: {  	[sflag:s7] =	ssyncset.done $0x0  }
0x83: {  	[sflag:s7] =	ssyncadd.s32 $0xFFFFFC00  }
0x84: {  	[tilespmem:s11], [sflag:$0x1] =	stream.indirect.gather [hbm4b:s5+s8], $0x10, s4, s8, $0xb8;
	[tilespmem:$0xAA00] =	vst v63  }
0x85: {  	_ = 	snop  }
0x86: {  	[tilespmem:s15], [sflag:$0x3] =	stream.linear.gather [hbm4b:s14+s4], $0x400, $0x38;
	[tilespmem:$0xAA00] =	vst v63  }
0x87: {  	_ =	swait.ge [sflag:s7], $0x400  }
0x88: {  	[sflag:s7] =	ssyncset.done $0x0  }
0x89: {  	[sflag:s7] =	ssyncadd.s32 $0xFFFFFC00  }
0x8a: {  	[tilespmem:s9], [sflag:$0x2] =	stream.indirect.gather [hbm4b:s5+s8], $0x10, s15, s8, $0xb8;
	[tilespmem:$0xAA00] =	vst v63  }
0x8b: {  	_ =	swait.ge [sflag:s16], $0x2000  }
0x8c: {  	[sflag:s16] =	ssyncset.done $0x0  }
0x8d: {  	[sflag:s16] =	ssyncadd.s32 $0xFFFFE000  }
0x8e: {  	[spmem:s2] =	stream.indirect.scatter.add.f32 [tilespmem:s11], [sflag:$0x3], $0x10, s8, s8, $0xb8;
	[tilespmem:$0xAA00] =	vst v63  }
0x8f: {  	_ =	swait.ge [sflag:s7], $0x2000  }
0x90: {  	[sflag:s7] =	ssyncset.done $0x0  }
0x91: {  	[sflag:s7] =	ssyncadd.s32 $0xFFFFE000  }
0x92: {  	_ =	swait.ge [sflag:s12], $0x2000  }
0x93: {  	[sflag:s12] =	ssyncset.done $0x0  }
0x94: {  	[sflag:s12] =	ssyncadd.s32 $0xFFFFE000  }
0x95: {  	[spmem:s2] =	stream.indirect.scatter.add.f32 [tilespmem:s9], [sflag:$0x3], $0x10, s13, s8, $0xb8;
	[tilespmem:$0xAA00] =	vst v63  }
0x96: {  	s28 =	sadd.s32 $0xFFFFFFFF, s28;
	_ =	swait.ge [sflag:s7], $0x2000  }
0x97: {  	p1 =	sne.s32 s28, $0x0;
	[sflag:s7] =	ssyncset.done $0x0  }
.Ltmp1:
0x98: {  	[sflag:s7] =	ssyncadd.s32 $0xFFFFE000;
	(pc) =	sbr.rel @!p1 .LBB2_3-.Ltmp1, $4  }
0x99: {  	[bflag:$0x0] =	sbarrier.arrive $0xFFFF  }
0x9a: {  	[hbm:s6], [sflag:s3] =	dma.local [spmem:s10], $0xC40  }
0x9b: {  	_ =	swait.ge [sflag:s7], $0xC40  }
0x9c: {  	p0 =	por $0x1, $0x1;
	[sflag:s7] =	ssyncset.done $0x0  }
.LBB2_2:
0x9d: {  	s28 =	sadd.s32 $0xFFFFFFFF, s28;
	[sflag:s7] =	ssyncadd.s32 $0xFFFFF3C0  }
0x9e: {  	[spmem:s10], [sflag:s3] =	dma.local [hbm:s24], $0xC40  }
0x9f: {  	p1 =	sne.s32 s28, $0x0;
	_ =	swait.ge [sflag:s7], $0xC40  }
0xa0: {  	[sflag:s7] =	ssyncset.done $0x0  }
0xa1: {  	[sflag:s7] =	ssyncadd.s32 $0xFFFFF3C0  }
0xa2: {  	[bflag:$0x0] =	sbarrier.arrive $0xFFFF  }
0xa3: {  	[tilespmem:s4], [sflag:$0x3] =	stream.linear.gather [hbm4b:s26+s4], $0x400, $0x38;
	[tilespmem:$0xAA00] =	vst v63  }
0xa4: {  	_ =	swait.ge [sflag:s7], $0x400  }
0xa5: {  	[sflag:s7] =	ssyncset.done $0x0  }
0xa6: {  	[sflag:s7] =	ssyncadd.s32 $0xFFFFFC00  }
0xa7: {  	[tilespmem:s11], [sflag:$0x1] =	stream.indirect.gather [hbm4b:s5+s8], $0x10, s4, s8, $0xb8;
	[tilespmem:$0xAA00] =	vst v63  }
0xa8: {  	_ = 	snop  }
0xa9: {  	[tilespmem:s15], [sflag:$0x3] =	stream.linear.gather [hbm4b:s25+s4], $0x400, $0x38;
	[tilespmem:$0xAA00] =	vst v63  }
0xaa: {  	_ =	swait.ge [sflag:s7], $0x400  }
0xab: {  	[sflag:s7] =	ssyncset.done $0x0  }
0xac: {  	[sflag:s7] =	ssyncadd.s32 $0xFFFFFC00  }
0xad: {  	[tilespmem:s9], [sflag:$0x2] =	stream.indirect.gather [hbm4b:s5+s8], $0x10, s15, s8, $0xb8;
	[tilespmem:$0xAA00] =	vst v63  }
0xae: {  	_ =	swait.ge [sflag:s16], $0x2000  }
0xaf: {  	[sflag:s16] =	ssyncset.done $0x0  }
0xb0: {  	[sflag:s16] =	ssyncadd.s32 $0xFFFFE000  }
0xb1: {  	[spmem:s2] =	stream.indirect.scatter.add.f32 [tilespmem:s11], [sflag:$0x3], $0x10, s8, s8, $0xb8;
	[tilespmem:$0xAA00] =	vst v63  }
0xb2: {  	_ =	swait.ge [sflag:s7], $0x2000  }
0xb3: {  	[sflag:s7] =	ssyncset.done $0x0  }
0xb4: {  	[sflag:s7] =	ssyncadd.s32 $0xFFFFE000  }
0xb5: {  	_ =	swait.ge [sflag:s12], $0x2000  }
0xb6: {  	[sflag:s12] =	ssyncset.done $0x0  }
0xb7: {  	[sflag:s12] =	ssyncadd.s32 $0xFFFFE000  }
0xb8: {  	[spmem:s2] =	stream.indirect.scatter.add.f32 [tilespmem:s9], [sflag:$0x3], $0x10, s13, s8, $0xb8;
	[tilespmem:$0xAA00] =	vst v63  }
0xb9: {  	_ =	swait.ge [sflag:s7], $0x2000  }
0xba: {  	[sflag:s7] =	ssyncset.done $0x0  }
0xbb: {  	[sflag:s7] =	ssyncadd.s32 $0xFFFFE000  }
0xbc: {  	[tilespmem:s4], [sflag:$0x3] =	stream.linear.gather [hbm4b:s23+s4], $0x400, $0x38;
	[tilespmem:$0xAA00] =	vst v63  }
0xbd: {  	_ =	swait.ge [sflag:s7], $0x400  }
0xbe: {  	[sflag:s7] =	ssyncset.done $0x0  }
0xbf: {  	[sflag:s7] =	ssyncadd.s32 $0xFFFFFC00  }
0xc0: {  	[tilespmem:s11], [sflag:$0x1] =	stream.indirect.gather [hbm4b:s5+s8], $0x10, s4, s8, $0xb8;
	[tilespmem:$0xAA00] =	vst v63  }
0xc1: {  	_ = 	snop  }
0xc2: {  	[tilespmem:s15], [sflag:$0x3] =	stream.linear.gather [hbm4b:s22+s4], $0x400, $0x38;
	[tilespmem:$0xAA00] =	vst v63  }
0xc3: {  	_ =	swait.ge [sflag:s7], $0x400  }
0xc4: {  	[sflag:s7] =	ssyncset.done $0x0  }
0xc5: {  	[sflag:s7] =	ssyncadd.s32 $0xFFFFFC00  }
0xc6: {  	[tilespmem:s9], [sflag:$0x2] =	stream.indirect.gather [hbm4b:s5+s8], $0x10, s15, s8, $0xb8;
	[tilespmem:$0xAA00] =	vst v63  }
0xc7: {  	_ =	swait.ge [sflag:s16], $0x2000  }
0xc8: {  	[sflag:s16] =	ssyncset.done $0x0  }
0xc9: {  	[sflag:s16] =	ssyncadd.s32 $0xFFFFE000  }
0xca: {  	[spmem:s2] =	stream.indirect.scatter.add.f32 [tilespmem:s11], [sflag:$0x3], $0x10, s8, s8, $0xb8;
	[tilespmem:$0xAA00] =	vst v63  }
0xcb: {  	_ =	swait.ge [sflag:s7], $0x2000  }
0xcc: {  	[sflag:s7] =	ssyncset.done $0x0  }
0xcd: {  	[sflag:s7] =	ssyncadd.s32 $0xFFFFE000  }
0xce: {  	_ =	swait.ge [sflag:s12], $0x2000  }
0xcf: {  	[sflag:s12] =	ssyncset.done $0x0  }
0xd0: {  	[sflag:s12] =	ssyncadd.s32 $0xFFFFE000  }
0xd1: {  	[spmem:s2] =	stream.indirect.scatter.add.f32 [tilespmem:s9], [sflag:$0x3], $0x10, s13, s8, $0xb8;
	[tilespmem:$0xAA00] =	vst v63  }
0xd2: {  	_ =	swait.ge [sflag:s7], $0x2000  }
0xd3: {  	[sflag:s7] =	ssyncset.done $0x0  }
0xd4: {  	[sflag:s7] =	ssyncadd.s32 $0xFFFFE000  }
0xd5: {  	[tilespmem:s4], [sflag:$0x3] =	stream.linear.gather [hbm4b:s21+s4], $0x400, $0x38;
	[tilespmem:$0xAA00] =	vst v63  }
0xd6: {  	_ =	swait.ge [sflag:s7], $0x400  }
0xd7: {  	[sflag:s7] =	ssyncset.done $0x0  }
0xd8: {  	[sflag:s7] =	ssyncadd.s32 $0xFFFFFC00  }
0xd9: {  	[tilespmem:s11], [sflag:$0x1] =	stream.indirect.gather [hbm4b:s5+s8], $0x10, s4, s8, $0xb8;
	[tilespmem:$0xAA00] =	vst v63  }
0xda: {  	_ = 	snop  }
0xdb: {  	[tilespmem:s15], [sflag:$0x3] =	stream.linear.gather [hbm4b:s20+s4], $0x400, $0x38;
	[tilespmem:$0xAA00] =	vst v63  }
0xdc: {  	_ =	swait.ge [sflag:s7], $0x400  }
0xdd: {  	[sflag:s7] =	ssyncset.done $0x0  }
0xde: {  	[sflag:s7] =	ssyncadd.s32 $0xFFFFFC00  }
0xdf: {  	[tilespmem:s9], [sflag:$0x2] =	stream.indirect.gather [hbm4b:s5+s8], $0x10, s15, s8, $0xb8;
	[tilespmem:$0xAA00] =	vst v63  }
0xe0: {  	_ =	swait.ge [sflag:s16], $0x2000  }
0xe1: {  	[sflag:s16] =	ssyncset.done $0x0  }
0xe2: {  	[sflag:s16] =	ssyncadd.s32 $0xFFFFE000  }
0xe3: {  	[spmem:s2] =	stream.indirect.scatter.add.f32 [tilespmem:s11], [sflag:$0x3], $0x10, s8, s8, $0xb8;
	[tilespmem:$0xAA00] =	vst v63  }
0xe4: {  	_ =	swait.ge [sflag:s7], $0x2000  }
0xe5: {  	[sflag:s7] =	ssyncset.done $0x0  }
0xe6: {  	[sflag:s7] =	ssyncadd.s32 $0xFFFFE000  }
0xe7: {  	_ =	swait.ge [sflag:s12], $0x2000  }
0xe8: {  	[sflag:s12] =	ssyncset.done $0x0  }
0xe9: {  	[sflag:s12] =	ssyncadd.s32 $0xFFFFE000  }
0xea: {  	[spmem:s2] =	stream.indirect.scatter.add.f32 [tilespmem:s9], [sflag:$0x3], $0x10, s13, s8, $0xb8;
	[tilespmem:$0xAA00] =	vst v63  }
0xeb: {  	_ =	swait.ge [sflag:s7], $0x2000  }
0xec: {  	[sflag:s7] =	ssyncset.done $0x0  }
0xed: {  	[sflag:s7] =	ssyncadd.s32 $0xFFFFE000  }
0xee: {  	[tilespmem:s4], [sflag:$0x3] =	stream.linear.gather [hbm4b:s19+s4], $0x400, $0x38;
	[tilespmem:$0xAA00] =	vst v63  }
0xef: {  	_ =	swait.ge [sflag:s7], $0x400  }
0xf0: {  	[sflag:s7] =	ssyncset.done $0x0  }
0xf1: {  	[sflag:s7] =	ssyncadd.s32 $0xFFFFFC00  }
0xf2: {  	[tilespmem:s11], [sflag:$0x1] =	stream.indirect.gather [hbm4b:s5+s8], $0x10, s4, s8, $0xb8;
	[tilespmem:$0xAA00] =	vst v63  }
0xf3: {  	_ = 	snop  }
0xf4: {  	[tilespmem:s15], [sflag:$0x3] =	stream.linear.gather [hbm4b:s18+s4], $0x400, $0x38;
	[tilespmem:$0xAA00] =	vst v63  }
0xf5: {  	_ =	swait.ge [sflag:s7], $0x400  }
0xf6: {  	[sflag:s7] =	ssyncset.done $0x0  }
0xf7: {  	[sflag:s7] =	ssyncadd.s32 $0xFFFFFC00  }
0xf8: {  	[tilespmem:s9], [sflag:$0x2] =	stream.indirect.gather [hbm4b:s5+s8], $0x10, s15, s8, $0xb8;
	[tilespmem:$0xAA00] =	vst v63  }
0xf9: {  	_ =	swait.ge [sflag:s16], $0x2000  }
0xfa: {  	[sflag:s16] =	ssyncset.done $0x0  }
0xfb: {  	[sflag:s16] =	ssyncadd.s32 $0xFFFFE000  }
0xfc: {  	[spmem:s2] =	stream.indirect.scatter.add.f32 [tilespmem:s11], [sflag:$0x3], $0x10, s8, s8, $0xb8;
	[tilespmem:$0xAA00] =	vst v63  }
0xfd: {  	_ =	swait.ge [sflag:s7], $0x2000  }
0xfe: {  	[sflag:s7] =	ssyncset.done $0x0  }
0xff: {  	[sflag:s7] =	ssyncadd.s32 $0xFFFFE000  }
0x100: {  	_ =	swait.ge [sflag:s12], $0x2000  }
0x101: {  	[sflag:s12] =	ssyncset.done $0x0  }
0x102: {  	[sflag:s12] =	ssyncadd.s32 $0xFFFFE000  }
0x103: {  	[spmem:s2] =	stream.indirect.scatter.add.f32 [tilespmem:s9], [sflag:$0x3], $0x10, s13, s8, $0xb8;
	[tilespmem:$0xAA00] =	vst v63  }
0x104: {  	_ =	swait.ge [sflag:s7], $0x2000  }
0x105: {  	[sflag:s7] =	ssyncset.done $0x0  }
0x106: {  	[sflag:s7] =	ssyncadd.s32 $0xFFFFE000  }
0x107: {  	[tilespmem:s4], [sflag:$0x3] =	stream.linear.gather [hbm4b:s17+s4], $0x400, $0x38;
	[tilespmem:$0xAA00] =	vst v63  }
0x108: {  	_ =	swait.ge [sflag:s7], $0x400  }
0x109: {  	[sflag:s7] =	ssyncset.done $0x0  }
0x10a: {  	[sflag:s7] =	ssyncadd.s32 $0xFFFFFC00  }
0x10b: {  	[tilespmem:s11], [sflag:$0x1] =	stream.indirect.gather [hbm4b:s5+s8], $0x10, s4, s8, $0xb8;
	[tilespmem:$0xAA00] =	vst v63  }
0x10c: {  	_ = 	snop  }
0x10d: {  	[tilespmem:s15], [sflag:$0x3] =	stream.linear.gather [hbm4b:s14+s4], $0x400, $0x38;
	[tilespmem:$0xAA00] =	vst v63  }
0x10e: {  	_ =	swait.ge [sflag:s7], $0x400  }
0x10f: {  	[sflag:s7] =	ssyncset.done $0x0  }
0x110: {  	[sflag:s7] =	ssyncadd.s32 $0xFFFFFC00  }
0x111: {  	[tilespmem:s9], [sflag:$0x2] =	stream.indirect.gather [hbm4b:s5+s8], $0x10, s15, s8, $0xb8;
	[tilespmem:$0xAA00] =	vst v63  }
0x112: {  	_ =	swait.ge [sflag:s16], $0x2000  }
0x113: {  	[sflag:s16] =	ssyncset.done $0x0  }
0x114: {  	[sflag:s16] =	ssyncadd.s32 $0xFFFFE000  }
0x115: {  	[spmem:s2] =	stream.indirect.scatter.add.f32 [tilespmem:s11], [sflag:$0x3], $0x10, s8, s8, $0xb8;
	[tilespmem:$0xAA00] =	vst v63  }
0x116: {  	_ =	swait.ge [sflag:s7], $0x2000  }
0x117: {  	[sflag:s7] =	ssyncset.done $0x0  }
0x118: {  	[sflag:s7] =	ssyncadd.s32 $0xFFFFE000  }
0x119: {  	_ =	swait.ge [sflag:s12], $0x2000  }
0x11a: {  	[sflag:s12] =	ssyncset.done $0x0  }
0x11b: {  	[sflag:s12] =	ssyncadd.s32 $0xFFFFE000  }
0x11c: {  	[spmem:s2] =	stream.indirect.scatter.add.f32 [tilespmem:s9], [sflag:$0x3], $0x10, s13, s8, $0xb8;
	[tilespmem:$0xAA00] =	vst v63  }
0x11d: {  	_ =	swait.ge [sflag:s7], $0x2000  }
0x11e: {  	[sflag:s7] =	ssyncset.done $0x0  }
.Ltmp2:
0x11f: {  	[sflag:s7] =	ssyncadd.s32 $0xFFFFE000;
	(pc) =	sbr.rel @p1 .LBB2_2-.Ltmp2, $4  }
0x120: {  	[bflag:$0x0] =	sbarrier.arrive $0xFFFF  }
0x121: {  	[hbm:s6], [sflag:s3] =	dma.local [spmem:s10], $0xC40  }
0x122: {  	_ =	swait.ge [sflag:s7], $0xC40  }
0x123: {  	[sflag:s7] =	ssyncset.done $0x0  }
.LBB2_3:
0x124: {  	[sflag:s7] =	ssyncadd.s32 @p0 $0xFFFFF3C0  }
0x125: {  	[spmem:s10], [sflag:s3] =	dma.local [hbm:s24], $0xC40  }
0x126: {  	_ =	swait.ge [sflag:s7], $0xC40  }
0x127: {  	[sflag:s7] =	ssyncset.done $0x0  }
0x128: {  	[sflag:s7] =	ssyncadd.s32 $0xFFFFF3C0  }
0x129: {  	[bflag:$0x0] =	sbarrier.arrive $0xFFFF  }
0x12a: {  	[tilespmem:s4], [sflag:$0x3] =	stream.linear.gather [hbm4b:s26+s4], $0x400, $0x38;
	[tilespmem:$0xAA00] =	vst v63  }
0x12b: {  	_ =	swait.ge [sflag:s7], $0x400  }
0x12c: {  	[sflag:s7] =	ssyncset.done $0x0  }
0x12d: {  	[sflag:s7] =	ssyncadd.s32 $0xFFFFFC00  }
0x12e: {  	[tilespmem:s11], [sflag:$0x1] =	stream.indirect.gather [hbm4b:s5+s8], $0x10, s4, s8, $0xb8;
	[tilespmem:$0xAA00] =	vst v63  }
0x12f: {  	_ = 	snop  }
0x130: {  	[tilespmem:s15], [sflag:$0x3] =	stream.linear.gather [hbm4b:s25+s4], $0x400, $0x38;
	[tilespmem:$0xAA00] =	vst v63  }
0x131: {  	_ =	swait.ge [sflag:s7], $0x400  }
0x132: {  	[sflag:s7] =	ssyncset.done $0x0  }
0x133: {  	[sflag:s7] =	ssyncadd.s32 $0xFFFFFC00  }
0x134: {  	[tilespmem:s9], [sflag:$0x2] =	stream.indirect.gather [hbm4b:s5+s8], $0x10, s15, s8, $0xb8;
	[tilespmem:$0xAA00] =	vst v63  }
0x135: {  	_ =	swait.ge [sflag:s16], $0x2000  }
0x136: {  	[sflag:s16] =	ssyncset.done $0x0  }
0x137: {  	[sflag:s16] =	ssyncadd.s32 $0xFFFFE000  }
0x138: {  	[spmem:s2] =	stream.indirect.scatter.add.f32 [tilespmem:s11], [sflag:$0x3], $0x10, s8, s8, $0xb8;
	[tilespmem:$0xAA00] =	vst v63  }
0x139: {  	_ =	swait.ge [sflag:s7], $0x2000  }
0x13a: {  	[sflag:s7] =	ssyncset.done $0x0  }
0x13b: {  	[sflag:s7] =	ssyncadd.s32 $0xFFFFE000  }
0x13c: {  	_ =	swait.ge [sflag:s12], $0x2000  }
0x13d: {  	[sflag:s12] =	ssyncset.done $0x0  }
0x13e: {  	[sflag:s12] =	ssyncadd.s32 $0xFFFFE000  }
0x13f: {  	[spmem:s2] =	stream.indirect.scatter.add.f32 [tilespmem:s9], [sflag:$0x3], $0x10, s13, s8, $0xb8;
	[tilespmem:$0xAA00] =	vst v63  }
0x140: {  	_ =	swait.ge [sflag:s7], $0x2000  }
0x141: {  	[sflag:s7] =	ssyncset.done $0x0  }
0x142: {  	[sflag:s7] =	ssyncadd.s32 $0xFFFFE000  }
0x143: {  	[tilespmem:s4], [sflag:$0x3] =	stream.linear.gather [hbm4b:s23+s4], $0x400, $0x38;
	[tilespmem:$0xAA00] =	vst v63  }
0x144: {  	_ =	swait.ge [sflag:s7], $0x400  }
0x145: {  	[sflag:s7] =	ssyncset.done $0x0  }
0x146: {  	[sflag:s7] =	ssyncadd.s32 $0xFFFFFC00  }
0x147: {  	[tilespmem:s11], [sflag:$0x1] =	stream.indirect.gather [hbm4b:s5+s8], $0x10, s4, s8, $0xb8;
	[tilespmem:$0xAA00] =	vst v63  }
0x148: {  	_ = 	snop  }
0x149: {  	[tilespmem:s15], [sflag:$0x3] =	stream.linear.gather [hbm4b:s22+s4], $0x400, $0x38;
	[tilespmem:$0xAA00] =	vst v63  }
0x14a: {  	_ =	swait.ge [sflag:s7], $0x400  }
0x14b: {  	[sflag:s7] =	ssyncset.done $0x0  }
0x14c: {  	[sflag:s7] =	ssyncadd.s32 $0xFFFFFC00  }
0x14d: {  	[tilespmem:s9], [sflag:$0x2] =	stream.indirect.gather [hbm4b:s5+s8], $0x10, s15, s8, $0xb8;
	[tilespmem:$0xAA00] =	vst v63  }
0x14e: {  	_ =	swait.ge [sflag:s16], $0x2000  }
0x14f: {  	[sflag:s16] =	ssyncset.done $0x0  }
0x150: {  	[sflag:s16] =	ssyncadd.s32 $0xFFFFE000  }
0x151: {  	[spmem:s2] =	stream.indirect.scatter.add.f32 [tilespmem:s11], [sflag:$0x3], $0x10, s8, s8, $0xb8;
	[tilespmem:$0xAA00] =	vst v63  }
0x152: {  	_ =	swait.ge [sflag:s7], $0x2000  }
0x153: {  	[sflag:s7] =	ssyncset.done $0x0  }
0x154: {  	[sflag:s7] =	ssyncadd.s32 $0xFFFFE000  }
0x155: {  	_ =	swait.ge [sflag:s12], $0x2000  }
0x156: {  	[sflag:s12] =	ssyncset.done $0x0  }
0x157: {  	[sflag:s12] =	ssyncadd.s32 $0xFFFFE000  }
0x158: {  	[spmem:s2] =	stream.indirect.scatter.add.f32 [tilespmem:s9], [sflag:$0x3], $0x10, s13, s8, $0xb8;
	[tilespmem:$0xAA00] =	vst v63  }
0x159: {  	_ =	swait.ge [sflag:s7], $0x2000  }
0x15a: {  	[sflag:s7] =	ssyncset.done $0x0  }
0x15b: {  	[sflag:s7] =	ssyncadd.s32 $0xFFFFE000  }
0x15c: {  	[tilespmem:s4], [sflag:$0x3] =	stream.linear.gather [hbm4b:s21+s4], $0x400, $0x38;
	[tilespmem:$0xAA00] =	vst v63  }
0x15d: {  	_ =	swait.ge [sflag:s7], $0x400  }
0x15e: {  	[sflag:s7] =	ssyncset.done $0x0  }
0x15f: {  	[sflag:s7] =	ssyncadd.s32 $0xFFFFFC00  }
0x160: {  	[tilespmem:s11], [sflag:$0x1] =	stream.indirect.gather [hbm4b:s5+s8], $0x10, s4, s8, $0xb8;
	[tilespmem:$0xAA00] =	vst v63  }
0x161: {  	_ = 	snop  }
0x162: {  	[tilespmem:s15], [sflag:$0x3] =	stream.linear.gather [hbm4b:s20+s4], $0x400, $0x38;
	[tilespmem:$0xAA00] =	vst v63  }
0x163: {  	_ =	swait.ge [sflag:s7], $0x400  }
0x164: {  	[sflag:s7] =	ssyncset.done $0x0  }
0x165: {  	[sflag:s7] =	ssyncadd.s32 $0xFFFFFC00  }
0x166: {  	[tilespmem:s9], [sflag:$0x2] =	stream.indirect.gather [hbm4b:s5+s8], $0x10, s15, s8, $0xb8;
	[tilespmem:$0xAA00] =	vst v63  }
0x167: {  	_ =	swait.ge [sflag:s16], $0x2000  }
0x168: {  	[sflag:s16] =	ssyncset.done $0x0  }
0x169: {  	[sflag:s16] =	ssyncadd.s32 $0xFFFFE000  }
0x16a: {  	[spmem:s2] =	stream.indirect.scatter.add.f32 [tilespmem:s11], [sflag:$0x3], $0x10, s8, s8, $0xb8;
	[tilespmem:$0xAA00] =	vst v63  }
0x16b: {  	_ =	swait.ge [sflag:s7], $0x2000  }
0x16c: {  	[sflag:s7] =	ssyncset.done $0x0  }
0x16d: {  	[sflag:s7] =	ssyncadd.s32 $0xFFFFE000  }
0x16e: {  	_ =	swait.ge [sflag:s12], $0x2000  }
0x16f: {  	[sflag:s12] =	ssyncset.done $0x0  }
0x170: {  	[sflag:s12] =	ssyncadd.s32 $0xFFFFE000  }
0x171: {  	[spmem:s2] =	stream.indirect.scatter.add.f32 [tilespmem:s9], [sflag:$0x3], $0x10, s13, s8, $0xb8;
	[tilespmem:$0xAA00] =	vst v63  }
0x172: {  	_ =	swait.ge [sflag:s7], $0x2000  }
0x173: {  	[sflag:s7] =	ssyncset.done $0x0  }
0x174: {  	[sflag:s7] =	ssyncadd.s32 $0xFFFFE000  }
0x175: {  	[tilespmem:s4], [sflag:$0x3] =	stream.linear.gather [hbm4b:s19+s4], $0x400, $0x38;
	[tilespmem:$0xAA00] =	vst v63  }
0x176: {  	_ =	swait.ge [sflag:s7], $0x400  }
0x177: {  	[sflag:s7] =	ssyncset.done $0x0  }
0x178: {  	[sflag:s7] =	ssyncadd.s32 $0xFFFFFC00  }
0x179: {  	[tilespmem:s11], [sflag:$0x1] =	stream.indirect.gather [hbm4b:s5+s8], $0x10, s4, s8, $0xb8;
	[tilespmem:$0xAA00] =	vst v63  }
0x17a: {  	_ = 	snop  }
0x17b: {  	[tilespmem:s15], [sflag:$0x3] =	stream.linear.gather [hbm4b:s18+s4], $0x400, $0x38;
	[tilespmem:$0xAA00] =	vst v63  }
0x17c: {  	_ =	swait.ge [sflag:s7], $0x400  }
0x17d: {  	[sflag:s7] =	ssyncset.done $0x0  }
0x17e: {  	[sflag:s7] =	ssyncadd.s32 $0xFFFFFC00  }
0x17f: {  	[tilespmem:s9], [sflag:$0x2] =	stream.indirect.gather [hbm4b:s5+s8], $0x10, s15, s8, $0xb8;
	[tilespmem:$0xAA00] =	vst v63  }
0x180: {  	_ =	swait.ge [sflag:s16], $0x2000  }
0x181: {  	[sflag:s16] =	ssyncset.done $0x0  }
0x182: {  	[sflag:s16] =	ssyncadd.s32 $0xFFFFE000  }
0x183: {  	[spmem:s2] =	stream.indirect.scatter.add.f32 [tilespmem:s11], [sflag:$0x3], $0x10, s8, s8, $0xb8;
	[tilespmem:$0xAA00] =	vst v63  }
0x184: {  	_ =	swait.ge [sflag:s7], $0x2000  }
0x185: {  	[sflag:s7] =	ssyncset.done $0x0  }
0x186: {  	[sflag:s7] =	ssyncadd.s32 $0xFFFFE000  }
0x187: {  	_ =	swait.ge [sflag:s12], $0x2000  }
0x188: {  	[sflag:s12] =	ssyncset.done $0x0  }
0x189: {  	[sflag:s12] =	ssyncadd.s32 $0xFFFFE000  }
0x18a: {  	[spmem:s2] =	stream.indirect.scatter.add.f32 [tilespmem:s9], [sflag:$0x3], $0x10, s13, s8, $0xb8;
	[tilespmem:$0xAA00] =	vst v63  }
0x18b: {  	_ =	swait.ge [sflag:s7], $0x2000  }
0x18c: {  	[sflag:s7] =	ssyncset.done $0x0  }
0x18d: {  	[sflag:s7] =	ssyncadd.s32 $0xFFFFE000  }
0x18e: {  	[tilespmem:s4], [sflag:$0x3] =	stream.linear.gather [hbm4b:s17+s4], $0x400, $0x38;
	[tilespmem:$0xAA00] =	vst v63  }
0x18f: {  	_ =	swait.ge [sflag:s7], $0x400  }
0x190: {  	[sflag:s7] =	ssyncset.done $0x0  }
0x191: {  	[sflag:s7] =	ssyncadd.s32 $0xFFFFFC00  }
0x192: {  	[tilespmem:s11], [sflag:$0x1] =	stream.indirect.gather [hbm4b:s5+s8], $0x10, s4, s8, $0xb8;
	[tilespmem:$0xAA00] =	vst v63  }
0x193: {  	_ = 	snop  }
0x194: {  	[tilespmem:s15], [sflag:$0x3] =	stream.linear.gather [hbm4b:s14+s4], $0x400, $0x38;
	[tilespmem:$0xAA00] =	vst v63  }
0x195: {  	_ =	swait.ge [sflag:s7], $0x400  }
0x196: {  	[sflag:s7] =	ssyncset.done $0x0  }
0x197: {  	[sflag:s7] =	ssyncadd.s32 $0xFFFFFC00  }
0x198: {  	[tilespmem:s9], [sflag:$0x2] =	stream.indirect.gather [hbm4b:s5+s8], $0x10, s15, s8, $0xb8;
	[tilespmem:$0xAA00] =	vst v63  }
0x199: {  	_ =	swait.ge [sflag:s16], $0x2000  }
0x19a: {  	[sflag:s16] =	ssyncset.done $0x0  }
0x19b: {  	[sflag:s16] =	ssyncadd.s32 $0xFFFFE000  }
0x19c: {  	[spmem:s2] =	stream.indirect.scatter.add.f32 [tilespmem:s11], [sflag:$0x3], $0x10, s8, s8, $0xb8;
	[tilespmem:$0xAA00] =	vst v63  }
0x19d: {  	_ =	swait.ge [sflag:s7], $0x2000  }
0x19e: {  	[sflag:s7] =	ssyncset.done $0x0  }
0x19f: {  	[sflag:s7] =	ssyncadd.s32 $0xFFFFE000  }
0x1a0: {  	_ =	swait.ge [sflag:s12], $0x2000  }
0x1a1: {  	[sflag:s12] =	ssyncset.done $0x0  }
0x1a2: {  	[sflag:s12] =	ssyncadd.s32 $0xFFFFE000  }
0x1a3: {  	[spmem:s2] =	stream.indirect.scatter.add.f32 [tilespmem:s9], [sflag:$0x3], $0x10, s13, s8, $0xb8;
	[tilespmem:$0xAA00] =	vst v63  }
0x1a4: {  	_ =	swait.ge [sflag:s7], $0x2000  }
0x1a5: {  	[sflag:s7] =	ssyncset.done $0x0  }
0x1a6: {  	[sflag:s7] =	ssyncadd.s32 $0xFFFFE000  }
0x1a7: {  	[bflag:$0x0] =	sbarrier.arrive $0xFFFF  }
0x1a8: {  	[hbm:s6], [sflag:s3] =	dma.local [spmem:s10], $0xC40  }
0x1a9: {  	_ =	swait.ge [sflag:s7], $0xC40  }
0x1aa: {  	[sflag:s7] =	ssyncset.done $0x0  }
0x1ab: {  	[sflag:s7] =	ssyncadd.s32 $0xFFFFF3C0  }
0x1ac: {  	_ =	sfence.sel $0x180000  }
0x1ad: {  	[bflag:$0x0] =	sbarrier.arrive $0xFFFF  }
0x1ae: {  	p0 =	sne.s32 s1, $0x0;
	_ =	strace $0x90000047  }
0x1af: {  	s0 =	sadd.s32 @!p0 $0x100000, s0;
	[bflag:$0x2] =	sbarrier.arrive $0xFFFF  }
0x1b0: {  	[sflag:s0] =	ssyncadd.tile.s32 @!p0 $0x1;
	_ =	shalt  }
.Lfunc_end2:
_tile_overlayer_lowered:
.L_overlay_start_2:
0x1b1: {  	(tag) =	ssettag $0x2  }
0x1b2: {  	s0 =	rddreg [dreg:$0x0];
	s2 =	stileid.u32  }
0x1b3: {  	s1 =	rddreg [dreg:$0x1];
	p0 =	sne.s32 s2, $0x0  }
0x1b4: {  	s3 =	rddreg [dreg:$0x2];
	[bflag:$0x3] =	sbarrier.arrive $0xFFFF;
	s2 =	simm.s32 @!p0 $0x1C03  }
0x1b5: {  	[timem:s3], [sflag:s2] =	dma.local @!p0 [hbm:s0], s1  }
0x1b6: {  	s0 =	simm.s32 @!p0 $0x3  }
0x1b7: {  	_ =	swait.ge @!p0 [sflag:s0], s1  }
0x1b8: {  	s1 =	ssub.s32 @!p0 $0x0, s1;
	[sflag:s0] =	ssyncset.done @!p0 $0x0  }
0x1b9: {  	[sflag:s0] =	ssyncadd.s32 @!p0 s1  }
0x1ba: {  	[bflag:$0x3] =	sbarrier.arrive $0xFFFF  }
0x1bb: {  	_ =	shalt  }

// kernel: kernel.18.cloned.1.call-start
scs
__scs_entry_jumppad:
0x0: {  	(pc) =	sbr.rel $0x88, $3  }
0x1: {  	(tag) =	ssettag $0x0;
	lr =	simm.s32 $0x1  }
0x2: {  	[smem:$0x3F34] =	sst lr;
	_ =	strace $0xD0000000  }
0x3: {  	_ = 	snop  }
0x4: {  	_ = 	snop  }
0x5: {  	_ = 	snop  }
0x6: {  	_ = 	snop  }
0x7: {  	_ = 	snop  }
__scs_overlays_trampoline_lowered:
0x8: {  	[smem:$0x3F43] =	sst s0  }
0x9: {  	[smem:$0x3F44] =	sst s1  }
0xa: {  	[smem:$0x3F45] =	sst s2  }
0xb: {  	[smem:$0x3F46] =	sst s3  }
0xc: {  	[smem:$0x3F47] =	sst s4  }
0xd: {  	[smem:$0x3F48] =	sst s5  }
0xe: {  	[smem:$0x3F49] =	sst s6  }
0xf: {  	[smem:$0x3F4A] =	sst s7  }
0x10: {  	[smem:$0x3F4B] =	sst s8  }
0x11: {  	[smem:$0x3F4C] =	sst s9;
	s0 =	simm.s32 @!p0 $0x0  }
0x12: {  	s1 =	sld [smem:$0x3F32];
	s0 =	simm.s32 @p0 $0x1  }
0x13: {  	[smem:$0x3F4D] =	sst s0;
	s0 =	simm.s32 @!p1 $0x0  }
0x14: {  	s2 =	sld [smem:$0x3F31];
	s0 =	simm.s32 @p1 $0x1  }
0x15: {  	[smem:$0x3F4E] =	sst s0;
	s0 =	simm.s32 @!p2 $0x0  }
0x16: {  	s3 =	sld [smem:$0x3FDB];
	s0 =	simm.s32 @p2 $0x1  }
0x17: {  	s4 =	simm.s32 $0x1BF5;
	[smem:$0x3F50] =	sst s0  }
0x18: {  	s0 =	sld [smem:$0x3F33];
	_ =	swait.ge [sflag:s4], $0x0  }
0x19: {  	s7 =	sld [smem:$0x3F34]  }
0x1a: {  	s8 =	sadd.s32 $0xFFFFE003, lr  }
0x1b: {  	s9 =	sadd.s32 $0xFFFFFEF7, lr;
	s5 =	simm.s32 $0xFFFFFFFF;
	p2 =	slt.u32 s8, $0xFFFFF086  }
0x1c: {  	p1 =	slt.u32 s9, $0xF7A;
	s5 =	simm.s32 @!p2 $0x0  }
0x1d: {  	s5 =	simm.s32 @p1 $0x1;
	p0 =	seq.s32 s7, s2  }
0x1e: {  	s7 =	smul.u32 @!p0 $0xF7A, s2;
	p2 =	seq.s32 @!p0 s5, $0x0  }
0x1f: {  	s9 =	smul.u32 $0xF7A, s1;
	s8 =	simm.s32 @!p0 $0x1BF5;
	p2 =	por !p2, p0  }
0x20: {  	[sflag:s8] =	ssyncset.s32 @!p0 $0xFFFFF086;
	s6 =	sadd.s32 @!p0 s3, s7;
	s7 =	simm.s32 @!p0 $0x108  }
0x21: {  	s3 =	sadd.s32 s3, s9;
	s6 =	sadd.s32 @!p0 $0x88, s6;
	s7 =	simm.s32 @p2 $0x1082  }
0x22: {  	[simem:s7], [sflag:s8] =	dma.local @!p0 [hbm:s6], $0xF7A  }
0x23: {  	s9 =	sor.u32 $0xD0000000, s2;
	s6 =	simm.s32 $0x108;
	_ =	swait.ge @!p0 [sflag:s8], $0x0  }
0x24: {  	s3 =	sadd.s32 $0x88, s3;
	s6 =	simm.s32 @!p1 $0x1082;
	[sflag:s4] =	ssyncset.s32 $0xFFFFF086  }
0x25: {  	[simem:s6], [sflag:s4] =	dma.local [hbm:s3], $0xF7A  }
0x26: {  	[smem:$0x3F34] =	sst s1;
	(tag) =	ssettag s2;
	_ =	strace s9  }
0x27: {  	s1 =	sld [smem:$0x3F44]  }
0x28: {  	s2 =	sld [smem:$0x3F45]  }
0x29: {  	s4 =	sld [smem:$0x3F47]  }
0x2a: {  	p0 =	seq.s32 s5, $0x0;
	s5 =	sld [smem:$0x3F48]  }
0x2b: {  	s6 =	sld [smem:$0x3F49]  }
0x2c: {  	s7 =	sld [smem:$0x3F4A]  }
0x2d: {  	s3 =	simm.s32 $0x108;
	s8 =	sld [smem:$0x3F4B]  }
0x2e: {  	s3 =	simm.s32 @!p0 $0x1082;
	s9 =	sld [smem:$0x3F4C]  }
0x2f: {  	lr =	sadd.s32 s0, s3;
	s0 =	sld [smem:$0x3F43]  }
0x30: {  	s3 =	sld [smem:$0x3F46]  }
0x31: {  	[smem:$0x3F4F] =	sst s10  }
0x32: {  	s10 =	sld [smem:$0x3F4D];
	_ =	sdelay $0x3  }
0x33: {  	p0 =	seq.s32 s10, $0x1;
	s10 =	sld [smem:$0x3F4F];
	_ =	sdelay $0x3  }
0x34: {  	[smem:$0x3F4F] =	sst s10  }
0x35: {  	s10 =	sld [smem:$0x3F4E];
	_ =	sdelay $0x3  }
0x36: {  	p1 =	seq.s32 s10, $0x1;
	s10 =	sld [smem:$0x3F4F];
	_ =	sdelay $0x3  }
0x37: {  	[smem:$0x3F4F] =	sst s10  }
0x38: {  	s10 =	sld [smem:$0x3F50]  }
0x39: {  	_ = 	snop;
	(pc) =	sbr.ind lr, $3  }
0x3a: {  	_ = 	snop  }
0x3b: {  	_ = 	snop  }
0x3c: {  	p2 =	seq.s32 s10, $0x1;
	s10 =	sld [smem:$0x3F4F]  }
0x3d: {  	_ =	shalt  }
0x3e: {  	_ =	shalt  }
0x3f: {  	_ =	shalt  }
0x40: {  	_ =	shalt  }
0x41: {  	_ =	shalt  }
0x42: {  	_ =	shalt  }
0x43: {  	_ =	shalt  }
0x44: {  	_ =	shalt  }
0x45: {  	_ =	shalt  }
0x46: {  	_ =	shalt  }
0x47: {  	_ =	shalt  }
0x48: {  	_ =	shalt  }
0x49: {  	_ =	shalt  }
0x4a: {  	_ =	shalt  }
0x4b: {  	_ =	shalt  }
0x4c: {  	_ =	shalt  }
0x4d: {  	_ =	shalt  }
0x4e: {  	_ =	shalt  }
0x4f: {  	_ =	shalt  }
0x50: {  	_ =	shalt  }
0x51: {  	_ =	shalt  }
0x52: {  	_ =	shalt  }
0x53: {  	_ =	shalt  }
0x54: {  	_ =	shalt  }
0x55: {  	_ =	shalt  }
0x56: {  	_ =	shalt  }
0x57: {  	_ =	shalt  }
0x58: {  	_ =	shalt  }
0x59: {  	_ =	shalt  }
0x5a: {  	_ =	shalt  }
0x5b: {  	_ =	shalt  }
0x5c: {  	_ =	shalt  }
0x5d: {  	_ =	shalt  }
0x5e: {  	_ =	shalt  }
0x5f: {  	_ =	shalt  }
0x60: {  	_ =	shalt  }
0x61: {  	_ =	shalt  }
0x62: {  	_ =	shalt  }
0x63: {  	_ =	shalt  }
0x64: {  	_ =	shalt  }
0x65: {  	_ =	shalt  }
0x66: {  	_ =	shalt  }
0x67: {  	_ =	shalt  }
0x68: {  	_ =	shalt  }
0x69: {  	_ =	shalt  }
0x6a: {  	_ =	shalt  }
0x6b: {  	_ =	shalt  }
0x6c: {  	_ =	shalt  }
0x6d: {  	_ =	shalt  }
0x6e: {  	_ =	shalt  }
0x6f: {  	_ =	shalt  }
0x70: {  	_ =	shalt  }
0x71: {  	_ =	shalt  }
0x72: {  	_ =	shalt  }
0x73: {  	_ =	shalt  }
0x74: {  	_ =	shalt  }
0x75: {  	_ =	shalt  }
0x76: {  	_ =	shalt  }
0x77: {  	_ =	shalt  }
0x78: {  	_ =	shalt  }
0x79: {  	_ =	shalt  }
0x7a: {  	_ =	shalt  }
0x7b: {  	_ =	shalt  }
0x7c: {  	_ =	shalt  }
0x7d: {  	_ =	shalt  }
0x7e: {  	_ =	shalt  }
0x7f: {  	_ =	shalt  }
0x80: {  	_ =	shalt  }
0x81: {  	_ =	shalt  }
0x82: {  	_ =	shalt  }
0x83: {  	_ =	shalt  }
0x84: {  	_ =	shalt  }
0x85: {  	_ =	shalt  }
0x86: {  	_ =	shalt  }
0x87: {  	_ =	shalt  }
.Lfunc_end0:
.L_simem_size_0:
called_computation.3_lowered:
.L_overlay_start_0:
0x88: {  	s2 =	sld [smem:$0x3FD9]  }
0x89: {  	s3 =	sld [smem:$0x3FFE];
	_ =	sdelay $0x1  }
0x8a: {  	s1 =	srdreg.scid  }
0x8b: {  	s0 =	sand.u32 $0x1, s1  }
0x8c: {  	s17 =	sshll.u32 s0, $0xA;
	s2 =	sadd.s32 s3, s2  }
0x8d: {  	s2 =	sadd.s32 s2, s17  }
0x8e: {  	[smem:$0x3F5B] =	sst s2  }
0x8f: {  	_ = 	snop  }
0x90: {  	s2 =	sld [smem:$0x3FD0];
	(tm) =	ssettm $0x1  }
0x91: {  	s18 =	sld [smem:$0x3FFB];
	_ =	sdelay $0x3  }
0x92: {  	_ =	strace s18  }
0x93: {  	s3 =	sld [smem:$0x3FFC];
	_ =	sdelay $0x3  }
0x94: {  	_ =	strace s3  }
0x95: {  	s3 =	sld [smem:$0x3FFD];
	_ =	sdelay $0x3  }
0x96: {  	_ =	strace s3  }
0x97: {  	_ =	strace $0x8FFFFFFF  }
0x98: {  	s19 =	sld [smem:$0x3FDB];
	_ =	sdelay $0x1  }
0x99: {  	s4 =	simm.s32 $_scs_section_size  }
0x9a: {  	s5 =	simm.s32 $_size__tile_overlayer_lowered;
	s6 =	simm.s32 $_tile_overlayer_lowered  }
0x9b: {  	s22 =	simm.s32 $0x1BFF;
	s21 =	sshll.u32 s6, $0x1;
	s3 =	sadd.s32 s4, s19  }
0x9c: {  	s7 =	simm.s32 $0x0;
	s20 =	sshll.u32 s5, $0x1;
	s5 =	sadd.s32 s21, s3  }
0x9d: {  	[timem:s7], [sflag:s22] =	dma.local [hbm:s5], s20  }
0x9e: {  	_ =	swait.ge [sflag:s22], s20  }
0x9f: {  	s4 =	ssub.s32 $0x0, s20;
	[sflag:s22] =	ssyncset.done $0x0  }
0xa0: {  	[sflag:s22] =	ssyncadd.s32 s4;
	_ =	sdelay $0x1  }
0xa1: {  	s23 =	simm.s32 $0x1B8B  }
0xa2: {  	_ =	swait.ge [sflag:s23], $0x1  }
0xa3: {  	[sflag:s23] =	ssyncset.done $0x0  }
0xa4: {  	s25 =	simm.s32 $0x1B8E;
	s24 =	sld [smem:$0x3FFE];
	[sflag:s23] =	ssyncadd.s32 $0xFFFFFFFF  }
0xa5: {  	s26 =	simm.s32 $execute0_lowered;
	[smem:$0x3FD2] =	sst s25  }
0xa6: {  	s5 =	sshll.u32 s26, $0x1;
	_ =	strace $0x8000004F;
	[dreg:$0x1] =	wrdreg $0xFFFFFFFF  }
0xa7: {  	s28 =	simm.s32 $_size_execute0_lowered;
	s3 =	sadd.s32 s3, s5;
	[dreg:$0x0] =	wrdreg $0x0  }
0xa8: {  	s5 =	sshll.u32 s28, $0x1;
	[dreg:$0x2] =	wrdreg s3  }
0xa9: {  	[dreg:$0x3] =	wrdreg s5  }
0xaa: {  	[dreg:$0x4] =	wrdreg $0xC0  }
0xab: {  	_ =	task [dreg:s7], $0x5FFFF  }
0xac: {  	[dreg:$0x1] =	wrdreg $0xFFFFFFFF  }
0xad: {  	[dreg:$0x0] =	wrdreg $0x60  }
0xae: {  	[dreg:$0x2] =	wrdreg s24  }
0xaf: {  	[dreg:$0x3] =	wrdreg s2  }
0xb0: {  	[dreg:$0x4] =	wrdreg $0x44000  }
0xb1: {  	[dreg:$0x5] =	wrdreg $0x9  }
0xb2: {  	_ =	task.clear_ibuf [dreg:s7], $0x6FFFF;
	_ =	strace $0x9000004F  }
0xb3: {  	s29 =	simm.s32 $0x9;
	_ =	strace $0x80000051  }
0xb4: {  	_ =	swait.ge [sflag:s29], $0x1  }
0xb5: {  	[sflag:s29] =	ssyncadd.s32 $0xFFFFFFFF  }
0xb6: {  	_ =	strace $0x90000051  }
0xb7: {  	_ =	sfence  }
0xb8: {  	s30 =	sld [smem:$0x0];
	_ =	sdelay $0x2  }
0xb9: {  	s31 =	sshll.u32 s1, $0xD;
	s1 =	sshrl.u32 s1, $0x2  }
0xba: {  	s3 =	sand.u32 $0x4000, s31;
	s1 =	sadd.s32 s1, s30  }
0xbb: {  	s0 =	sor.u32 s3, s0;
	s1 =	sshll.u32 s1, $0x11  }
0xbc: {  	s0 =	sor.u32 s1, s0  }
0xbd: {  	s0 =	sadd.s32 $0x8F2B, s0  }
0xbe: {  	[sflag:s0] =	ssyncadd.remote.s32 $0x1  }
0xbf: {  	_ =	sfence.sel $0xFFFF  }
0xc0: {  	[dreg:$0x0] =	wrdreg $0xFFFFFFFF;
	(pc) =	sbr.abs _section_cstart, $3  }
0xc1: {  	[dreg:$0x1] =	wrdreg $0xFFFFFFFF  }
0xc2: {  	_ =	task.clear_ibuf [dreg:s7], $0x2FFFF;
	_ =	strace $0x9FFFFFFF  }
0xc3: {  	(tm) =	ssettm $0x7FFFFFFF  }
tec
execute0_lowered:
.L_overlay_start_1:
0x0: {  	(tag) =	ssettag $0x1  }
0x1: {  	s12 =	rddreg [dreg:$0x0]  }
0x2: {  	s1 =	rddreg [dreg:$0x1]  }
0x3: {  	s2 =	rddreg [dreg:$0x2]  }
0x4: {  	s4 =	simm.s32 $0x0;
	s3 =	stileid.u32;
	s11 =	srdreg.scid  }
0x5: {  	s21 =	simm.s32 $0x400;
	s22 =	simm.s32 $0x2400;
	s23 =	simm.s32 $0x1  }
0x6: {  	s24 =	simm.s32 $0x200;
	s25 =	simm.s32 $0x2;
	s26 =	simm.s32 $0x300  }
0x7: {  	s28 =	simm.s32 $0x0;
	s5 =	sadd.s32 $0x13F200, s12;
	s9 =	smul.u32 $0x3200, s3  }
0x8: {  	[smem:$0x7FF] =	sst s4;
	s6 =	sadd.s32 $0x1F6400, s12;
	s10 =	smul.u32 $0xA00, s3  }
0x9: {  	s7 =	sadd.s32 $0xF3C00, s12;
	s8 =	sadd.s32 $0x17BC00, s12;
	s18 =	sand.u32 $0x1, s11  }
0xa: {  	s14 =	smul.u32 $0x31000, s3;
	s11 =	sadd.s32 $0x289400, s12;
	s20 =	sshll.u32 s3, $0x6  }
0xb: {  	_ =	strace $0x80000050;
	s13 =	ssub.s32 $0x2, s18;
	s16 =	sadd.s32 s9, s12  }
0xc: {  	s17 =	sadd.s32 s10, s12;
	s9 =	sadd.s32 $0x227400, s12;
	s10 =	sadd.s32 $0x258400, s12  }
.Ltmp0:
0xd: {  	p0 =	sne.s32 s18, $0x0;
	s12 =	sadd.s32 $0x2BA400, s12;
	(pc) =	sbr.rel .LBB2_1-.Ltmp0, $4  }
0xe: {  	s15 =	sshrl.u32 s13, $0x1;
	s19 =	sshrl.u32 s14, $0x1;
	s14 =	sshrl.u32 s14, $0x4  }
0xf: {  	s15 =	ssub.s32 s13, s15;
	s19 =	sadd.s32 s19, s2;
	s13 =	sor.u32 $0x1C03, s20  }
0x10: {  	s16 =	sadd.s32 $0x10D200, s16;
	s17 =	sadd.s32 $0x171C00, s17;
	s20 =	simm.s32 $0x100  }
0x11: {  	s15 =	smax.u32 s15, $0x1;
	s18 =	sshrl.u32 s19, $0x3;
	s19 =	simm.s32 $0x3  }
.LBB2_14:
0x12: {  	s0 =	sadd.s32 s29, s17;
	[sflag:s19] =	ssyncadd.s32 $0xFFFFE000  }
0x13: {  	[tilespmem:s4], [sflag:$0x3] =	stream.linear.gather [hbm4b:s0+s4], $0x400, $0x38;
	[tilespmem:$0x1CC00] =	vst v63  }
0x14: {  	_ =	swait.ge [sflag:s19], $0x400  }
0x15: {  	[sflag:s19] =	ssyncset.done $0x0  }
0x16: {  	[sflag:s19] =	ssyncadd.s32 $0xFFFFFC00  }
0x17: {  	[tilespmem:s21], [sflag:$0x1] =	stream.indirect.gather [hbm4b:s8+s20], $0x20, s4, s20, $0xb8;
	[tilespmem:$0x1CC00] =	vst v63  }
0x18: {  	_ = 	snop  }
0x19: {  	[tilespmem:s22], [sflag:$0x2] =	stream.indirect.gather [hbm4b:s8+s20], $0x20, s20, s20, $0xb8;
	[tilespmem:$0x1CC00] =	vst v63  }
0x1a: {  	_ =	swait.ge [sflag:s23], $0x2000  }
0x1b: {  	[sflag:s23] =	ssyncset.done $0x0  }
0x1c: {  	[sflag:s23] =	ssyncadd.s32 $0xFFFFE000  }
0x1d: {  	[spmem:s2] =	stream.indirect.scatter.add.bf16 [tilespmem:s21], [sflag:$0x3], $0x20, s24, s20, $0xb8;
	[tilespmem:$0x1CC00] =	vst v63  }
0x1e: {  	_ =	swait.ge [sflag:s19], $0x2000  }
0x1f: {  	[sflag:s19] =	ssyncset.done $0x0  }
0x20: {  	[sflag:s19] =	ssyncadd.s32 $0xFFFFE000  }
0x21: {  	_ =	swait.ge [sflag:s25], $0x2000  }
0x22: {  	[sflag:s25] =	ssyncset.done $0x0  }
0x23: {  	[sflag:s25] =	ssyncadd.s32 $0xFFFFE000  }
0x24: {  	[spmem:s2] =	stream.indirect.scatter.add.bf16 [tilespmem:s22], [sflag:$0x3], $0x20, s26, s20, $0xb8;
	[tilespmem:$0x1CC00] =	vst v63  }
0x25: {  	_ =	swait.ge [sflag:s19], $0x2000  }
0x26: {  	[sflag:s19] =	ssyncset.done $0x0  }
0x27: {  	s29 =	smov.u32 s12;
	[sflag:s19] =	ssyncadd.s32 $0xFFFFE000  }
.LBB2_15:
0x28: {  	s28 =	sadd.s32 $0x1, s28  }
0x29: {  	p1 =	sne.s32 s28, s15  }
.Ltmp1:
0x2a: {  	s0 =	sadd.s32 s29, s14;
	[bflag:$0x0] =	sbarrier.arrive $0xFFFF;
	(pc) =	sbr.rel @!p1 .LBB2_16-.Ltmp1, $4  }
0x2b: {  	[hbm:s0], [sflag:s13] =	dma.local [spmem:s18], $0x3100  }
0x2c: {  	_ =	swait.ge [sflag:s19], $0x3100  }
0x2d: {  	[sflag:s19] =	ssyncset.done $0x0  }
0x2e: {  	[sflag:s19] =	ssyncadd.s32 $0xFFFFCF00  }
.LBB2_1:
0x2f: {  	[spmem:s18], [sflag:s13] =	dma.local [hbm:s1], $0x3100  }
.Ltmp2:
0x30: {  	_ =	swait.ge [sflag:s19], $0x3100;
	(pc) =	sbr.rel @p0 .LBB2_5-.Ltmp2, $3  }
0x31: {  	[sflag:s19] =	ssyncset.done $0x0  }
0x32: {  	[sflag:s19] =	ssyncadd.s32 $0xFFFFCF00  }
0x33: {  	[bflag:$0x0] =	sbarrier.arrive $0xFFFF;
	_ =	sdelay $0x1  }
0x34: {  	s29 =	sadd.s32 $0x0, s16  }
0x35: {  	[tilespmem:s4], [sflag:$0x3] =	stream.linear.gather [hbm4b:s29+s4], $0x400, $0x38;
	[tilespmem:$0x1CC00] =	vst v63  }
0x36: {  	_ =	swait.ge [sflag:s19], $0x400  }
0x37: {  	[sflag:s19] =	ssyncset.done $0x0  }
0x38: {  	[sflag:s19] =	ssyncadd.s32 $0xFFFFFC00  }
0x39: {  	[tilespmem:s21], [sflag:$0x1] =	stream.indirect.gather [hbm4b:s5+s20], $0x20, s4, s20, $0xb8;
	[tilespmem:$0x1CC00] =	vst v63  }
0x3a: {  	_ = 	snop  }
0x3b: {  	[tilespmem:s22], [sflag:$0x2] =	stream.indirect.gather [hbm4b:s5+s20], $0x20, s20, s20, $0xb8;
	[tilespmem:$0x1CC00] =	vst v63  }
0x3c: {  	_ =	swait.ge [sflag:s23], $0x2000  }
0x3d: {  	[sflag:s23] =	ssyncset.done $0x0  }
0x3e: {  	[sflag:s23] =	ssyncadd.s32 $0xFFFFE000  }
0x3f: {  	[spmem:s2] =	stream.indirect.scatter.add.bf16 [tilespmem:s21], [sflag:$0x3], $0x20, s24, s20, $0xb8;
	[tilespmem:$0x1CC00] =	vst v63  }
0x40: {  	_ =	swait.ge [sflag:s19], $0x2000  }
0x41: {  	[sflag:s19] =	ssyncset.done $0x0  }
0x42: {  	[sflag:s19] =	ssyncadd.s32 $0xFFFFE000  }
0x43: {  	_ =	swait.ge [sflag:s25], $0x2000  }
0x44: {  	[sflag:s25] =	ssyncset.done $0x0  }
0x45: {  	[sflag:s25] =	ssyncadd.s32 $0xFFFFE000  }
0x46: {  	[spmem:s2] =	stream.indirect.scatter.add.bf16 [tilespmem:s22], [sflag:$0x3], $0x20, s26, s20, $0xb8;
	[tilespmem:$0x1CC00] =	vst v63  }
0x47: {  	_ =	swait.ge [sflag:s19], $0x2000  }
0x48: {  	s30 =	simm.s32 $0x100;
	s29 =	simm.s32 $0x80;
	[sflag:s19] =	ssyncset.done $0x0  }
.LBB2_3:
0x49: {  	s31 =	sadd.s32 s29, s16  }
0x4a: {  	[sflag:s19] =	ssyncadd.s32 $0xFFFFE000;
	s29 =	smov.u32 s30;
	s0 =	sadd.s32 $0x80, s30  }
0x4b: {  	[tilespmem:s4], [sflag:$0x3] =	stream.linear.gather [hbm4b:s31+s4], $0x400, $0x38;
	[tilespmem:$0x1CC00] =	vst v63  }
0x4c: {  	p1 =	seq.s32 s30, $0x3180;
	_ =	swait.ge [sflag:s19], $0x400  }
0x4d: {  	[sflag:s19] =	ssyncset.done $0x0  }
0x4e: {  	[sflag:s19] =	ssyncadd.s32 $0xFFFFFC00  }
0x4f: {  	[tilespmem:s21], [sflag:$0x1] =	stream.indirect.gather [hbm4b:s5+s20], $0x20, s4, s20, $0xb8;
	[tilespmem:$0x1CC00] =	vst v63  }
0x50: {  	_ = 	snop  }
0x51: {  	[tilespmem:s22], [sflag:$0x2] =	stream.indirect.gather [hbm4b:s5+s20], $0x20, s20, s20, $0xb8;
	[tilespmem:$0x1CC00] =	vst v63  }
0x52: {  	_ =	swait.ge [sflag:s23], $0x2000  }
0x53: {  	[sflag:s23] =	ssyncset.done $0x0  }
0x54: {  	[sflag:s23] =	ssyncadd.s32 $0xFFFFE000  }
0x55: {  	[spmem:s2] =	stream.indirect.scatter.add.bf16 [tilespmem:s21], [sflag:$0x3], $0x20, s24, s20, $0xb8;
	[tilespmem:$0x1CC00] =	vst v63  }
0x56: {  	_ =	swait.ge [sflag:s19], $0x2000  }
0x57: {  	[sflag:s19] =	ssyncset.done $0x0  }
0x58: {  	[sflag:s19] =	ssyncadd.s32 $0xFFFFE000  }
0x59: {  	_ =	swait.ge [sflag:s25], $0x2000  }
.Ltmp3:
0x5a: {  	[sflag:s25] =	ssyncset.done $0x0;
	(pc) =	sbr.rel @!p1 .LBB2_3-.Ltmp3, $4  }
0x5b: {  	[sflag:s25] =	ssyncadd.s32 $0xFFFFE000  }
0x5c: {  	[spmem:s2] =	stream.indirect.scatter.add.bf16 [tilespmem:s22], [sflag:$0x3], $0x20, s26, s20, $0xb8;
	[tilespmem:$0x1CC00] =	vst v63  }
0x5d: {  	_ =	swait.ge [sflag:s19], $0x2000  }
0x5e: {  	s30 =	smov.u32 s0;
	[sflag:s19] =	ssyncset.done $0x0  }
0x5f: {  	s0 =	sadd.s32 s29, s16;
	[sflag:s19] =	ssyncadd.s32 $0xFFFFE000  }
0x60: {  	[tilespmem:s4], [sflag:$0x3] =	stream.linear.gather [hbm4b:s0+s4], $0x400, $0x38;
	[tilespmem:$0x1CC00] =	vst v63  }
0x61: {  	_ =	swait.ge [sflag:s19], $0x400  }
0x62: {  	[sflag:s19] =	ssyncset.done $0x0  }
0x63: {  	[sflag:s19] =	ssyncadd.s32 $0xFFFFFC00  }
0x64: {  	[tilespmem:s21], [sflag:$0x1] =	stream.indirect.gather [hbm4b:s5+s20], $0x20, s4, s20, $0xb8;
	[tilespmem:$0x1CC00] =	vst v63  }
0x65: {  	_ = 	snop  }
0x66: {  	[tilespmem:s22], [sflag:$0x2] =	stream.indirect.gather [hbm4b:s5+s20], $0x20, s20, s20, $0xb8;
	[tilespmem:$0x1CC00] =	vst v63  }
0x67: {  	_ =	swait.ge [sflag:s23], $0x2000  }
0x68: {  	[sflag:s23] =	ssyncset.done $0x0  }
0x69: {  	[sflag:s23] =	ssyncadd.s32 $0xFFFFE000  }
0x6a: {  	[spmem:s2] =	stream.indirect.scatter.add.bf16 [tilespmem:s21], [sflag:$0x3], $0x20, s24, s20, $0xb8;
	[tilespmem:$0x1CC00] =	vst v63  }
0x6b: {  	_ =	swait.ge [sflag:s19], $0x2000  }
0x6c: {  	[sflag:s19] =	ssyncset.done $0x0  }
0x6d: {  	[sflag:s19] =	ssyncadd.s32 $0xFFFFE000  }
0x6e: {  	_ =	swait.ge [sflag:s25], $0x2000  }
0x6f: {  	[sflag:s25] =	ssyncset.done $0x0  }
.Ltmp4:
0x70: {  	[sflag:s25] =	ssyncadd.s32 $0xFFFFE000;
	(pc) =	sbr.rel .LBB2_8-.Ltmp4, $4  }
0x71: {  	[spmem:s2] =	stream.indirect.scatter.add.bf16 [tilespmem:s22], [sflag:$0x3], $0x20, s26, s20, $0xb8;
	[tilespmem:$0x1CC00] =	vst v63  }
0x72: {  	_ =	swait.ge [sflag:s19], $0x2000  }
0x73: {  	[sflag:s19] =	ssyncset.done $0x0  }
0x74: {  	s29 =	smov.u32 s9;
	[sflag:s19] =	ssyncadd.s32 $0xFFFFE000  }
.LBB2_5:
0x75: {  	s0 =	sadd.s32 $0x0, s16  }
0x76: {  	[tilespmem:s4], [sflag:$0x3] =	stream.linear.gather [hbm4b:s0+s4], $0x400, $0x38;
	[tilespmem:$0x1CC00] =	vst v63  }
0x77: {  	_ =	swait.ge [sflag:s19], $0x400  }
0x78: {  	[sflag:s19] =	ssyncset.done $0x0  }
0x79: {  	[sflag:s19] =	ssyncadd.s32 $0xFFFFFC00  }
0x7a: {  	[tilespmem:s21], [sflag:$0x1] =	stream.indirect.gather [hbm4b:s6+s20], $0x20, s4, s20, $0xb8;
	[tilespmem:$0x1CC00] =	vst v63  }
0x7b: {  	_ = 	snop  }
0x7c: {  	[tilespmem:s22], [sflag:$0x2] =	stream.indirect.gather [hbm4b:s6+s20], $0x20, s20, s20, $0xb8;
	[tilespmem:$0x1CC00] =	vst v63  }
0x7d: {  	_ =	swait.ge [sflag:s23], $0x2000  }
0x7e: {  	[sflag:s23] =	ssyncset.done $0x0  }
0x7f: {  	[sflag:s23] =	ssyncadd.s32 $0xFFFFE000  }
0x80: {  	[spmem:s2] =	stream.indirect.scatter.add.bf16 [tilespmem:s21], [sflag:$0x3], $0x20, s24, s20, $0xb8;
	[tilespmem:$0x1CC00] =	vst v63  }
0x81: {  	_ =	swait.ge [sflag:s19], $0x2000  }
0x82: {  	[sflag:s19] =	ssyncset.done $0x0  }
0x83: {  	[sflag:s19] =	ssyncadd.s32 $0xFFFFE000  }
0x84: {  	_ =	swait.ge [sflag:s25], $0x2000  }
0x85: {  	[sflag:s25] =	ssyncset.done $0x0  }
0x86: {  	[sflag:s25] =	ssyncadd.s32 $0xFFFFE000  }
0x87: {  	[spmem:s2] =	stream.indirect.scatter.add.bf16 [tilespmem:s22], [sflag:$0x3], $0x20, s26, s20, $0xb8;
	[tilespmem:$0x1CC00] =	vst v63  }
0x88: {  	_ =	swait.ge [sflag:s19], $0x2000  }
0x89: {  	s29 =	simm.s32 $0x80;
	s30 =	simm.s32 $0x100;
	[sflag:s19] =	ssyncset.done $0x0  }
.LBB2_6:
0x8a: {  	s0 =	sadd.s32 s29, s16  }
0x8b: {  	[sflag:s19] =	ssyncadd.s32 $0xFFFFE000;
	s29 =	smov.u32 s30;
	s31 =	sadd.s32 $0x80, s30  }
0x8c: {  	[tilespmem:s4], [sflag:$0x3] =	stream.linear.gather [hbm4b:s0+s4], $0x400, $0x38;
	[tilespmem:$0x1CC00] =	vst v63  }
0x8d: {  	p1 =	sne.s32 s30, $0x3180;
	_ =	swait.ge [sflag:s19], $0x400  }
0x8e: {  	[sflag:s19] =	ssyncset.done $0x0  }
0x8f: {  	[sflag:s19] =	ssyncadd.s32 $0xFFFFFC00  }
0x90: {  	[tilespmem:s21], [sflag:$0x1] =	stream.indirect.gather [hbm4b:s6+s20], $0x20, s4, s20, $0xb8;
	[tilespmem:$0x1CC00] =	vst v63  }
0x91: {  	_ = 	snop  }
0x92: {  	[tilespmem:s22], [sflag:$0x2] =	stream.indirect.gather [hbm4b:s6+s20], $0x20, s20, s20, $0xb8;
	[tilespmem:$0x1CC00] =	vst v63  }
0x93: {  	_ =	swait.ge [sflag:s23], $0x2000  }
0x94: {  	[sflag:s23] =	ssyncset.done $0x0  }
0x95: {  	[sflag:s23] =	ssyncadd.s32 $0xFFFFE000  }
0x96: {  	[spmem:s2] =	stream.indirect.scatter.add.bf16 [tilespmem:s21], [sflag:$0x3], $0x20, s24, s20, $0xb8;
	[tilespmem:$0x1CC00] =	vst v63  }
0x97: {  	_ =	swait.ge [sflag:s19], $0x2000  }
0x98: {  	[sflag:s19] =	ssyncset.done $0x0  }
0x99: {  	[sflag:s19] =	ssyncadd.s32 $0xFFFFE000  }
0x9a: {  	_ =	swait.ge [sflag:s25], $0x2000  }
.Ltmp5:
0x9b: {  	[sflag:s25] =	ssyncset.done $0x0;
	(pc) =	sbr.rel @p1 .LBB2_6-.Ltmp5, $4  }
0x9c: {  	[sflag:s25] =	ssyncadd.s32 $0xFFFFE000  }
0x9d: {  	[spmem:s2] =	stream.indirect.scatter.add.bf16 [tilespmem:s22], [sflag:$0x3], $0x20, s26, s20, $0xb8;
	[tilespmem:$0x1CC00] =	vst v63  }
0x9e: {  	_ =	swait.ge [sflag:s19], $0x2000  }
0x9f: {  	s30 =	smov.u32 s31;
	[sflag:s19] =	ssyncset.done $0x0  }
0xa0: {  	s0 =	sadd.s32 s29, s16;
	[sflag:s19] =	ssyncadd.s32 $0xFFFFE000  }
0xa1: {  	[tilespmem:s4], [sflag:$0x3] =	stream.linear.gather [hbm4b:s0+s4], $0x400, $0x38;
	[tilespmem:$0x1CC00] =	vst v63  }
0xa2: {  	_ =	swait.ge [sflag:s19], $0x400  }
0xa3: {  	[sflag:s19] =	ssyncset.done $0x0  }
0xa4: {  	[sflag:s19] =	ssyncadd.s32 $0xFFFFFC00  }
0xa5: {  	[tilespmem:s21], [sflag:$0x1] =	stream.indirect.gather [hbm4b:s6+s20], $0x20, s4, s20, $0xb8;
	[tilespmem:$0x1CC00] =	vst v63  }
0xa6: {  	_ = 	snop  }
0xa7: {  	[tilespmem:s22], [sflag:$0x2] =	stream.indirect.gather [hbm4b:s6+s20], $0x20, s20, s20, $0xb8;
	[tilespmem:$0x1CC00] =	vst v63  }
0xa8: {  	_ =	swait.ge [sflag:s23], $0x2000  }
0xa9: {  	[sflag:s23] =	ssyncset.done $0x0  }
0xaa: {  	[sflag:s23] =	ssyncadd.s32 $0xFFFFE000  }
0xab: {  	[spmem:s2] =	stream.indirect.scatter.add.bf16 [tilespmem:s21], [sflag:$0x3], $0x20, s24, s20, $0xb8;
	[tilespmem:$0x1CC00] =	vst v63  }
0xac: {  	_ =	swait.ge [sflag:s19], $0x2000  }
0xad: {  	[sflag:s19] =	ssyncset.done $0x0  }
0xae: {  	[sflag:s19] =	ssyncadd.s32 $0xFFFFE000  }
0xaf: {  	_ =	swait.ge [sflag:s25], $0x2000  }
0xb0: {  	[sflag:s25] =	ssyncset.done $0x0  }
0xb1: {  	[sflag:s25] =	ssyncadd.s32 $0xFFFFE000  }
0xb2: {  	[spmem:s2] =	stream.indirect.scatter.add.bf16 [tilespmem:s22], [sflag:$0x3], $0x20, s26, s20, $0xb8;
	[tilespmem:$0x1CC00] =	vst v63  }
0xb3: {  	_ =	swait.ge [sflag:s19], $0x2000  }
0xb4: {  	[sflag:s19] =	ssyncset.done $0x0  }
0xb5: {  	s29 =	smov.u32 s10;
	[sflag:s19] =	ssyncadd.s32 $0xFFFFE000  }
.LBB2_8:
0xb6: {  	s0 =	sadd.s32 s29, s14;
	[bflag:$0x0] =	sbarrier.arrive $0xFFFF  }
0xb7: {  	[hbm:s0], [sflag:s13] =	dma.local [spmem:s18], $0x3100  }
0xb8: {  	_ =	swait.ge [sflag:s19], $0x3100  }
0xb9: {  	[sflag:s19] =	ssyncset.done $0x0  }
0xba: {  	[sflag:s19] =	ssyncadd.s32 $0xFFFFCF00  }
0xbb: {  	[spmem:s18], [sflag:s13] =	dma.local [hbm:s1], $0x3100  }
.Ltmp6:
0xbc: {  	_ =	swait.ge [sflag:s19], $0x3100;
	(pc) =	sbr.rel @p0 .LBB2_12-.Ltmp6, $4  }
0xbd: {  	[sflag:s19] =	ssyncset.done $0x0  }
0xbe: {  	[sflag:s19] =	ssyncadd.s32 $0xFFFFCF00  }
0xbf: {  	[bflag:$0x0] =	sbarrier.arrive $0xFFFF  }
0xc0: {  	s0 =	sadd.s32 $0x0, s17  }
0xc1: {  	[tilespmem:s4], [sflag:$0x3] =	stream.linear.gather [hbm4b:s0+s4], $0x400, $0x38;
	[tilespmem:$0x1CC00] =	vst v63  }
0xc2: {  	_ =	swait.ge [sflag:s19], $0x400  }
0xc3: {  	[sflag:s19] =	ssyncset.done $0x0  }
0xc4: {  	[sflag:s19] =	ssyncadd.s32 $0xFFFFFC00  }
0xc5: {  	[tilespmem:s21], [sflag:$0x1] =	stream.indirect.gather [hbm4b:s7+s20], $0x20, s4, s20, $0xb8;
	[tilespmem:$0x1CC00] =	vst v63  }
0xc6: {  	_ = 	snop  }
0xc7: {  	[tilespmem:s22], [sflag:$0x2] =	stream.indirect.gather [hbm4b:s7+s20], $0x20, s20, s20, $0xb8;
	[tilespmem:$0x1CC00] =	vst v63  }
0xc8: {  	_ =	swait.ge [sflag:s23], $0x2000  }
0xc9: {  	[sflag:s23] =	ssyncset.done $0x0  }
0xca: {  	[sflag:s23] =	ssyncadd.s32 $0xFFFFE000  }
0xcb: {  	[spmem:s2] =	stream.indirect.scatter.add.bf16 [tilespmem:s21], [sflag:$0x3], $0x20, s24, s20, $0xb8;
	[tilespmem:$0x1CC00] =	vst v63  }
0xcc: {  	_ =	swait.ge [sflag:s19], $0x2000  }
0xcd: {  	[sflag:s19] =	ssyncset.done $0x0  }
0xce: {  	[sflag:s19] =	ssyncadd.s32 $0xFFFFE000  }
0xcf: {  	_ =	swait.ge [sflag:s25], $0x2000  }
0xd0: {  	[sflag:s25] =	ssyncset.done $0x0  }
0xd1: {  	[sflag:s25] =	ssyncadd.s32 $0xFFFFE000  }
0xd2: {  	[spmem:s2] =	stream.indirect.scatter.add.bf16 [tilespmem:s22], [sflag:$0x3], $0x20, s26, s20, $0xb8;
	[tilespmem:$0x1CC00] =	vst v63  }
0xd3: {  	_ =	swait.ge [sflag:s19], $0x2000  }
0xd4: {  	s29 =	simm.s32 $0x80;
	s30 =	simm.s32 $0x100;
	[sflag:s19] =	ssyncset.done $0x0  }
.LBB2_10:
0xd5: {  	s0 =	sadd.s32 s29, s17  }
0xd6: {  	[sflag:s19] =	ssyncadd.s32 $0xFFFFE000;
	s29 =	smov.u32 s30;
	s31 =	sadd.s32 $0x80, s30  }
0xd7: {  	[tilespmem:s4], [sflag:$0x3] =	stream.linear.gather [hbm4b:s0+s4], $0x400, $0x38;
	[tilespmem:$0x1CC00] =	vst v63  }
0xd8: {  	p1 =	seq.s32 s30, $0x980;
	_ =	swait.ge [sflag:s19], $0x400  }
0xd9: {  	[sflag:s19] =	ssyncset.done $0x0  }
0xda: {  	[sflag:s19] =	ssyncadd.s32 $0xFFFFFC00  }
0xdb: {  	[tilespmem:s21], [sflag:$0x1] =	stream.indirect.gather [hbm4b:s7+s20], $0x20, s4, s20, $0xb8;
	[tilespmem:$0x1CC00] =	vst v63  }
0xdc: {  	_ = 	snop  }
0xdd: {  	[tilespmem:s22], [sflag:$0x2] =	stream.indirect.gather [hbm4b:s7+s20], $0x20, s20, s20, $0xb8;
	[tilespmem:$0x1CC00] =	vst v63  }
0xde: {  	_ =	swait.ge [sflag:s23], $0x2000  }
0xdf: {  	[sflag:s23] =	ssyncset.done $0x0  }
0xe0: {  	[sflag:s23] =	ssyncadd.s32 $0xFFFFE000  }
0xe1: {  	[spmem:s2] =	stream.indirect.scatter.add.bf16 [tilespmem:s21], [sflag:$0x3], $0x20, s24, s20, $0xb8;
	[tilespmem:$0x1CC00] =	vst v63  }
0xe2: {  	_ =	swait.ge [sflag:s19], $0x2000  }
0xe3: {  	[sflag:s19] =	ssyncset.done $0x0  }
0xe4: {  	[sflag:s19] =	ssyncadd.s32 $0xFFFFE000  }
0xe5: {  	_ =	swait.ge [sflag:s25], $0x2000  }
.Ltmp7:
0xe6: {  	[sflag:s25] =	ssyncset.done $0x0;
	(pc) =	sbr.rel @!p1 .LBB2_10-.Ltmp7, $4  }
0xe7: {  	[sflag:s25] =	ssyncadd.s32 $0xFFFFE000  }
0xe8: {  	[spmem:s2] =	stream.indirect.scatter.add.bf16 [tilespmem:s22], [sflag:$0x3], $0x20, s26, s20, $0xb8;
	[tilespmem:$0x1CC00] =	vst v63  }
0xe9: {  	_ =	swait.ge [sflag:s19], $0x2000  }
0xea: {  	s30 =	smov.u32 s31;
	[sflag:s19] =	ssyncset.done $0x0  }
0xeb: {  	s0 =	sadd.s32 s29, s17;
	[sflag:s19] =	ssyncadd.s32 $0xFFFFE000  }
0xec: {  	[tilespmem:s4], [sflag:$0x3] =	stream.linear.gather [hbm4b:s0+s4], $0x400, $0x38;
	[tilespmem:$0x1CC00] =	vst v63  }
0xed: {  	_ =	swait.ge [sflag:s19], $0x400  }
0xee: {  	[sflag:s19] =	ssyncset.done $0x0  }
0xef: {  	[sflag:s19] =	ssyncadd.s32 $0xFFFFFC00  }
0xf0: {  	[tilespmem:s21], [sflag:$0x1] =	stream.indirect.gather [hbm4b:s7+s20], $0x20, s4, s20, $0xb8;
	[tilespmem:$0x1CC00] =	vst v63  }
0xf1: {  	_ = 	snop  }
0xf2: {  	[tilespmem:s22], [sflag:$0x2] =	stream.indirect.gather [hbm4b:s7+s20], $0x20, s20, s20, $0xb8;
	[tilespmem:$0x1CC00] =	vst v63  }
0xf3: {  	_ =	swait.ge [sflag:s23], $0x2000  }
0xf4: {  	[sflag:s23] =	ssyncset.done $0x0  }
0xf5: {  	[sflag:s23] =	ssyncadd.s32 $0xFFFFE000  }
0xf6: {  	[spmem:s2] =	stream.indirect.scatter.add.bf16 [tilespmem:s21], [sflag:$0x3], $0x20, s24, s20, $0xb8;
	[tilespmem:$0x1CC00] =	vst v63  }
0xf7: {  	_ =	swait.ge [sflag:s19], $0x2000  }
0xf8: {  	[sflag:s19] =	ssyncset.done $0x0  }
0xf9: {  	[sflag:s19] =	ssyncadd.s32 $0xFFFFE000  }
0xfa: {  	_ =	swait.ge [sflag:s25], $0x2000  }
0xfb: {  	[sflag:s25] =	ssyncset.done $0x0  }
.Ltmp8:
0xfc: {  	[sflag:s25] =	ssyncadd.s32 $0xFFFFE000;
	(pc) =	sbr.rel .LBB2_15-.Ltmp8, $4  }
0xfd: {  	[spmem:s2] =	stream.indirect.scatter.add.bf16 [tilespmem:s22], [sflag:$0x3], $0x20, s26, s20, $0xb8;
	[tilespmem:$0x1CC00] =	vst v63  }
0xfe: {  	_ =	swait.ge [sflag:s19], $0x2000  }
0xff: {  	[sflag:s19] =	ssyncset.done $0x0  }
0x100: {  	s29 =	smov.u32 s11;
	[sflag:s19] =	ssyncadd.s32 $0xFFFFE000  }
.LBB2_12:
0x101: {  	[tilespmem:s4], [sflag:$0x3] =	stream.linear.gather [hbm4b:s0+s4], $0x400, $0x38;
	[tilespmem:$0x1CC00] =	vst v63  }
0x102: {  	_ =	swait.ge [sflag:s19], $0x400  }
0x103: {  	[sflag:s19] =	ssyncset.done $0x0  }
0x104: {  	[sflag:s19] =	ssyncadd.s32 $0xFFFFFC00  }
0x105: {  	[tilespmem:s21], [sflag:$0x1] =	stream.indirect.gather [hbm4b:s8+s20], $0x20, s4, s20, $0xb8;
	[tilespmem:$0x1CC00] =	vst v63  }
0x106: {  	_ = 	snop  }
0x107: {  	[tilespmem:s22], [sflag:$0x2] =	stream.indirect.gather [hbm4b:s8+s20], $0x20, s20, s20, $0xb8;
	[tilespmem:$0x1CC00] =	vst v63  }
0x108: {  	_ =	swait.ge [sflag:s23], $0x2000  }
0x109: {  	[sflag:s23] =	ssyncset.done $0x0  }
0x10a: {  	[sflag:s23] =	ssyncadd.s32 $0xFFFFE000  }
0x10b: {  	[spmem:s2] =	stream.indirect.scatter.add.bf16 [tilespmem:s21], [sflag:$0x3], $0x20, s24, s20, $0xb8;
	[tilespmem:$0x1CC00] =	vst v63  }
0x10c: {  	_ =	swait.ge [sflag:s19], $0x2000  }
0x10d: {  	[sflag:s19] =	ssyncset.done $0x0  }
0x10e: {  	[sflag:s19] =	ssyncadd.s32 $0xFFFFE000  }
0x10f: {  	_ =	swait.ge [sflag:s25], $0x2000  }
0x110: {  	[sflag:s25] =	ssyncset.done $0x0  }
0x111: {  	[sflag:s25] =	ssyncadd.s32 $0xFFFFE000  }
0x112: {  	[spmem:s2] =	stream.indirect.scatter.add.bf16 [tilespmem:s22], [sflag:$0x3], $0x20, s26, s20, $0xb8;
	[tilespmem:$0x1CC00] =	vst v63  }
0x113: {  	_ =	swait.ge [sflag:s19], $0x2000  }
0x114: {  	s29 =	simm.s32 $0x80;
	s30 =	simm.s32 $0x100;
	[sflag:s19] =	ssyncset.done $0x0  }
.LBB2_13:
0x115: {  	s0 =	sadd.s32 s29, s17  }
0x116: {  	[sflag:s19] =	ssyncadd.s32 $0xFFFFE000;
	s29 =	smov.u32 s30;
	s31 =	sadd.s32 $0x80, s30  }
0x117: {  	[tilespmem:s4], [sflag:$0x3] =	stream.linear.gather [hbm4b:s0+s4], $0x400, $0x38;
	[tilespmem:$0x1CC00] =	vst v63  }
0x118: {  	p1 =	sne.s32 s30, $0x980;
	_ =	swait.ge [sflag:s19], $0x400  }
0x119: {  	[sflag:s19] =	ssyncset.done $0x0  }
0x11a: {  	[sflag:s19] =	ssyncadd.s32 $0xFFFFFC00  }
0x11b: {  	[tilespmem:s21], [sflag:$0x1] =	stream.indirect.gather [hbm4b:s8+s20], $0x20, s4, s20, $0xb8;
	[tilespmem:$0x1CC00] =	vst v63  }
0x11c: {  	_ = 	snop  }
0x11d: {  	[tilespmem:s22], [sflag:$0x2] =	stream.indirect.gather [hbm4b:s8+s20], $0x20, s20, s20, $0xb8;
	[tilespmem:$0x1CC00] =	vst v63  }
0x11e: {  	_ =	swait.ge [sflag:s23], $0x2000  }
0x11f: {  	[sflag:s23] =	ssyncset.done $0x0  }
0x120: {  	[sflag:s23] =	ssyncadd.s32 $0xFFFFE000  }
0x121: {  	[spmem:s2] =	stream.indirect.scatter.add.bf16 [tilespmem:s21], [sflag:$0x3], $0x20, s24, s20, $0xb8;
	[tilespmem:$0x1CC00] =	vst v63  }
0x122: {  	_ =	swait.ge [sflag:s19], $0x2000  }
0x123: {  	[sflag:s19] =	ssyncset.done $0x0  }
0x124: {  	[sflag:s19] =	ssyncadd.s32 $0xFFFFE000  }
0x125: {  	_ =	swait.ge [sflag:s25], $0x2000  }
.Ltmp9:
0x126: {  	[sflag:s25] =	ssyncset.done $0x0;
	(pc) =	sbr.rel @p1 .LBB2_13-.Ltmp9, $4  }
0x127: {  	[sflag:s25] =	ssyncadd.s32 $0xFFFFE000  }
0x128: {  	[spmem:s2] =	stream.indirect.scatter.add.bf16 [tilespmem:s22], [sflag:$0x3], $0x20, s26, s20, $0xb8;
	[tilespmem:$0x1CC00] =	vst v63  }
0x129: {  	_ =	swait.ge [sflag:s19], $0x2000  }
0x12a: {  	s30 =	smov.u32 s31;
	[sflag:s19] =	ssyncset.done $0x0  }
.Ltmp10:
0x12b: {  	_ = 	snop;
	(pc) =	sbr.rel .LBB2_14-.Ltmp10, $1  }
0x12c: {  	_ =	sdelay $0x3  }
.LBB2_16:
0x12d: {  	_ =	sfence.sel $0x180000  }
0x12e: {  	[bflag:$0x0] =	sbarrier.arrive $0xFFFF  }
0x12f: {  	_ =	strace $0x90000050  }
0x130: {  	[bflag:$0x2] =	sbarrier.arrive $0xFFFF  }
0x131: {  	p0 =	sne.s32 s3, $0x0;
	s0 =	rddreg [dreg:$0x3]  }
0x132: {  	s0 =	sadd.s32 @!p0 $0x100000, s0  }
0x133: {  	[sflag:s0] =	ssyncadd.tile.s32 @!p0 $0x1;
	_ =	shalt  }
.Lfunc_end2:
_tile_overlayer_lowered:
.L_overlay_start_2:
0x134: {  	(tag) =	ssettag $0x2  }
0x135: {  	s0 =	rddreg [dreg:$0x0];
	s2 =	stileid.u32  }
0x136: {  	s1 =	rddreg [dreg:$0x1];
	p0 =	sne.s32 s2, $0x0  }
0x137: {  	s3 =	rddreg [dreg:$0x2];
	[bflag:$0x3] =	sbarrier.arrive $0xFFFF;
	s2 =	simm.s32 @!p0 $0x1C03  }
0x138: {  	[timem:s3], [sflag:s2] =	dma.local @!p0 [hbm:s0], s1  }
0x139: {  	s0 =	simm.s32 @!p0 $0x3  }
0x13a: {  	_ =	swait.ge @!p0 [sflag:s0], s1  }
0x13b: {  	s1 =	ssub.s32 @!p0 $0x0, s1;
	[sflag:s0] =	ssyncset.done @!p0 $0x0  }
0x13c: {  	[sflag:s0] =	ssyncadd.s32 @!p0 s1  }
0x13d: {  	[bflag:$0x3] =	sbarrier.arrive $0xFFFF  }
0x13e: {  	_ =	shalt  }

// kernel: kernel.9.cloned.1.call-start
scs
__scs_entry_jumppad:
0x0: {  	(pc) =	sbr.rel $0x88, $3  }
0x1: {  	(tag) =	ssettag $0x0;
	lr =	simm.s32 $0x1  }
0x2: {  	[smem:$0x3F34] =	sst lr;
	_ =	strace $0xD0000000  }
0x3: {  	_ = 	snop  }
0x4: {  	_ = 	snop  }
0x5: {  	_ = 	snop  }
0x6: {  	_ = 	snop  }
0x7: {  	_ = 	snop  }
__scs_overlays_trampoline_lowered:
0x8: {  	[smem:$0x3F43] =	sst s0  }
0x9: {  	[smem:$0x3F44] =	sst s1  }
0xa: {  	[smem:$0x3F45] =	sst s2  }
0xb: {  	[smem:$0x3F46] =	sst s3  }
0xc: {  	[smem:$0x3F47] =	sst s4  }
0xd: {  	[smem:$0x3F48] =	sst s5  }
0xe: {  	[smem:$0x3F49] =	sst s6  }
0xf: {  	[smem:$0x3F4A] =	sst s7  }
0x10: {  	[smem:$0x3F4B] =	sst s8  }
0x11: {  	[smem:$0x3F4C] =	sst s9;
	s0 =	simm.s32 @!p0 $0x0  }
0x12: {  	s1 =	sld [smem:$0x3F32];
	s0 =	simm.s32 @p0 $0x1  }
0x13: {  	[smem:$0x3F4D] =	sst s0;
	s0 =	simm.s32 @!p1 $0x0  }
0x14: {  	s2 =	sld [smem:$0x3F31];
	s0 =	simm.s32 @p1 $0x1  }
0x15: {  	[smem:$0x3F4E] =	sst s0;
	s0 =	simm.s32 @!p2 $0x0  }
0x16: {  	s3 =	sld [smem:$0x3FDB];
	s0 =	simm.s32 @p2 $0x1  }
0x17: {  	s4 =	simm.s32 $0x1BF5;
	[smem:$0x3F50] =	sst s0  }
0x18: {  	s0 =	sld [smem:$0x3F33];
	_ =	swait.ge [sflag:s4], $0x0  }
0x19: {  	s7 =	sld [smem:$0x3F34]  }
0x1a: {  	s8 =	sadd.s32 $0xFFFFE003, lr  }
0x1b: {  	s9 =	sadd.s32 $0xFFFFFEF7, lr;
	s5 =	simm.s32 $0xFFFFFFFF;
	p2 =	slt.u32 s8, $0xFFFFF086  }
0x1c: {  	p1 =	slt.u32 s9, $0xF7A;
	s5 =	simm.s32 @!p2 $0x0  }
0x1d: {  	s5 =	simm.s32 @p1 $0x1;
	p0 =	seq.s32 s7, s2  }
0x1e: {  	s7 =	smul.u32 @!p0 $0xF7A, s2;
	p2 =	seq.s32 @!p0 s5, $0x0  }
0x1f: {  	s9 =	smul.u32 $0xF7A, s1;
	s8 =	simm.s32 @!p0 $0x1BF5;
	p2 =	por !p2, p0  }
0x20: {  	[sflag:s8] =	ssyncset.s32 @!p0 $0xFFFFF086;
	s6 =	sadd.s32 @!p0 s3, s7;
	s7 =	simm.s32 @!p0 $0x108  }
0x21: {  	s3 =	sadd.s32 s3, s9;
	s6 =	sadd.s32 @!p0 $0x88, s6;
	s7 =	simm.s32 @p2 $0x1082  }
0x22: {  	[simem:s7], [sflag:s8] =	dma.local @!p0 [hbm:s6], $0xF7A  }
0x23: {  	s9 =	sor.u32 $0xD0000000, s2;
	s6 =	simm.s32 $0x108;
	_ =	swait.ge @!p0 [sflag:s8], $0x0  }
0x24: {  	s3 =	sadd.s32 $0x88, s3;
	s6 =	simm.s32 @!p1 $0x1082;
	[sflag:s4] =	ssyncset.s32 $0xFFFFF086  }
0x25: {  	[simem:s6], [sflag:s4] =	dma.local [hbm:s3], $0xF7A  }
0x26: {  	[smem:$0x3F34] =	sst s1;
	(tag) =	ssettag s2;
	_ =	strace s9  }
0x27: {  	s1 =	sld [smem:$0x3F44]  }
0x28: {  	s2 =	sld [smem:$0x3F45]  }
0x29: {  	s4 =	sld [smem:$0x3F47]  }
0x2a: {  	p0 =	seq.s32 s5, $0x0;
	s5 =	sld [smem:$0x3F48]  }
0x2b: {  	s6 =	sld [smem:$0x3F49]  }
0x2c: {  	s7 =	sld [smem:$0x3F4A]  }
0x2d: {  	s3 =	simm.s32 $0x108;
	s8 =	sld [smem:$0x3F4B]  }
0x2e: {  	s3 =	simm.s32 @!p0 $0x1082;
	s9 =	sld [smem:$0x3F4C]  }
0x2f: {  	lr =	sadd.s32 s0, s3;
	s0 =	sld [smem:$0x3F43]  }
0x30: {  	s3 =	sld [smem:$0x3F46]  }
0x31: {  	[smem:$0x3F4F] =	sst s10  }
0x32: {  	s10 =	sld [smem:$0x3F4D];
	_ =	sdelay $0x3  }
0x33: {  	p0 =	seq.s32 s10, $0x1;
	s10 =	sld [smem:$0x3F4F];
	_ =	sdelay $0x3  }
0x34: {  	[smem:$0x3F4F] =	sst s10  }
0x35: {  	s10 =	sld [smem:$0x3F4E];
	_ =	sdelay $0x3  }
0x36: {  	p1 =	seq.s32 s10, $0x1;
	s10 =	sld [smem:$0x3F4F];
	_ =	sdelay $0x3  }
0x37: {  	[smem:$0x3F4F] =	sst s10  }
0x38: {  	s10 =	sld [smem:$0x3F50]  }
0x39: {  	_ = 	snop;
	(pc) =	sbr.ind lr, $3  }
0x3a: {  	_ = 	snop  }
0x3b: {  	_ = 	snop  }
0x3c: {  	p2 =	seq.s32 s10, $0x1;
	s10 =	sld [smem:$0x3F4F]  }
0x3d: {  	_ =	shalt  }
0x3e: {  	_ =	shalt  }
0x3f: {  	_ =	shalt  }
0x40: {  	_ =	shalt  }
0x41: {  	_ =	shalt  }
0x42: {  	_ =	shalt  }
0x43: {  	_ =	shalt  }
0x44: {  	_ =	shalt  }
0x45: {  	_ =	shalt  }
0x46: {  	_ =	shalt  }
0x47: {  	_ =	shalt  }
0x48: {  	_ =	shalt  }
0x49: {  	_ =	shalt  }
0x4a: {  	_ =	shalt  }
0x4b: {  	_ =	shalt  }
0x4c: {  	_ =	shalt  }
0x4d: {  	_ =	shalt  }
0x4e: {  	_ =	shalt  }
0x4f: {  	_ =	shalt  }
0x50: {  	_ =	shalt  }
0x51: {  	_ =	shalt  }
0x52: {  	_ =	shalt  }
0x53: {  	_ =	shalt  }
0x54: {  	_ =	shalt  }
0x55: {  	_ =	shalt  }
0x56: {  	_ =	shalt  }
0x57: {  	_ =	shalt  }
0x58: {  	_ =	shalt  }
0x59: {  	_ =	shalt  }
0x5a: {  	_ =	shalt  }
0x5b: {  	_ =	shalt  }
0x5c: {  	_ =	shalt  }
0x5d: {  	_ =	shalt  }
0x5e: {  	_ =	shalt  }
0x5f: {  	_ =	shalt  }
0x60: {  	_ =	shalt  }
0x61: {  	_ =	shalt  }
0x62: {  	_ =	shalt  }
0x63: {  	_ =	shalt  }
0x64: {  	_ =	shalt  }
0x65: {  	_ =	shalt  }
0x66: {  	_ =	shalt  }
0x67: {  	_ =	shalt  }
0x68: {  	_ =	shalt  }
0x69: {  	_ =	shalt  }
0x6a: {  	_ =	shalt  }
0x6b: {  	_ =	shalt  }
0x6c: {  	_ =	shalt  }
0x6d: {  	_ =	shalt  }
0x6e: {  	_ =	shalt  }
0x6f: {  	_ =	shalt  }
0x70: {  	_ =	shalt  }
0x71: {  	_ =	shalt  }
0x72: {  	_ =	shalt  }
0x73: {  	_ =	shalt  }
0x74: {  	_ =	shalt  }
0x75: {  	_ =	shalt  }
0x76: {  	_ =	shalt  }
0x77: {  	_ =	shalt  }
0x78: {  	_ =	shalt  }
0x79: {  	_ =	shalt  }
0x7a: {  	_ =	shalt  }
0x7b: {  	_ =	shalt  }
0x7c: {  	_ =	shalt  }
0x7d: {  	_ =	shalt  }
0x7e: {  	_ =	shalt  }
0x7f: {  	_ =	shalt  }
0x80: {  	_ =	shalt  }
0x81: {  	_ =	shalt  }
0x82: {  	_ =	shalt  }
0x83: {  	_ =	shalt  }
0x84: {  	_ =	shalt  }
0x85: {  	_ =	shalt  }
0x86: {  	_ =	shalt  }
0x87: {  	_ =	shalt  }
.Lfunc_end0:
.L_simem_size_0:
called_computation_lowered:
.L_overlay_start_0:
0x88: {  	s2 =	sld [smem:$0x3FD9]  }
0x89: {  	s3 =	sld [smem:$0x3FFE];
	_ =	sdelay $0x1  }
0x8a: {  	s1 =	srdreg.scid  }
0x8b: {  	s0 =	sand.u32 $0x1, s1  }
0x8c: {  	s17 =	sshll.u32 s0, $0xA;
	s2 =	sadd.s32 s3, s2  }
0x8d: {  	s2 =	sadd.s32 s2, s17  }
0x8e: {  	[smem:$0x3F5B] =	sst s2  }
0x8f: {  	_ = 	snop  }
0x90: {  	(tm) =	ssettm $0x1  }
0x91: {  	s18 =	sld [smem:$0x3FFB];
	_ =	sdelay $0x3  }
0x92: {  	_ =	strace s18  }
0x93: {  	s2 =	sld [smem:$0x3FFC];
	_ =	sdelay $0x3  }
0x94: {  	_ =	strace s2  }
0x95: {  	s2 =	sld [smem:$0x3FFD];
	_ =	sdelay $0x3  }
0x96: {  	_ =	strace s2  }
0x97: {  	_ =	strace $0x8FFFFFFF  }
0x98: {  	s19 =	sld [smem:$0x3FDB];
	_ =	sdelay $0x1  }
0x99: {  	s20 =	simm.s32 $_scs_section_size  }
0x9a: {  	s4 =	simm.s32 $_size__tile_overlayer_lowered;
	s5 =	simm.s32 $_tile_overlayer_lowered  }
0x9b: {  	s6 =	simm.s32 $0x1BFF;
	s21 =	sshll.u32 s5, $0x1;
	s3 =	sadd.s32 s20, s19  }
0x9c: {  	s22 =	simm.s32 $0x0;
	s4 =	sshll.u32 s4, $0x1;
	s5 =	sadd.s32 s21, s3  }
0x9d: {  	[timem:s22], [sflag:s6] =	dma.local [hbm:s5], s4  }
0x9e: {  	_ =	swait.ge [sflag:s6], s4  }
0x9f: {  	s4 =	ssub.s32 $0x0, s4;
	[sflag:s6] =	ssyncset.done $0x0  }
0xa0: {  	[sflag:s6] =	ssyncadd.s32 s4;
	_ =	sdelay $0x1  }
0xa1: {  	s23 =	simm.s32 $0x1B8B  }
0xa2: {  	_ =	swait.ge [sflag:s23], $0x1  }
0xa3: {  	[sflag:s23] =	ssyncset.done $0x0  }
0xa4: {  	[sflag:s23] =	ssyncadd.s32 $0xFFFFFFFF  }
0xa5: {  	s4 =	sld [smem:$0x0]  }
0xa6: {  	s5 =	sand.u32 $0xFFFFFFFE, s1  }
0xa7: {  	p0 =	sne.s32 s1, s5  }
0xa8: {  	s5 =	sshll.u32 @p0 s5, $0xE  }
0xa9: {  	s5 =	sadd.s32 @p0 $0x11B8D, s5;
	s6 =	sshll.u32 @p0 s4, $0x11  }
0xaa: {  	s5 =	sor.u32 @p0 s6, s5  }
0xab: {  	[sflag:s5] =	ssyncadd.remote.s32 @p0 $0x1;
	_ =	sdelay $0x1  }
0xac: {  	s5 =	simm.s32 @p0 $0x1B8D  }
0xad: {  	_ =	swait.eq @p0 [sflag:s5], $0x1  }
0xae: {  	[sflag:s5] =	ssyncadd.s32 @p0 $0xFFFFFFFF  }
0xaf: {  	s6 =	sshll.u32 @!p0 s1, $0xE  }
0xb0: {  	s6 =	sor.u32 @!p0 $0x4000, s6;
	s5 =	simm.s32 @!p0 $0x1B8D  }
0xb1: {  	s4 =	sshll.u32 @!p0 s4, $0x11;
	s6 =	sadd.s32 @!p0 $0x11B8D, s6;
	_ =	swait.eq @!p0 [sflag:s5], $0x1  }
0xb2: {  	s4 =	sor.u32 @!p0 s4, s6;
	[sflag:s5] =	ssyncadd.s32 @!p0 $0xFFFFFFFF  }
0xb3: {  	s25 =	simm.s32 $0x1B8E;
	s24 =	sld [smem:$0x3FFE];
	[sflag:s4] =	ssyncadd.remote.s32 @!p0 $0x1  }
0xb4: {  	s26 =	simm.s32 $execute0_lowered;
	[smem:$0x3FD2] =	sst s25  }
0xb5: {  	s5 =	sshll.u32 s26, $0x1;
	_ =	strace $0x80000049;
	[dreg:$0x1] =	wrdreg $0xFFFFFFFF  }
0xb6: {  	s28 =	simm.s32 $_size_execute0_lowered;
	s3 =	sadd.s32 s3, s5;
	[dreg:$0x0] =	wrdreg $0x0  }
0xb7: {  	s5 =	sshll.u32 s28, $0x1;
	[dreg:$0x2] =	wrdreg s3  }
0xb8: {  	[dreg:$0x3] =	wrdreg s5  }
0xb9: {  	[dreg:$0x4] =	wrdreg $0xC0  }
0xba: {  	_ =	task [dreg:s22], $0x5FFFF  }
0xbb: {  	[dreg:$0x1] =	wrdreg $0xFFFFFFFF  }
0xbc: {  	[dreg:$0x0] =	wrdreg $0x60  }
0xbd: {  	[dreg:$0x2] =	wrdreg s24  }
0xbe: {  	[dreg:$0x3] =	wrdreg $0x48000  }
0xbf: {  	[dreg:$0x4] =	wrdreg $0x9  }
0xc0: {  	_ =	task.clear_ibuf [dreg:s22], $0x5FFFF;
	_ =	strace $0x90000049  }
0xc1: {  	s29 =	simm.s32 $0x9;
	_ =	strace $0x8000004B  }
0xc2: {  	_ =	swait.ge [sflag:s29], $0x1  }
0xc3: {  	[sflag:s29] =	ssyncadd.s32 $0xFFFFFFFF  }
0xc4: {  	_ =	strace $0x9000004B  }
0xc5: {  	_ =	sfence  }
0xc6: {  	s30 =	sld [smem:$0x0];
	_ =	sdelay $0x2  }
0xc7: {  	s31 =	sshll.u32 s1, $0xD;
	s1 =	sshrl.u32 s1, $0x2  }
0xc8: {  	s4 =	sand.u32 $0x4000, s31;
	s1 =	sadd.s32 s1, s30  }
0xc9: {  	s0 =	sor.u32 s4, s0;
	s1 =	sshll.u32 s1, $0x11  }
0xca: {  	s0 =	sor.u32 s1, s0  }
0xcb: {  	s0 =	sadd.s32 $0x8F2B, s0  }
0xcc: {  	[sflag:s0] =	ssyncadd.remote.s32 $0x1  }
0xcd: {  	_ =	sfence.sel $0xFFFF  }
0xce: {  	[dreg:$0x0] =	wrdreg $0xFFFFFFFF;
	(pc) =	sbr.abs _section_cstart, $3  }
0xcf: {  	[dreg:$0x1] =	wrdreg $0xFFFFFFFF  }
0xd0: {  	_ =	task.clear_ibuf [dreg:s22], $0x2FFFF;
	_ =	strace $0x9FFFFFFF  }
0xd1: {  	(tm) =	ssettm $0x7FFFFFFF  }
tec
execute0_lowered:
.L_overlay_start_1:
0x0: {  	(tag) =	ssettag $0x1  }
0x1: {  	s8 =	rddreg [dreg:$0x0]  }
0x2: {  	s1 =	rddreg [dreg:$0x1]  }
0x3: {  	s2 =	srdreg.scid;
	s0 =	rddreg [dreg:$0x2];
	s3 =	simm.s32 $0x0  }
0x4: {  	s15 =	simm.s32 $0x2800;
	s16 =	simm.s32 $0x1;
	s17 =	simm.s32 $0x2  }
0x5: {  	s7 =	sand.u32 $0x1, s2;
	s2 =	stileid.u32;
	[smem:$0x7FF] =	sst s3  }
0x6: {  	s4 =	sadd.s32 $0xDB400, s8;
	s19 =	sadd.s32 $0x159400, s8;
	s5 =	smul.u32 $0x19000, s7  }
0x7: {  	s6 =	smul.u32 $0xC400, s2;
	_ =	strace $0x8000004A;
	s11 =	ssub.s32 $0x2, s7  }
0x8: {  	s13 =	sshll.u32 s2, $0x6;
	s14 =	smul.u32 $0x1900, s2;
	p0 =	seq.s32 s7, $0x1  }
0x9: {  	s12 =	sshrl.u32 s11, $0x1;
	s9 =	sadd.s32 s5, s8;
	s18 =	sshrl.u32 s6, $0x3  }
0xa: {  	s5 =	sadd.s32 $0x13F200, s8;
	s11 =	ssub.s32 s11, s12;
	s31 =	sadd.s32 s6, s1  }
0xb: {  	s6 =	sor.u32 $0x1C03, s13;
	s12 =	simm.s32 $0x200;
	s13 =	simm.s32 $0x800  }
0xc: {  	s10 =	sadd.s32 s18, s8;
	s9 =	sadd.s32 s14, s9;
	s8 =	smax.u32 s11, $0x1  }
0xd: {  	s14 =	simm.s32 $0x400;
	s19 =	sadd.s32 @p0 s18, s19;
	s18 =	simm.s32 $0x600  }
0xe: {  	s11 =	simm.s32 $0x3;
	s7 =	sadd.s32 $0x140C00, s10;
	s9 =	sadd.s32 $0x10D200, s9  }
0xf: {  	s10 =	sshrl.u32 s31, $0x3;
	s7 =	smov.u32 @p0 s19;
	s19 =	simm.s32 $0x0  }
.LBB2_1:
0x10: {  	[spmem:s10], [sflag:s6] =	dma.local [hbm:s5], $0x1880  }
0x11: {  	_ =	swait.ge [sflag:s11], $0x1880  }
0x12: {  	[sflag:s11] =	ssyncset.done $0x0  }
0x13: {  	[sflag:s11] =	ssyncadd.s32 $0xFFFFE780  }
0x14: {  	s20 =	sadd.s32 $0x0, s9;
	[bflag:$0x0] =	sbarrier.arrive $0xFFFF  }
0x15: {  	[tilespmem:s3], [sflag:$0x3] =	stream.linear.gather [hbm4b:s20+s3], $0x400, $0x38;
	[tilespmem:$0x10C00] =	vst v63  }
0x16: {  	_ =	swait.ge [sflag:s11], $0x400  }
0x17: {  	[sflag:s11] =	ssyncset.done $0x0  }
0x18: {  	[sflag:s11] =	ssyncadd.s32 $0xFFFFFC00  }
0x19: {  	[tilespmem:s13], [sflag:$0x1] =	stream.indirect.gather [hbm4b:s4+s12], $0x10, s3, s12, $0xb8;
	[tilespmem:$0x10C00] =	vst v63  }
0x1a: {  	s20 =	sadd.s32 $0x80, s20  }
0x1b: {  	[tilespmem:s14], [sflag:$0x3] =	stream.linear.gather [hbm4b:s20+s3], $0x400, $0x38;
	[tilespmem:$0x10C00] =	vst v63  }
0x1c: {  	_ =	swait.ge [sflag:s11], $0x400  }
0x1d: {  	[sflag:s11] =	ssyncset.done $0x0  }
0x1e: {  	[sflag:s11] =	ssyncadd.s32 $0xFFFFFC00  }
0x1f: {  	[tilespmem:s15], [sflag:$0x2] =	stream.indirect.gather [hbm4b:s4+s12], $0x10, s14, s12, $0xb8;
	[tilespmem:$0x10C00] =	vst v63  }
0x20: {  	_ =	swait.ge [sflag:s16], $0x2000  }
0x21: {  	[sflag:s16] =	ssyncset.done $0x0  }
0x22: {  	[sflag:s16] =	ssyncadd.s32 $0xFFFFE000  }
0x23: {  	[spmem:s1] =	stream.indirect.scatter.add.f32 [tilespmem:s13], [sflag:$0x3], $0x10, s12, s12, $0xb8;
	[tilespmem:$0x10C00] =	vst v63  }
0x24: {  	_ =	swait.ge [sflag:s11], $0x2000  }
0x25: {  	[sflag:s11] =	ssyncset.done $0x0  }
0x26: {  	[sflag:s11] =	ssyncadd.s32 $0xFFFFE000  }
0x27: {  	_ =	swait.ge [sflag:s17], $0x2000  }
0x28: {  	[sflag:s17] =	ssyncset.done $0x0  }
0x29: {  	[sflag:s17] =	ssyncadd.s32 $0xFFFFE000  }
0x2a: {  	[spmem:s1] =	stream.indirect.scatter.add.f32 [tilespmem:s15], [sflag:$0x3], $0x10, s18, s12, $0xb8;
	[tilespmem:$0x10C00] =	vst v63  }
0x2b: {  	_ =	swait.ge [sflag:s11], $0x2000  }
0x2c: {  	s21 =	simm.s32 $0x200;
	s20 =	simm.s32 $0x100;
	[sflag:s11] =	ssyncset.done $0x0  }
.LBB2_2:
0x2d: {  	s22 =	sadd.s32 s20, s9  }
0x2e: {  	[sflag:s11] =	ssyncadd.s32 $0xFFFFE000;
	s20 =	smov.u32 s21;
	s23 =	sadd.s32 $0x100, s21  }
0x2f: {  	[tilespmem:s3], [sflag:$0x3] =	stream.linear.gather [hbm4b:s22+s3], $0x400, $0x38;
	[tilespmem:$0x10C00] =	vst v63  }
0x30: {  	p0 =	sne.s32 s21, $0x1800;
	_ =	swait.ge [sflag:s11], $0x400  }
0x31: {  	[sflag:s11] =	ssyncset.done $0x0  }
0x32: {  	[sflag:s11] =	ssyncadd.s32 $0xFFFFFC00  }
0x33: {  	[tilespmem:s13], [sflag:$0x1] =	stream.indirect.gather [hbm4b:s4+s12], $0x10, s3, s12, $0xb8;
	[tilespmem:$0x10C00] =	vst v63  }
0x34: {  	s21 =	sadd.s32 $0x80, s22  }
0x35: {  	[tilespmem:s14], [sflag:$0x3] =	stream.linear.gather [hbm4b:s21+s3], $0x400, $0x38;
	[tilespmem:$0x10C00] =	vst v63  }
0x36: {  	_ =	swait.ge [sflag:s11], $0x400  }
0x37: {  	[sflag:s11] =	ssyncset.done $0x0  }
0x38: {  	[sflag:s11] =	ssyncadd.s32 $0xFFFFFC00  }
0x39: {  	[tilespmem:s15], [sflag:$0x2] =	stream.indirect.gather [hbm4b:s4+s12], $0x10, s14, s12, $0xb8;
	[tilespmem:$0x10C00] =	vst v63  }
0x3a: {  	_ =	swait.ge [sflag:s16], $0x2000  }
0x3b: {  	[sflag:s16] =	ssyncset.done $0x0  }
0x3c: {  	[sflag:s16] =	ssyncadd.s32 $0xFFFFE000  }
0x3d: {  	[spmem:s1] =	stream.indirect.scatter.add.f32 [tilespmem:s13], [sflag:$0x3], $0x10, s12, s12, $0xb8;
	[tilespmem:$0x10C00] =	vst v63  }
0x3e: {  	_ =	swait.ge [sflag:s11], $0x2000  }
0x3f: {  	[sflag:s11] =	ssyncset.done $0x0  }
0x40: {  	[sflag:s11] =	ssyncadd.s32 $0xFFFFE000  }
0x41: {  	_ =	swait.ge [sflag:s17], $0x2000  }
.Ltmp0:
0x42: {  	[sflag:s17] =	ssyncset.done $0x0;
	(pc) =	sbr.rel @p0 .LBB2_2-.Ltmp0, $4  }
0x43: {  	[sflag:s17] =	ssyncadd.s32 $0xFFFFE000  }
0x44: {  	[spmem:s1] =	stream.indirect.scatter.add.f32 [tilespmem:s15], [sflag:$0x3], $0x10, s18, s12, $0xb8;
	[tilespmem:$0x10C00] =	vst v63  }
0x45: {  	_ =	swait.ge [sflag:s11], $0x2000  }
0x46: {  	s21 =	smov.u32 s23;
	[sflag:s11] =	ssyncset.done $0x0  }
0x47: {  	s20 =	sadd.s32 s20, s9;
	[sflag:s11] =	ssyncadd.s32 $0xFFFFE000  }
0x48: {  	[tilespmem:s3], [sflag:$0x3] =	stream.linear.gather [hbm4b:s20+s3], $0x400, $0x38;
	[tilespmem:$0x10C00] =	vst v63  }
0x49: {  	_ =	swait.ge [sflag:s11], $0x400  }
0x4a: {  	[sflag:s11] =	ssyncset.done $0x0  }
0x4b: {  	[sflag:s11] =	ssyncadd.s32 $0xFFFFFC00  }
0x4c: {  	[tilespmem:s13], [sflag:$0x1] =	stream.indirect.gather [hbm4b:s4+s12], $0x10, s3, s12, $0xb8;
	[tilespmem:$0x10C00] =	vst v63  }
0x4d: {  	s20 =	sadd.s32 $0x80, s20  }
0x4e: {  	[tilespmem:s14], [sflag:$0x3] =	stream.linear.gather [hbm4b:s20+s3], $0x400, $0x38;
	[tilespmem:$0x10C00] =	vst v63  }
0x4f: {  	_ =	swait.ge [sflag:s11], $0x400  }
0x50: {  	[sflag:s11] =	ssyncset.done $0x0  }
0x51: {  	[sflag:s11] =	ssyncadd.s32 $0xFFFFFC00  }
0x52: {  	[tilespmem:s15], [sflag:$0x2] =	stream.indirect.gather [hbm4b:s4+s12], $0x10, s14, s12, $0xb8;
	[tilespmem:$0x10C00] =	vst v63  }
0x53: {  	_ =	swait.ge [sflag:s16], $0x2000  }
0x54: {  	[sflag:s16] =	ssyncset.done $0x0  }
0x55: {  	[sflag:s16] =	ssyncadd.s32 $0xFFFFE000  }
0x56: {  	[spmem:s1] =	stream.indirect.scatter.add.f32 [tilespmem:s13], [sflag:$0x3], $0x10, s12, s12, $0xb8;
	[tilespmem:$0x10C00] =	vst v63  }
0x57: {  	_ =	swait.ge [sflag:s11], $0x2000  }
0x58: {  	[sflag:s11] =	ssyncset.done $0x0  }
0x59: {  	[sflag:s11] =	ssyncadd.s32 $0xFFFFE000  }
0x5a: {  	_ =	swait.ge [sflag:s17], $0x2000  }
0x5b: {  	[sflag:s17] =	ssyncset.done $0x0  }
0x5c: {  	[sflag:s17] =	ssyncadd.s32 $0xFFFFE000  }
0x5d: {  	[spmem:s1] =	stream.indirect.scatter.add.f32 [tilespmem:s15], [sflag:$0x3], $0x10, s18, s12, $0xb8;
	[tilespmem:$0x10C00] =	vst v63  }
0x5e: {  	_ =	swait.ge [sflag:s11], $0x2000  }
0x5f: {  	s19 =	sadd.s32 $0x1, s19;
	[sflag:s11] =	ssyncset.done $0x0  }
0x60: {  	p0 =	sne.s32 s19, s8;
	[sflag:s11] =	ssyncadd.s32 $0xFFFFE000  }
.Ltmp1:
0x61: {  	[bflag:$0x0] =	sbarrier.arrive $0xFFFF;
	(pc) =	sbr.rel @p0 .LBB2_1-.Ltmp1, $4  }
0x62: {  	[hbm:s7], [sflag:s6] =	dma.local [spmem:s10], $0x1880  }
0x63: {  	_ =	swait.ge [sflag:s11], $0x1880  }
0x64: {  	[sflag:s11] =	ssyncset.done $0x0  }
0x65: {  	[sflag:s11] =	ssyncadd.s32 $0xFFFFE780  }
0x66: {  	_ =	sfence.sel $0x180000  }
0x67: {  	[bflag:$0x0] =	sbarrier.arrive $0xFFFF  }
0x68: {  	p0 =	sne.s32 s2, $0x0;
	_ =	strace $0x9000004A  }
0x69: {  	s0 =	sadd.s32 @!p0 $0x100000, s0;
	[bflag:$0x2] =	sbarrier.arrive $0xFFFF  }
0x6a: {  	[sflag:s0] =	ssyncadd.tile.s32 @!p0 $0x1;
	_ =	shalt  }
.Lfunc_end2:
_tile_overlayer_lowered:
.L_overlay_start_2:
0x6b: {  	(tag) =	ssettag $0x2  }
0x6c: {  	s0 =	rddreg [dreg:$0x0];
	s2 =	stileid.u32  }
0x6d: {  	s1 =	rddreg [dreg:$0x1];
	p0 =	sne.s32 s2, $0x0  }
0x6e: {  	s3 =	rddreg [dreg:$0x2];
	[bflag:$0x3] =	sbarrier.arrive $0xFFFF;
	s2 =	simm.s32 @!p0 $0x1C03  }
0x6f: {  	[timem:s3], [sflag:s2] =	dma.local @!p0 [hbm:s0], s1  }
0x70: {  	s0 =	simm.s32 @!p0 $0x3  }
0x71: {  	_ =	swait.ge @!p0 [sflag:s0], s1  }
0x72: {  	s1 =	ssub.s32 @!p0 $0x0, s1;
	[sflag:s0] =	ssyncset.done @!p0 $0x0  }
0x73: {  	[sflag:s0] =	ssyncadd.s32 @!p0 s1  }
0x74: {  	[bflag:$0x3] =	sbarrier.arrive $0xFFFF  }
0x75: {  	_ =	shalt  }

</sc_bundles>
